<compile_context>
chip_gen: v7x
topology: tpu7x:2x2x1
jax: 0.10.2.dev20260603
libtpu: 0.0.44.dev20260713+nightly
codegen_flags: <defaults>
</compile_context>

<pallas_src>
import jax
import jax.numpy as jnp
from jax import lax
from jax.experimental import pallas as pl
from jax.experimental.pallas import tpu as pltpu
from jax.experimental.pallas import tpu_sc as plsc

B, S, D = 4, 2048, 1024
N = B * S
L = 16
NC, NS = 2, 16
NW = NC * NS
TPW = N // NW
G = 16
NG = TPW // G
DV = D // L
U = 8
PAD = 17

_EPS = 1e-8
_TINY = 1e-30


def _rsqrt_newton(x):
    i = lax.bitcast_convert_type(x, jnp.int32)
    i = jnp.int32(0x5F3759DF) - lax.shift_right_arithmetic(i, 1)
    y = lax.bitcast_convert_type(i, jnp.float32)
    for _ in range(3):
        y = y * (1.5 - 0.5 * x * y * y)
    return y


_DNUMS = lax.GatherDimensionNumbers(
    offset_dims=(), collapsed_slice_dims=(0,), start_index_map=(0,))


def _perm(x, idx):
    return lax.gather(x, idx[:, None], _DNUMS, slice_sizes=(1,),
                      mode=lax.GatherScatterMode.PROMISE_IN_BOUNDS)


def _combine(x, y, k, lane):
    m = (lane & k) == 0
    kv = jnp.full((L,), k, jnp.int32)
    return jnp.where(m, x + _perm(x, lane ^ kv), y + _perm(y, lane ^ kv))


def _body(emitted_hbm, ids_hbm, vocab_hbm, out_hbm,
          ids_v, e_buf0, g_buf0, e_buf1, g_buf1, res_v,
          esem0, gsem0, esem1, gsem1):
    wid = lax.axis_index("s") * NC + lax.axis_index("c")
    base = wid * TPW
    pltpu.sync_copy(ids_hbm.at[pl.ds(base, TPW)], ids_v)

    lane = lax.iota(jnp.int32, L)
    bufs = ((e_buf0, g_buf0, esem0, gsem0), (e_buf1, g_buf1, esem1, gsem1))

    def start(grp, slot):
        eb, gb, es, gs = bufs[slot]
        goff = pl.multiple_of(grp * G, G)
        tok = pl.multiple_of(base + grp * G, G)
        pltpu.async_copy(vocab_hbm.at[ids_v.at[pl.ds(goff, G)]], gb, gs)
        pltpu.async_copy(emitted_hbm.at[pl.ds(tok, G)], eb, es)

    def wait(slot):
        eb, gb, es, gs = bufs[slot]
        pltpu.make_async_copy(emitted_hbm.at[pl.ds(0, G)], eb, es).wait()
        pltpu.make_async_copy(
            vocab_hbm.at[ids_v.at[pl.ds(0, G)]], gb, gs).wait()

    def compute(grp, slot, acc_d, acc_m):
        eb, gb = bufs[slot][0], bufs[slot][1]
        ks = (8, 4, 2, 1)
        pend = {}
        final = None
        for tp in range(0, G, 8):
            def dim_step(jj, accs):
                accs = list(accs)
                for ti in range(8):
                    a_d, a_e, a_g = accs[3 * ti:3 * ti + 3]
                    for k in range(U // 8):
                        off = pl.multiple_of(jj * (L * U // 8) + k * L, L)
                        e = eb[tp + ti, pl.ds(off, L)]
                        g = gb[tp + ti, pl.ds(off, L)]
                        a_d = a_d + e * g
                        a_e = a_e + e * e
                        a_g = a_g + g * g
                    accs[3 * ti:3 * ti + 3] = [a_d, a_e, a_g]
                return tuple(accs)
            zero = jnp.zeros((L,), jnp.float32)
            accs = lax.fori_loop(0, DV // (U // 8), dim_step, (zero,) * 24)
            quads = []
            for q in range(4):
                quads.append(tuple(
                    _combine(px, vx, ks[0], lane)
                    for px, vx in zip(accs[6 * q:6 * q + 3],
                                      accs[6 * q + 3:6 * q + 6])))
            h0 = tuple(_combine(px, vx, ks[1], lane)
                       for px, vx in zip(quads[0], quads[1]))
            h1 = tuple(_combine(px, vx, ks[1], lane)
                       for px, vx in zip(quads[2], quads[3]))
            v = tuple(_combine(px, vx, ks[2], lane)
                      for px, vx in zip(h0, h1))
            lvl = 3
            while lvl in pend:
                prev = pend.pop(lvl)
                v = tuple(_combine(px, vx, ks[lvl], lane)
                          for px, vx in zip(prev, v))
                lvl += 1
            if lvl == 4:
                final = v
            else:
                pend[lvl] = v
        dvec, evec, gvec = final

        ids_vec = ids_v[pl.ds(pl.multiple_of(grp * G, G), G)]
        sigma = (lax.shift_left(lane & 1, 3) | lax.shift_left(lane & 2, 1)
                 | lax.shift_right_logical(lane & 4, 1)
                 | lax.shift_right_logical(lane & 8, 3))
        ids_vec = _perm(ids_vec, sigma)
        m = jnp.where(ids_vec != 0, 1.0, 0.0).astype(jnp.float32)
        n1 = jnp.maximum(evec * _rsqrt_newton(jnp.maximum(evec, _TINY)), _EPS)
        n2 = jnp.maximum(gvec * _rsqrt_newton(jnp.maximum(gvec, _TINY)), _EPS)
        dist = 1.0 - dvec / (n1 * n2)
        return acc_d + dist * m, acc_m + m

    start(0, 0)

    def pair_step(i, carry):
        acc_d, acc_m = carry
        start(2 * i + 1, 1)
        wait(0)
        acc_d, acc_m = compute(2 * i, 0, acc_d, acc_m)

        @pl.when(i < NG // 2 - 1)
        def _prefetch():
            start(2 * i + 2, 0)

        wait(1)
        acc_d, acc_m = compute(2 * i + 1, 1, acc_d, acc_m)
        return acc_d, acc_m

    zero = jnp.zeros((L,), jnp.float32)
    acc_d, acc_m = lax.fori_loop(0, NG // 2, pair_step, (zero, zero))
    res_v[0, :] = acc_d
    res_v[1, :] = acc_m
    pltpu.sync_copy(res_v, out_hbm.at[wid])


@jax.jit
def _sc_loss(emitted, ids, vocab):
    mesh = plsc.VectorSubcoreMesh(core_axis_name="c", subcore_axis_name="s")
    run = pl.kernel(
        _body,
        out_type=jax.ShapeDtypeStruct((NW, 2, L), jnp.float32),
        mesh=mesh,
        scratch_types=[
            pltpu.VMEM((TPW,), jnp.int32),
            pltpu.VMEM((G, D), jnp.float32),
            pltpu.VMEM((G, D), jnp.float32),
            pltpu.VMEM((G, D), jnp.float32),
            pltpu.VMEM((G, D), jnp.float32),
            pltpu.VMEM((2, L), jnp.float32),
            pltpu.SemaphoreType.DMA,
            pltpu.SemaphoreType.DMA,
            pltpu.SemaphoreType.DMA,
            pltpu.SemaphoreType.DMA,
        ],
    )
    partials = run(emitted, ids, vocab)
    return partials[:, 0].sum() / partials[:, 1].sum()


def kernel(emitted_embeddings, target_ids, vocab_basis):
    emitted = emitted_embeddings.reshape(N, D)
    ids = target_ids.reshape(N).astype(jnp.int32)
    return _sc_loss(emitted, ids, vocab_basis)

# --- scband reference (transcript-rebuilt; emitter-appended) ---
"""Pipeline reference for scband-semantic-distance-loss-53549652247045 (READ-ONLY COPY).

The authoritative reference and input builder live on the scoring server;
editing this copy changes nothing except your own understanding.
"""

import jax, jax.numpy as jnp
import numpy as np


def setup_inputs(seed: int = 0) -> dict:
    key = jax.random.key(seed)
    k1, k2, k3 = jax.random.split(key, 3)
    emitted_embeddings = jax.random.normal(k1, (4, 2048, 1024), dtype=jnp.float32)
    target_ids = jax.random.randint(k2, (4, 2048), 0, 32000, dtype=jnp.int64)
    vocab_basis = jax.random.normal(k3, (32000, 1024), dtype=jnp.float32)
    return {"emitted_embeddings": emitted_embeddings, "target_ids": target_ids, "vocab_basis": vocab_basis}


def reference(emitted_embeddings, target_ids, vocab_basis):
    # gather ideal embeddings (SparseCore-style gather)
    ideal_embeddings = jnp.take(vocab_basis, target_ids, axis=0)  # (B, S, D)
    mask = (target_ids != 0)
    # cosine similarity along last dim, matching torch F.cosine_similarity (eps=1e-8)
    eps = 1e-8
    a_norm = jnp.sqrt(jnp.sum(emitted_embeddings * emitted_embeddings, axis=-1))
    b_norm = jnp.sqrt(jnp.sum(ideal_embeddings * ideal_embeddings, axis=-1))
    dot = jnp.sum(emitted_embeddings * ideal_embeddings, axis=-1)
    cos_sim = dot / (jnp.maximum(a_norm, eps) * jnp.maximum(b_norm, eps))
    distances = 1.0 - cos_sim
    mask_f = mask.astype(distances.dtype)
    loss = jnp.sum(distances * mask_f) / jnp.sum(mask_f)
    return loss

if __name__ == "__main__":
    import jax
    _d = setup_inputs()
    print(jax.jit(kernel)(*tuple(_d.values())))

</pallas_src>

<mosaic_0001>
#map = affine_map<(d0, d1) -> (0, 0)>
#map1 = affine_map<(d0, d1) -> (0)>
#map2 = affine_map<(d0, d1) -> (0, 0, 0)>
module attributes {stable_mosaic.version = 14 : i64} {
  func.func @_body(%arg0: i32, %arg1: i32, %arg2: memref<8192x1024xf32, #tpu.memory_space<hbm>>, %arg3: memref<8192xi32, #tpu.memory_space<hbm>>, %arg4: memref<32000x1024xf32, #tpu.memory_space<hbm>>, %arg5: memref<32x2x16xf32, #tpu.memory_space<hbm>>, %arg6: memref<256xi32, #tpu.memory_space<vmem>>, %arg7: memref<16x1024xf32, #tpu.memory_space<vmem>>, %arg8: memref<16x1024xf32, #tpu.memory_space<vmem>>, %arg9: memref<16x1024xf32, #tpu.memory_space<vmem>>, %arg10: memref<16x1024xf32, #tpu.memory_space<vmem>>, %arg11: memref<2x16xf32, #tpu.memory_space<vmem>>, %arg12: memref<!tpu.dma_semaphore, #tpu.memory_space<semaphore_mem>>, %arg13: memref<!tpu.dma_semaphore, #tpu.memory_space<semaphore_mem>>, %arg14: memref<!tpu.dma_semaphore, #tpu.memory_space<semaphore_mem>>, %arg15: memref<!tpu.dma_semaphore, #tpu.memory_space<semaphore_mem>>) attributes {dimension_semantics = [#tpu.dimension_semantics<core_parallel>, #tpu.dimension_semantics<subcore_parallel>], iteration_bounds = array<i64: 2, 16>, scalar_prefetch = 0 : i64, scratch_operands = 10 : i64, tpu.core_type = #tpu.core_type<sc_vector_subcore>, window_params = [{transform_indices = #map}, {transform_indices = #map1}, {transform_indices = #map}, {transform_indices = #map2}]} {
    %mul3A = arith.constant 2 : i32
    %mul3A_0 = arith.muli %arg1, %mul3A : i32
    %add3A = arith.addi %mul3A_0, %arg0 : i32
    %mul3A_1 = arith.constant 256 : i32
    %mul3A_2 = arith.muli %add3A, %mul3A_1 : i32
    "tpu.region"() ({
      %run_scoped3A = tpu.sem_alloc : memref<!tpu.dma_semaphore, #tpu.memory_space<semaphore_mem>>
      %dma_start3A_31 = tpu.memref_slice %arg3[%mul3A_2] : memref<8192xi32, #tpu.memory_space<hbm>> -> memref<256xi32, #tpu.memory_space<hbm>>
      %dma_start3A_32 = tpu.memref_slice %arg3[%mul3A_2] : memref<8192xi32, #tpu.memory_space<hbm>> -> memref<256xi32, #tpu.memory_space<hbm>>
      tpu.enqueue_dma source(%dma_start3A_32 : memref<256xi32, #tpu.memory_space<hbm>>) target(%arg6 : memref<256xi32, #tpu.memory_space<vmem>>) target_semaphore(%run_scoped3A : memref<!tpu.dma_semaphore, #tpu.memory_space<semaphore_mem>>)
      %dma_wait3A = tpu.memref_slice %arg3[%mul3A_2] : memref<8192xi32, #tpu.memory_space<hbm>> -> memref<256xi32, #tpu.memory_space<hbm>>
      %dma_wait3A_33 = tpu.memref_slice %arg3[%mul3A_2] : memref<8192xi32, #tpu.memory_space<hbm>> -> memref<256xi32, #tpu.memory_space<hbm>>
      tpu.wait_dma2 semaphore(%run_scoped3A : memref<!tpu.dma_semaphore, #tpu.memory_space<semaphore_mem>>) src(%dma_wait3A_33 : memref<256xi32, #tpu.memory_space<hbm>>) dst(%arg6 : memref<256xi32, #tpu.memory_space<vmem>>)
      tpu.yield
    }) : () -> ()
    %iota3A = tpu.iota {dimensions = array<i32: 0>} : vector<16xi32>
    %multiple_of3A = arith.constant 0 : i32
    %multiple_of3A_3 = tpu.assume_multiple %multiple_of3A, 16 : i32
    %add3A_4 = arith.constant 0 : i32
    %add3A_5 = arith.addi %mul3A_2, %add3A_4 : i32
    %multiple_of3A_6 = tpu.assume_multiple %add3A_5, 16 : i32
    %dma_start3A = tpu.memref_slice %arg6[%multiple_of3A_3] : memref<256xi32, #tpu.memory_space<vmem>> -> memref<16xi32, #tpu.memory_space<vmem>>
    %dma_start3A_7 = arith.constant 0 : i32
    %dma_start3A_8 = arith.constant 0 : i32
    %dma_start3A_9 = tpu.memref_slice %arg4[%dma_start3A_7, %dma_start3A_8] : memref<32000x1024xf32, #tpu.memory_space<hbm>> -> memref<32000x1024xf32, #tpu.memory_space<hbm>>
    tpu.enqueue_indirect_dma source(%dma_start3A_9 : memref<32000x1024xf32, #tpu.memory_space<hbm>>) target(%arg8 : memref<16x1024xf32, #tpu.memory_space<vmem>>) offsets(%dma_start3A : memref<16xi32, #tpu.memory_space<vmem>>) semaphore(%arg13 : memref<!tpu.dma_semaphore, #tpu.memory_space<semaphore_mem>>)
    %dma_start3A_10 = arith.constant 0 : i32
    %dma_start3A_11 = tpu.memref_slice %arg2[%multiple_of3A_6, %dma_start3A_10] : memref<8192x1024xf32, #tpu.memory_space<hbm>> -> memref<16x1024xf32, #tpu.memory_space<hbm>>
    %dma_start3A_12 = arith.constant 0 : i32
    %dma_start3A_13 = tpu.memref_slice %arg2[%multiple_of3A_6, %dma_start3A_12] : memref<8192x1024xf32, #tpu.memory_space<hbm>> -> memref<16x1024xf32, #tpu.memory_space<hbm>>
    tpu.enqueue_dma source(%dma_start3A_13 : memref<16x1024xf32, #tpu.memory_space<hbm>>) target(%arg7 : memref<16x1024xf32, #tpu.memory_space<vmem>>) target_semaphore(%arg12 : memref<!tpu.dma_semaphore, #tpu.memory_space<semaphore_mem>>)
    %broadcast_in_dim3A = arith.constant 0.000000e+00 : f32
    %broadcast_in_dim3A_14 = vector.broadcast %broadcast_in_dim3A : f32 to vector<16xf32>
    %scan3A = arith.constant 0 : i32
    %scan3A_15 = arith.constant 8 : i32
    %scan3A_16 = arith.addi %scan3A, %scan3A_15 : i32
    %scan3A_17 = arith.constant 1 : i32
    %scan3A_18:2 = scf.for %scan3A_31 = %scan3A to %scan3A_16 step %scan3A_17 iter_args(%scan3A_32 = %broadcast_in_dim3A_14, %scan3A_33 = %broadcast_in_dim3A_14) -> (vector<16xf32>, vector<16xf32>)  : i32 {
      %mul3A_34 = arith.constant 2 : i32
      %mul3A_35 = arith.muli %mul3A_34, %scan3A_31 : i32
      %add3A_36 = arith.constant 1 : i32
      %add3A_37 = arith.addi %mul3A_35, %add3A_36 : i32
      %mul3A_38 = arith.constant 16 : i32
      %mul3A_39 = arith.muli %add3A_37, %mul3A_38 : i32
      %multiple_of3A_40 = tpu.assume_multiple %mul3A_39, 16 : i32
      %mul3A_41 = arith.constant 16 : i32
      %mul3A_42 = arith.muli %add3A_37, %mul3A_41 : i32
      %add3A_43 = arith.addi %mul3A_2, %mul3A_42 : i32
      %multiple_of3A_44 = tpu.assume_multiple %add3A_43, 16 : i32
      %dma_start3A_45 = tpu.memref_slice %arg6[%multiple_of3A_40] : memref<256xi32, #tpu.memory_space<vmem>> -> memref<16xi32, #tpu.memory_space<vmem>>
      %dma_start3A_46 = arith.constant 0 : i32
      %dma_start3A_47 = arith.constant 0 : i32
      %dma_start3A_48 = tpu.memref_slice %arg4[%dma_start3A_46, %dma_start3A_47] : memref<32000x1024xf32, #tpu.memory_space<hbm>> -> memref<32000x1024xf32, #tpu.memory_space<hbm>>
      tpu.enqueue_indirect_dma source(%dma_start3A_48 : memref<32000x1024xf32, #tpu.memory_space<hbm>>) target(%arg10 : memref<16x1024xf32, #tpu.memory_space<vmem>>) offsets(%dma_start3A_45 : memref<16xi32, #tpu.memory_space<vmem>>) semaphore(%arg15 : memref<!tpu.dma_semaphore, #tpu.memory_space<semaphore_mem>>)
      %dma_start3A_49 = arith.constant 0 : i32
      %dma_start3A_50 = tpu.memref_slice %arg2[%multiple_of3A_44, %dma_start3A_49] : memref<8192x1024xf32, #tpu.memory_space<hbm>> -> memref<16x1024xf32, #tpu.memory_space<hbm>>
      %dma_start3A_51 = arith.constant 0 : i32
      %dma_start3A_52 = tpu.memref_slice %arg2[%multiple_of3A_44, %dma_start3A_51] : memref<8192x1024xf32, #tpu.memory_space<hbm>> -> memref<16x1024xf32, #tpu.memory_space<hbm>>
      tpu.enqueue_dma source(%dma_start3A_52 : memref<16x1024xf32, #tpu.memory_space<hbm>>) target(%arg9 : memref<16x1024xf32, #tpu.memory_space<vmem>>) target_semaphore(%arg14 : memref<!tpu.dma_semaphore, #tpu.memory_space<semaphore_mem>>)
      %dma_wait3A = arith.constant 0 : i32
      %dma_wait3A_53 = arith.constant 0 : i32
      %dma_wait3A_54 = tpu.memref_slice %arg2[%dma_wait3A, %dma_wait3A_53] : memref<8192x1024xf32, #tpu.memory_space<hbm>> -> memref<16x1024xf32, #tpu.memory_space<hbm>>
      %dma_wait3A_55 = arith.constant 0 : i32
      %dma_wait3A_56 = arith.constant 0 : i32
      %dma_wait3A_57 = tpu.memref_slice %arg2[%dma_wait3A_55, %dma_wait3A_56] : memref<8192x1024xf32, #tpu.memory_space<hbm>> -> memref<16x1024xf32, #tpu.memory_space<hbm>>
      tpu.wait_dma2 semaphore(%arg12 : memref<!tpu.dma_semaphore, #tpu.memory_space<semaphore_mem>>) src(%dma_wait3A_57 : memref<16x1024xf32, #tpu.memory_space<hbm>>) dst(%arg7 : memref<16x1024xf32, #tpu.memory_space<vmem>>)
      %dma_wait3A_58 = arith.constant 0 : i32
      %dma_wait3A_59 = tpu.memref_slice %arg6[%dma_wait3A_58] : memref<256xi32, #tpu.memory_space<vmem>> -> memref<16xi32, #tpu.memory_space<vmem>>
      %dma_wait3A_60 = arith.constant 0 : i32
      %dma_wait3A_61 = arith.constant 0 : i32
      %dma_wait3A_62 = tpu.memref_slice %arg4[%dma_wait3A_60, %dma_wait3A_61] : memref<32000x1024xf32, #tpu.memory_space<hbm>> -> memref<32000x1024xf32, #tpu.memory_space<hbm>>
      tpu.wait_indirect_dma semaphore(%arg13 : memref<!tpu.dma_semaphore, #tpu.memory_space<semaphore_mem>>) src(%dma_wait3A_62 : memref<32000x1024xf32, #tpu.memory_space<hbm>>) dst(%arg8 : memref<16x1024xf32, #tpu.memory_space<vmem>>)
      %mul3A_63 = arith.constant 2 : i32
      %mul3A_64 = arith.muli %mul3A_63, %scan3A_31 : i32
      %broadcast_in_dim3A_65 = arith.constant 0.000000e+00 : f32
      %broadcast_in_dim3A_66 = vector.broadcast %broadcast_in_dim3A_65 : f32 to vector<16xf32>
      %scan3A_67 = arith.constant 0 : i32
      %scan3A_68 = arith.constant 64 : i32
      %scan3A_69 = arith.addi %scan3A_67, %scan3A_68 : i32
      %scan3A_70 = arith.constant 1 : i32
      %scan3A_71:24 = scf.for %scan3A_2080 = %scan3A_67 to %scan3A_69 step %scan3A_70 iter_args(%scan3A_2081 = %broadcast_in_dim3A_66, %scan3A_2082 = %broadcast_in_dim3A_66, %scan3A_2083 = %broadcast_in_dim3A_66, %scan3A_2084 = %broadcast_in_dim3A_66, %scan3A_2085 = %broadcast_in_dim3A_66, %scan3A_2086 = %broadcast_in_dim3A_66, %scan3A_2087 = %broadcast_in_dim3A_66, %scan3A_2088 = %broadcast_in_dim3A_66, %scan3A_2089 = %broadcast_in_dim3A_66, %scan3A_2090 = %broadcast_in_dim3A_66, %scan3A_2091 = %broadcast_in_dim3A_66, %scan3A_2092 = %broadcast_in_dim3A_66, %scan3A_2093 = %broadcast_in_dim3A_66, %scan3A_2094 = %broadcast_in_dim3A_66, %scan3A_2095 = %broadcast_in_dim3A_66, %scan3A_2096 = %broadcast_in_dim3A_66, %scan3A_2097 = %broadcast_in_dim3A_66, %scan3A_2098 = %broadcast_in_dim3A_66, %scan3A_2099 = %broadcast_in_dim3A_66, %scan3A_2100 = %broadcast_in_dim3A_66, %scan3A_2101 = %broadcast_in_dim3A_66, %scan3A_2102 = %broadcast_in_dim3A_66, %scan3A_2103 = %broadcast_in_dim3A_66, %scan3A_2104 = %broadcast_in_dim3A_66) -> (vector<16xf32>, vector<16xf32>, vector<16xf32>, vector<16xf32>, vector<16xf32>, vector<16xf32>, vector<16xf32>, vector<16xf32>, vector<16xf32>, vector<16xf32>, vector<16xf32>, vector<16xf32>, vector<16xf32>, vector<16xf32>, vector<16xf32>, vector<16xf32>, vector<16xf32>, vector<16xf32>, vector<16xf32>, vector<16xf32>, vector<16xf32>, vector<16xf32>, vector<16xf32>, vector<16xf32>)  : i32 {
        %mul3A_2105 = arith.constant 16 : i32
        %mul3A_2106 = arith.muli %scan3A_2080, %mul3A_2105 : i32
        %add3A_2107 = arith.constant 0 : i32
        %add3A_2108 = arith.addi %mul3A_2106, %add3A_2107 : i32
        %multiple_of3A_2109 = tpu.assume_multiple %add3A_2108, 16 : i32
        %get3A_2110 = arith.constant 0 : i32
        %get3A_2111 = arith.index_cast %get3A_2110 : i32 to index
        %get3A_2112 = arith.index_cast %multiple_of3A_2109 : i32 to index
        %get3A_2113 = tpu.vector_load %arg7[%get3A_2111, %get3A_2112] {strides = array<i32>} : memref<16x1024xf32, #tpu.memory_space<vmem>>, vector<1x16xf32>,
        %get3A_2114 = vector.shape_cast %get3A_2113 : vector<1x16xf32> to vector<16xf32>
        %get3A_2115 = arith.constant 0 : i32
        %get3A_2116 = arith.index_cast %get3A_2115 : i32 to index
        %get3A_2117 = arith.index_cast %multiple_of3A_2109 : i32 to index
        %get3A_2118 = tpu.vector_load %arg8[%get3A_2116, %get3A_2117] {strides = array<i32>} : memref<16x1024xf32, #tpu.memory_space<vmem>>, vector<1x16xf32>,
        %get3A_2119 = vector.shape_cast %get3A_2118 : vector<1x16xf32> to vector<16xf32>
        %mul3A_2120 = arith.mulf %get3A_2114, %get3A_2119 : vector<16xf32>
        %add3A_2121 = arith.addf %scan3A_2081, %mul3A_2120 : vector<16xf32>
        %mul3A_2122 = arith.mulf %get3A_2114, %get3A_2114 : vector<16xf32>
        %add3A_2123 = arith.addf %scan3A_2082, %mul3A_2122 : vector<16xf32>
        %mul3A_2124 = arith.mulf %get3A_2119, %get3A_2119 : vector<16xf32>
        %add3A_2125 = arith.addf %scan3A_2083, %mul3A_2124 : vector<16xf32>
        %mul3A_2126 = arith.constant 16 : i32
        %mul3A_2127 = arith.muli %scan3A_2080, %mul3A_2126 : i32
        %add3A_2128 = arith.constant 0 : i32
        %add3A_2129 = arith.addi %mul3A_2127, %add3A_2128 : i32
        %multiple_of3A_2130 = tpu.assume_multiple %add3A_2129, 16 : i32
        %get3A_2131 = arith.constant 1 : i32
        %get3A_2132 = arith.index_cast %get3A_2131 : i32 to index
        %get3A_2133 = arith.index_cast %multiple_of3A_2130 : i32 to index
        %get3A_2134 = tpu.vector_load %arg7[%get3A_2132, %get3A_2133] {strides = array<i32>} : memref<16x1024xf32, #tpu.memory_space<vmem>>, vector<1x16xf32>,
        %get3A_2135 = vector.shape_cast %get3A_2134 : vector<1x16xf32> to vector<16xf32>
        %get3A_2136 = arith.constant 1 : i32
        %get3A_2137 = arith.index_cast %get3A_2136 : i32 to index
        %get3A_2138 = arith.index_cast %multiple_of3A_2130 : i32 to index
        %get3A_2139 = tpu.vector_load %arg8[%get3A_2137, %get3A_2138] {strides = array<i32>} : memref<16x1024xf32, #tpu.memory_space<vmem>>, vector<1x16xf32>,
        %get3A_2140 = vector.shape_cast %get3A_2139 : vector<1x16xf32> to vector<16xf32>
        %mul3A_2141 = arith.mulf %get3A_2135, %get3A_2140 : vector<16xf32>
        %add3A_2142 = arith.addf %scan3A_2084, %mul3A_2141 : vector<16xf32>
        %mul3A_2143 = arith.mulf %get3A_2135, %get3A_2135 : vector<16xf32>
        %add3A_2144 = arith.addf %scan3A_2085, %mul3A_2143 : vector<16xf32>
        %mul3A_2145 = arith.mulf %get3A_2140, %get3A_2140 : vector<16xf32>
        %add3A_2146 = arith.addf %scan3A_2086, %mul3A_2145 : vector<16xf32>
        %mul3A_2147 = arith.constant 16 : i32
        %mul3A_2148 = arith.muli %scan3A_2080, %mul3A_2147 : i32
        %add3A_2149 = arith.constant 0 : i32
        %add3A_2150 = arith.addi %mul3A_2148, %add3A_2149 : i32
        %multiple_of3A_2151 = tpu.assume_multiple %add3A_2150, 16 : i32
        %get3A_2152 = arith.constant 2 : i32
        %get3A_2153 = arith.index_cast %get3A_2152 : i32 to index
        %get3A_2154 = arith.index_cast %multiple_of3A_2151 : i32 to index
        %get3A_2155 = tpu.vector_load %arg7[%get3A_2153, %get3A_2154] {strides = array<i32>} : memref<16x1024xf32, #tpu.memory_space<vmem>>, vector<1x16xf32>,
        %get3A_2156 = vector.shape_cast %get3A_2155 : vector<1x16xf32> to vector<16xf32>
        %get3A_2157 = arith.constant 2 : i32
        %get3A_2158 = arith.index_cast %get3A_2157 : i32 to index
        %get3A_2159 = arith.index_cast %multiple_of3A_2151 : i32 to index
        %get3A_2160 = tpu.vector_load %arg8[%get3A_2158, %get3A_2159] {strides = array<i32>} : memref<16x1024xf32, #tpu.memory_space<vmem>>, vector<1x16xf32>,
        %get3A_2161 = vector.shape_cast %get3A_2160 : vector<1x16xf32> to vector<16xf32>
        %mul3A_2162 = arith.mulf %get3A_2156, %get3A_2161 : vector<16xf32>
        %add3A_2163 = arith.addf %scan3A_2087, %mul3A_2162 : vector<16xf32>
        %mul3A_2164 = arith.mulf %get3A_2156, %get3A_2156 : vector<16xf32>
        %add3A_2165 = arith.addf %scan3A_2088, %mul3A_2164 : vector<16xf32>
        %mul3A_2166 = arith.mulf %get3A_2161, %get3A_2161 : vector<16xf32>
        %add3A_2167 = arith.addf %scan3A_2089, %mul3A_2166 : vector<16xf32>
        %mul3A_2168 = arith.constant 16 : i32
        %mul3A_2169 = arith.muli %scan3A_2080, %mul3A_2168 : i32
        %add3A_2170 = arith.constant 0 : i32
        %add3A_2171 = arith.addi %mul3A_2169, %add3A_2170 : i32
        %multiple_of3A_2172 = tpu.assume_multiple %add3A_2171, 16 : i32
        %get3A_2173 = arith.constant 3 : i32
        %get3A_2174 = arith.index_cast %get3A_2173 : i32 to index
        %get3A_2175 = arith.index_cast %multiple_of3A_2172 : i32 to index
        %get3A_2176 = tpu.vector_load %arg7[%get3A_2174, %get3A_2175] {strides = array<i32>} : memref<16x1024xf32, #tpu.memory_space<vmem>>, vector<1x16xf32>,
        %get3A_2177 = vector.shape_cast %get3A_2176 : vector<1x16xf32> to vector<16xf32>
        %get3A_2178 = arith.constant 3 : i32
        %get3A_2179 = arith.index_cast %get3A_2178 : i32 to index
        %get3A_2180 = arith.index_cast %multiple_of3A_2172 : i32 to index
        %get3A_2181 = tpu.vector_load %arg8[%get3A_2179, %get3A_2180] {strides = array<i32>} : memref<16x1024xf32, #tpu.memory_space<vmem>>, vector<1x16xf32>,
        %get3A_2182 = vector.shape_cast %get3A_2181 : vector<1x16xf32> to vector<16xf32>
        %mul3A_2183 = arith.mulf %get3A_2177, %get3A_2182 : vector<16xf32>
        %add3A_2184 = arith.addf %scan3A_2090, %mul3A_2183 : vector<16xf32>
        %mul3A_2185 = arith.mulf %get3A_2177, %get3A_2177 : vector<16xf32>
        %add3A_2186 = arith.addf %scan3A_2091, %mul3A_2185 : vector<16xf32>
        %mul3A_2187 = arith.mulf %get3A_2182, %get3A_2182 : vector<16xf32>
        %add3A_2188 = arith.addf %scan3A_2092, %mul3A_2187 : vector<16xf32>
        %mul3A_2189 = arith.constant 16 : i32
        %mul3A_2190 = arith.muli %scan3A_2080, %mul3A_2189 : i32
        %add3A_2191 = arith.constant 0 : i32
        %add3A_2192 = arith.addi %mul3A_2190, %add3A_2191 : i32
        %multiple_of3A_2193 = tpu.assume_multiple %add3A_2192, 16 : i32
        %get3A_2194 = arith.constant 4 : i32
        %get3A_2195 = arith.index_cast %get3A_2194 : i32 to index
        %get3A_2196 = arith.index_cast %multiple_of3A_2193 : i32 to index
        %get3A_2197 = tpu.vector_load %arg7[%get3A_2195, %get3A_2196] {strides = array<i32>} : memref<16x1024xf32, #tpu.memory_space<vmem>>, vector<1x16xf32>,
        %get3A_2198 = vector.shape_cast %get3A_2197 : vector<1x16xf32> to vector<16xf32>
        %get3A_2199 = arith.constant 4 : i32
        %get3A_2200 = arith.index_cast %get3A_2199 : i32 to index
        %get3A_2201 = arith.index_cast %multiple_of3A_2193 : i32 to index
        %get3A_2202 = tpu.vector_load %arg8[%get3A_2200, %get3A_2201] {strides = array<i32>} : memref<16x1024xf32, #tpu.memory_space<vmem>>, vector<1x16xf32>,
        %get3A_2203 = vector.shape_cast %get3A_2202 : vector<1x16xf32> to vector<16xf32>
        %mul3A_2204 = arith.mulf %get3A_2198, %get3A_2203 : vector<16xf32>
        %add3A_2205 = arith.addf %scan3A_2093, %mul3A_2204 : vector<16xf32>
        %mul3A_2206 = arith.mulf %get3A_2198, %get3A_2198 : vector<16xf32>
        %add3A_2207 = arith.addf %scan3A_2094, %mul3A_2206 : vector<16xf32>
        %mul3A_2208 = arith.mulf %get3A_2203, %get3A_2203 : vector<16xf32>
        %add3A_2209 = arith.addf %scan3A_2095, %mul3A_2208 : vector<16xf32>
        %mul3A_2210 = arith.constant 16 : i32
        %mul3A_2211 = arith.muli %scan3A_2080, %mul3A_2210 : i32
        %add3A_2212 = arith.constant 0 : i32
        %add3A_2213 = arith.addi %mul3A_2211, %add3A_2212 : i32
        %multiple_of3A_2214 = tpu.assume_multiple %add3A_2213, 16 : i32
        %get3A_2215 = arith.constant 5 : i32
        %get3A_2216 = arith.index_cast %get3A_2215 : i32 to index
        %get3A_2217 = arith.index_cast %multiple_of3A_2214 : i32 to index
        %get3A_2218 = tpu.vector_load %arg7[%get3A_2216, %get3A_2217] {strides = array<i32>} : memref<16x1024xf32, #tpu.memory_space<vmem>>, vector<1x16xf32>,
        %get3A_2219 = vector.shape_cast %get3A_2218 : vector<1x16xf32> to vector<16xf32>
        %get3A_2220 = arith.constant 5 : i32
        %get3A_2221 = arith.index_cast %get3A_2220 : i32 to index
        %get3A_2222 = arith.index_cast %multiple_of3A_2214 : i32 to index
        %get3A_2223 = tpu.vector_load %arg8[%get3A_2221, %get3A_2222] {strides = array<i32>} : memref<16x1024xf32, #tpu.memory_space<vmem>>, vector<1x16xf32>,
        %get3A_2224 = vector.shape_cast %get3A_2223 : vector<1x16xf32> to vector<16xf32>
        %mul3A_2225 = arith.mulf %get3A_2219, %get3A_2224 : vector<16xf32>
        %add3A_2226 = arith.addf %scan3A_2096, %mul3A_2225 : vector<16xf32>
        %mul3A_2227 = arith.mulf %get3A_2219, %get3A_2219 : vector<16xf32>
        %add3A_2228 = arith.addf %scan3A_2097, %mul3A_2227 : vector<16xf32>
        %mul3A_2229 = arith.mulf %get3A_2224, %get3A_2224 : vector<16xf32>
        %add3A_2230 = arith.addf %scan3A_2098, %mul3A_2229 : vector<16xf32>
        %mul3A_2231 = arith.constant 16 : i32
        %mul3A_2232 = arith.muli %scan3A_2080, %mul3A_2231 : i32
        %add3A_2233 = arith.constant 0 : i32
        %add3A_2234 = arith.addi %mul3A_2232, %add3A_2233 : i32
        %multiple_of3A_2235 = tpu.assume_multiple %add3A_2234, 16 : i32
        %get3A_2236 = arith.constant 6 : i32
        %get3A_2237 = arith.index_cast %get3A_2236 : i32 to index
        %get3A_2238 = arith.index_cast %multiple_of3A_2235 : i32 to index
        %get3A_2239 = tpu.vector_load %arg7[%get3A_2237, %get3A_2238] {strides = array<i32>} : memref<16x1024xf32, #tpu.memory_space<vmem>>, vector<1x16xf32>,
        %get3A_2240 = vector.shape_cast %get3A_2239 : vector<1x16xf32> to vector<16xf32>
        %get3A_2241 = arith.constant 6 : i32
        %get3A_2242 = arith.index_cast %get3A_2241 : i32 to index
        %get3A_2243 = arith.index_cast %multiple_of3A_2235 : i32 to index
        %get3A_2244 = tpu.vector_load %arg8[%get3A_2242, %get3A_2243] {strides = array<i32>} : memref<16x1024xf32, #tpu.memory_space<vmem>>, vector<1x16xf32>,
        %get3A_2245 = vector.shape_cast %get3A_2244 : vector<1x16xf32> to vector<16xf32>
        %mul3A_2246 = arith.mulf %get3A_2240, %get3A_2245 : vector<16xf32>
        %add3A_2247 = arith.addf %scan3A_2099, %mul3A_2246 : vector<16xf32>
        %mul3A_2248 = arith.mulf %get3A_2240, %get3A_2240 : vector<16xf32>
        %add3A_2249 = arith.addf %scan3A_2100, %mul3A_2248 : vector<16xf32>
        %mul3A_2250 = arith.mulf %get3A_2245, %get3A_2245 : vector<16xf32>
        %add3A_2251 = arith.addf %scan3A_2101, %mul3A_2250 : vector<16xf32>
        %mul3A_2252 = arith.constant 16 : i32
        %mul3A_2253 = arith.muli %scan3A_2080, %mul3A_2252 : i32
        %add3A_2254 = arith.constant 0 : i32
        %add3A_2255 = arith.addi %mul3A_2253, %add3A_2254 : i32
        %multiple_of3A_2256 = tpu.assume_multiple %add3A_2255, 16 : i32
        %get3A_2257 = arith.constant 7 : i32
        %get3A_2258 = arith.index_cast %get3A_2257 : i32 to index
        %get3A_2259 = arith.index_cast %multiple_of3A_2256 : i32 to index
        %get3A_2260 = tpu.vector_load %arg7[%get3A_2258, %get3A_2259] {strides = array<i32>} : memref<16x1024xf32, #tpu.memory_space<vmem>>, vector<1x16xf32>,
        %get3A_2261 = vector.shape_cast %get3A_2260 : vector<1x16xf32> to vector<16xf32>
        %get3A_2262 = arith.constant 7 : i32
        %get3A_2263 = arith.index_cast %get3A_2262 : i32 to index
        %get3A_2264 = arith.index_cast %multiple_of3A_2256 : i32 to index
        %get3A_2265 = tpu.vector_load %arg8[%get3A_2263, %get3A_2264] {strides = array<i32>} : memref<16x1024xf32, #tpu.memory_space<vmem>>, vector<1x16xf32>,
        %get3A_2266 = vector.shape_cast %get3A_2265 : vector<1x16xf32> to vector<16xf32>
        %mul3A_2267 = arith.mulf %get3A_2261, %get3A_2266 : vector<16xf32>
        %add3A_2268 = arith.addf %scan3A_2102, %mul3A_2267 : vector<16xf32>
        %mul3A_2269 = arith.mulf %get3A_2261, %get3A_2261 : vector<16xf32>
        %add3A_2270 = arith.addf %scan3A_2103, %mul3A_2269 : vector<16xf32>
        %mul3A_2271 = arith.mulf %get3A_2266, %get3A_2266 : vector<16xf32>
        %add3A_2272 = arith.addf %scan3A_2104, %mul3A_2271 : vector<16xf32>
        scf.yield %add3A_2121, %add3A_2123, %add3A_2125, %add3A_2142, %add3A_2144, %add3A_2146, %add3A_2163, %add3A_2165, %add3A_2167, %add3A_2184, %add3A_2186, %add3A_2188, %add3A_2205, %add3A_2207, %add3A_2209, %add3A_2226, %add3A_2228, %add3A_2230, %add3A_2247, %add3A_2249, %add3A_2251, %add3A_2268, %add3A_2270, %add3A_2272 : vector<16xf32>, vector<16xf32>, vector<16xf32>, vector<16xf32>, vector<16xf32>, vector<16xf32>, vector<16xf32>, vector<16xf32>, vector<16xf32>, vector<16xf32>, vector<16xf32>, vector<16xf32>, vector<16xf32>, vector<16xf32>, vector<16xf32>, vector<16xf32>, vector<16xf32>, vector<16xf32>, vector<16xf32>, vector<16xf32>, vector<16xf32>, vector<16xf32>, vector<16xf32>, vector<16xf32>
      }
      %scan3A_72 = arith.constant 64 : i32
      %and3A = arith.constant 8 : i32
      %and3A_73 = vector.broadcast %and3A : i32 to vector<16xi32>
      %and3A_74 = arith.andi %iota3A, %and3A_73 : vector<16xi32>
      %eq3A = arith.constant 0 : i32
      %eq3A_75 = vector.broadcast %eq3A : i32 to vector<16xi32>
      %eq3A_76 = arith.cmpi eq, %and3A_74, %eq3A_75 : vector<16xi32>
      %broadcast_in_dim3A_77 = arith.constant 8 : i32
      %broadcast_in_dim3A_78 = vector.broadcast %broadcast_in_dim3A_77 : i32 to vector<16xi32>
      %xor3A = arith.xori %iota3A, %broadcast_in_dim3A_78 : vector<16xi32>
      %broadcast_in_dim3A_79 = vector.shape_cast %xor3A : vector<16xi32> to vector<16x1xi32>
      %gather3A = vector.shape_cast %broadcast_in_dim3A_79 : vector<16x1xi32> to vector<16xi32>
      %gather3A_80 = tpu.dynamic_gather %scan3A_71#0[%gather3A] in [0] : vector<16xf32>, vector<16xi32> -> vector<16xf32>
      %add3A_81 = arith.addf %scan3A_71#0, %gather3A_80 : vector<16xf32>
      %xor3A_82 = arith.xori %iota3A, %broadcast_in_dim3A_78 : vector<16xi32>
      %broadcast_in_dim3A_83 = vector.shape_cast %xor3A_82 : vector<16xi32> to vector<16x1xi32>
      %gather3A_84 = vector.shape_cast %broadcast_in_dim3A_83 : vector<16x1xi32> to vector<16xi32>
      %gather3A_85 = tpu.dynamic_gather %scan3A_71#3[%gather3A_84] in [0] : vector<16xf32>, vector<16xi32> -> vector<16xf32>
      %add3A_86 = arith.addf %scan3A_71#3, %gather3A_85 : vector<16xf32>
      %select_n3A = arith.select %eq3A_76, %add3A_81, %add3A_86 : vector<16xi1>, vector<16xf32>
      %and3A_87 = arith.constant 8 : i32
      %and3A_88 = vector.broadcast %and3A_87 : i32 to vector<16xi32>
      %and3A_89 = arith.andi %iota3A, %and3A_88 : vector<16xi32>
      %eq3A_90 = arith.constant 0 : i32
      %eq3A_91 = vector.broadcast %eq3A_90 : i32 to vector<16xi32>
      %eq3A_92 = arith.cmpi eq, %and3A_89, %eq3A_91 : vector<16xi32>
      %broadcast_in_dim3A_93 = arith.constant 8 : i32
      %broadcast_in_dim3A_94 = vector.broadcast %broadcast_in_dim3A_93 : i32 to vector<16xi32>
      %xor3A_95 = arith.xori %iota3A, %broadcast_in_dim3A_94 : vector<16xi32>
      %broadcast_in_dim3A_96 = vector.shape_cast %xor3A_95 : vector<16xi32> to vector<16x1xi32>
      %gather3A_97 = vector.shape_cast %broadcast_in_dim3A_96 : vector<16x1xi32> to vector<16xi32>
      %gather3A_98 = tpu.dynamic_gather %scan3A_71#1[%gather3A_97] in [0] : vector<16xf32>, vector<16xi32> -> vector<16xf32>
      %add3A_99 = arith.addf %scan3A_71#1, %gather3A_98 : vector<16xf32>
      %xor3A_100 = arith.xori %iota3A, %broadcast_in_dim3A_94 : vector<16xi32>
      %broadcast_in_dim3A_101 = vector.shape_cast %xor3A_100 : vector<16xi32> to vector<16x1xi32>
      %gather3A_102 = vector.shape_cast %broadcast_in_dim3A_101 : vector<16x1xi32> to vector<16xi32>
      %gather3A_103 = tpu.dynamic_gather %scan3A_71#4[%gather3A_102] in [0] : vector<16xf32>, vector<16xi32> -> vector<16xf32>
      %add3A_104 = arith.addf %scan3A_71#4, %gather3A_103 : vector<16xf32>
      %select_n3A_105 = arith.select %eq3A_92, %add3A_99, %add3A_104 : vector<16xi1>, vector<16xf32>
      %and3A_106 = arith.constant 8 : i32
      %and3A_107 = vector.broadcast %and3A_106 : i32 to vector<16xi32>
      %and3A_108 = arith.andi %iota3A, %and3A_107 : vector<16xi32>
      %eq3A_109 = arith.constant 0 : i32
      %eq3A_110 = vector.broadcast %eq3A_109 : i32 to vector<16xi32>
      %eq3A_111 = arith.cmpi eq, %and3A_108, %eq3A_110 : vector<16xi32>
      %broadcast_in_dim3A_112 = arith.constant 8 : i32
      %broadcast_in_dim3A_113 = vector.broadcast %broadcast_in_dim3A_112 : i32 to vector<16xi32>
      %xor3A_114 = arith.xori %iota3A, %broadcast_in_dim3A_113 : vector<16xi32>
      %broadcast_in_dim3A_115 = vector.shape_cast %xor3A_114 : vector<16xi32> to vector<16x1xi32>
      %gather3A_116 = vector.shape_cast %broadcast_in_dim3A_115 : vector<16x1xi32> to vector<16xi32>
      %gather3A_117 = tpu.dynamic_gather %scan3A_71#2[%gather3A_116] in [0] : vector<16xf32>, vector<16xi32> -> vector<16xf32>
      %add3A_118 = arith.addf %scan3A_71#2, %gather3A_117 : vector<16xf32>
      %xor3A_119 = arith.xori %iota3A, %broadcast_in_dim3A_113 : vector<16xi32>
      %broadcast_in_dim3A_120 = vector.shape_cast %xor3A_119 : vector<16xi32> to vector<16x1xi32>
      %gather3A_121 = vector.shape_cast %broadcast_in_dim3A_120 : vector<16x1xi32> to vector<16xi32>
      %gather3A_122 = tpu.dynamic_gather %scan3A_71#5[%gather3A_121] in [0] : vector<16xf32>, vector<16xi32> -> vector<16xf32>
      %add3A_123 = arith.addf %scan3A_71#5, %gather3A_122 : vector<16xf32>
      %select_n3A_124 = arith.select %eq3A_111, %add3A_118, %add3A_123 : vector<16xi1>, vector<16xf32>
      %and3A_125 = arith.constant 8 : i32
      %and3A_126 = vector.broadcast %and3A_125 : i32 to vector<16xi32>
      %and3A_127 = arith.andi %iota3A, %and3A_126 : vector<16xi32>
      %eq3A_128 = arith.constant 0 : i32
      %eq3A_129 = vector.broadcast %eq3A_128 : i32 to vector<16xi32>
      %eq3A_130 = arith.cmpi eq, %and3A_127, %eq3A_129 : vector<16xi32>
      %broadcast_in_dim3A_131 = arith.constant 8 : i32
      %broadcast_in_dim3A_132 = vector.broadcast %broadcast_in_dim3A_131 : i32 to vector<16xi32>
      %xor3A_133 = arith.xori %iota3A, %broadcast_in_dim3A_132 : vector<16xi32>
      %broadcast_in_dim3A_134 = vector.shape_cast %xor3A_133 : vector<16xi32> to vector<16x1xi32>
      %gather3A_135 = vector.shape_cast %broadcast_in_dim3A_134 : vector<16x1xi32> to vector<16xi32>
      %gather3A_136 = tpu.dynamic_gather %scan3A_71#6[%gather3A_135] in [0] : vector<16xf32>, vector<16xi32> -> vector<16xf32>
      %add3A_137 = arith.addf %scan3A_71#6, %gather3A_136 : vector<16xf32>
      %xor3A_138 = arith.xori %iota3A, %broadcast_in_dim3A_132 : vector<16xi32>
      %broadcast_in_dim3A_139 = vector.shape_cast %xor3A_138 : vector<16xi32> to vector<16x1xi32>
      %gather3A_140 = vector.shape_cast %broadcast_in_dim3A_139 : vector<16x1xi32> to vector<16xi32>
      %gather3A_141 = tpu.dynamic_gather %scan3A_71#9[%gather3A_140] in [0] : vector<16xf32>, vector<16xi32> -> vector<16xf32>
      %add3A_142 = arith.addf %scan3A_71#9, %gather3A_141 : vector<16xf32>
      %select_n3A_143 = arith.select %eq3A_130, %add3A_137, %add3A_142 : vector<16xi1>, vector<16xf32>
      %and3A_144 = arith.constant 8 : i32
      %and3A_145 = vector.broadcast %and3A_144 : i32 to vector<16xi32>
      %and3A_146 = arith.andi %iota3A, %and3A_145 : vector<16xi32>
      %eq3A_147 = arith.constant 0 : i32
      %eq3A_148 = vector.broadcast %eq3A_147 : i32 to vector<16xi32>
      %eq3A_149 = arith.cmpi eq, %and3A_146, %eq3A_148 : vector<16xi32>
      %broadcast_in_dim3A_150 = arith.constant 8 : i32
      %broadcast_in_dim3A_151 = vector.broadcast %broadcast_in_dim3A_150 : i32 to vector<16xi32>
      %xor3A_152 = arith.xori %iota3A, %broadcast_in_dim3A_151 : vector<16xi32>
      %broadcast_in_dim3A_153 = vector.shape_cast %xor3A_152 : vector<16xi32> to vector<16x1xi32>
      %gather3A_154 = vector.shape_cast %broadcast_in_dim3A_153 : vector<16x1xi32> to vector<16xi32>
      %gather3A_155 = tpu.dynamic_gather %scan3A_71#7[%gather3A_154] in [0] : vector<16xf32>, vector<16xi32> -> vector<16xf32>
      %add3A_156 = arith.addf %scan3A_71#7, %gather3A_155 : vector<16xf32>
      %xor3A_157 = arith.xori %iota3A, %broadcast_in_dim3A_151 : vector<16xi32>
      %broadcast_in_dim3A_158 = vector.shape_cast %xor3A_157 : vector<16xi32> to vector<16x1xi32>
      %gather3A_159 = vector.shape_cast %broadcast_in_dim3A_158 : vector<16x1xi32> to vector<16xi32>
      %gather3A_160 = tpu.dynamic_gather %scan3A_71#10[%gather3A_159] in [0] : vector<16xf32>, vector<16xi32> -> vector<16xf32>
      %add3A_161 = arith.addf %scan3A_71#10, %gather3A_160 : vector<16xf32>
      %select_n3A_162 = arith.select %eq3A_149, %add3A_156, %add3A_161 : vector<16xi1>, vector<16xf32>
      %and3A_163 = arith.constant 8 : i32
      %and3A_164 = vector.broadcast %and3A_163 : i32 to vector<16xi32>
      %and3A_165 = arith.andi %iota3A, %and3A_164 : vector<16xi32>
      %eq3A_166 = arith.constant 0 : i32
      %eq3A_167 = vector.broadcast %eq3A_166 : i32 to vector<16xi32>
      %eq3A_168 = arith.cmpi eq, %and3A_165, %eq3A_167 : vector<16xi32>
      %broadcast_in_dim3A_169 = arith.constant 8 : i32
      %broadcast_in_dim3A_170 = vector.broadcast %broadcast_in_dim3A_169 : i32 to vector<16xi32>
      %xor3A_171 = arith.xori %iota3A, %broadcast_in_dim3A_170 : vector<16xi32>
      %broadcast_in_dim3A_172 = vector.shape_cast %xor3A_171 : vector<16xi32> to vector<16x1xi32>
      %gather3A_173 = vector.shape_cast %broadcast_in_dim3A_172 : vector<16x1xi32> to vector<16xi32>
      %gather3A_174 = tpu.dynamic_gather %scan3A_71#8[%gather3A_173] in [0] : vector<16xf32>, vector<16xi32> -> vector<16xf32>
      %add3A_175 = arith.addf %scan3A_71#8, %gather3A_174 : vector<16xf32>
      %xor3A_176 = arith.xori %iota3A, %broadcast_in_dim3A_170 : vector<16xi32>
      %broadcast_in_dim3A_177 = vector.shape_cast %xor3A_176 : vector<16xi32> to vector<16x1xi32>
      %gather3A_178 = vector.shape_cast %broadcast_in_dim3A_177 : vector<16x1xi32> to vector<16xi32>
      %gather3A_179 = tpu.dynamic_gather %scan3A_71#11[%gather3A_178] in [0] : vector<16xf32>, vector<16xi32> -> vector<16xf32>
      %add3A_180 = arith.addf %scan3A_71#11, %gather3A_179 : vector<16xf32>
      %select_n3A_181 = arith.select %eq3A_168, %add3A_175, %add3A_180 : vector<16xi1>, vector<16xf32>
      %and3A_182 = arith.constant 8 : i32
      %and3A_183 = vector.broadcast %and3A_182 : i32 to vector<16xi32>
      %and3A_184 = arith.andi %iota3A, %and3A_183 : vector<16xi32>
      %eq3A_185 = arith.constant 0 : i32
      %eq3A_186 = vector.broadcast %eq3A_185 : i32 to vector<16xi32>
      %eq3A_187 = arith.cmpi eq, %and3A_184, %eq3A_186 : vector<16xi32>
      %broadcast_in_dim3A_188 = arith.constant 8 : i32
      %broadcast_in_dim3A_189 = vector.broadcast %broadcast_in_dim3A_188 : i32 to vector<16xi32>
      %xor3A_190 = arith.xori %iota3A, %broadcast_in_dim3A_189 : vector<16xi32>
      %broadcast_in_dim3A_191 = vector.shape_cast %xor3A_190 : vector<16xi32> to vector<16x1xi32>
      %gather3A_192 = vector.shape_cast %broadcast_in_dim3A_191 : vector<16x1xi32> to vector<16xi32>
      %gather3A_193 = tpu.dynamic_gather %scan3A_71#12[%gather3A_192] in [0] : vector<16xf32>, vector<16xi32> -> vector<16xf32>
      %add3A_194 = arith.addf %scan3A_71#12, %gather3A_193 : vector<16xf32>
      %xor3A_195 = arith.xori %iota3A, %broadcast_in_dim3A_189 : vector<16xi32>
      %broadcast_in_dim3A_196 = vector.shape_cast %xor3A_195 : vector<16xi32> to vector<16x1xi32>
      %gather3A_197 = vector.shape_cast %broadcast_in_dim3A_196 : vector<16x1xi32> to vector<16xi32>
      %gather3A_198 = tpu.dynamic_gather %scan3A_71#15[%gather3A_197] in [0] : vector<16xf32>, vector<16xi32> -> vector<16xf32>
      %add3A_199 = arith.addf %scan3A_71#15, %gather3A_198 : vector<16xf32>
      %select_n3A_200 = arith.select %eq3A_187, %add3A_194, %add3A_199 : vector<16xi1>, vector<16xf32>
      %and3A_201 = arith.constant 8 : i32
      %and3A_202 = vector.broadcast %and3A_201 : i32 to vector<16xi32>
      %and3A_203 = arith.andi %iota3A, %and3A_202 : vector<16xi32>
      %eq3A_204 = arith.constant 0 : i32
      %eq3A_205 = vector.broadcast %eq3A_204 : i32 to vector<16xi32>
      %eq3A_206 = arith.cmpi eq, %and3A_203, %eq3A_205 : vector<16xi32>
      %broadcast_in_dim3A_207 = arith.constant 8 : i32
      %broadcast_in_dim3A_208 = vector.broadcast %broadcast_in_dim3A_207 : i32 to vector<16xi32>
      %xor3A_209 = arith.xori %iota3A, %broadcast_in_dim3A_208 : vector<16xi32>
      %broadcast_in_dim3A_210 = vector.shape_cast %xor3A_209 : vector<16xi32> to vector<16x1xi32>
      %gather3A_211 = vector.shape_cast %broadcast_in_dim3A_210 : vector<16x1xi32> to vector<16xi32>
      %gather3A_212 = tpu.dynamic_gather %scan3A_71#13[%gather3A_211] in [0] : vector<16xf32>, vector<16xi32> -> vector<16xf32>
      %add3A_213 = arith.addf %scan3A_71#13, %gather3A_212 : vector<16xf32>
      %xor3A_214 = arith.xori %iota3A, %broadcast_in_dim3A_208 : vector<16xi32>
      %broadcast_in_dim3A_215 = vector.shape_cast %xor3A_214 : vector<16xi32> to vector<16x1xi32>
      %gather3A_216 = vector.shape_cast %broadcast_in_dim3A_215 : vector<16x1xi32> to vector<16xi32>
      %gather3A_217 = tpu.dynamic_gather %scan3A_71#16[%gather3A_216] in [0] : vector<16xf32>, vector<16xi32> -> vector<16xf32>
      %add3A_218 = arith.addf %scan3A_71#16, %gather3A_217 : vector<16xf32>
      %select_n3A_219 = arith.select %eq3A_206, %add3A_213, %add3A_218 : vector<16xi1>, vector<16xf32>
      %and3A_220 = arith.constant 8 : i32
      %and3A_221 = vector.broadcast %and3A_220 : i32 to vector<16xi32>
      %and3A_222 = arith.andi %iota3A, %and3A_221 : vector<16xi32>
      %eq3A_223 = arith.constant 0 : i32
      %eq3A_224 = vector.broadcast %eq3A_223 : i32 to vector<16xi32>
      %eq3A_225 = arith.cmpi eq, %and3A_222, %eq3A_224 : vector<16xi32>
      %broadcast_in_dim3A_226 = arith.constant 8 : i32
      %broadcast_in_dim3A_227 = vector.broadcast %broadcast_in_dim3A_226 : i32 to vector<16xi32>
      %xor3A_228 = arith.xori %iota3A, %broadcast_in_dim3A_227 : vector<16xi32>
      %broadcast_in_dim3A_229 = vector.shape_cast %xor3A_228 : vector<16xi32> to vector<16x1xi32>
      %gather3A_230 = vector.shape_cast %broadcast_in_dim3A_229 : vector<16x1xi32> to vector<16xi32>
      %gather3A_231 = tpu.dynamic_gather %scan3A_71#14[%gather3A_230] in [0] : vector<16xf32>, vector<16xi32> -> vector<16xf32>
      %add3A_232 = arith.addf %scan3A_71#14, %gather3A_231 : vector<16xf32>
      %xor3A_233 = arith.xori %iota3A, %broadcast_in_dim3A_227 : vector<16xi32>
      %broadcast_in_dim3A_234 = vector.shape_cast %xor3A_233 : vector<16xi32> to vector<16x1xi32>
      %gather3A_235 = vector.shape_cast %broadcast_in_dim3A_234 : vector<16x1xi32> to vector<16xi32>
      %gather3A_236 = tpu.dynamic_gather %scan3A_71#17[%gather3A_235] in [0] : vector<16xf32>, vector<16xi32> -> vector<16xf32>
      %add3A_237 = arith.addf %scan3A_71#17, %gather3A_236 : vector<16xf32>
      %select_n3A_238 = arith.select %eq3A_225, %add3A_232, %add3A_237 : vector<16xi1>, vector<16xf32>
      %and3A_239 = arith.constant 8 : i32
      %and3A_240 = vector.broadcast %and3A_239 : i32 to vector<16xi32>
      %and3A_241 = arith.andi %iota3A, %and3A_240 : vector<16xi32>
      %eq3A_242 = arith.constant 0 : i32
      %eq3A_243 = vector.broadcast %eq3A_242 : i32 to vector<16xi32>
      %eq3A_244 = arith.cmpi eq, %and3A_241, %eq3A_243 : vector<16xi32>
      %broadcast_in_dim3A_245 = arith.constant 8 : i32
      %broadcast_in_dim3A_246 = vector.broadcast %broadcast_in_dim3A_245 : i32 to vector<16xi32>
      %xor3A_247 = arith.xori %iota3A, %broadcast_in_dim3A_246 : vector<16xi32>
      %broadcast_in_dim3A_248 = vector.shape_cast %xor3A_247 : vector<16xi32> to vector<16x1xi32>
      %gather3A_249 = vector.shape_cast %broadcast_in_dim3A_248 : vector<16x1xi32> to vector<16xi32>
      %gather3A_250 = tpu.dynamic_gather %scan3A_71#18[%gather3A_249] in [0] : vector<16xf32>, vector<16xi32> -> vector<16xf32>
      %add3A_251 = arith.addf %scan3A_71#18, %gather3A_250 : vector<16xf32>
      %xor3A_252 = arith.xori %iota3A, %broadcast_in_dim3A_246 : vector<16xi32>
      %broadcast_in_dim3A_253 = vector.shape_cast %xor3A_252 : vector<16xi32> to vector<16x1xi32>
      %gather3A_254 = vector.shape_cast %broadcast_in_dim3A_253 : vector<16x1xi32> to vector<16xi32>
      %gather3A_255 = tpu.dynamic_gather %scan3A_71#21[%gather3A_254] in [0] : vector<16xf32>, vector<16xi32> -> vector<16xf32>
      %add3A_256 = arith.addf %scan3A_71#21, %gather3A_255 : vector<16xf32>
      %select_n3A_257 = arith.select %eq3A_244, %add3A_251, %add3A_256 : vector<16xi1>, vector<16xf32>
      %and3A_258 = arith.constant 8 : i32
      %and3A_259 = vector.broadcast %and3A_258 : i32 to vector<16xi32>
      %and3A_260 = arith.andi %iota3A, %and3A_259 : vector<16xi32>
      %eq3A_261 = arith.constant 0 : i32
      %eq3A_262 = vector.broadcast %eq3A_261 : i32 to vector<16xi32>
      %eq3A_263 = arith.cmpi eq, %and3A_260, %eq3A_262 : vector<16xi32>
      %broadcast_in_dim3A_264 = arith.constant 8 : i32
      %broadcast_in_dim3A_265 = vector.broadcast %broadcast_in_dim3A_264 : i32 to vector<16xi32>
      %xor3A_266 = arith.xori %iota3A, %broadcast_in_dim3A_265 : vector<16xi32>
      %broadcast_in_dim3A_267 = vector.shape_cast %xor3A_266 : vector<16xi32> to vector<16x1xi32>
      %gather3A_268 = vector.shape_cast %broadcast_in_dim3A_267 : vector<16x1xi32> to vector<16xi32>
      %gather3A_269 = tpu.dynamic_gather %scan3A_71#19[%gather3A_268] in [0] : vector<16xf32>, vector<16xi32> -> vector<16xf32>
      %add3A_270 = arith.addf %scan3A_71#19, %gather3A_269 : vector<16xf32>
      %xor3A_271 = arith.xori %iota3A, %broadcast_in_dim3A_265 : vector<16xi32>
      %broadcast_in_dim3A_272 = vector.shape_cast %xor3A_271 : vector<16xi32> to vector<16x1xi32>
      %gather3A_273 = vector.shape_cast %broadcast_in_dim3A_272 : vector<16x1xi32> to vector<16xi32>
      %gather3A_274 = tpu.dynamic_gather %scan3A_71#22[%gather3A_273] in [0] : vector<16xf32>, vector<16xi32> -> vector<16xf32>
      %add3A_275 = arith.addf %scan3A_71#22, %gather3A_274 : vector<16xf32>
      %select_n3A_276 = arith.select %eq3A_263, %add3A_270, %add3A_275 : vector<16xi1>, vector<16xf32>
      %and3A_277 = arith.constant 8 : i32
      %and3A_278 = vector.broadcast %and3A_277 : i32 to vector<16xi32>
      %and3A_279 = arith.andi %iota3A, %and3A_278 : vector<16xi32>
      %eq3A_280 = arith.constant 0 : i32
      %eq3A_281 = vector.broadcast %eq3A_280 : i32 to vector<16xi32>
      %eq3A_282 = arith.cmpi eq, %and3A_279, %eq3A_281 : vector<16xi32>
      %broadcast_in_dim3A_283 = arith.constant 8 : i32
      %broadcast_in_dim3A_284 = vector.broadcast %broadcast_in_dim3A_283 : i32 to vector<16xi32>
      %xor3A_285 = arith.xori %iota3A, %broadcast_in_dim3A_284 : vector<16xi32>
      %broadcast_in_dim3A_286 = vector.shape_cast %xor3A_285 : vector<16xi32> to vector<16x1xi32>
      %gather3A_287 = vector.shape_cast %broadcast_in_dim3A_286 : vector<16x1xi32> to vector<16xi32>
      %gather3A_288 = tpu.dynamic_gather %scan3A_71#20[%gather3A_287] in [0] : vector<16xf32>, vector<16xi32> -> vector<16xf32>
      %add3A_289 = arith.addf %scan3A_71#20, %gather3A_288 : vector<16xf32>
      %xor3A_290 = arith.xori %iota3A, %broadcast_in_dim3A_284 : vector<16xi32>
      %broadcast_in_dim3A_291 = vector.shape_cast %xor3A_290 : vector<16xi32> to vector<16x1xi32>
      %gather3A_292 = vector.shape_cast %broadcast_in_dim3A_291 : vector<16x1xi32> to vector<16xi32>
      %gather3A_293 = tpu.dynamic_gather %scan3A_71#23[%gather3A_292] in [0] : vector<16xf32>, vector<16xi32> -> vector<16xf32>
      %add3A_294 = arith.addf %scan3A_71#23, %gather3A_293 : vector<16xf32>
      %select_n3A_295 = arith.select %eq3A_282, %add3A_289, %add3A_294 : vector<16xi1>, vector<16xf32>
      %and3A_296 = arith.constant 4 : i32
      %and3A_297 = vector.broadcast %and3A_296 : i32 to vector<16xi32>
      %and3A_298 = arith.andi %iota3A, %and3A_297 : vector<16xi32>
      %eq3A_299 = arith.constant 0 : i32
      %eq3A_300 = vector.broadcast %eq3A_299 : i32 to vector<16xi32>
      %eq3A_301 = arith.cmpi eq, %and3A_298, %eq3A_300 : vector<16xi32>
      %broadcast_in_dim3A_302 = arith.constant 4 : i32
      %broadcast_in_dim3A_303 = vector.broadcast %broadcast_in_dim3A_302 : i32 to vector<16xi32>
      %xor3A_304 = arith.xori %iota3A, %broadcast_in_dim3A_303 : vector<16xi32>
      %broadcast_in_dim3A_305 = vector.shape_cast %xor3A_304 : vector<16xi32> to vector<16x1xi32>
      %gather3A_306 = vector.shape_cast %broadcast_in_dim3A_305 : vector<16x1xi32> to vector<16xi32>
      %gather3A_307 = tpu.dynamic_gather %select_n3A[%gather3A_306] in [0] : vector<16xf32>, vector<16xi32> -> vector<16xf32>
      %add3A_308 = arith.addf %select_n3A, %gather3A_307 : vector<16xf32>
      %xor3A_309 = arith.xori %iota3A, %broadcast_in_dim3A_303 : vector<16xi32>
      %broadcast_in_dim3A_310 = vector.shape_cast %xor3A_309 : vector<16xi32> to vector<16x1xi32>
      %gather3A_311 = vector.shape_cast %broadcast_in_dim3A_310 : vector<16x1xi32> to vector<16xi32>
      %gather3A_312 = tpu.dynamic_gather %select_n3A_143[%gather3A_311] in [0] : vector<16xf32>, vector<16xi32> -> vector<16xf32>
      %add3A_313 = arith.addf %select_n3A_143, %gather3A_312 : vector<16xf32>
      %select_n3A_314 = arith.select %eq3A_301, %add3A_308, %add3A_313 : vector<16xi1>, vector<16xf32>
      %and3A_315 = arith.constant 4 : i32
      %and3A_316 = vector.broadcast %and3A_315 : i32 to vector<16xi32>
      %and3A_317 = arith.andi %iota3A, %and3A_316 : vector<16xi32>
      %eq3A_318 = arith.constant 0 : i32
      %eq3A_319 = vector.broadcast %eq3A_318 : i32 to vector<16xi32>
      %eq3A_320 = arith.cmpi eq, %and3A_317, %eq3A_319 : vector<16xi32>
      %broadcast_in_dim3A_321 = arith.constant 4 : i32
      %broadcast_in_dim3A_322 = vector.broadcast %broadcast_in_dim3A_321 : i32 to vector<16xi32>
      %xor3A_323 = arith.xori %iota3A, %broadcast_in_dim3A_322 : vector<16xi32>
      %broadcast_in_dim3A_324 = vector.shape_cast %xor3A_323 : vector<16xi32> to vector<16x1xi32>
      %gather3A_325 = vector.shape_cast %broadcast_in_dim3A_324 : vector<16x1xi32> to vector<16xi32>
      %gather3A_326 = tpu.dynamic_gather %select_n3A_105[%gather3A_325] in [0] : vector<16xf32>, vector<16xi32> -> vector<16xf32>
      %add3A_327 = arith.addf %select_n3A_105, %gather3A_326 : vector<16xf32>
      %xor3A_328 = arith.xori %iota3A, %broadcast_in_dim3A_322 : vector<16xi32>
      %broadcast_in_dim3A_329 = vector.shape_cast %xor3A_328 : vector<16xi32> to vector<16x1xi32>
      %gather3A_330 = vector.shape_cast %broadcast_in_dim3A_329 : vector<16x1xi32> to vector<16xi32>
      %gather3A_331 = tpu.dynamic_gather %select_n3A_162[%gather3A_330] in [0] : vector<16xf32>, vector<16xi32> -> vector<16xf32>
      %add3A_332 = arith.addf %select_n3A_162, %gather3A_331 : vector<16xf32>
      %select_n3A_333 = arith.select %eq3A_320, %add3A_327, %add3A_332 : vector<16xi1>, vector<16xf32>
      %and3A_334 = arith.constant 4 : i32
      %and3A_335 = vector.broadcast %and3A_334 : i32 to vector<16xi32>
      %and3A_336 = arith.andi %iota3A, %and3A_335 : vector<16xi32>
      %eq3A_337 = arith.constant 0 : i32
      %eq3A_338 = vector.broadcast %eq3A_337 : i32 to vector<16xi32>
      %eq3A_339 = arith.cmpi eq, %and3A_336, %eq3A_338 : vector<16xi32>
      %broadcast_in_dim3A_340 = arith.constant 4 : i32
      %broadcast_in_dim3A_341 = vector.broadcast %broadcast_in_dim3A_340 : i32 to vector<16xi32>
      %xor3A_342 = arith.xori %iota3A, %broadcast_in_dim3A_341 : vector<16xi32>
      %broadcast_in_dim3A_343 = vector.shape_cast %xor3A_342 : vector<16xi32> to vector<16x1xi32>
      %gather3A_344 = vector.shape_cast %broadcast_in_dim3A_343 : vector<16x1xi32> to vector<16xi32>
      %gather3A_345 = tpu.dynamic_gather %select_n3A_124[%gather3A_344] in [0] : vector<16xf32>, vector<16xi32> -> vector<16xf32>
      %add3A_346 = arith.addf %select_n3A_124, %gather3A_345 : vector<16xf32>
      %xor3A_347 = arith.xori %iota3A, %broadcast_in_dim3A_341 : vector<16xi32>
      %broadcast_in_dim3A_348 = vector.shape_cast %xor3A_347 : vector<16xi32> to vector<16x1xi32>
      %gather3A_349 = vector.shape_cast %broadcast_in_dim3A_348 : vector<16x1xi32> to vector<16xi32>
      %gather3A_350 = tpu.dynamic_gather %select_n3A_181[%gather3A_349] in [0] : vector<16xf32>, vector<16xi32> -> vector<16xf32>
      %add3A_351 = arith.addf %select_n3A_181, %gather3A_350 : vector<16xf32>
      %select_n3A_352 = arith.select %eq3A_339, %add3A_346, %add3A_351 : vector<16xi1>, vector<16xf32>
      %and3A_353 = arith.constant 4 : i32
      %and3A_354 = vector.broadcast %and3A_353 : i32 to vector<16xi32>
      %and3A_355 = arith.andi %iota3A, %and3A_354 : vector<16xi32>
      %eq3A_356 = arith.constant 0 : i32
      %eq3A_357 = vector.broadcast %eq3A_356 : i32 to vector<16xi32>
      %eq3A_358 = arith.cmpi eq, %and3A_355, %eq3A_357 : vector<16xi32>
      %broadcast_in_dim3A_359 = arith.constant 4 : i32
      %broadcast_in_dim3A_360 = vector.broadcast %broadcast_in_dim3A_359 : i32 to vector<16xi32>
      %xor3A_361 = arith.xori %iota3A, %broadcast_in_dim3A_360 : vector<16xi32>
      %broadcast_in_dim3A_362 = vector.shape_cast %xor3A_361 : vector<16xi32> to vector<16x1xi32>
      %gather3A_363 = vector.shape_cast %broadcast_in_dim3A_362 : vector<16x1xi32> to vector<16xi32>
      %gather3A_364 = tpu.dynamic_gather %select_n3A_200[%gather3A_363] in [0] : vector<16xf32>, vector<16xi32> -> vector<16xf32>
      %add3A_365 = arith.addf %select_n3A_200, %gather3A_364 : vector<16xf32>
      %xor3A_366 = arith.xori %iota3A, %broadcast_in_dim3A_360 : vector<16xi32>
      %broadcast_in_dim3A_367 = vector.shape_cast %xor3A_366 : vector<16xi32> to vector<16x1xi32>
      %gather3A_368 = vector.shape_cast %broadcast_in_dim3A_367 : vector<16x1xi32> to vector<16xi32>
      %gather3A_369 = tpu.dynamic_gather %select_n3A_257[%gather3A_368] in [0] : vector<16xf32>, vector<16xi32> -> vector<16xf32>
      %add3A_370 = arith.addf %select_n3A_257, %gather3A_369 : vector<16xf32>
      %select_n3A_371 = arith.select %eq3A_358, %add3A_365, %add3A_370 : vector<16xi1>, vector<16xf32>
      %and3A_372 = arith.constant 4 : i32
      %and3A_373 = vector.broadcast %and3A_372 : i32 to vector<16xi32>
      %and3A_374 = arith.andi %iota3A, %and3A_373 : vector<16xi32>
      %eq3A_375 = arith.constant 0 : i32
      %eq3A_376 = vector.broadcast %eq3A_375 : i32 to vector<16xi32>
      %eq3A_377 = arith.cmpi eq, %and3A_374, %eq3A_376 : vector<16xi32>
      %broadcast_in_dim3A_378 = arith.constant 4 : i32
      %broadcast_in_dim3A_379 = vector.broadcast %broadcast_in_dim3A_378 : i32 to vector<16xi32>
      %xor3A_380 = arith.xori %iota3A, %broadcast_in_dim3A_379 : vector<16xi32>
      %broadcast_in_dim3A_381 = vector.shape_cast %xor3A_380 : vector<16xi32> to vector<16x1xi32>
      %gather3A_382 = vector.shape_cast %broadcast_in_dim3A_381 : vector<16x1xi32> to vector<16xi32>
      %gather3A_383 = tpu.dynamic_gather %select_n3A_219[%gather3A_382] in [0] : vector<16xf32>, vector<16xi32> -> vector<16xf32>
      %add3A_384 = arith.addf %select_n3A_219, %gather3A_383 : vector<16xf32>
      %xor3A_385 = arith.xori %iota3A, %broadcast_in_dim3A_379 : vector<16xi32>
      %broadcast_in_dim3A_386 = vector.shape_cast %xor3A_385 : vector<16xi32> to vector<16x1xi32>
      %gather3A_387 = vector.shape_cast %broadcast_in_dim3A_386 : vector<16x1xi32> to vector<16xi32>
      %gather3A_388 = tpu.dynamic_gather %select_n3A_276[%gather3A_387] in [0] : vector<16xf32>, vector<16xi32> -> vector<16xf32>
      %add3A_389 = arith.addf %select_n3A_276, %gather3A_388 : vector<16xf32>
      %select_n3A_390 = arith.select %eq3A_377, %add3A_384, %add3A_389 : vector<16xi1>, vector<16xf32>
      %and3A_391 = arith.constant 4 : i32
      %and3A_392 = vector.broadcast %and3A_391 : i32 to vector<16xi32>
      %and3A_393 = arith.andi %iota3A, %and3A_392 : vector<16xi32>
      %eq3A_394 = arith.constant 0 : i32
      %eq3A_395 = vector.broadcast %eq3A_394 : i32 to vector<16xi32>
      %eq3A_396 = arith.cmpi eq, %and3A_393, %eq3A_395 : vector<16xi32>
      %broadcast_in_dim3A_397 = arith.constant 4 : i32
      %broadcast_in_dim3A_398 = vector.broadcast %broadcast_in_dim3A_397 : i32 to vector<16xi32>
      %xor3A_399 = arith.xori %iota3A, %broadcast_in_dim3A_398 : vector<16xi32>
      %broadcast_in_dim3A_400 = vector.shape_cast %xor3A_399 : vector<16xi32> to vector<16x1xi32>
      %gather3A_401 = vector.shape_cast %broadcast_in_dim3A_400 : vector<16x1xi32> to vector<16xi32>
      %gather3A_402 = tpu.dynamic_gather %select_n3A_238[%gather3A_401] in [0] : vector<16xf32>, vector<16xi32> -> vector<16xf32>
      %add3A_403 = arith.addf %select_n3A_238, %gather3A_402 : vector<16xf32>
      %xor3A_404 = arith.xori %iota3A, %broadcast_in_dim3A_398 : vector<16xi32>
      %broadcast_in_dim3A_405 = vector.shape_cast %xor3A_404 : vector<16xi32> to vector<16x1xi32>
      %gather3A_406 = vector.shape_cast %broadcast_in_dim3A_405 : vector<16x1xi32> to vector<16xi32>
      %gather3A_407 = tpu.dynamic_gather %select_n3A_295[%gather3A_406] in [0] : vector<16xf32>, vector<16xi32> -> vector<16xf32>
      %add3A_408 = arith.addf %select_n3A_295, %gather3A_407 : vector<16xf32>
      %select_n3A_409 = arith.select %eq3A_396, %add3A_403, %add3A_408 : vector<16xi1>, vector<16xf32>
      %and3A_410 = arith.constant 2 : i32
      %and3A_411 = vector.broadcast %and3A_410 : i32 to vector<16xi32>
      %and3A_412 = arith.andi %iota3A, %and3A_411 : vector<16xi32>
      %eq3A_413 = arith.constant 0 : i32
      %eq3A_414 = vector.broadcast %eq3A_413 : i32 to vector<16xi32>
      %eq3A_415 = arith.cmpi eq, %and3A_412, %eq3A_414 : vector<16xi32>
      %broadcast_in_dim3A_416 = arith.constant 2 : i32
      %broadcast_in_dim3A_417 = vector.broadcast %broadcast_in_dim3A_416 : i32 to vector<16xi32>
      %xor3A_418 = arith.xori %iota3A, %broadcast_in_dim3A_417 : vector<16xi32>
      %broadcast_in_dim3A_419 = vector.shape_cast %xor3A_418 : vector<16xi32> to vector<16x1xi32>
      %gather3A_420 = vector.shape_cast %broadcast_in_dim3A_419 : vector<16x1xi32> to vector<16xi32>
      %gather3A_421 = tpu.dynamic_gather %select_n3A_314[%gather3A_420] in [0] : vector<16xf32>, vector<16xi32> -> vector<16xf32>
      %add3A_422 = arith.addf %select_n3A_314, %gather3A_421 : vector<16xf32>
      %xor3A_423 = arith.xori %iota3A, %broadcast_in_dim3A_417 : vector<16xi32>
      %broadcast_in_dim3A_424 = vector.shape_cast %xor3A_423 : vector<16xi32> to vector<16x1xi32>
      %gather3A_425 = vector.shape_cast %broadcast_in_dim3A_424 : vector<16x1xi32> to vector<16xi32>
      %gather3A_426 = tpu.dynamic_gather %select_n3A_371[%gather3A_425] in [0] : vector<16xf32>, vector<16xi32> -> vector<16xf32>
      %add3A_427 = arith.addf %select_n3A_371, %gather3A_426 : vector<16xf32>
      %select_n3A_428 = arith.select %eq3A_415, %add3A_422, %add3A_427 : vector<16xi1>, vector<16xf32>
      %and3A_429 = arith.constant 2 : i32
      %and3A_430 = vector.broadcast %and3A_429 : i32 to vector<16xi32>
      %and3A_431 = arith.andi %iota3A, %and3A_430 : vector<16xi32>
      %eq3A_432 = arith.constant 0 : i32
      %eq3A_433 = vector.broadcast %eq3A_432 : i32 to vector<16xi32>
      %eq3A_434 = arith.cmpi eq, %and3A_431, %eq3A_433 : vector<16xi32>
      %broadcast_in_dim3A_435 = arith.constant 2 : i32
      %broadcast_in_dim3A_436 = vector.broadcast %broadcast_in_dim3A_435 : i32 to vector<16xi32>
      %xor3A_437 = arith.xori %iota3A, %broadcast_in_dim3A_436 : vector<16xi32>
      %broadcast_in_dim3A_438 = vector.shape_cast %xor3A_437 : vector<16xi32> to vector<16x1xi32>
      %gather3A_439 = vector.shape_cast %broadcast_in_dim3A_438 : vector<16x1xi32> to vector<16xi32>
      %gather3A_440 = tpu.dynamic_gather %select_n3A_333[%gather3A_439] in [0] : vector<16xf32>, vector<16xi32> -> vector<16xf32>
      %add3A_441 = arith.addf %select_n3A_333, %gather3A_440 : vector<16xf32>
      %xor3A_442 = arith.xori %iota3A, %broadcast_in_dim3A_436 : vector<16xi32>
      %broadcast_in_dim3A_443 = vector.shape_cast %xor3A_442 : vector<16xi32> to vector<16x1xi32>
      %gather3A_444 = vector.shape_cast %broadcast_in_dim3A_443 : vector<16x1xi32> to vector<16xi32>
      %gather3A_445 = tpu.dynamic_gather %select_n3A_390[%gather3A_444] in [0] : vector<16xf32>, vector<16xi32> -> vector<16xf32>
      %add3A_446 = arith.addf %select_n3A_390, %gather3A_445 : vector<16xf32>
      %select_n3A_447 = arith.select %eq3A_434, %add3A_441, %add3A_446 : vector<16xi1>, vector<16xf32>
      %and3A_448 = arith.constant 2 : i32
      %and3A_449 = vector.broadcast %and3A_448 : i32 to vector<16xi32>
      %and3A_450 = arith.andi %iota3A, %and3A_449 : vector<16xi32>
      %eq3A_451 = arith.constant 0 : i32
      %eq3A_452 = vector.broadcast %eq3A_451 : i32 to vector<16xi32>
      %eq3A_453 = arith.cmpi eq, %and3A_450, %eq3A_452 : vector<16xi32>
      %broadcast_in_dim3A_454 = arith.constant 2 : i32
      %broadcast_in_dim3A_455 = vector.broadcast %broadcast_in_dim3A_454 : i32 to vector<16xi32>
      %xor3A_456 = arith.xori %iota3A, %broadcast_in_dim3A_455 : vector<16xi32>
      %broadcast_in_dim3A_457 = vector.shape_cast %xor3A_456 : vector<16xi32> to vector<16x1xi32>
      %gather3A_458 = vector.shape_cast %broadcast_in_dim3A_457 : vector<16x1xi32> to vector<16xi32>
      %gather3A_459 = tpu.dynamic_gather %select_n3A_352[%gather3A_458] in [0] : vector<16xf32>, vector<16xi32> -> vector<16xf32>
      %add3A_460 = arith.addf %select_n3A_352, %gather3A_459 : vector<16xf32>
      %xor3A_461 = arith.xori %iota3A, %broadcast_in_dim3A_455 : vector<16xi32>
      %broadcast_in_dim3A_462 = vector.shape_cast %xor3A_461 : vector<16xi32> to vector<16x1xi32>
      %gather3A_463 = vector.shape_cast %broadcast_in_dim3A_462 : vector<16x1xi32> to vector<16xi32>
      %gather3A_464 = tpu.dynamic_gather %select_n3A_409[%gather3A_463] in [0] : vector<16xf32>, vector<16xi32> -> vector<16xf32>
      %add3A_465 = arith.addf %select_n3A_409, %gather3A_464 : vector<16xf32>
      %select_n3A_466 = arith.select %eq3A_453, %add3A_460, %add3A_465 : vector<16xi1>, vector<16xf32>
      %broadcast_in_dim3A_467 = arith.constant 0.000000e+00 : f32
      %broadcast_in_dim3A_468 = vector.broadcast %broadcast_in_dim3A_467 : f32 to vector<16xf32>
      %scan3A_469 = arith.constant 0 : i32
      %scan3A_470 = arith.constant 64 : i32
      %scan3A_471 = arith.addi %scan3A_469, %scan3A_470 : i32
      %scan3A_472 = arith.constant 1 : i32
      %scan3A_473:24 = scf.for %scan3A_2080 = %scan3A_469 to %scan3A_471 step %scan3A_472 iter_args(%scan3A_2081 = %broadcast_in_dim3A_468, %scan3A_2082 = %broadcast_in_dim3A_468, %scan3A_2083 = %broadcast_in_dim3A_468, %scan3A_2084 = %broadcast_in_dim3A_468, %scan3A_2085 = %broadcast_in_dim3A_468, %scan3A_2086 = %broadcast_in_dim3A_468, %scan3A_2087 = %broadcast_in_dim3A_468, %scan3A_2088 = %broadcast_in_dim3A_468, %scan3A_2089 = %broadcast_in_dim3A_468, %scan3A_2090 = %broadcast_in_dim3A_468, %scan3A_2091 = %broadcast_in_dim3A_468, %scan3A_2092 = %broadcast_in_dim3A_468, %scan3A_2093 = %broadcast_in_dim3A_468, %scan3A_2094 = %broadcast_in_dim3A_468, %scan3A_2095 = %broadcast_in_dim3A_468, %scan3A_2096 = %broadcast_in_dim3A_468, %scan3A_2097 = %broadcast_in_dim3A_468, %scan3A_2098 = %broadcast_in_dim3A_468, %scan3A_2099 = %broadcast_in_dim3A_468, %scan3A_2100 = %broadcast_in_dim3A_468, %scan3A_2101 = %broadcast_in_dim3A_468, %scan3A_2102 = %broadcast_in_dim3A_468, %scan3A_2103 = %broadcast_in_dim3A_468, %scan3A_2104 = %broadcast_in_dim3A_468) -> (vector<16xf32>, vector<16xf32>, vector<16xf32>, vector<16xf32>, vector<16xf32>, vector<16xf32>, vector<16xf32>, vector<16xf32>, vector<16xf32>, vector<16xf32>, vector<16xf32>, vector<16xf32>, vector<16xf32>, vector<16xf32>, vector<16xf32>, vector<16xf32>, vector<16xf32>, vector<16xf32>, vector<16xf32>, vector<16xf32>, vector<16xf32>, vector<16xf32>, vector<16xf32>, vector<16xf32>)  : i32 {
        %mul3A_2105 = arith.constant 16 : i32
        %mul3A_2106 = arith.muli %scan3A_2080, %mul3A_2105 : i32
        %add3A_2107 = arith.constant 0 : i32
        %add3A_2108 = arith.addi %mul3A_2106, %add3A_2107 : i32
        %multiple_of3A_2109 = tpu.assume_multiple %add3A_2108, 16 : i32
        %get3A_2110 = arith.constant 8 : i32
        %get3A_2111 = arith.index_cast %get3A_2110 : i32 to index
        %get3A_2112 = arith.index_cast %multiple_of3A_2109 : i32 to index
        %get3A_2113 = tpu.vector_load %arg7[%get3A_2111, %get3A_2112] {strides = array<i32>} : memref<16x1024xf32, #tpu.memory_space<vmem>>, vector<1x16xf32>,
        %get3A_2114 = vector.shape_cast %get3A_2113 : vector<1x16xf32> to vector<16xf32>
        %get3A_2115 = arith.constant 8 : i32
        %get3A_2116 = arith.index_cast %get3A_2115 : i32 to index
        %get3A_2117 = arith.index_cast %multiple_of3A_2109 : i32 to index
        %get3A_2118 = tpu.vector_load %arg8[%get3A_2116, %get3A_2117] {strides = array<i32>} : memref<16x1024xf32, #tpu.memory_space<vmem>>, vector<1x16xf32>,
        %get3A_2119 = vector.shape_cast %get3A_2118 : vector<1x16xf32> to vector<16xf32>
        %mul3A_2120 = arith.mulf %get3A_2114, %get3A_2119 : vector<16xf32>
        %add3A_2121 = arith.addf %scan3A_2081, %mul3A_2120 : vector<16xf32>
        %mul3A_2122 = arith.mulf %get3A_2114, %get3A_2114 : vector<16xf32>
        %add3A_2123 = arith.addf %scan3A_2082, %mul3A_2122 : vector<16xf32>
        %mul3A_2124 = arith.mulf %get3A_2119, %get3A_2119 : vector<16xf32>
        %add3A_2125 = arith.addf %scan3A_2083, %mul3A_2124 : vector<16xf32>
        %mul3A_2126 = arith.constant 16 : i32
        %mul3A_2127 = arith.muli %scan3A_2080, %mul3A_2126 : i32
        %add3A_2128 = arith.constant 0 : i32
        %add3A_2129 = arith.addi %mul3A_2127, %add3A_2128 : i32
        %multiple_of3A_2130 = tpu.assume_multiple %add3A_2129, 16 : i32
        %get3A_2131 = arith.constant 9 : i32
        %get3A_2132 = arith.index_cast %get3A_2131 : i32 to index
        %get3A_2133 = arith.index_cast %multiple_of3A_2130 : i32 to index
        %get3A_2134 = tpu.vector_load %arg7[%get3A_2132, %get3A_2133] {strides = array<i32>} : memref<16x1024xf32, #tpu.memory_space<vmem>>, vector<1x16xf32>,
        %get3A_2135 = vector.shape_cast %get3A_2134 : vector<1x16xf32> to vector<16xf32>
        %get3A_2136 = arith.constant 9 : i32
        %get3A_2137 = arith.index_cast %get3A_2136 : i32 to index
        %get3A_2138 = arith.index_cast %multiple_of3A_2130 : i32 to index
        %get3A_2139 = tpu.vector_load %arg8[%get3A_2137, %get3A_2138] {strides = array<i32>} : memref<16x1024xf32, #tpu.memory_space<vmem>>, vector<1x16xf32>,
        %get3A_2140 = vector.shape_cast %get3A_2139 : vector<1x16xf32> to vector<16xf32>
        %mul3A_2141 = arith.mulf %get3A_2135, %get3A_2140 : vector<16xf32>
        %add3A_2142 = arith.addf %scan3A_2084, %mul3A_2141 : vector<16xf32>
        %mul3A_2143 = arith.mulf %get3A_2135, %get3A_2135 : vector<16xf32>
        %add3A_2144 = arith.addf %scan3A_2085, %mul3A_2143 : vector<16xf32>
        %mul3A_2145 = arith.mulf %get3A_2140, %get3A_2140 : vector<16xf32>
        %add3A_2146 = arith.addf %scan3A_2086, %mul3A_2145 : vector<16xf32>
        %mul3A_2147 = arith.constant 16 : i32
        %mul3A_2148 = arith.muli %scan3A_2080, %mul3A_2147 : i32
        %add3A_2149 = arith.constant 0 : i32
        %add3A_2150 = arith.addi %mul3A_2148, %add3A_2149 : i32
        %multiple_of3A_2151 = tpu.assume_multiple %add3A_2150, 16 : i32
        %get3A_2152 = arith.constant 10 : i32
        %get3A_2153 = arith.index_cast %get3A_2152 : i32 to index
        %get3A_2154 = arith.index_cast %multiple_of3A_2151 : i32 to index
        %get3A_2155 = tpu.vector_load %arg7[%get3A_2153, %get3A_2154] {strides = array<i32>} : memref<16x1024xf32, #tpu.memory_space<vmem>>, vector<1x16xf32>,
        %get3A_2156 = vector.shape_cast %get3A_2155 : vector<1x16xf32> to vector<16xf32>
        %get3A_2157 = arith.constant 10 : i32
        %get3A_2158 = arith.index_cast %get3A_2157 : i32 to index
        %get3A_2159 = arith.index_cast %multiple_of3A_2151 : i32 to index
        %get3A_2160 = tpu.vector_load %arg8[%get3A_2158, %get3A_2159] {strides = array<i32>} : memref<16x1024xf32, #tpu.memory_space<vmem>>, vector<1x16xf32>,
        %get3A_2161 = vector.shape_cast %get3A_2160 : vector<1x16xf32> to vector<16xf32>
        %mul3A_2162 = arith.mulf %get3A_2156, %get3A_2161 : vector<16xf32>
        %add3A_2163 = arith.addf %scan3A_2087, %mul3A_2162 : vector<16xf32>
        %mul3A_2164 = arith.mulf %get3A_2156, %get3A_2156 : vector<16xf32>
        %add3A_2165 = arith.addf %scan3A_2088, %mul3A_2164 : vector<16xf32>
        %mul3A_2166 = arith.mulf %get3A_2161, %get3A_2161 : vector<16xf32>
        %add3A_2167 = arith.addf %scan3A_2089, %mul3A_2166 : vector<16xf32>
        %mul3A_2168 = arith.constant 16 : i32
        %mul3A_2169 = arith.muli %scan3A_2080, %mul3A_2168 : i32
        %add3A_2170 = arith.constant 0 : i32
        %add3A_2171 = arith.addi %mul3A_2169, %add3A_2170 : i32
        %multiple_of3A_2172 = tpu.assume_multiple %add3A_2171, 16 : i32
        %get3A_2173 = arith.constant 11 : i32
        %get3A_2174 = arith.index_cast %get3A_2173 : i32 to index
        %get3A_2175 = arith.index_cast %multiple_of3A_2172 : i32 to index
        %get3A_2176 = tpu.vector_load %arg7[%get3A_2174, %get3A_2175] {strides = array<i32>} : memref<16x1024xf32, #tpu.memory_space<vmem>>, vector<1x16xf32>,
        %get3A_2177 = vector.shape_cast %get3A_2176 : vector<1x16xf32> to vector<16xf32>
        %get3A_2178 = arith.constant 11 : i32
        %get3A_2179 = arith.index_cast %get3A_2178 : i32 to index
        %get3A_2180 = arith.index_cast %multiple_of3A_2172 : i32 to index
        %get3A_2181 = tpu.vector_load %arg8[%get3A_2179, %get3A_2180] {strides = array<i32>} : memref<16x1024xf32, #tpu.memory_space<vmem>>, vector<1x16xf32>,
        %get3A_2182 = vector.shape_cast %get3A_2181 : vector<1x16xf32> to vector<16xf32>
        %mul3A_2183 = arith.mulf %get3A_2177, %get3A_2182 : vector<16xf32>
        %add3A_2184 = arith.addf %scan3A_2090, %mul3A_2183 : vector<16xf32>
        %mul3A_2185 = arith.mulf %get3A_2177, %get3A_2177 : vector<16xf32>
        %add3A_2186 = arith.addf %scan3A_2091, %mul3A_2185 : vector<16xf32>
        %mul3A_2187 = arith.mulf %get3A_2182, %get3A_2182 : vector<16xf32>
        %add3A_2188 = arith.addf %scan3A_2092, %mul3A_2187 : vector<16xf32>
        %mul3A_2189 = arith.constant 16 : i32
        %mul3A_2190 = arith.muli %scan3A_2080, %mul3A_2189 : i32
        %add3A_2191 = arith.constant 0 : i32
        %add3A_2192 = arith.addi %mul3A_2190, %add3A_2191 : i32
        %multiple_of3A_2193 = tpu.assume_multiple %add3A_2192, 16 : i32
        %get3A_2194 = arith.constant 12 : i32
        %get3A_2195 = arith.index_cast %get3A_2194 : i32 to index
        %get3A_2196 = arith.index_cast %multiple_of3A_2193 : i32 to index
        %get3A_2197 = tpu.vector_load %arg7[%get3A_2195, %get3A_2196] {strides = array<i32>} : memref<16x1024xf32, #tpu.memory_space<vmem>>, vector<1x16xf32>,
        %get3A_2198 = vector.shape_cast %get3A_2197 : vector<1x16xf32> to vector<16xf32>
        %get3A_2199 = arith.constant 12 : i32
        %get3A_2200 = arith.index_cast %get3A_2199 : i32 to index
        %get3A_2201 = arith.index_cast %multiple_of3A_2193 : i32 to index
        %get3A_2202 = tpu.vector_load %arg8[%get3A_2200, %get3A_2201] {strides = array<i32>} : memref<16x1024xf32, #tpu.memory_space<vmem>>, vector<1x16xf32>,
        %get3A_2203 = vector.shape_cast %get3A_2202 : vector<1x16xf32> to vector<16xf32>
        %mul3A_2204 = arith.mulf %get3A_2198, %get3A_2203 : vector<16xf32>
        %add3A_2205 = arith.addf %scan3A_2093, %mul3A_2204 : vector<16xf32>
        %mul3A_2206 = arith.mulf %get3A_2198, %get3A_2198 : vector<16xf32>
        %add3A_2207 = arith.addf %scan3A_2094, %mul3A_2206 : vector<16xf32>
        %mul3A_2208 = arith.mulf %get3A_2203, %get3A_2203 : vector<16xf32>
        %add3A_2209 = arith.addf %scan3A_2095, %mul3A_2208 : vector<16xf32>
        %mul3A_2210 = arith.constant 16 : i32
        %mul3A_2211 = arith.muli %scan3A_2080, %mul3A_2210 : i32
        %add3A_2212 = arith.constant 0 : i32
        %add3A_2213 = arith.addi %mul3A_2211, %add3A_2212 : i32
        %multiple_of3A_2214 = tpu.assume_multiple %add3A_2213, 16 : i32
        %get3A_2215 = arith.constant 13 : i32
        %get3A_2216 = arith.index_cast %get3A_2215 : i32 to index
        %get3A_2217 = arith.index_cast %multiple_of3A_2214 : i32 to index
        %get3A_2218 = tpu.vector_load %arg7[%get3A_2216, %get3A_2217] {strides = array<i32>} : memref<16x1024xf32, #tpu.memory_space<vmem>>, vector<1x16xf32>,
        %get3A_2219 = vector.shape_cast %get3A_2218 : vector<1x16xf32> to vector<16xf32>
        %get3A_2220 = arith.constant 13 : i32
        %get3A_2221 = arith.index_cast %get3A_2220 : i32 to index
        %get3A_2222 = arith.index_cast %multiple_of3A_2214 : i32 to index
        %get3A_2223 = tpu.vector_load %arg8[%get3A_2221, %get3A_2222] {strides = array<i32>} : memref<16x1024xf32, #tpu.memory_space<vmem>>, vector<1x16xf32>,
        %get3A_2224 = vector.shape_cast %get3A_2223 : vector<1x16xf32> to vector<16xf32>
        %mul3A_2225 = arith.mulf %get3A_2219, %get3A_2224 : vector<16xf32>
        %add3A_2226 = arith.addf %scan3A_2096, %mul3A_2225 : vector<16xf32>
        %mul3A_2227 = arith.mulf %get3A_2219, %get3A_2219 : vector<16xf32>
        %add3A_2228 = arith.addf %scan3A_2097, %mul3A_2227 : vector<16xf32>
        %mul3A_2229 = arith.mulf %get3A_2224, %get3A_2224 : vector<16xf32>
        %add3A_2230 = arith.addf %scan3A_2098, %mul3A_2229 : vector<16xf32>
        %mul3A_2231 = arith.constant 16 : i32
        %mul3A_2232 = arith.muli %scan3A_2080, %mul3A_2231 : i32
        %add3A_2233 = arith.constant 0 : i32
        %add3A_2234 = arith.addi %mul3A_2232, %add3A_2233 : i32
        %multiple_of3A_2235 = tpu.assume_multiple %add3A_2234, 16 : i32
        %get3A_2236 = arith.constant 14 : i32
        %get3A_2237 = arith.index_cast %get3A_2236 : i32 to index
        %get3A_2238 = arith.index_cast %multiple_of3A_2235 : i32 to index
        %get3A_2239 = tpu.vector_load %arg7[%get3A_2237, %get3A_2238] {strides = array<i32>} : memref<16x1024xf32, #tpu.memory_space<vmem>>, vector<1x16xf32>,
        %get3A_2240 = vector.shape_cast %get3A_2239 : vector<1x16xf32> to vector<16xf32>
        %get3A_2241 = arith.constant 14 : i32
        %get3A_2242 = arith.index_cast %get3A_2241 : i32 to index
        %get3A_2243 = arith.index_cast %multiple_of3A_2235 : i32 to index
        %get3A_2244 = tpu.vector_load %arg8[%get3A_2242, %get3A_2243] {strides = array<i32>} : memref<16x1024xf32, #tpu.memory_space<vmem>>, vector<1x16xf32>,
        %get3A_2245 = vector.shape_cast %get3A_2244 : vector<1x16xf32> to vector<16xf32>
        %mul3A_2246 = arith.mulf %get3A_2240, %get3A_2245 : vector<16xf32>
        %add3A_2247 = arith.addf %scan3A_2099, %mul3A_2246 : vector<16xf32>
        %mul3A_2248 = arith.mulf %get3A_2240, %get3A_2240 : vector<16xf32>
        %add3A_2249 = arith.addf %scan3A_2100, %mul3A_2248 : vector<16xf32>
        %mul3A_2250 = arith.mulf %get3A_2245, %get3A_2245 : vector<16xf32>
        %add3A_2251 = arith.addf %scan3A_2101, %mul3A_2250 : vector<16xf32>
        %mul3A_2252 = arith.constant 16 : i32
        %mul3A_2253 = arith.muli %scan3A_2080, %mul3A_2252 : i32
        %add3A_2254 = arith.constant 0 : i32
        %add3A_2255 = arith.addi %mul3A_2253, %add3A_2254 : i32
        %multiple_of3A_2256 = tpu.assume_multiple %add3A_2255, 16 : i32
        %get3A_2257 = arith.constant 15 : i32
        %get3A_2258 = arith.index_cast %get3A_2257 : i32 to index
        %get3A_2259 = arith.index_cast %multiple_of3A_2256 : i32 to index
        %get3A_2260 = tpu.vector_load %arg7[%get3A_2258, %get3A_2259] {strides = array<i32>} : memref<16x1024xf32, #tpu.memory_space<vmem>>, vector<1x16xf32>,
        %get3A_2261 = vector.shape_cast %get3A_2260 : vector<1x16xf32> to vector<16xf32>
        %get3A_2262 = arith.constant 15 : i32
        %get3A_2263 = arith.index_cast %get3A_2262 : i32 to index
        %get3A_2264 = arith.index_cast %multiple_of3A_2256 : i32 to index
        %get3A_2265 = tpu.vector_load %arg8[%get3A_2263, %get3A_2264] {strides = array<i32>} : memref<16x1024xf32, #tpu.memory_space<vmem>>, vector<1x16xf32>,
        %get3A_2266 = vector.shape_cast %get3A_2265 : vector<1x16xf32> to vector<16xf32>
        %mul3A_2267 = arith.mulf %get3A_2261, %get3A_2266 : vector<16xf32>
        %add3A_2268 = arith.addf %scan3A_2102, %mul3A_2267 : vector<16xf32>
        %mul3A_2269 = arith.mulf %get3A_2261, %get3A_2261 : vector<16xf32>
        %add3A_2270 = arith.addf %scan3A_2103, %mul3A_2269 : vector<16xf32>
        %mul3A_2271 = arith.mulf %get3A_2266, %get3A_2266 : vector<16xf32>
        %add3A_2272 = arith.addf %scan3A_2104, %mul3A_2271 : vector<16xf32>
        scf.yield %add3A_2121, %add3A_2123, %add3A_2125, %add3A_2142, %add3A_2144, %add3A_2146, %add3A_2163, %add3A_2165, %add3A_2167, %add3A_2184, %add3A_2186, %add3A_2188, %add3A_2205, %add3A_2207, %add3A_2209, %add3A_2226, %add3A_2228, %add3A_2230, %add3A_2247, %add3A_2249, %add3A_2251, %add3A_2268, %add3A_2270, %add3A_2272 : vector<16xf32>, vector<16xf32>, vector<16xf32>, vector<16xf32>, vector<16xf32>, vector<16xf32>, vector<16xf32>, vector<16xf32>, vector<16xf32>, vector<16xf32>, vector<16xf32>, vector<16xf32>, vector<16xf32>, vector<16xf32>, vector<16xf32>, vector<16xf32>, vector<16xf32>, vector<16xf32>, vector<16xf32>, vector<16xf32>, vector<16xf32>, vector<16xf32>, vector<16xf32>, vector<16xf32>
      }
      %scan3A_474 = arith.constant 64 : i32
      %and3A_475 = arith.constant 8 : i32
      %and3A_476 = vector.broadcast %and3A_475 : i32 to vector<16xi32>
      %and3A_477 = arith.andi %iota3A, %and3A_476 : vector<16xi32>
      %eq3A_478 = arith.constant 0 : i32
      %eq3A_479 = vector.broadcast %eq3A_478 : i32 to vector<16xi32>
      %eq3A_480 = arith.cmpi eq, %and3A_477, %eq3A_479 : vector<16xi32>
      %broadcast_in_dim3A_481 = arith.constant 8 : i32
      %broadcast_in_dim3A_482 = vector.broadcast %broadcast_in_dim3A_481 : i32 to vector<16xi32>
      %xor3A_483 = arith.xori %iota3A, %broadcast_in_dim3A_482 : vector<16xi32>
      %broadcast_in_dim3A_484 = vector.shape_cast %xor3A_483 : vector<16xi32> to vector<16x1xi32>
      %gather3A_485 = vector.shape_cast %broadcast_in_dim3A_484 : vector<16x1xi32> to vector<16xi32>
      %gather3A_486 = tpu.dynamic_gather %scan3A_473#0[%gather3A_485] in [0] : vector<16xf32>, vector<16xi32> -> vector<16xf32>
      %add3A_487 = arith.addf %scan3A_473#0, %gather3A_486 : vector<16xf32>
      %xor3A_488 = arith.xori %iota3A, %broadcast_in_dim3A_482 : vector<16xi32>
      %broadcast_in_dim3A_489 = vector.shape_cast %xor3A_488 : vector<16xi32> to vector<16x1xi32>
      %gather3A_490 = vector.shape_cast %broadcast_in_dim3A_489 : vector<16x1xi32> to vector<16xi32>
      %gather3A_491 = tpu.dynamic_gather %scan3A_473#3[%gather3A_490] in [0] : vector<16xf32>, vector<16xi32> -> vector<16xf32>
      %add3A_492 = arith.addf %scan3A_473#3, %gather3A_491 : vector<16xf32>
      %select_n3A_493 = arith.select %eq3A_480, %add3A_487, %add3A_492 : vector<16xi1>, vector<16xf32>
      %and3A_494 = arith.constant 8 : i32
      %and3A_495 = vector.broadcast %and3A_494 : i32 to vector<16xi32>
      %and3A_496 = arith.andi %iota3A, %and3A_495 : vector<16xi32>
      %eq3A_497 = arith.constant 0 : i32
      %eq3A_498 = vector.broadcast %eq3A_497 : i32 to vector<16xi32>
      %eq3A_499 = arith.cmpi eq, %and3A_496, %eq3A_498 : vector<16xi32>
      %broadcast_in_dim3A_500 = arith.constant 8 : i32
      %broadcast_in_dim3A_501 = vector.broadcast %broadcast_in_dim3A_500 : i32 to vector<16xi32>
      %xor3A_502 = arith.xori %iota3A, %broadcast_in_dim3A_501 : vector<16xi32>
      %broadcast_in_dim3A_503 = vector.shape_cast %xor3A_502 : vector<16xi32> to vector<16x1xi32>
      %gather3A_504 = vector.shape_cast %broadcast_in_dim3A_503 : vector<16x1xi32> to vector<16xi32>
      %gather3A_505 = tpu.dynamic_gather %scan3A_473#1[%gather3A_504] in [0] : vector<16xf32>, vector<16xi32> -> vector<16xf32>
      %add3A_506 = arith.addf %scan3A_473#1, %gather3A_505 : vector<16xf32>
      %xor3A_507 = arith.xori %iota3A, %broadcast_in_dim3A_501 : vector<16xi32>
      %broadcast_in_dim3A_508 = vector.shape_cast %xor3A_507 : vector<16xi32> to vector<16x1xi32>
      %gather3A_509 = vector.shape_cast %broadcast_in_dim3A_508 : vector<16x1xi32> to vector<16xi32>
      %gather3A_510 = tpu.dynamic_gather %scan3A_473#4[%gather3A_509] in [0] : vector<16xf32>, vector<16xi32> -> vector<16xf32>
      %add3A_511 = arith.addf %scan3A_473#4, %gather3A_510 : vector<16xf32>
      %select_n3A_512 = arith.select %eq3A_499, %add3A_506, %add3A_511 : vector<16xi1>, vector<16xf32>
      %and3A_513 = arith.constant 8 : i32
      %and3A_514 = vector.broadcast %and3A_513 : i32 to vector<16xi32>
      %and3A_515 = arith.andi %iota3A, %and3A_514 : vector<16xi32>
      %eq3A_516 = arith.constant 0 : i32
      %eq3A_517 = vector.broadcast %eq3A_516 : i32 to vector<16xi32>
      %eq3A_518 = arith.cmpi eq, %and3A_515, %eq3A_517 : vector<16xi32>
      %broadcast_in_dim3A_519 = arith.constant 8 : i32
      %broadcast_in_dim3A_520 = vector.broadcast %broadcast_in_dim3A_519 : i32 to vector<16xi32>
      %xor3A_521 = arith.xori %iota3A, %broadcast_in_dim3A_520 : vector<16xi32>
      %broadcast_in_dim3A_522 = vector.shape_cast %xor3A_521 : vector<16xi32> to vector<16x1xi32>
      %gather3A_523 = vector.shape_cast %broadcast_in_dim3A_522 : vector<16x1xi32> to vector<16xi32>
      %gather3A_524 = tpu.dynamic_gather %scan3A_473#2[%gather3A_523] in [0] : vector<16xf32>, vector<16xi32> -> vector<16xf32>
      %add3A_525 = arith.addf %scan3A_473#2, %gather3A_524 : vector<16xf32>
      %xor3A_526 = arith.xori %iota3A, %broadcast_in_dim3A_520 : vector<16xi32>
      %broadcast_in_dim3A_527 = vector.shape_cast %xor3A_526 : vector<16xi32> to vector<16x1xi32>
      %gather3A_528 = vector.shape_cast %broadcast_in_dim3A_527 : vector<16x1xi32> to vector<16xi32>
      %gather3A_529 = tpu.dynamic_gather %scan3A_473#5[%gather3A_528] in [0] : vector<16xf32>, vector<16xi32> -> vector<16xf32>
      %add3A_530 = arith.addf %scan3A_473#5, %gather3A_529 : vector<16xf32>
      %select_n3A_531 = arith.select %eq3A_518, %add3A_525, %add3A_530 : vector<16xi1>, vector<16xf32>
      %and3A_532 = arith.constant 8 : i32
      %and3A_533 = vector.broadcast %and3A_532 : i32 to vector<16xi32>
      %and3A_534 = arith.andi %iota3A, %and3A_533 : vector<16xi32>
      %eq3A_535 = arith.constant 0 : i32
      %eq3A_536 = vector.broadcast %eq3A_535 : i32 to vector<16xi32>
      %eq3A_537 = arith.cmpi eq, %and3A_534, %eq3A_536 : vector<16xi32>
      %broadcast_in_dim3A_538 = arith.constant 8 : i32
      %broadcast_in_dim3A_539 = vector.broadcast %broadcast_in_dim3A_538 : i32 to vector<16xi32>
      %xor3A_540 = arith.xori %iota3A, %broadcast_in_dim3A_539 : vector<16xi32>
      %broadcast_in_dim3A_541 = vector.shape_cast %xor3A_540 : vector<16xi32> to vector<16x1xi32>
      %gather3A_542 = vector.shape_cast %broadcast_in_dim3A_541 : vector<16x1xi32> to vector<16xi32>
      %gather3A_543 = tpu.dynamic_gather %scan3A_473#6[%gather3A_542] in [0] : vector<16xf32>, vector<16xi32> -> vector<16xf32>
      %add3A_544 = arith.addf %scan3A_473#6, %gather3A_543 : vector<16xf32>
      %xor3A_545 = arith.xori %iota3A, %broadcast_in_dim3A_539 : vector<16xi32>
      %broadcast_in_dim3A_546 = vector.shape_cast %xor3A_545 : vector<16xi32> to vector<16x1xi32>
      %gather3A_547 = vector.shape_cast %broadcast_in_dim3A_546 : vector<16x1xi32> to vector<16xi32>
      %gather3A_548 = tpu.dynamic_gather %scan3A_473#9[%gather3A_547] in [0] : vector<16xf32>, vector<16xi32> -> vector<16xf32>
      %add3A_549 = arith.addf %scan3A_473#9, %gather3A_548 : vector<16xf32>
      %select_n3A_550 = arith.select %eq3A_537, %add3A_544, %add3A_549 : vector<16xi1>, vector<16xf32>
      %and3A_551 = arith.constant 8 : i32
      %and3A_552 = vector.broadcast %and3A_551 : i32 to vector<16xi32>
      %and3A_553 = arith.andi %iota3A, %and3A_552 : vector<16xi32>
      %eq3A_554 = arith.constant 0 : i32
      %eq3A_555 = vector.broadcast %eq3A_554 : i32 to vector<16xi32>
      %eq3A_556 = arith.cmpi eq, %and3A_553, %eq3A_555 : vector<16xi32>
      %broadcast_in_dim3A_557 = arith.constant 8 : i32
      %broadcast_in_dim3A_558 = vector.broadcast %broadcast_in_dim3A_557 : i32 to vector<16xi32>
      %xor3A_559 = arith.xori %iota3A, %broadcast_in_dim3A_558 : vector<16xi32>
      %broadcast_in_dim3A_560 = vector.shape_cast %xor3A_559 : vector<16xi32> to vector<16x1xi32>
      %gather3A_561 = vector.shape_cast %broadcast_in_dim3A_560 : vector<16x1xi32> to vector<16xi32>
      %gather3A_562 = tpu.dynamic_gather %scan3A_473#7[%gather3A_561] in [0] : vector<16xf32>, vector<16xi32> -> vector<16xf32>
      %add3A_563 = arith.addf %scan3A_473#7, %gather3A_562 : vector<16xf32>
      %xor3A_564 = arith.xori %iota3A, %broadcast_in_dim3A_558 : vector<16xi32>
      %broadcast_in_dim3A_565 = vector.shape_cast %xor3A_564 : vector<16xi32> to vector<16x1xi32>
      %gather3A_566 = vector.shape_cast %broadcast_in_dim3A_565 : vector<16x1xi32> to vector<16xi32>
      %gather3A_567 = tpu.dynamic_gather %scan3A_473#10[%gather3A_566] in [0] : vector<16xf32>, vector<16xi32> -> vector<16xf32>
      %add3A_568 = arith.addf %scan3A_473#10, %gather3A_567 : vector<16xf32>
      %select_n3A_569 = arith.select %eq3A_556, %add3A_563, %add3A_568 : vector<16xi1>, vector<16xf32>
      %and3A_570 = arith.constant 8 : i32
      %and3A_571 = vector.broadcast %and3A_570 : i32 to vector<16xi32>
      %and3A_572 = arith.andi %iota3A, %and3A_571 : vector<16xi32>
      %eq3A_573 = arith.constant 0 : i32
      %eq3A_574 = vector.broadcast %eq3A_573 : i32 to vector<16xi32>
      %eq3A_575 = arith.cmpi eq, %and3A_572, %eq3A_574 : vector<16xi32>
      %broadcast_in_dim3A_576 = arith.constant 8 : i32
      %broadcast_in_dim3A_577 = vector.broadcast %broadcast_in_dim3A_576 : i32 to vector<16xi32>
      %xor3A_578 = arith.xori %iota3A, %broadcast_in_dim3A_577 : vector<16xi32>
      %broadcast_in_dim3A_579 = vector.shape_cast %xor3A_578 : vector<16xi32> to vector<16x1xi32>
      %gather3A_580 = vector.shape_cast %broadcast_in_dim3A_579 : vector<16x1xi32> to vector<16xi32>
      %gather3A_581 = tpu.dynamic_gather %scan3A_473#8[%gather3A_580] in [0] : vector<16xf32>, vector<16xi32> -> vector<16xf32>
      %add3A_582 = arith.addf %scan3A_473#8, %gather3A_581 : vector<16xf32>
      %xor3A_583 = arith.xori %iota3A, %broadcast_in_dim3A_577 : vector<16xi32>
      %broadcast_in_dim3A_584 = vector.shape_cast %xor3A_583 : vector<16xi32> to vector<16x1xi32>
      %gather3A_585 = vector.shape_cast %broadcast_in_dim3A_584 : vector<16x1xi32> to vector<16xi32>
      %gather3A_586 = tpu.dynamic_gather %scan3A_473#11[%gather3A_585] in [0] : vector<16xf32>, vector<16xi32> -> vector<16xf32>
      %add3A_587 = arith.addf %scan3A_473#11, %gather3A_586 : vector<16xf32>
      %select_n3A_588 = arith.select %eq3A_575, %add3A_582, %add3A_587 : vector<16xi1>, vector<16xf32>
      %and3A_589 = arith.constant 8 : i32
      %and3A_590 = vector.broadcast %and3A_589 : i32 to vector<16xi32>
      %and3A_591 = arith.andi %iota3A, %and3A_590 : vector<16xi32>
      %eq3A_592 = arith.constant 0 : i32
      %eq3A_593 = vector.broadcast %eq3A_592 : i32 to vector<16xi32>
      %eq3A_594 = arith.cmpi eq, %and3A_591, %eq3A_593 : vector<16xi32>
      %broadcast_in_dim3A_595 = arith.constant 8 : i32
      %broadcast_in_dim3A_596 = vector.broadcast %broadcast_in_dim3A_595 : i32 to vector<16xi32>
      %xor3A_597 = arith.xori %iota3A, %broadcast_in_dim3A_596 : vector<16xi32>
      %broadcast_in_dim3A_598 = vector.shape_cast %xor3A_597 : vector<16xi32> to vector<16x1xi32>
      %gather3A_599 = vector.shape_cast %broadcast_in_dim3A_598 : vector<16x1xi32> to vector<16xi32>
      %gather3A_600 = tpu.dynamic_gather %scan3A_473#12[%gather3A_599] in [0] : vector<16xf32>, vector<16xi32> -> vector<16xf32>
      %add3A_601 = arith.addf %scan3A_473#12, %gather3A_600 : vector<16xf32>
      %xor3A_602 = arith.xori %iota3A, %broadcast_in_dim3A_596 : vector<16xi32>
      %broadcast_in_dim3A_603 = vector.shape_cast %xor3A_602 : vector<16xi32> to vector<16x1xi32>
      %gather3A_604 = vector.shape_cast %broadcast_in_dim3A_603 : vector<16x1xi32> to vector<16xi32>
      %gather3A_605 = tpu.dynamic_gather %scan3A_473#15[%gather3A_604] in [0] : vector<16xf32>, vector<16xi32> -> vector<16xf32>
      %add3A_606 = arith.addf %scan3A_473#15, %gather3A_605 : vector<16xf32>
      %select_n3A_607 = arith.select %eq3A_594, %add3A_601, %add3A_606 : vector<16xi1>, vector<16xf32>
      %and3A_608 = arith.constant 8 : i32
      %and3A_609 = vector.broadcast %and3A_608 : i32 to vector<16xi32>
      %and3A_610 = arith.andi %iota3A, %and3A_609 : vector<16xi32>
      %eq3A_611 = arith.constant 0 : i32
      %eq3A_612 = vector.broadcast %eq3A_611 : i32 to vector<16xi32>
      %eq3A_613 = arith.cmpi eq, %and3A_610, %eq3A_612 : vector<16xi32>
      %broadcast_in_dim3A_614 = arith.constant 8 : i32
      %broadcast_in_dim3A_615 = vector.broadcast %broadcast_in_dim3A_614 : i32 to vector<16xi32>
      %xor3A_616 = arith.xori %iota3A, %broadcast_in_dim3A_615 : vector<16xi32>
      %broadcast_in_dim3A_617 = vector.shape_cast %xor3A_616 : vector<16xi32> to vector<16x1xi32>
      %gather3A_618 = vector.shape_cast %broadcast_in_dim3A_617 : vector<16x1xi32> to vector<16xi32>
      %gather3A_619 = tpu.dynamic_gather %scan3A_473#13[%gather3A_618] in [0] : vector<16xf32>, vector<16xi32> -> vector<16xf32>
      %add3A_620 = arith.addf %scan3A_473#13, %gather3A_619 : vector<16xf32>
      %xor3A_621 = arith.xori %iota3A, %broadcast_in_dim3A_615 : vector<16xi32>
      %broadcast_in_dim3A_622 = vector.shape_cast %xor3A_621 : vector<16xi32> to vector<16x1xi32>
      %gather3A_623 = vector.shape_cast %broadcast_in_dim3A_622 : vector<16x1xi32> to vector<16xi32>
      %gather3A_624 = tpu.dynamic_gather %scan3A_473#16[%gather3A_623] in [0] : vector<16xf32>, vector<16xi32> -> vector<16xf32>
      %add3A_625 = arith.addf %scan3A_473#16, %gather3A_624 : vector<16xf32>
      %select_n3A_626 = arith.select %eq3A_613, %add3A_620, %add3A_625 : vector<16xi1>, vector<16xf32>
      %and3A_627 = arith.constant 8 : i32
      %and3A_628 = vector.broadcast %and3A_627 : i32 to vector<16xi32>
      %and3A_629 = arith.andi %iota3A, %and3A_628 : vector<16xi32>
      %eq3A_630 = arith.constant 0 : i32
      %eq3A_631 = vector.broadcast %eq3A_630 : i32 to vector<16xi32>
      %eq3A_632 = arith.cmpi eq, %and3A_629, %eq3A_631 : vector<16xi32>
      %broadcast_in_dim3A_633 = arith.constant 8 : i32
      %broadcast_in_dim3A_634 = vector.broadcast %broadcast_in_dim3A_633 : i32 to vector<16xi32>
      %xor3A_635 = arith.xori %iota3A, %broadcast_in_dim3A_634 : vector<16xi32>
      %broadcast_in_dim3A_636 = vector.shape_cast %xor3A_635 : vector<16xi32> to vector<16x1xi32>
      %gather3A_637 = vector.shape_cast %broadcast_in_dim3A_636 : vector<16x1xi32> to vector<16xi32>
      %gather3A_638 = tpu.dynamic_gather %scan3A_473#14[%gather3A_637] in [0] : vector<16xf32>, vector<16xi32> -> vector<16xf32>
      %add3A_639 = arith.addf %scan3A_473#14, %gather3A_638 : vector<16xf32>
      %xor3A_640 = arith.xori %iota3A, %broadcast_in_dim3A_634 : vector<16xi32>
      %broadcast_in_dim3A_641 = vector.shape_cast %xor3A_640 : vector<16xi32> to vector<16x1xi32>
      %gather3A_642 = vector.shape_cast %broadcast_in_dim3A_641 : vector<16x1xi32> to vector<16xi32>
      %gather3A_643 = tpu.dynamic_gather %scan3A_473#17[%gather3A_642] in [0] : vector<16xf32>, vector<16xi32> -> vector<16xf32>
      %add3A_644 = arith.addf %scan3A_473#17, %gather3A_643 : vector<16xf32>
      %select_n3A_645 = arith.select %eq3A_632, %add3A_639, %add3A_644 : vector<16xi1>, vector<16xf32>
      %and3A_646 = arith.constant 8 : i32
      %and3A_647 = vector.broadcast %and3A_646 : i32 to vector<16xi32>
      %and3A_648 = arith.andi %iota3A, %and3A_647 : vector<16xi32>
      %eq3A_649 = arith.constant 0 : i32
      %eq3A_650 = vector.broadcast %eq3A_649 : i32 to vector<16xi32>
      %eq3A_651 = arith.cmpi eq, %and3A_648, %eq3A_650 : vector<16xi32>
      %broadcast_in_dim3A_652 = arith.constant 8 : i32
      %broadcast_in_dim3A_653 = vector.broadcast %broadcast_in_dim3A_652 : i32 to vector<16xi32>
      %xor3A_654 = arith.xori %iota3A, %broadcast_in_dim3A_653 : vector<16xi32>
      %broadcast_in_dim3A_655 = vector.shape_cast %xor3A_654 : vector<16xi32> to vector<16x1xi32>
      %gather3A_656 = vector.shape_cast %broadcast_in_dim3A_655 : vector<16x1xi32> to vector<16xi32>
      %gather3A_657 = tpu.dynamic_gather %scan3A_473#18[%gather3A_656] in [0] : vector<16xf32>, vector<16xi32> -> vector<16xf32>
      %add3A_658 = arith.addf %scan3A_473#18, %gather3A_657 : vector<16xf32>
      %xor3A_659 = arith.xori %iota3A, %broadcast_in_dim3A_653 : vector<16xi32>
      %broadcast_in_dim3A_660 = vector.shape_cast %xor3A_659 : vector<16xi32> to vector<16x1xi32>
      %gather3A_661 = vector.shape_cast %broadcast_in_dim3A_660 : vector<16x1xi32> to vector<16xi32>
      %gather3A_662 = tpu.dynamic_gather %scan3A_473#21[%gather3A_661] in [0] : vector<16xf32>, vector<16xi32> -> vector<16xf32>
      %add3A_663 = arith.addf %scan3A_473#21, %gather3A_662 : vector<16xf32>
      %select_n3A_664 = arith.select %eq3A_651, %add3A_658, %add3A_663 : vector<16xi1>, vector<16xf32>
      %and3A_665 = arith.constant 8 : i32
      %and3A_666 = vector.broadcast %and3A_665 : i32 to vector<16xi32>
      %and3A_667 = arith.andi %iota3A, %and3A_666 : vector<16xi32>
      %eq3A_668 = arith.constant 0 : i32
      %eq3A_669 = vector.broadcast %eq3A_668 : i32 to vector<16xi32>
      %eq3A_670 = arith.cmpi eq, %and3A_667, %eq3A_669 : vector<16xi32>
      %broadcast_in_dim3A_671 = arith.constant 8 : i32
      %broadcast_in_dim3A_672 = vector.broadcast %broadcast_in_dim3A_671 : i32 to vector<16xi32>
      %xor3A_673 = arith.xori %iota3A, %broadcast_in_dim3A_672 : vector<16xi32>
      %broadcast_in_dim3A_674 = vector.shape_cast %xor3A_673 : vector<16xi32> to vector<16x1xi32>
      %gather3A_675 = vector.shape_cast %broadcast_in_dim3A_674 : vector<16x1xi32> to vector<16xi32>
      %gather3A_676 = tpu.dynamic_gather %scan3A_473#19[%gather3A_675] in [0] : vector<16xf32>, vector<16xi32> -> vector<16xf32>
      %add3A_677 = arith.addf %scan3A_473#19, %gather3A_676 : vector<16xf32>
      %xor3A_678 = arith.xori %iota3A, %broadcast_in_dim3A_672 : vector<16xi32>
      %broadcast_in_dim3A_679 = vector.shape_cast %xor3A_678 : vector<16xi32> to vector<16x1xi32>
      %gather3A_680 = vector.shape_cast %broadcast_in_dim3A_679 : vector<16x1xi32> to vector<16xi32>
      %gather3A_681 = tpu.dynamic_gather %scan3A_473#22[%gather3A_680] in [0] : vector<16xf32>, vector<16xi32> -> vector<16xf32>
      %add3A_682 = arith.addf %scan3A_473#22, %gather3A_681 : vector<16xf32>
      %select_n3A_683 = arith.select %eq3A_670, %add3A_677, %add3A_682 : vector<16xi1>, vector<16xf32>
      %and3A_684 = arith.constant 8 : i32
      %and3A_685 = vector.broadcast %and3A_684 : i32 to vector<16xi32>
      %and3A_686 = arith.andi %iota3A, %and3A_685 : vector<16xi32>
      %eq3A_687 = arith.constant 0 : i32
      %eq3A_688 = vector.broadcast %eq3A_687 : i32 to vector<16xi32>
      %eq3A_689 = arith.cmpi eq, %and3A_686, %eq3A_688 : vector<16xi32>
      %broadcast_in_dim3A_690 = arith.constant 8 : i32
      %broadcast_in_dim3A_691 = vector.broadcast %broadcast_in_dim3A_690 : i32 to vector<16xi32>
      %xor3A_692 = arith.xori %iota3A, %broadcast_in_dim3A_691 : vector<16xi32>
      %broadcast_in_dim3A_693 = vector.shape_cast %xor3A_692 : vector<16xi32> to vector<16x1xi32>
      %gather3A_694 = vector.shape_cast %broadcast_in_dim3A_693 : vector<16x1xi32> to vector<16xi32>
      %gather3A_695 = tpu.dynamic_gather %scan3A_473#20[%gather3A_694] in [0] : vector<16xf32>, vector<16xi32> -> vector<16xf32>
      %add3A_696 = arith.addf %scan3A_473#20, %gather3A_695 : vector<16xf32>
      %xor3A_697 = arith.xori %iota3A, %broadcast_in_dim3A_691 : vector<16xi32>
      %broadcast_in_dim3A_698 = vector.shape_cast %xor3A_697 : vector<16xi32> to vector<16x1xi32>
      %gather3A_699 = vector.shape_cast %broadcast_in_dim3A_698 : vector<16x1xi32> to vector<16xi32>
      %gather3A_700 = tpu.dynamic_gather %scan3A_473#23[%gather3A_699] in [0] : vector<16xf32>, vector<16xi32> -> vector<16xf32>
      %add3A_701 = arith.addf %scan3A_473#23, %gather3A_700 : vector<16xf32>
      %select_n3A_702 = arith.select %eq3A_689, %add3A_696, %add3A_701 : vector<16xi1>, vector<16xf32>
      %and3A_703 = arith.constant 4 : i32
      %and3A_704 = vector.broadcast %and3A_703 : i32 to vector<16xi32>
      %and3A_705 = arith.andi %iota3A, %and3A_704 : vector<16xi32>
      %eq3A_706 = arith.constant 0 : i32
      %eq3A_707 = vector.broadcast %eq3A_706 : i32 to vector<16xi32>
      %eq3A_708 = arith.cmpi eq, %and3A_705, %eq3A_707 : vector<16xi32>
      %broadcast_in_dim3A_709 = arith.constant 4 : i32
      %broadcast_in_dim3A_710 = vector.broadcast %broadcast_in_dim3A_709 : i32 to vector<16xi32>
      %xor3A_711 = arith.xori %iota3A, %broadcast_in_dim3A_710 : vector<16xi32>
      %broadcast_in_dim3A_712 = vector.shape_cast %xor3A_711 : vector<16xi32> to vector<16x1xi32>
      %gather3A_713 = vector.shape_cast %broadcast_in_dim3A_712 : vector<16x1xi32> to vector<16xi32>
      %gather3A_714 = tpu.dynamic_gather %select_n3A_493[%gather3A_713] in [0] : vector<16xf32>, vector<16xi32> -> vector<16xf32>
      %add3A_715 = arith.addf %select_n3A_493, %gather3A_714 : vector<16xf32>
      %xor3A_716 = arith.xori %iota3A, %broadcast_in_dim3A_710 : vector<16xi32>
      %broadcast_in_dim3A_717 = vector.shape_cast %xor3A_716 : vector<16xi32> to vector<16x1xi32>
      %gather3A_718 = vector.shape_cast %broadcast_in_dim3A_717 : vector<16x1xi32> to vector<16xi32>
      %gather3A_719 = tpu.dynamic_gather %select_n3A_550[%gather3A_718] in [0] : vector<16xf32>, vector<16xi32> -> vector<16xf32>
      %add3A_720 = arith.addf %select_n3A_550, %gather3A_719 : vector<16xf32>
      %select_n3A_721 = arith.select %eq3A_708, %add3A_715, %add3A_720 : vector<16xi1>, vector<16xf32>
      %and3A_722 = arith.constant 4 : i32
      %and3A_723 = vector.broadcast %and3A_722 : i32 to vector<16xi32>
      %and3A_724 = arith.andi %iota3A, %and3A_723 : vector<16xi32>
      %eq3A_725 = arith.constant 0 : i32
      %eq3A_726 = vector.broadcast %eq3A_725 : i32 to vector<16xi32>
      %eq3A_727 = arith.cmpi eq, %and3A_724, %eq3A_726 : vector<16xi32>
      %broadcast_in_dim3A_728 = arith.constant 4 : i32
      %broadcast_in_dim3A_729 = vector.broadcast %broadcast_in_dim3A_728 : i32 to vector<16xi32>
      %xor3A_730 = arith.xori %iota3A, %broadcast_in_dim3A_729 : vector<16xi32>
      %broadcast_in_dim3A_731 = vector.shape_cast %xor3A_730 : vector<16xi32> to vector<16x1xi32>
      %gather3A_732 = vector.shape_cast %broadcast_in_dim3A_731 : vector<16x1xi32> to vector<16xi32>
      %gather3A_733 = tpu.dynamic_gather %select_n3A_512[%gather3A_732] in [0] : vector<16xf32>, vector<16xi32> -> vector<16xf32>
      %add3A_734 = arith.addf %select_n3A_512, %gather3A_733 : vector<16xf32>
      %xor3A_735 = arith.xori %iota3A, %broadcast_in_dim3A_729 : vector<16xi32>
      %broadcast_in_dim3A_736 = vector.shape_cast %xor3A_735 : vector<16xi32> to vector<16x1xi32>
      %gather3A_737 = vector.shape_cast %broadcast_in_dim3A_736 : vector<16x1xi32> to vector<16xi32>
      %gather3A_738 = tpu.dynamic_gather %select_n3A_569[%gather3A_737] in [0] : vector<16xf32>, vector<16xi32> -> vector<16xf32>
      %add3A_739 = arith.addf %select_n3A_569, %gather3A_738 : vector<16xf32>
      %select_n3A_740 = arith.select %eq3A_727, %add3A_734, %add3A_739 : vector<16xi1>, vector<16xf32>
      %and3A_741 = arith.constant 4 : i32
      %and3A_742 = vector.broadcast %and3A_741 : i32 to vector<16xi32>
      %and3A_743 = arith.andi %iota3A, %and3A_742 : vector<16xi32>
      %eq3A_744 = arith.constant 0 : i32
      %eq3A_745 = vector.broadcast %eq3A_744 : i32 to vector<16xi32>
      %eq3A_746 = arith.cmpi eq, %and3A_743, %eq3A_745 : vector<16xi32>
      %broadcast_in_dim3A_747 = arith.constant 4 : i32
      %broadcast_in_dim3A_748 = vector.broadcast %broadcast_in_dim3A_747 : i32 to vector<16xi32>
      %xor3A_749 = arith.xori %iota3A, %broadcast_in_dim3A_748 : vector<16xi32>
      %broadcast_in_dim3A_750 = vector.shape_cast %xor3A_749 : vector<16xi32> to vector<16x1xi32>
      %gather3A_751 = vector.shape_cast %broadcast_in_dim3A_750 : vector<16x1xi32> to vector<16xi32>
      %gather3A_752 = tpu.dynamic_gather %select_n3A_531[%gather3A_751] in [0] : vector<16xf32>, vector<16xi32> -> vector<16xf32>
      %add3A_753 = arith.addf %select_n3A_531, %gather3A_752 : vector<16xf32>
      %xor3A_754 = arith.xori %iota3A, %broadcast_in_dim3A_748 : vector<16xi32>
      %broadcast_in_dim3A_755 = vector.shape_cast %xor3A_754 : vector<16xi32> to vector<16x1xi32>
      %gather3A_756 = vector.shape_cast %broadcast_in_dim3A_755 : vector<16x1xi32> to vector<16xi32>
      %gather3A_757 = tpu.dynamic_gather %select_n3A_588[%gather3A_756] in [0] : vector<16xf32>, vector<16xi32> -> vector<16xf32>
      %add3A_758 = arith.addf %select_n3A_588, %gather3A_757 : vector<16xf32>
      %select_n3A_759 = arith.select %eq3A_746, %add3A_753, %add3A_758 : vector<16xi1>, vector<16xf32>
      %and3A_760 = arith.constant 4 : i32
      %and3A_761 = vector.broadcast %and3A_760 : i32 to vector<16xi32>
      %and3A_762 = arith.andi %iota3A, %and3A_761 : vector<16xi32>
      %eq3A_763 = arith.constant 0 : i32
      %eq3A_764 = vector.broadcast %eq3A_763 : i32 to vector<16xi32>
      %eq3A_765 = arith.cmpi eq, %and3A_762, %eq3A_764 : vector<16xi32>
      %broadcast_in_dim3A_766 = arith.constant 4 : i32
      %broadcast_in_dim3A_767 = vector.broadcast %broadcast_in_dim3A_766 : i32 to vector<16xi32>
      %xor3A_768 = arith.xori %iota3A, %broadcast_in_dim3A_767 : vector<16xi32>
      %broadcast_in_dim3A_769 = vector.shape_cast %xor3A_768 : vector<16xi32> to vector<16x1xi32>
      %gather3A_770 = vector.shape_cast %broadcast_in_dim3A_769 : vector<16x1xi32> to vector<16xi32>
      %gather3A_771 = tpu.dynamic_gather %select_n3A_607[%gather3A_770] in [0] : vector<16xf32>, vector<16xi32> -> vector<16xf32>
      %add3A_772 = arith.addf %select_n3A_607, %gather3A_771 : vector<16xf32>
      %xor3A_773 = arith.xori %iota3A, %broadcast_in_dim3A_767 : vector<16xi32>
      %broadcast_in_dim3A_774 = vector.shape_cast %xor3A_773 : vector<16xi32> to vector<16x1xi32>
      %gather3A_775 = vector.shape_cast %broadcast_in_dim3A_774 : vector<16x1xi32> to vector<16xi32>
      %gather3A_776 = tpu.dynamic_gather %select_n3A_664[%gather3A_775] in [0] : vector<16xf32>, vector<16xi32> -> vector<16xf32>
      %add3A_777 = arith.addf %select_n3A_664, %gather3A_776 : vector<16xf32>
      %select_n3A_778 = arith.select %eq3A_765, %add3A_772, %add3A_777 : vector<16xi1>, vector<16xf32>
      %and3A_779 = arith.constant 4 : i32
      %and3A_780 = vector.broadcast %and3A_779 : i32 to vector<16xi32>
      %and3A_781 = arith.andi %iota3A, %and3A_780 : vector<16xi32>
      %eq3A_782 = arith.constant 0 : i32
      %eq3A_783 = vector.broadcast %eq3A_782 : i32 to vector<16xi32>
      %eq3A_784 = arith.cmpi eq, %and3A_781, %eq3A_783 : vector<16xi32>
      %broadcast_in_dim3A_785 = arith.constant 4 : i32
      %broadcast_in_dim3A_786 = vector.broadcast %broadcast_in_dim3A_785 : i32 to vector<16xi32>
      %xor3A_787 = arith.xori %iota3A, %broadcast_in_dim3A_786 : vector<16xi32>
      %broadcast_in_dim3A_788 = vector.shape_cast %xor3A_787 : vector<16xi32> to vector<16x1xi32>
      %gather3A_789 = vector.shape_cast %broadcast_in_dim3A_788 : vector<16x1xi32> to vector<16xi32>
      %gather3A_790 = tpu.dynamic_gather %select_n3A_626[%gather3A_789] in [0] : vector<16xf32>, vector<16xi32> -> vector<16xf32>
      %add3A_791 = arith.addf %select_n3A_626, %gather3A_790 : vector<16xf32>
      %xor3A_792 = arith.xori %iota3A, %broadcast_in_dim3A_786 : vector<16xi32>
      %broadcast_in_dim3A_793 = vector.shape_cast %xor3A_792 : vector<16xi32> to vector<16x1xi32>
      %gather3A_794 = vector.shape_cast %broadcast_in_dim3A_793 : vector<16x1xi32> to vector<16xi32>
      %gather3A_795 = tpu.dynamic_gather %select_n3A_683[%gather3A_794] in [0] : vector<16xf32>, vector<16xi32> -> vector<16xf32>
      %add3A_796 = arith.addf %select_n3A_683, %gather3A_795 : vector<16xf32>
      %select_n3A_797 = arith.select %eq3A_784, %add3A_791, %add3A_796 : vector<16xi1>, vector<16xf32>
      %and3A_798 = arith.constant 4 : i32
      %and3A_799 = vector.broadcast %and3A_798 : i32 to vector<16xi32>
      %and3A_800 = arith.andi %iota3A, %and3A_799 : vector<16xi32>
      %eq3A_801 = arith.constant 0 : i32
      %eq3A_802 = vector.broadcast %eq3A_801 : i32 to vector<16xi32>
      %eq3A_803 = arith.cmpi eq, %and3A_800, %eq3A_802 : vector<16xi32>
      %broadcast_in_dim3A_804 = arith.constant 4 : i32
      %broadcast_in_dim3A_805 = vector.broadcast %broadcast_in_dim3A_804 : i32 to vector<16xi32>
      %xor3A_806 = arith.xori %iota3A, %broadcast_in_dim3A_805 : vector<16xi32>
      %broadcast_in_dim3A_807 = vector.shape_cast %xor3A_806 : vector<16xi32> to vector<16x1xi32>
      %gather3A_808 = vector.shape_cast %broadcast_in_dim3A_807 : vector<16x1xi32> to vector<16xi32>
      %gather3A_809 = tpu.dynamic_gather %select_n3A_645[%gather3A_808] in [0] : vector<16xf32>, vector<16xi32> -> vector<16xf32>
      %add3A_810 = arith.addf %select_n3A_645, %gather3A_809 : vector<16xf32>
      %xor3A_811 = arith.xori %iota3A, %broadcast_in_dim3A_805 : vector<16xi32>
      %broadcast_in_dim3A_812 = vector.shape_cast %xor3A_811 : vector<16xi32> to vector<16x1xi32>
      %gather3A_813 = vector.shape_cast %broadcast_in_dim3A_812 : vector<16x1xi32> to vector<16xi32>
      %gather3A_814 = tpu.dynamic_gather %select_n3A_702[%gather3A_813] in [0] : vector<16xf32>, vector<16xi32> -> vector<16xf32>
      %add3A_815 = arith.addf %select_n3A_702, %gather3A_814 : vector<16xf32>
      %select_n3A_816 = arith.select %eq3A_803, %add3A_810, %add3A_815 : vector<16xi1>, vector<16xf32>
      %and3A_817 = arith.constant 2 : i32
      %and3A_818 = vector.broadcast %and3A_817 : i32 to vector<16xi32>
      %and3A_819 = arith.andi %iota3A, %and3A_818 : vector<16xi32>
      %eq3A_820 = arith.constant 0 : i32
      %eq3A_821 = vector.broadcast %eq3A_820 : i32 to vector<16xi32>
      %eq3A_822 = arith.cmpi eq, %and3A_819, %eq3A_821 : vector<16xi32>
      %broadcast_in_dim3A_823 = arith.constant 2 : i32
      %broadcast_in_dim3A_824 = vector.broadcast %broadcast_in_dim3A_823 : i32 to vector<16xi32>
      %xor3A_825 = arith.xori %iota3A, %broadcast_in_dim3A_824 : vector<16xi32>
      %broadcast_in_dim3A_826 = vector.shape_cast %xor3A_825 : vector<16xi32> to vector<16x1xi32>
      %gather3A_827 = vector.shape_cast %broadcast_in_dim3A_826 : vector<16x1xi32> to vector<16xi32>
      %gather3A_828 = tpu.dynamic_gather %select_n3A_721[%gather3A_827] in [0] : vector<16xf32>, vector<16xi32> -> vector<16xf32>
      %add3A_829 = arith.addf %select_n3A_721, %gather3A_828 : vector<16xf32>
      %xor3A_830 = arith.xori %iota3A, %broadcast_in_dim3A_824 : vector<16xi32>
      %broadcast_in_dim3A_831 = vector.shape_cast %xor3A_830 : vector<16xi32> to vector<16x1xi32>
      %gather3A_832 = vector.shape_cast %broadcast_in_dim3A_831 : vector<16x1xi32> to vector<16xi32>
      %gather3A_833 = tpu.dynamic_gather %select_n3A_778[%gather3A_832] in [0] : vector<16xf32>, vector<16xi32> -> vector<16xf32>
      %add3A_834 = arith.addf %select_n3A_778, %gather3A_833 : vector<16xf32>
      %select_n3A_835 = arith.select %eq3A_822, %add3A_829, %add3A_834 : vector<16xi1>, vector<16xf32>
      %and3A_836 = arith.constant 2 : i32
      %and3A_837 = vector.broadcast %and3A_836 : i32 to vector<16xi32>
      %and3A_838 = arith.andi %iota3A, %and3A_837 : vector<16xi32>
      %eq3A_839 = arith.constant 0 : i32
      %eq3A_840 = vector.broadcast %eq3A_839 : i32 to vector<16xi32>
      %eq3A_841 = arith.cmpi eq, %and3A_838, %eq3A_840 : vector<16xi32>
      %broadcast_in_dim3A_842 = arith.constant 2 : i32
      %broadcast_in_dim3A_843 = vector.broadcast %broadcast_in_dim3A_842 : i32 to vector<16xi32>
      %xor3A_844 = arith.xori %iota3A, %broadcast_in_dim3A_843 : vector<16xi32>
      %broadcast_in_dim3A_845 = vector.shape_cast %xor3A_844 : vector<16xi32> to vector<16x1xi32>
      %gather3A_846 = vector.shape_cast %broadcast_in_dim3A_845 : vector<16x1xi32> to vector<16xi32>
      %gather3A_847 = tpu.dynamic_gather %select_n3A_740[%gather3A_846] in [0] : vector<16xf32>, vector<16xi32> -> vector<16xf32>
      %add3A_848 = arith.addf %select_n3A_740, %gather3A_847 : vector<16xf32>
      %xor3A_849 = arith.xori %iota3A, %broadcast_in_dim3A_843 : vector<16xi32>
      %broadcast_in_dim3A_850 = vector.shape_cast %xor3A_849 : vector<16xi32> to vector<16x1xi32>
      %gather3A_851 = vector.shape_cast %broadcast_in_dim3A_850 : vector<16x1xi32> to vector<16xi32>
      %gather3A_852 = tpu.dynamic_gather %select_n3A_797[%gather3A_851] in [0] : vector<16xf32>, vector<16xi32> -> vector<16xf32>
      %add3A_853 = arith.addf %select_n3A_797, %gather3A_852 : vector<16xf32>
      %select_n3A_854 = arith.select %eq3A_841, %add3A_848, %add3A_853 : vector<16xi1>, vector<16xf32>
      %and3A_855 = arith.constant 2 : i32
      %and3A_856 = vector.broadcast %and3A_855 : i32 to vector<16xi32>
      %and3A_857 = arith.andi %iota3A, %and3A_856 : vector<16xi32>
      %eq3A_858 = arith.constant 0 : i32
      %eq3A_859 = vector.broadcast %eq3A_858 : i32 to vector<16xi32>
      %eq3A_860 = arith.cmpi eq, %and3A_857, %eq3A_859 : vector<16xi32>
      %broadcast_in_dim3A_861 = arith.constant 2 : i32
      %broadcast_in_dim3A_862 = vector.broadcast %broadcast_in_dim3A_861 : i32 to vector<16xi32>
      %xor3A_863 = arith.xori %iota3A, %broadcast_in_dim3A_862 : vector<16xi32>
      %broadcast_in_dim3A_864 = vector.shape_cast %xor3A_863 : vector<16xi32> to vector<16x1xi32>
      %gather3A_865 = vector.shape_cast %broadcast_in_dim3A_864 : vector<16x1xi32> to vector<16xi32>
      %gather3A_866 = tpu.dynamic_gather %select_n3A_759[%gather3A_865] in [0] : vector<16xf32>, vector<16xi32> -> vector<16xf32>
      %add3A_867 = arith.addf %select_n3A_759, %gather3A_866 : vector<16xf32>
      %xor3A_868 = arith.xori %iota3A, %broadcast_in_dim3A_862 : vector<16xi32>
      %broadcast_in_dim3A_869 = vector.shape_cast %xor3A_868 : vector<16xi32> to vector<16x1xi32>
      %gather3A_870 = vector.shape_cast %broadcast_in_dim3A_869 : vector<16x1xi32> to vector<16xi32>
      %gather3A_871 = tpu.dynamic_gather %select_n3A_816[%gather3A_870] in [0] : vector<16xf32>, vector<16xi32> -> vector<16xf32>
      %add3A_872 = arith.addf %select_n3A_816, %gather3A_871 : vector<16xf32>
      %select_n3A_873 = arith.select %eq3A_860, %add3A_867, %add3A_872 : vector<16xi1>, vector<16xf32>
      %and3A_874 = arith.constant 1 : i32
      %and3A_875 = vector.broadcast %and3A_874 : i32 to vector<16xi32>
      %and3A_876 = arith.andi %iota3A, %and3A_875 : vector<16xi32>
      %eq3A_877 = arith.constant 0 : i32
      %eq3A_878 = vector.broadcast %eq3A_877 : i32 to vector<16xi32>
      %eq3A_879 = arith.cmpi eq, %and3A_876, %eq3A_878 : vector<16xi32>
      %broadcast_in_dim3A_880 = arith.constant 1 : i32
      %broadcast_in_dim3A_881 = vector.broadcast %broadcast_in_dim3A_880 : i32 to vector<16xi32>
      %xor3A_882 = arith.xori %iota3A, %broadcast_in_dim3A_881 : vector<16xi32>
      %broadcast_in_dim3A_883 = vector.shape_cast %xor3A_882 : vector<16xi32> to vector<16x1xi32>
      %gather3A_884 = vector.shape_cast %broadcast_in_dim3A_883 : vector<16x1xi32> to vector<16xi32>
      %gather3A_885 = tpu.dynamic_gather %select_n3A_428[%gather3A_884] in [0] : vector<16xf32>, vector<16xi32> -> vector<16xf32>
      %add3A_886 = arith.addf %select_n3A_428, %gather3A_885 : vector<16xf32>
      %xor3A_887 = arith.xori %iota3A, %broadcast_in_dim3A_881 : vector<16xi32>
      %broadcast_in_dim3A_888 = vector.shape_cast %xor3A_887 : vector<16xi32> to vector<16x1xi32>
      %gather3A_889 = vector.shape_cast %broadcast_in_dim3A_888 : vector<16x1xi32> to vector<16xi32>
      %gather3A_890 = tpu.dynamic_gather %select_n3A_835[%gather3A_889] in [0] : vector<16xf32>, vector<16xi32> -> vector<16xf32>
      %add3A_891 = arith.addf %select_n3A_835, %gather3A_890 : vector<16xf32>
      %select_n3A_892 = arith.select %eq3A_879, %add3A_886, %add3A_891 : vector<16xi1>, vector<16xf32>
      %and3A_893 = arith.constant 1 : i32
      %and3A_894 = vector.broadcast %and3A_893 : i32 to vector<16xi32>
      %and3A_895 = arith.andi %iota3A, %and3A_894 : vector<16xi32>
      %eq3A_896 = arith.constant 0 : i32
      %eq3A_897 = vector.broadcast %eq3A_896 : i32 to vector<16xi32>
      %eq3A_898 = arith.cmpi eq, %and3A_895, %eq3A_897 : vector<16xi32>
      %broadcast_in_dim3A_899 = arith.constant 1 : i32
      %broadcast_in_dim3A_900 = vector.broadcast %broadcast_in_dim3A_899 : i32 to vector<16xi32>
      %xor3A_901 = arith.xori %iota3A, %broadcast_in_dim3A_900 : vector<16xi32>
      %broadcast_in_dim3A_902 = vector.shape_cast %xor3A_901 : vector<16xi32> to vector<16x1xi32>
      %gather3A_903 = vector.shape_cast %broadcast_in_dim3A_902 : vector<16x1xi32> to vector<16xi32>
      %gather3A_904 = tpu.dynamic_gather %select_n3A_447[%gather3A_903] in [0] : vector<16xf32>, vector<16xi32> -> vector<16xf32>
      %add3A_905 = arith.addf %select_n3A_447, %gather3A_904 : vector<16xf32>
      %xor3A_906 = arith.xori %iota3A, %broadcast_in_dim3A_900 : vector<16xi32>
      %broadcast_in_dim3A_907 = vector.shape_cast %xor3A_906 : vector<16xi32> to vector<16x1xi32>
      %gather3A_908 = vector.shape_cast %broadcast_in_dim3A_907 : vector<16x1xi32> to vector<16xi32>
      %gather3A_909 = tpu.dynamic_gather %select_n3A_854[%gather3A_908] in [0] : vector<16xf32>, vector<16xi32> -> vector<16xf32>
      %add3A_910 = arith.addf %select_n3A_854, %gather3A_909 : vector<16xf32>
      %select_n3A_911 = arith.select %eq3A_898, %add3A_905, %add3A_910 : vector<16xi1>, vector<16xf32>
      %and3A_912 = arith.constant 1 : i32
      %and3A_913 = vector.broadcast %and3A_912 : i32 to vector<16xi32>
      %and3A_914 = arith.andi %iota3A, %and3A_913 : vector<16xi32>
      %eq3A_915 = arith.constant 0 : i32
      %eq3A_916 = vector.broadcast %eq3A_915 : i32 to vector<16xi32>
      %eq3A_917 = arith.cmpi eq, %and3A_914, %eq3A_916 : vector<16xi32>
      %broadcast_in_dim3A_918 = arith.constant 1 : i32
      %broadcast_in_dim3A_919 = vector.broadcast %broadcast_in_dim3A_918 : i32 to vector<16xi32>
      %xor3A_920 = arith.xori %iota3A, %broadcast_in_dim3A_919 : vector<16xi32>
      %broadcast_in_dim3A_921 = vector.shape_cast %xor3A_920 : vector<16xi32> to vector<16x1xi32>
      %gather3A_922 = vector.shape_cast %broadcast_in_dim3A_921 : vector<16x1xi32> to vector<16xi32>
      %gather3A_923 = tpu.dynamic_gather %select_n3A_466[%gather3A_922] in [0] : vector<16xf32>, vector<16xi32> -> vector<16xf32>
      %add3A_924 = arith.addf %select_n3A_466, %gather3A_923 : vector<16xf32>
      %xor3A_925 = arith.xori %iota3A, %broadcast_in_dim3A_919 : vector<16xi32>
      %broadcast_in_dim3A_926 = vector.shape_cast %xor3A_925 : vector<16xi32> to vector<16x1xi32>
      %gather3A_927 = vector.shape_cast %broadcast_in_dim3A_926 : vector<16x1xi32> to vector<16xi32>
      %gather3A_928 = tpu.dynamic_gather %select_n3A_873[%gather3A_927] in [0] : vector<16xf32>, vector<16xi32> -> vector<16xf32>
      %add3A_929 = arith.addf %select_n3A_873, %gather3A_928 : vector<16xf32>
      %select_n3A_930 = arith.select %eq3A_917, %add3A_924, %add3A_929 : vector<16xi1>, vector<16xf32>
      %mul3A_931 = arith.constant 16 : i32
      %mul3A_932 = arith.muli %mul3A_64, %mul3A_931 : i32
      %multiple_of3A_933 = tpu.assume_multiple %mul3A_932, 16 : i32
      %get3A = arith.index_cast %multiple_of3A_933 : i32 to index
      %get3A_934 = tpu.vector_load %arg6[%get3A] {strides = array<i32>} : memref<256xi32, #tpu.memory_space<vmem>>, vector<16xi32>,
      %get3A_935 = vector.shape_cast %get3A_934 : vector<16xi32> to vector<16xi32>
      %and3A_936 = arith.constant 1 : i32
      %and3A_937 = vector.broadcast %and3A_936 : i32 to vector<16xi32>
      %and3A_938 = arith.andi %iota3A, %and3A_937 : vector<16xi32>
      %shift_left3A = arith.constant 3 : i32
      %shift_left3A_939 = vector.broadcast %shift_left3A : i32 to vector<16xi32>
      %shift_left3A_940 = arith.shli %and3A_938, %shift_left3A_939 : vector<16xi32>
      %and3A_941 = arith.constant 2 : i32
      %and3A_942 = vector.broadcast %and3A_941 : i32 to vector<16xi32>
      %and3A_943 = arith.andi %iota3A, %and3A_942 : vector<16xi32>
      %shift_left3A_944 = arith.constant 1 : i32
      %shift_left3A_945 = vector.broadcast %shift_left3A_944 : i32 to vector<16xi32>
      %shift_left3A_946 = arith.shli %and3A_943, %shift_left3A_945 : vector<16xi32>
      %or3A = arith.ori %shift_left3A_940, %shift_left3A_946 : vector<16xi32>
      %and3A_947 = arith.constant 4 : i32
      %and3A_948 = vector.broadcast %and3A_947 : i32 to vector<16xi32>
      %and3A_949 = arith.andi %iota3A, %and3A_948 : vector<16xi32>
      %shift_right_logical3A = arith.constant 1 : i32
      %shift_right_logical3A_950 = vector.broadcast %shift_right_logical3A : i32 to vector<16xi32>
      %shift_right_logical3A_951 = arith.shrui %and3A_949, %shift_right_logical3A_950 : vector<16xi32>
      %or3A_952 = arith.ori %or3A, %shift_right_logical3A_951 : vector<16xi32>
      %and3A_953 = arith.constant 8 : i32
      %and3A_954 = vector.broadcast %and3A_953 : i32 to vector<16xi32>
      %and3A_955 = arith.andi %iota3A, %and3A_954 : vector<16xi32>
      %shift_right_logical3A_956 = arith.constant 3 : i32
      %shift_right_logical3A_957 = vector.broadcast %shift_right_logical3A_956 : i32 to vector<16xi32>
      %shift_right_logical3A_958 = arith.shrui %and3A_955, %shift_right_logical3A_957 : vector<16xi32>
      %or3A_959 = arith.ori %or3A_952, %shift_right_logical3A_958 : vector<16xi32>
      %broadcast_in_dim3A_960 = vector.shape_cast %or3A_959 : vector<16xi32> to vector<16x1xi32>
      %gather3A_961 = vector.shape_cast %broadcast_in_dim3A_960 : vector<16x1xi32> to vector<16xi32>
      %gather3A_962 = tpu.dynamic_gather %get3A_935[%gather3A_961] in [0] : vector<16xi32>, vector<16xi32> -> vector<16xi32>
      %ne3A = arith.constant 0 : i32
      %ne3A_963 = vector.broadcast %ne3A : i32 to vector<16xi32>
      %ne3A_964 = arith.cmpi ne, %gather3A_962, %ne3A_963 : vector<16xi32>
      %jit3A = arith.constant 1.000000e+00 : f32
      %jit3A_965 = arith.constant 0.000000e+00 : f32
      %broadcast_in_dim3A_966 = vector.broadcast %jit3A : f32 to vector<16xf32>
      %broadcast_in_dim3A_967 = vector.broadcast %jit3A_965 : f32 to vector<16xf32>
      %select_n3A_968 = arith.select %ne3A_964, %broadcast_in_dim3A_966, %broadcast_in_dim3A_967 : vector<16xi1>, vector<16xf32>
      %max3A = arith.constant 1.000000e-30 : f32
      %max3A_969 = vector.broadcast %max3A : f32 to vector<16xf32>
      %max3A_970 = arith.maximumf %select_n3A_911, %max3A_969 : vector<16xf32>
      %bitcast_convert_type3A = tpu.bitcast %max3A_970 : vector<16xf32> -> vector<16xi32>
      %shift_right_arithmetic3A = arith.constant 1 : i32
      %shift_right_arithmetic3A_971 = vector.broadcast %shift_right_arithmetic3A : i32 to vector<16xi32>
      %shift_right_arithmetic3A_972 = arith.shrsi %bitcast_convert_type3A, %shift_right_arithmetic3A_971 : vector<16xi32>
      %sub3A = arith.constant 1597463007 : i32
      %sub3A_973 = vector.broadcast %sub3A : i32 to vector<16xi32>
      %sub3A_974 = arith.subi %sub3A_973, %shift_right_arithmetic3A_972 : vector<16xi32>
      %bitcast_convert_type3A_975 = tpu.bitcast %sub3A_974 : vector<16xi32> -> vector<16xf32>
      %mul3A_976 = arith.constant 5.000000e-01 : f32
      %mul3A_977 = vector.broadcast %mul3A_976 : f32 to vector<16xf32>
      %mul3A_978 = arith.mulf %mul3A_977, %max3A_970 : vector<16xf32>
      %mul3A_979 = arith.mulf %mul3A_978, %bitcast_convert_type3A_975 : vector<16xf32>
      %mul3A_980 = arith.mulf %mul3A_979, %bitcast_convert_type3A_975 : vector<16xf32>
      %sub3A_981 = arith.constant 1.500000e+00 : f32
      %sub3A_982 = vector.broadcast %sub3A_981 : f32 to vector<16xf32>
      %sub3A_983 = arith.subf %sub3A_982, %mul3A_980 : vector<16xf32>
      %mul3A_984 = arith.mulf %bitcast_convert_type3A_975, %sub3A_983 : vector<16xf32>
      %mul3A_985 = arith.constant 5.000000e-01 : f32
      %mul3A_986 = vector.broadcast %mul3A_985 : f32 to vector<16xf32>
      %mul3A_987 = arith.mulf %mul3A_986, %max3A_970 : vector<16xf32>
      %mul3A_988 = arith.mulf %mul3A_987, %mul3A_984 : vector<16xf32>
      %mul3A_989 = arith.mulf %mul3A_988, %mul3A_984 : vector<16xf32>
      %sub3A_990 = arith.constant 1.500000e+00 : f32
      %sub3A_991 = vector.broadcast %sub3A_990 : f32 to vector<16xf32>
      %sub3A_992 = arith.subf %sub3A_991, %mul3A_989 : vector<16xf32>
      %mul3A_993 = arith.mulf %mul3A_984, %sub3A_992 : vector<16xf32>
      %mul3A_994 = arith.constant 5.000000e-01 : f32
      %mul3A_995 = vector.broadcast %mul3A_994 : f32 to vector<16xf32>
      %mul3A_996 = arith.mulf %mul3A_995, %max3A_970 : vector<16xf32>
      %mul3A_997 = arith.mulf %mul3A_996, %mul3A_993 : vector<16xf32>
      %mul3A_998 = arith.mulf %mul3A_997, %mul3A_993 : vector<16xf32>
      %sub3A_999 = arith.constant 1.500000e+00 : f32
      %sub3A_1000 = vector.broadcast %sub3A_999 : f32 to vector<16xf32>
      %sub3A_1001 = arith.subf %sub3A_1000, %mul3A_998 : vector<16xf32>
      %mul3A_1002 = arith.mulf %mul3A_993, %sub3A_1001 : vector<16xf32>
      %mul3A_1003 = arith.mulf %select_n3A_911, %mul3A_1002 : vector<16xf32>
      %max3A_1004 = arith.constant 9.99999993E-9 : f32
      %max3A_1005 = vector.broadcast %max3A_1004 : f32 to vector<16xf32>
      %max3A_1006 = arith.maximumf %mul3A_1003, %max3A_1005 : vector<16xf32>
      %max3A_1007 = arith.constant 1.000000e-30 : f32
      %max3A_1008 = vector.broadcast %max3A_1007 : f32 to vector<16xf32>
      %max3A_1009 = arith.maximumf %select_n3A_930, %max3A_1008 : vector<16xf32>
      %bitcast_convert_type3A_1010 = tpu.bitcast %max3A_1009 : vector<16xf32> -> vector<16xi32>
      %shift_right_arithmetic3A_1011 = arith.constant 1 : i32
      %shift_right_arithmetic3A_1012 = vector.broadcast %shift_right_arithmetic3A_1011 : i32 to vector<16xi32>
      %shift_right_arithmetic3A_1013 = arith.shrsi %bitcast_convert_type3A_1010, %shift_right_arithmetic3A_1012 : vector<16xi32>
      %sub3A_1014 = arith.constant 1597463007 : i32
      %sub3A_1015 = vector.broadcast %sub3A_1014 : i32 to vector<16xi32>
      %sub3A_1016 = arith.subi %sub3A_1015, %shift_right_arithmetic3A_1013 : vector<16xi32>
      %bitcast_convert_type3A_1017 = tpu.bitcast %sub3A_1016 : vector<16xi32> -> vector<16xf32>
      %mul3A_1018 = arith.constant 5.000000e-01 : f32
      %mul3A_1019 = vector.broadcast %mul3A_1018 : f32 to vector<16xf32>
      %mul3A_1020 = arith.mulf %mul3A_1019, %max3A_1009 : vector<16xf32>
      %mul3A_1021 = arith.mulf %mul3A_1020, %bitcast_convert_type3A_1017 : vector<16xf32>
      %mul3A_1022 = arith.mulf %mul3A_1021, %bitcast_convert_type3A_1017 : vector<16xf32>
      %sub3A_1023 = arith.constant 1.500000e+00 : f32
      %sub3A_1024 = vector.broadcast %sub3A_1023 : f32 to vector<16xf32>
      %sub3A_1025 = arith.subf %sub3A_1024, %mul3A_1022 : vector<16xf32>
      %mul3A_1026 = arith.mulf %bitcast_convert_type3A_1017, %sub3A_1025 : vector<16xf32>
      %mul3A_1027 = arith.constant 5.000000e-01 : f32
      %mul3A_1028 = vector.broadcast %mul3A_1027 : f32 to vector<16xf32>
      %mul3A_1029 = arith.mulf %mul3A_1028, %max3A_1009 : vector<16xf32>
      %mul3A_1030 = arith.mulf %mul3A_1029, %mul3A_1026 : vector<16xf32>
      %mul3A_1031 = arith.mulf %mul3A_1030, %mul3A_1026 : vector<16xf32>
      %sub3A_1032 = arith.constant 1.500000e+00 : f32
      %sub3A_1033 = vector.broadcast %sub3A_1032 : f32 to vector<16xf32>
      %sub3A_1034 = arith.subf %sub3A_1033, %mul3A_1031 : vector<16xf32>
      %mul3A_1035 = arith.mulf %mul3A_1026, %sub3A_1034 : vector<16xf32>
      %mul3A_1036 = arith.constant 5.000000e-01 : f32
      %mul3A_1037 = vector.broadcast %mul3A_1036 : f32 to vector<16xf32>
      %mul3A_1038 = arith.mulf %mul3A_1037, %max3A_1009 : vector<16xf32>
      %mul3A_1039 = arith.mulf %mul3A_1038, %mul3A_1035 : vector<16xf32>
      %mul3A_1040 = arith.mulf %mul3A_1039, %mul3A_1035 : vector<16xf32>
      %sub3A_1041 = arith.constant 1.500000e+00 : f32
      %sub3A_1042 = vector.broadcast %sub3A_1041 : f32 to vector<16xf32>
      %sub3A_1043 = arith.subf %sub3A_1042, %mul3A_1040 : vector<16xf32>
      %mul3A_1044 = arith.mulf %mul3A_1035, %sub3A_1043 : vector<16xf32>
      %mul3A_1045 = arith.mulf %select_n3A_930, %mul3A_1044 : vector<16xf32>
      %max3A_1046 = arith.constant 9.99999993E-9 : f32
      %max3A_1047 = vector.broadcast %max3A_1046 : f32 to vector<16xf32>
      %max3A_1048 = arith.maximumf %mul3A_1045, %max3A_1047 : vector<16xf32>
      %mul3A_1049 = arith.mulf %max3A_1006, %max3A_1048 : vector<16xf32>
      %div3A = arith.divf %select_n3A_892, %mul3A_1049 : vector<16xf32>
      %sub3A_1050 = arith.constant 1.000000e+00 : f32
      %sub3A_1051 = vector.broadcast %sub3A_1050 : f32 to vector<16xf32>
      %sub3A_1052 = arith.subf %sub3A_1051, %div3A : vector<16xf32>
      %mul3A_1053 = arith.mulf %sub3A_1052, %select_n3A_968 : vector<16xf32>
      %add3A_1054 = arith.addf %scan3A_32, %mul3A_1053 : vector<16xf32>
      %add3A_1055 = arith.addf %scan3A_33, %select_n3A_968 : vector<16xf32>
      %lt3A = arith.constant 7 : i32
      %lt3A_1056 = arith.cmpi slt, %scan3A_31, %lt3A : i32
      %convert_element_type3A = arith.extui %lt3A_1056 : i1 to i32
      %cond3A = arith.constant 0 : i32
      %cond3A_1057 = arith.cmpi ne, %convert_element_type3A, %cond3A : i32
      scf.if %cond3A_1057 {
        %mul3A_2080 = arith.constant 2 : i32
        %mul3A_2081 = arith.muli %mul3A_2080, %scan3A_31 : i32
        %add3A_2082 = arith.constant 2 : i32
        %add3A_2083 = arith.addi %mul3A_2081, %add3A_2082 : i32
        %mul3A_2084 = arith.constant 16 : i32
        %mul3A_2085 = arith.muli %add3A_2083, %mul3A_2084 : i32
        %multiple_of3A_2086 = tpu.assume_multiple %mul3A_2085, 16 : i32
        %mul3A_2087 = arith.constant 16 : i32
        %mul3A_2088 = arith.muli %add3A_2083, %mul3A_2087 : i32
        %add3A_2089 = arith.addi %mul3A_2, %mul3A_2088 : i32
        %multiple_of3A_2090 = tpu.assume_multiple %add3A_2089, 16 : i32
        %dma_start3A_2091 = tpu.memref_slice %arg6[%multiple_of3A_2086] : memref<256xi32, #tpu.memory_space<vmem>> -> memref<16xi32, #tpu.memory_space<vmem>>
        %dma_start3A_2092 = arith.constant 0 : i32
        %dma_start3A_2093 = arith.constant 0 : i32
        %dma_start3A_2094 = tpu.memref_slice %arg4[%dma_start3A_2092, %dma_start3A_2093] : memref<32000x1024xf32, #tpu.memory_space<hbm>> -> memref<32000x1024xf32, #tpu.memory_space<hbm>>
        tpu.enqueue_indirect_dma source(%dma_start3A_2094 : memref<32000x1024xf32, #tpu.memory_space<hbm>>) target(%arg8 : memref<16x1024xf32, #tpu.memory_space<vmem>>) offsets(%dma_start3A_2091 : memref<16xi32, #tpu.memory_space<vmem>>) semaphore(%arg13 : memref<!tpu.dma_semaphore, #tpu.memory_space<semaphore_mem>>)
        %dma_start3A_2095 = arith.constant 0 : i32
        %dma_start3A_2096 = tpu.memref_slice %arg2[%multiple_of3A_2090, %dma_start3A_2095] : memref<8192x1024xf32, #tpu.memory_space<hbm>> -> memref<16x1024xf32, #tpu.memory_space<hbm>>
        %dma_start3A_2097 = arith.constant 0 : i32
        %dma_start3A_2098 = tpu.memref_slice %arg2[%multiple_of3A_2090, %dma_start3A_2097] : memref<8192x1024xf32, #tpu.memory_space<hbm>> -> memref<16x1024xf32, #tpu.memory_space<hbm>>
        tpu.enqueue_dma source(%dma_start3A_2098 : memref<16x1024xf32, #tpu.memory_space<hbm>>) target(%arg7 : memref<16x1024xf32, #tpu.memory_space<vmem>>) target_semaphore(%arg12 : memref<!tpu.dma_semaphore, #tpu.memory_space<semaphore_mem>>)
      } else {
      }
      %dma_wait3A_1058 = arith.constant 0 : i32
      %dma_wait3A_1059 = arith.constant 0 : i32
      %dma_wait3A_1060 = tpu.memref_slice %arg2[%dma_wait3A_1058, %dma_wait3A_1059] : memref<8192x1024xf32, #tpu.memory_space<hbm>> -> memref<16x1024xf32, #tpu.memory_space<hbm>>
      %dma_wait3A_1061 = arith.constant 0 : i32
      %dma_wait3A_1062 = arith.constant 0 : i32
      %dma_wait3A_1063 = tpu.memref_slice %arg2[%dma_wait3A_1061, %dma_wait3A_1062] : memref<8192x1024xf32, #tpu.memory_space<hbm>> -> memref<16x1024xf32, #tpu.memory_space<hbm>>
      tpu.wait_dma2 semaphore(%arg14 : memref<!tpu.dma_semaphore, #tpu.memory_space<semaphore_mem>>) src(%dma_wait3A_1063 : memref<16x1024xf32, #tpu.memory_space<hbm>>) dst(%arg9 : memref<16x1024xf32, #tpu.memory_space<vmem>>)
      %dma_wait3A_1064 = arith.constant 0 : i32
      %dma_wait3A_1065 = tpu.memref_slice %arg6[%dma_wait3A_1064] : memref<256xi32, #tpu.memory_space<vmem>> -> memref<16xi32, #tpu.memory_space<vmem>>
      %dma_wait3A_1066 = arith.constant 0 : i32
      %dma_wait3A_1067 = arith.constant 0 : i32
      %dma_wait3A_1068 = tpu.memref_slice %arg4[%dma_wait3A_1066, %dma_wait3A_1067] : memref<32000x1024xf32, #tpu.memory_space<hbm>> -> memref<32000x1024xf32, #tpu.memory_space<hbm>>
      tpu.wait_indirect_dma semaphore(%arg15 : memref<!tpu.dma_semaphore, #tpu.memory_space<semaphore_mem>>) src(%dma_wait3A_1068 : memref<32000x1024xf32, #tpu.memory_space<hbm>>) dst(%arg10 : memref<16x1024xf32, #tpu.memory_space<vmem>>)
      %mul3A_1069 = arith.constant 2 : i32
      %mul3A_1070 = arith.muli %mul3A_1069, %scan3A_31 : i32
      %add3A_1071 = arith.constant 1 : i32
      %add3A_1072 = arith.addi %mul3A_1070, %add3A_1071 : i32
      %broadcast_in_dim3A_1073 = arith.constant 0.000000e+00 : f32
      %broadcast_in_dim3A_1074 = vector.broadcast %broadcast_in_dim3A_1073 : f32 to vector<16xf32>
      %scan3A_1075 = arith.constant 0 : i32
      %scan3A_1076 = arith.constant 64 : i32
      %scan3A_1077 = arith.addi %scan3A_1075, %scan3A_1076 : i32
      %scan3A_1078 = arith.constant 1 : i32
      %scan3A_1079:24 = scf.for %scan3A_2080 = %scan3A_1075 to %scan3A_1077 step %scan3A_1078 iter_args(%scan3A_2081 = %broadcast_in_dim3A_1074, %scan3A_2082 = %broadcast_in_dim3A_1074, %scan3A_2083 = %broadcast_in_dim3A_1074, %scan3A_2084 = %broadcast_in_dim3A_1074, %scan3A_2085 = %broadcast_in_dim3A_1074, %scan3A_2086 = %broadcast_in_dim3A_1074, %scan3A_2087 = %broadcast_in_dim3A_1074, %scan3A_2088 = %broadcast_in_dim3A_1074, %scan3A_2089 = %broadcast_in_dim3A_1074, %scan3A_2090 = %broadcast_in_dim3A_1074, %scan3A_2091 = %broadcast_in_dim3A_1074, %scan3A_2092 = %broadcast_in_dim3A_1074, %scan3A_2093 = %broadcast_in_dim3A_1074, %scan3A_2094 = %broadcast_in_dim3A_1074, %scan3A_2095 = %broadcast_in_dim3A_1074, %scan3A_2096 = %broadcast_in_dim3A_1074, %scan3A_2097 = %broadcast_in_dim3A_1074, %scan3A_2098 = %broadcast_in_dim3A_1074, %scan3A_2099 = %broadcast_in_dim3A_1074, %scan3A_2100 = %broadcast_in_dim3A_1074, %scan3A_2101 = %broadcast_in_dim3A_1074, %scan3A_2102 = %broadcast_in_dim3A_1074, %scan3A_2103 = %broadcast_in_dim3A_1074, %scan3A_2104 = %broadcast_in_dim3A_1074) -> (vector<16xf32>, vector<16xf32>, vector<16xf32>, vector<16xf32>, vector<16xf32>, vector<16xf32>, vector<16xf32>, vector<16xf32>, vector<16xf32>, vector<16xf32>, vector<16xf32>, vector<16xf32>, vector<16xf32>, vector<16xf32>, vector<16xf32>, vector<16xf32>, vector<16xf32>, vector<16xf32>, vector<16xf32>, vector<16xf32>, vector<16xf32>, vector<16xf32>, vector<16xf32>, vector<16xf32>)  : i32 {
        %mul3A_2105 = arith.constant 16 : i32
        %mul3A_2106 = arith.muli %scan3A_2080, %mul3A_2105 : i32
        %add3A_2107 = arith.constant 0 : i32
        %add3A_2108 = arith.addi %mul3A_2106, %add3A_2107 : i32
        %multiple_of3A_2109 = tpu.assume_multiple %add3A_2108, 16 : i32
        %get3A_2110 = arith.constant 0 : i32
        %get3A_2111 = arith.index_cast %get3A_2110 : i32 to index
        %get3A_2112 = arith.index_cast %multiple_of3A_2109 : i32 to index
        %get3A_2113 = tpu.vector_load %arg9[%get3A_2111, %get3A_2112] {strides = array<i32>} : memref<16x1024xf32, #tpu.memory_space<vmem>>, vector<1x16xf32>,
        %get3A_2114 = vector.shape_cast %get3A_2113 : vector<1x16xf32> to vector<16xf32>
        %get3A_2115 = arith.constant 0 : i32
        %get3A_2116 = arith.index_cast %get3A_2115 : i32 to index
        %get3A_2117 = arith.index_cast %multiple_of3A_2109 : i32 to index
        %get3A_2118 = tpu.vector_load %arg10[%get3A_2116, %get3A_2117] {strides = array<i32>} : memref<16x1024xf32, #tpu.memory_space<vmem>>, vector<1x16xf32>,
        %get3A_2119 = vector.shape_cast %get3A_2118 : vector<1x16xf32> to vector<16xf32>
        %mul3A_2120 = arith.mulf %get3A_2114, %get3A_2119 : vector<16xf32>
        %add3A_2121 = arith.addf %scan3A_2081, %mul3A_2120 : vector<16xf32>
        %mul3A_2122 = arith.mulf %get3A_2114, %get3A_2114 : vector<16xf32>
        %add3A_2123 = arith.addf %scan3A_2082, %mul3A_2122 : vector<16xf32>
        %mul3A_2124 = arith.mulf %get3A_2119, %get3A_2119 : vector<16xf32>
        %add3A_2125 = arith.addf %scan3A_2083, %mul3A_2124 : vector<16xf32>
        %mul3A_2126 = arith.constant 16 : i32
        %mul3A_2127 = arith.muli %scan3A_2080, %mul3A_2126 : i32
        %add3A_2128 = arith.constant 0 : i32
        %add3A_2129 = arith.addi %mul3A_2127, %add3A_2128 : i32
        %multiple_of3A_2130 = tpu.assume_multiple %add3A_2129, 16 : i32
        %get3A_2131 = arith.constant 1 : i32
        %get3A_2132 = arith.index_cast %get3A_2131 : i32 to index
        %get3A_2133 = arith.index_cast %multiple_of3A_2130 : i32 to index
        %get3A_2134 = tpu.vector_load %arg9[%get3A_2132, %get3A_2133] {strides = array<i32>} : memref<16x1024xf32, #tpu.memory_space<vmem>>, vector<1x16xf32>,
        %get3A_2135 = vector.shape_cast %get3A_2134 : vector<1x16xf32> to vector<16xf32>
        %get3A_2136 = arith.constant 1 : i32
        %get3A_2137 = arith.index_cast %get3A_2136 : i32 to index
        %get3A_2138 = arith.index_cast %multiple_of3A_2130 : i32 to index
        %get3A_2139 = tpu.vector_load %arg10[%get3A_2137, %get3A_2138] {strides = array<i32>} : memref<16x1024xf32, #tpu.memory_space<vmem>>, vector<1x16xf32>,
        %get3A_2140 = vector.shape_cast %get3A_2139 : vector<1x16xf32> to vector<16xf32>
        %mul3A_2141 = arith.mulf %get3A_2135, %get3A_2140 : vector<16xf32>
        %add3A_2142 = arith.addf %scan3A_2084, %mul3A_2141 : vector<16xf32>
        %mul3A_2143 = arith.mulf %get3A_2135, %get3A_2135 : vector<16xf32>
        %add3A_2144 = arith.addf %scan3A_2085, %mul3A_2143 : vector<16xf32>
        %mul3A_2145 = arith.mulf %get3A_2140, %get3A_2140 : vector<16xf32>
        %add3A_2146 = arith.addf %scan3A_2086, %mul3A_2145 : vector<16xf32>
        %mul3A_2147 = arith.constant 16 : i32
        %mul3A_2148 = arith.muli %scan3A_2080, %mul3A_2147 : i32
        %add3A_2149 = arith.constant 0 : i32
        %add3A_2150 = arith.addi %mul3A_2148, %add3A_2149 : i32
        %multiple_of3A_2151 = tpu.assume_multiple %add3A_2150, 16 : i32
        %get3A_2152 = arith.constant 2 : i32
        %get3A_2153 = arith.index_cast %get3A_2152 : i32 to index
        %get3A_2154 = arith.index_cast %multiple_of3A_2151 : i32 to index
        %get3A_2155 = tpu.vector_load %arg9[%get3A_2153, %get3A_2154] {strides = array<i32>} : memref<16x1024xf32, #tpu.memory_space<vmem>>, vector<1x16xf32>,
        %get3A_2156 = vector.shape_cast %get3A_2155 : vector<1x16xf32> to vector<16xf32>
        %get3A_2157 = arith.constant 2 : i32
        %get3A_2158 = arith.index_cast %get3A_2157 : i32 to index
        %get3A_2159 = arith.index_cast %multiple_of3A_2151 : i32 to index
        %get3A_2160 = tpu.vector_load %arg10[%get3A_2158, %get3A_2159] {strides = array<i32>} : memref<16x1024xf32, #tpu.memory_space<vmem>>, vector<1x16xf32>,
        %get3A_2161 = vector.shape_cast %get3A_2160 : vector<1x16xf32> to vector<16xf32>
        %mul3A_2162 = arith.mulf %get3A_2156, %get3A_2161 : vector<16xf32>
        %add3A_2163 = arith.addf %scan3A_2087, %mul3A_2162 : vector<16xf32>
        %mul3A_2164 = arith.mulf %get3A_2156, %get3A_2156 : vector<16xf32>
        %add3A_2165 = arith.addf %scan3A_2088, %mul3A_2164 : vector<16xf32>
        %mul3A_2166 = arith.mulf %get3A_2161, %get3A_2161 : vector<16xf32>
        %add3A_2167 = arith.addf %scan3A_2089, %mul3A_2166 : vector<16xf32>
        %mul3A_2168 = arith.constant 16 : i32
        %mul3A_2169 = arith.muli %scan3A_2080, %mul3A_2168 : i32
        %add3A_2170 = arith.constant 0 : i32
        %add3A_2171 = arith.addi %mul3A_2169, %add3A_2170 : i32
        %multiple_of3A_2172 = tpu.assume_multiple %add3A_2171, 16 : i32
        %get3A_2173 = arith.constant 3 : i32
        %get3A_2174 = arith.index_cast %get3A_2173 : i32 to index
        %get3A_2175 = arith.index_cast %multiple_of3A_2172 : i32 to index
        %get3A_2176 = tpu.vector_load %arg9[%get3A_2174, %get3A_2175] {strides = array<i32>} : memref<16x1024xf32, #tpu.memory_space<vmem>>, vector<1x16xf32>,
        %get3A_2177 = vector.shape_cast %get3A_2176 : vector<1x16xf32> to vector<16xf32>
        %get3A_2178 = arith.constant 3 : i32
        %get3A_2179 = arith.index_cast %get3A_2178 : i32 to index
        %get3A_2180 = arith.index_cast %multiple_of3A_2172 : i32 to index
        %get3A_2181 = tpu.vector_load %arg10[%get3A_2179, %get3A_2180] {strides = array<i32>} : memref<16x1024xf32, #tpu.memory_space<vmem>>, vector<1x16xf32>,
        %get3A_2182 = vector.shape_cast %get3A_2181 : vector<1x16xf32> to vector<16xf32>
        %mul3A_2183 = arith.mulf %get3A_2177, %get3A_2182 : vector<16xf32>
        %add3A_2184 = arith.addf %scan3A_2090, %mul3A_2183 : vector<16xf32>
        %mul3A_2185 = arith.mulf %get3A_2177, %get3A_2177 : vector<16xf32>
        %add3A_2186 = arith.addf %scan3A_2091, %mul3A_2185 : vector<16xf32>
        %mul3A_2187 = arith.mulf %get3A_2182, %get3A_2182 : vector<16xf32>
        %add3A_2188 = arith.addf %scan3A_2092, %mul3A_2187 : vector<16xf32>
        %mul3A_2189 = arith.constant 16 : i32
        %mul3A_2190 = arith.muli %scan3A_2080, %mul3A_2189 : i32
        %add3A_2191 = arith.constant 0 : i32
        %add3A_2192 = arith.addi %mul3A_2190, %add3A_2191 : i32
        %multiple_of3A_2193 = tpu.assume_multiple %add3A_2192, 16 : i32
        %get3A_2194 = arith.constant 4 : i32
        %get3A_2195 = arith.index_cast %get3A_2194 : i32 to index
        %get3A_2196 = arith.index_cast %multiple_of3A_2193 : i32 to index
        %get3A_2197 = tpu.vector_load %arg9[%get3A_2195, %get3A_2196] {strides = array<i32>} : memref<16x1024xf32, #tpu.memory_space<vmem>>, vector<1x16xf32>,
        %get3A_2198 = vector.shape_cast %get3A_2197 : vector<1x16xf32> to vector<16xf32>
        %get3A_2199 = arith.constant 4 : i32
        %get3A_2200 = arith.index_cast %get3A_2199 : i32 to index
        %get3A_2201 = arith.index_cast %multiple_of3A_2193 : i32 to index
        %get3A_2202 = tpu.vector_load %arg10[%get3A_2200, %get3A_2201] {strides = array<i32>} : memref<16x1024xf32, #tpu.memory_space<vmem>>, vector<1x16xf32>,
        %get3A_2203 = vector.shape_cast %get3A_2202 : vector<1x16xf32> to vector<16xf32>
        %mul3A_2204 = arith.mulf %get3A_2198, %get3A_2203 : vector<16xf32>
        %add3A_2205 = arith.addf %scan3A_2093, %mul3A_2204 : vector<16xf32>
        %mul3A_2206 = arith.mulf %get3A_2198, %get3A_2198 : vector<16xf32>
        %add3A_2207 = arith.addf %scan3A_2094, %mul3A_2206 : vector<16xf32>
        %mul3A_2208 = arith.mulf %get3A_2203, %get3A_2203 : vector<16xf32>
        %add3A_2209 = arith.addf %scan3A_2095, %mul3A_2208 : vector<16xf32>
        %mul3A_2210 = arith.constant 16 : i32
        %mul3A_2211 = arith.muli %scan3A_2080, %mul3A_2210 : i32
        %add3A_2212 = arith.constant 0 : i32
        %add3A_2213 = arith.addi %mul3A_2211, %add3A_2212 : i32
        %multiple_of3A_2214 = tpu.assume_multiple %add3A_2213, 16 : i32
        %get3A_2215 = arith.constant 5 : i32
        %get3A_2216 = arith.index_cast %get3A_2215 : i32 to index
        %get3A_2217 = arith.index_cast %multiple_of3A_2214 : i32 to index
        %get3A_2218 = tpu.vector_load %arg9[%get3A_2216, %get3A_2217] {strides = array<i32>} : memref<16x1024xf32, #tpu.memory_space<vmem>>, vector<1x16xf32>,
        %get3A_2219 = vector.shape_cast %get3A_2218 : vector<1x16xf32> to vector<16xf32>
        %get3A_2220 = arith.constant 5 : i32
        %get3A_2221 = arith.index_cast %get3A_2220 : i32 to index
        %get3A_2222 = arith.index_cast %multiple_of3A_2214 : i32 to index
        %get3A_2223 = tpu.vector_load %arg10[%get3A_2221, %get3A_2222] {strides = array<i32>} : memref<16x1024xf32, #tpu.memory_space<vmem>>, vector<1x16xf32>,
        %get3A_2224 = vector.shape_cast %get3A_2223 : vector<1x16xf32> to vector<16xf32>
        %mul3A_2225 = arith.mulf %get3A_2219, %get3A_2224 : vector<16xf32>
        %add3A_2226 = arith.addf %scan3A_2096, %mul3A_2225 : vector<16xf32>
        %mul3A_2227 = arith.mulf %get3A_2219, %get3A_2219 : vector<16xf32>
        %add3A_2228 = arith.addf %scan3A_2097, %mul3A_2227 : vector<16xf32>
        %mul3A_2229 = arith.mulf %get3A_2224, %get3A_2224 : vector<16xf32>
        %add3A_2230 = arith.addf %scan3A_2098, %mul3A_2229 : vector<16xf32>
        %mul3A_2231 = arith.constant 16 : i32
        %mul3A_2232 = arith.muli %scan3A_2080, %mul3A_2231 : i32
        %add3A_2233 = arith.constant 0 : i32
        %add3A_2234 = arith.addi %mul3A_2232, %add3A_2233 : i32
        %multiple_of3A_2235 = tpu.assume_multiple %add3A_2234, 16 : i32
        %get3A_2236 = arith.constant 6 : i32
        %get3A_2237 = arith.index_cast %get3A_2236 : i32 to index
        %get3A_2238 = arith.index_cast %multiple_of3A_2235 : i32 to index
        %get3A_2239 = tpu.vector_load %arg9[%get3A_2237, %get3A_2238] {strides = array<i32>} : memref<16x1024xf32, #tpu.memory_space<vmem>>, vector<1x16xf32>,
        %get3A_2240 = vector.shape_cast %get3A_2239 : vector<1x16xf32> to vector<16xf32>
        %get3A_2241 = arith.constant 6 : i32
        %get3A_2242 = arith.index_cast %get3A_2241 : i32 to index
        %get3A_2243 = arith.index_cast %multiple_of3A_2235 : i32 to index
        %get3A_2244 = tpu.vector_load %arg10[%get3A_2242, %get3A_2243] {strides = array<i32>} : memref<16x1024xf32, #tpu.memory_space<vmem>>, vector<1x16xf32>,
        %get3A_2245 = vector.shape_cast %get3A_2244 : vector<1x16xf32> to vector<16xf32>
        %mul3A_2246 = arith.mulf %get3A_2240, %get3A_2245 : vector<16xf32>
        %add3A_2247 = arith.addf %scan3A_2099, %mul3A_2246 : vector<16xf32>
        %mul3A_2248 = arith.mulf %get3A_2240, %get3A_2240 : vector<16xf32>
        %add3A_2249 = arith.addf %scan3A_2100, %mul3A_2248 : vector<16xf32>
        %mul3A_2250 = arith.mulf %get3A_2245, %get3A_2245 : vector<16xf32>
        %add3A_2251 = arith.addf %scan3A_2101, %mul3A_2250 : vector<16xf32>
        %mul3A_2252 = arith.constant 16 : i32
        %mul3A_2253 = arith.muli %scan3A_2080, %mul3A_2252 : i32
        %add3A_2254 = arith.constant 0 : i32
        %add3A_2255 = arith.addi %mul3A_2253, %add3A_2254 : i32
        %multiple_of3A_2256 = tpu.assume_multiple %add3A_2255, 16 : i32
        %get3A_2257 = arith.constant 7 : i32
        %get3A_2258 = arith.index_cast %get3A_2257 : i32 to index
        %get3A_2259 = arith.index_cast %multiple_of3A_2256 : i32 to index
        %get3A_2260 = tpu.vector_load %arg9[%get3A_2258, %get3A_2259] {strides = array<i32>} : memref<16x1024xf32, #tpu.memory_space<vmem>>, vector<1x16xf32>,
        %get3A_2261 = vector.shape_cast %get3A_2260 : vector<1x16xf32> to vector<16xf32>
        %get3A_2262 = arith.constant 7 : i32
        %get3A_2263 = arith.index_cast %get3A_2262 : i32 to index
        %get3A_2264 = arith.index_cast %multiple_of3A_2256 : i32 to index
        %get3A_2265 = tpu.vector_load %arg10[%get3A_2263, %get3A_2264] {strides = array<i32>} : memref<16x1024xf32, #tpu.memory_space<vmem>>, vector<1x16xf32>,
        %get3A_2266 = vector.shape_cast %get3A_2265 : vector<1x16xf32> to vector<16xf32>
        %mul3A_2267 = arith.mulf %get3A_2261, %get3A_2266 : vector<16xf32>
        %add3A_2268 = arith.addf %scan3A_2102, %mul3A_2267 : vector<16xf32>
        %mul3A_2269 = arith.mulf %get3A_2261, %get3A_2261 : vector<16xf32>
        %add3A_2270 = arith.addf %scan3A_2103, %mul3A_2269 : vector<16xf32>
        %mul3A_2271 = arith.mulf %get3A_2266, %get3A_2266 : vector<16xf32>
        %add3A_2272 = arith.addf %scan3A_2104, %mul3A_2271 : vector<16xf32>
        scf.yield %add3A_2121, %add3A_2123, %add3A_2125, %add3A_2142, %add3A_2144, %add3A_2146, %add3A_2163, %add3A_2165, %add3A_2167, %add3A_2184, %add3A_2186, %add3A_2188, %add3A_2205, %add3A_2207, %add3A_2209, %add3A_2226, %add3A_2228, %add3A_2230, %add3A_2247, %add3A_2249, %add3A_2251, %add3A_2268, %add3A_2270, %add3A_2272 : vector<16xf32>, vector<16xf32>, vector<16xf32>, vector<16xf32>, vector<16xf32>, vector<16xf32>, vector<16xf32>, vector<16xf32>, vector<16xf32>, vector<16xf32>, vector<16xf32>, vector<16xf32>, vector<16xf32>, vector<16xf32>, vector<16xf32>, vector<16xf32>, vector<16xf32>, vector<16xf32>, vector<16xf32>, vector<16xf32>, vector<16xf32>, vector<16xf32>, vector<16xf32>, vector<16xf32>
      }
      %scan3A_1080 = arith.constant 64 : i32
      %and3A_1081 = arith.constant 8 : i32
      %and3A_1082 = vector.broadcast %and3A_1081 : i32 to vector<16xi32>
      %and3A_1083 = arith.andi %iota3A, %and3A_1082 : vector<16xi32>
      %eq3A_1084 = arith.constant 0 : i32
      %eq3A_1085 = vector.broadcast %eq3A_1084 : i32 to vector<16xi32>
      %eq3A_1086 = arith.cmpi eq, %and3A_1083, %eq3A_1085 : vector<16xi32>
      %broadcast_in_dim3A_1087 = arith.constant 8 : i32
      %broadcast_in_dim3A_1088 = vector.broadcast %broadcast_in_dim3A_1087 : i32 to vector<16xi32>
      %xor3A_1089 = arith.xori %iota3A, %broadcast_in_dim3A_1088 : vector<16xi32>
      %broadcast_in_dim3A_1090 = vector.shape_cast %xor3A_1089 : vector<16xi32> to vector<16x1xi32>
      %gather3A_1091 = vector.shape_cast %broadcast_in_dim3A_1090 : vector<16x1xi32> to vector<16xi32>
      %gather3A_1092 = tpu.dynamic_gather %scan3A_1079#0[%gather3A_1091] in [0] : vector<16xf32>, vector<16xi32> -> vector<16xf32>
      %add3A_1093 = arith.addf %scan3A_1079#0, %gather3A_1092 : vector<16xf32>
      %xor3A_1094 = arith.xori %iota3A, %broadcast_in_dim3A_1088 : vector<16xi32>
      %broadcast_in_dim3A_1095 = vector.shape_cast %xor3A_1094 : vector<16xi32> to vector<16x1xi32>
      %gather3A_1096 = vector.shape_cast %broadcast_in_dim3A_1095 : vector<16x1xi32> to vector<16xi32>
      %gather3A_1097 = tpu.dynamic_gather %scan3A_1079#3[%gather3A_1096] in [0] : vector<16xf32>, vector<16xi32> -> vector<16xf32>
      %add3A_1098 = arith.addf %scan3A_1079#3, %gather3A_1097 : vector<16xf32>
      %select_n3A_1099 = arith.select %eq3A_1086, %add3A_1093, %add3A_1098 : vector<16xi1>, vector<16xf32>
      %and3A_1100 = arith.constant 8 : i32
      %and3A_1101 = vector.broadcast %and3A_1100 : i32 to vector<16xi32>
      %and3A_1102 = arith.andi %iota3A, %and3A_1101 : vector<16xi32>
      %eq3A_1103 = arith.constant 0 : i32
      %eq3A_1104 = vector.broadcast %eq3A_1103 : i32 to vector<16xi32>
      %eq3A_1105 = arith.cmpi eq, %and3A_1102, %eq3A_1104 : vector<16xi32>
      %broadcast_in_dim3A_1106 = arith.constant 8 : i32
      %broadcast_in_dim3A_1107 = vector.broadcast %broadcast_in_dim3A_1106 : i32 to vector<16xi32>
      %xor3A_1108 = arith.xori %iota3A, %broadcast_in_dim3A_1107 : vector<16xi32>
      %broadcast_in_dim3A_1109 = vector.shape_cast %xor3A_1108 : vector<16xi32> to vector<16x1xi32>
      %gather3A_1110 = vector.shape_cast %broadcast_in_dim3A_1109 : vector<16x1xi32> to vector<16xi32>
      %gather3A_1111 = tpu.dynamic_gather %scan3A_1079#1[%gather3A_1110] in [0] : vector<16xf32>, vector<16xi32> -> vector<16xf32>
      %add3A_1112 = arith.addf %scan3A_1079#1, %gather3A_1111 : vector<16xf32>
      %xor3A_1113 = arith.xori %iota3A, %broadcast_in_dim3A_1107 : vector<16xi32>
      %broadcast_in_dim3A_1114 = vector.shape_cast %xor3A_1113 : vector<16xi32> to vector<16x1xi32>
      %gather3A_1115 = vector.shape_cast %broadcast_in_dim3A_1114 : vector<16x1xi32> to vector<16xi32>
      %gather3A_1116 = tpu.dynamic_gather %scan3A_1079#4[%gather3A_1115] in [0] : vector<16xf32>, vector<16xi32> -> vector<16xf32>
      %add3A_1117 = arith.addf %scan3A_1079#4, %gather3A_1116 : vector<16xf32>
      %select_n3A_1118 = arith.select %eq3A_1105, %add3A_1112, %add3A_1117 : vector<16xi1>, vector<16xf32>
      %and3A_1119 = arith.constant 8 : i32
      %and3A_1120 = vector.broadcast %and3A_1119 : i32 to vector<16xi32>
      %and3A_1121 = arith.andi %iota3A, %and3A_1120 : vector<16xi32>
      %eq3A_1122 = arith.constant 0 : i32
      %eq3A_1123 = vector.broadcast %eq3A_1122 : i32 to vector<16xi32>
      %eq3A_1124 = arith.cmpi eq, %and3A_1121, %eq3A_1123 : vector<16xi32>
      %broadcast_in_dim3A_1125 = arith.constant 8 : i32
      %broadcast_in_dim3A_1126 = vector.broadcast %broadcast_in_dim3A_1125 : i32 to vector<16xi32>
      %xor3A_1127 = arith.xori %iota3A, %broadcast_in_dim3A_1126 : vector<16xi32>
      %broadcast_in_dim3A_1128 = vector.shape_cast %xor3A_1127 : vector<16xi32> to vector<16x1xi32>
      %gather3A_1129 = vector.shape_cast %broadcast_in_dim3A_1128 : vector<16x1xi32> to vector<16xi32>
      %gather3A_1130 = tpu.dynamic_gather %scan3A_1079#2[%gather3A_1129] in [0] : vector<16xf32>, vector<16xi32> -> vector<16xf32>
      %add3A_1131 = arith.addf %scan3A_1079#2, %gather3A_1130 : vector<16xf32>
      %xor3A_1132 = arith.xori %iota3A, %broadcast_in_dim3A_1126 : vector<16xi32>
      %broadcast_in_dim3A_1133 = vector.shape_cast %xor3A_1132 : vector<16xi32> to vector<16x1xi32>
      %gather3A_1134 = vector.shape_cast %broadcast_in_dim3A_1133 : vector<16x1xi32> to vector<16xi32>
      %gather3A_1135 = tpu.dynamic_gather %scan3A_1079#5[%gather3A_1134] in [0] : vector<16xf32>, vector<16xi32> -> vector<16xf32>
      %add3A_1136 = arith.addf %scan3A_1079#5, %gather3A_1135 : vector<16xf32>
      %select_n3A_1137 = arith.select %eq3A_1124, %add3A_1131, %add3A_1136 : vector<16xi1>, vector<16xf32>
      %and3A_1138 = arith.constant 8 : i32
      %and3A_1139 = vector.broadcast %and3A_1138 : i32 to vector<16xi32>
      %and3A_1140 = arith.andi %iota3A, %and3A_1139 : vector<16xi32>
      %eq3A_1141 = arith.constant 0 : i32
      %eq3A_1142 = vector.broadcast %eq3A_1141 : i32 to vector<16xi32>
      %eq3A_1143 = arith.cmpi eq, %and3A_1140, %eq3A_1142 : vector<16xi32>
      %broadcast_in_dim3A_1144 = arith.constant 8 : i32
      %broadcast_in_dim3A_1145 = vector.broadcast %broadcast_in_dim3A_1144 : i32 to vector<16xi32>
      %xor3A_1146 = arith.xori %iota3A, %broadcast_in_dim3A_1145 : vector<16xi32>
      %broadcast_in_dim3A_1147 = vector.shape_cast %xor3A_1146 : vector<16xi32> to vector<16x1xi32>
      %gather3A_1148 = vector.shape_cast %broadcast_in_dim3A_1147 : vector<16x1xi32> to vector<16xi32>
      %gather3A_1149 = tpu.dynamic_gather %scan3A_1079#6[%gather3A_1148] in [0] : vector<16xf32>, vector<16xi32> -> vector<16xf32>
      %add3A_1150 = arith.addf %scan3A_1079#6, %gather3A_1149 : vector<16xf32>
      %xor3A_1151 = arith.xori %iota3A, %broadcast_in_dim3A_1145 : vector<16xi32>
      %broadcast_in_dim3A_1152 = vector.shape_cast %xor3A_1151 : vector<16xi32> to vector<16x1xi32>
      %gather3A_1153 = vector.shape_cast %broadcast_in_dim3A_1152 : vector<16x1xi32> to vector<16xi32>
      %gather3A_1154 = tpu.dynamic_gather %scan3A_1079#9[%gather3A_1153] in [0] : vector<16xf32>, vector<16xi32> -> vector<16xf32>
      %add3A_1155 = arith.addf %scan3A_1079#9, %gather3A_1154 : vector<16xf32>
      %select_n3A_1156 = arith.select %eq3A_1143, %add3A_1150, %add3A_1155 : vector<16xi1>, vector<16xf32>
      %and3A_1157 = arith.constant 8 : i32
      %and3A_1158 = vector.broadcast %and3A_1157 : i32 to vector<16xi32>
      %and3A_1159 = arith.andi %iota3A, %and3A_1158 : vector<16xi32>
      %eq3A_1160 = arith.constant 0 : i32
      %eq3A_1161 = vector.broadcast %eq3A_1160 : i32 to vector<16xi32>
      %eq3A_1162 = arith.cmpi eq, %and3A_1159, %eq3A_1161 : vector<16xi32>
      %broadcast_in_dim3A_1163 = arith.constant 8 : i32
      %broadcast_in_dim3A_1164 = vector.broadcast %broadcast_in_dim3A_1163 : i32 to vector<16xi32>
      %xor3A_1165 = arith.xori %iota3A, %broadcast_in_dim3A_1164 : vector<16xi32>
      %broadcast_in_dim3A_1166 = vector.shape_cast %xor3A_1165 : vector<16xi32> to vector<16x1xi32>
      %gather3A_1167 = vector.shape_cast %broadcast_in_dim3A_1166 : vector<16x1xi32> to vector<16xi32>
      %gather3A_1168 = tpu.dynamic_gather %scan3A_1079#7[%gather3A_1167] in [0] : vector<16xf32>, vector<16xi32> -> vector<16xf32>
      %add3A_1169 = arith.addf %scan3A_1079#7, %gather3A_1168 : vector<16xf32>
      %xor3A_1170 = arith.xori %iota3A, %broadcast_in_dim3A_1164 : vector<16xi32>
      %broadcast_in_dim3A_1171 = vector.shape_cast %xor3A_1170 : vector<16xi32> to vector<16x1xi32>
      %gather3A_1172 = vector.shape_cast %broadcast_in_dim3A_1171 : vector<16x1xi32> to vector<16xi32>
      %gather3A_1173 = tpu.dynamic_gather %scan3A_1079#10[%gather3A_1172] in [0] : vector<16xf32>, vector<16xi32> -> vector<16xf32>
      %add3A_1174 = arith.addf %scan3A_1079#10, %gather3A_1173 : vector<16xf32>
      %select_n3A_1175 = arith.select %eq3A_1162, %add3A_1169, %add3A_1174 : vector<16xi1>, vector<16xf32>
      %and3A_1176 = arith.constant 8 : i32
      %and3A_1177 = vector.broadcast %and3A_1176 : i32 to vector<16xi32>
      %and3A_1178 = arith.andi %iota3A, %and3A_1177 : vector<16xi32>
      %eq3A_1179 = arith.constant 0 : i32
      %eq3A_1180 = vector.broadcast %eq3A_1179 : i32 to vector<16xi32>
      %eq3A_1181 = arith.cmpi eq, %and3A_1178, %eq3A_1180 : vector<16xi32>
      %broadcast_in_dim3A_1182 = arith.constant 8 : i32
      %broadcast_in_dim3A_1183 = vector.broadcast %broadcast_in_dim3A_1182 : i32 to vector<16xi32>
      %xor3A_1184 = arith.xori %iota3A, %broadcast_in_dim3A_1183 : vector<16xi32>
      %broadcast_in_dim3A_1185 = vector.shape_cast %xor3A_1184 : vector<16xi32> to vector<16x1xi32>
      %gather3A_1186 = vector.shape_cast %broadcast_in_dim3A_1185 : vector<16x1xi32> to vector<16xi32>
      %gather3A_1187 = tpu.dynamic_gather %scan3A_1079#8[%gather3A_1186] in [0] : vector<16xf32>, vector<16xi32> -> vector<16xf32>
      %add3A_1188 = arith.addf %scan3A_1079#8, %gather3A_1187 : vector<16xf32>
      %xor3A_1189 = arith.xori %iota3A, %broadcast_in_dim3A_1183 : vector<16xi32>
      %broadcast_in_dim3A_1190 = vector.shape_cast %xor3A_1189 : vector<16xi32> to vector<16x1xi32>
      %gather3A_1191 = vector.shape_cast %broadcast_in_dim3A_1190 : vector<16x1xi32> to vector<16xi32>
      %gather3A_1192 = tpu.dynamic_gather %scan3A_1079#11[%gather3A_1191] in [0] : vector<16xf32>, vector<16xi32> -> vector<16xf32>
      %add3A_1193 = arith.addf %scan3A_1079#11, %gather3A_1192 : vector<16xf32>
      %select_n3A_1194 = arith.select %eq3A_1181, %add3A_1188, %add3A_1193 : vector<16xi1>, vector<16xf32>
      %and3A_1195 = arith.constant 8 : i32
      %and3A_1196 = vector.broadcast %and3A_1195 : i32 to vector<16xi32>
      %and3A_1197 = arith.andi %iota3A, %and3A_1196 : vector<16xi32>
      %eq3A_1198 = arith.constant 0 : i32
      %eq3A_1199 = vector.broadcast %eq3A_1198 : i32 to vector<16xi32>
      %eq3A_1200 = arith.cmpi eq, %and3A_1197, %eq3A_1199 : vector<16xi32>
      %broadcast_in_dim3A_1201 = arith.constant 8 : i32
      %broadcast_in_dim3A_1202 = vector.broadcast %broadcast_in_dim3A_1201 : i32 to vector<16xi32>
      %xor3A_1203 = arith.xori %iota3A, %broadcast_in_dim3A_1202 : vector<16xi32>
      %broadcast_in_dim3A_1204 = vector.shape_cast %xor3A_1203 : vector<16xi32> to vector<16x1xi32>
      %gather3A_1205 = vector.shape_cast %broadcast_in_dim3A_1204 : vector<16x1xi32> to vector<16xi32>
      %gather3A_1206 = tpu.dynamic_gather %scan3A_1079#12[%gather3A_1205] in [0] : vector<16xf32>, vector<16xi32> -> vector<16xf32>
      %add3A_1207 = arith.addf %scan3A_1079#12, %gather3A_1206 : vector<16xf32>
      %xor3A_1208 = arith.xori %iota3A, %broadcast_in_dim3A_1202 : vector<16xi32>
      %broadcast_in_dim3A_1209 = vector.shape_cast %xor3A_1208 : vector<16xi32> to vector<16x1xi32>
      %gather3A_1210 = vector.shape_cast %broadcast_in_dim3A_1209 : vector<16x1xi32> to vector<16xi32>
      %gather3A_1211 = tpu.dynamic_gather %scan3A_1079#15[%gather3A_1210] in [0] : vector<16xf32>, vector<16xi32> -> vector<16xf32>
      %add3A_1212 = arith.addf %scan3A_1079#15, %gather3A_1211 : vector<16xf32>
      %select_n3A_1213 = arith.select %eq3A_1200, %add3A_1207, %add3A_1212 : vector<16xi1>, vector<16xf32>
      %and3A_1214 = arith.constant 8 : i32
      %and3A_1215 = vector.broadcast %and3A_1214 : i32 to vector<16xi32>
      %and3A_1216 = arith.andi %iota3A, %and3A_1215 : vector<16xi32>
      %eq3A_1217 = arith.constant 0 : i32
      %eq3A_1218 = vector.broadcast %eq3A_1217 : i32 to vector<16xi32>
      %eq3A_1219 = arith.cmpi eq, %and3A_1216, %eq3A_1218 : vector<16xi32>
      %broadcast_in_dim3A_1220 = arith.constant 8 : i32
      %broadcast_in_dim3A_1221 = vector.broadcast %broadcast_in_dim3A_1220 : i32 to vector<16xi32>
      %xor3A_1222 = arith.xori %iota3A, %broadcast_in_dim3A_1221 : vector<16xi32>
      %broadcast_in_dim3A_1223 = vector.shape_cast %xor3A_1222 : vector<16xi32> to vector<16x1xi32>
      %gather3A_1224 = vector.shape_cast %broadcast_in_dim3A_1223 : vector<16x1xi32> to vector<16xi32>
      %gather3A_1225 = tpu.dynamic_gather %scan3A_1079#13[%gather3A_1224] in [0] : vector<16xf32>, vector<16xi32> -> vector<16xf32>
      %add3A_1226 = arith.addf %scan3A_1079#13, %gather3A_1225 : vector<16xf32>
      %xor3A_1227 = arith.xori %iota3A, %broadcast_in_dim3A_1221 : vector<16xi32>
      %broadcast_in_dim3A_1228 = vector.shape_cast %xor3A_1227 : vector<16xi32> to vector<16x1xi32>
      %gather3A_1229 = vector.shape_cast %broadcast_in_dim3A_1228 : vector<16x1xi32> to vector<16xi32>
      %gather3A_1230 = tpu.dynamic_gather %scan3A_1079#16[%gather3A_1229] in [0] : vector<16xf32>, vector<16xi32> -> vector<16xf32>
      %add3A_1231 = arith.addf %scan3A_1079#16, %gather3A_1230 : vector<16xf32>
      %select_n3A_1232 = arith.select %eq3A_1219, %add3A_1226, %add3A_1231 : vector<16xi1>, vector<16xf32>
      %and3A_1233 = arith.constant 8 : i32
      %and3A_1234 = vector.broadcast %and3A_1233 : i32 to vector<16xi32>
      %and3A_1235 = arith.andi %iota3A, %and3A_1234 : vector<16xi32>
      %eq3A_1236 = arith.constant 0 : i32
      %eq3A_1237 = vector.broadcast %eq3A_1236 : i32 to vector<16xi32>
      %eq3A_1238 = arith.cmpi eq, %and3A_1235, %eq3A_1237 : vector<16xi32>
      %broadcast_in_dim3A_1239 = arith.constant 8 : i32
      %broadcast_in_dim3A_1240 = vector.broadcast %broadcast_in_dim3A_1239 : i32 to vector<16xi32>
      %xor3A_1241 = arith.xori %iota3A, %broadcast_in_dim3A_1240 : vector<16xi32>
      %broadcast_in_dim3A_1242 = vector.shape_cast %xor3A_1241 : vector<16xi32> to vector<16x1xi32>
      %gather3A_1243 = vector.shape_cast %broadcast_in_dim3A_1242 : vector<16x1xi32> to vector<16xi32>
      %gather3A_1244 = tpu.dynamic_gather %scan3A_1079#14[%gather3A_1243] in [0] : vector<16xf32>, vector<16xi32> -> vector<16xf32>
      %add3A_1245 = arith.addf %scan3A_1079#14, %gather3A_1244 : vector<16xf32>
      %xor3A_1246 = arith.xori %iota3A, %broadcast_in_dim3A_1240 : vector<16xi32>
      %broadcast_in_dim3A_1247 = vector.shape_cast %xor3A_1246 : vector<16xi32> to vector<16x1xi32>
      %gather3A_1248 = vector.shape_cast %broadcast_in_dim3A_1247 : vector<16x1xi32> to vector<16xi32>
      %gather3A_1249 = tpu.dynamic_gather %scan3A_1079#17[%gather3A_1248] in [0] : vector<16xf32>, vector<16xi32> -> vector<16xf32>
      %add3A_1250 = arith.addf %scan3A_1079#17, %gather3A_1249 : vector<16xf32>
      %select_n3A_1251 = arith.select %eq3A_1238, %add3A_1245, %add3A_1250 : vector<16xi1>, vector<16xf32>
      %and3A_1252 = arith.constant 8 : i32
      %and3A_1253 = vector.broadcast %and3A_1252 : i32 to vector<16xi32>
      %and3A_1254 = arith.andi %iota3A, %and3A_1253 : vector<16xi32>
      %eq3A_1255 = arith.constant 0 : i32
      %eq3A_1256 = vector.broadcast %eq3A_1255 : i32 to vector<16xi32>
      %eq3A_1257 = arith.cmpi eq, %and3A_1254, %eq3A_1256 : vector<16xi32>
      %broadcast_in_dim3A_1258 = arith.constant 8 : i32
      %broadcast_in_dim3A_1259 = vector.broadcast %broadcast_in_dim3A_1258 : i32 to vector<16xi32>
      %xor3A_1260 = arith.xori %iota3A, %broadcast_in_dim3A_1259 : vector<16xi32>
      %broadcast_in_dim3A_1261 = vector.shape_cast %xor3A_1260 : vector<16xi32> to vector<16x1xi32>
      %gather3A_1262 = vector.shape_cast %broadcast_in_dim3A_1261 : vector<16x1xi32> to vector<16xi32>
      %gather3A_1263 = tpu.dynamic_gather %scan3A_1079#18[%gather3A_1262] in [0] : vector<16xf32>, vector<16xi32> -> vector<16xf32>
      %add3A_1264 = arith.addf %scan3A_1079#18, %gather3A_1263 : vector<16xf32>
      %xor3A_1265 = arith.xori %iota3A, %broadcast_in_dim3A_1259 : vector<16xi32>
      %broadcast_in_dim3A_1266 = vector.shape_cast %xor3A_1265 : vector<16xi32> to vector<16x1xi32>
      %gather3A_1267 = vector.shape_cast %broadcast_in_dim3A_1266 : vector<16x1xi32> to vector<16xi32>
      %gather3A_1268 = tpu.dynamic_gather %scan3A_1079#21[%gather3A_1267] in [0] : vector<16xf32>, vector<16xi32> -> vector<16xf32>
      %add3A_1269 = arith.addf %scan3A_1079#21, %gather3A_1268 : vector<16xf32>
      %select_n3A_1270 = arith.select %eq3A_1257, %add3A_1264, %add3A_1269 : vector<16xi1>, vector<16xf32>
      %and3A_1271 = arith.constant 8 : i32
      %and3A_1272 = vector.broadcast %and3A_1271 : i32 to vector<16xi32>
      %and3A_1273 = arith.andi %iota3A, %and3A_1272 : vector<16xi32>
      %eq3A_1274 = arith.constant 0 : i32
      %eq3A_1275 = vector.broadcast %eq3A_1274 : i32 to vector<16xi32>
      %eq3A_1276 = arith.cmpi eq, %and3A_1273, %eq3A_1275 : vector<16xi32>
      %broadcast_in_dim3A_1277 = arith.constant 8 : i32
      %broadcast_in_dim3A_1278 = vector.broadcast %broadcast_in_dim3A_1277 : i32 to vector<16xi32>
      %xor3A_1279 = arith.xori %iota3A, %broadcast_in_dim3A_1278 : vector<16xi32>
      %broadcast_in_dim3A_1280 = vector.shape_cast %xor3A_1279 : vector<16xi32> to vector<16x1xi32>
      %gather3A_1281 = vector.shape_cast %broadcast_in_dim3A_1280 : vector<16x1xi32> to vector<16xi32>
      %gather3A_1282 = tpu.dynamic_gather %scan3A_1079#19[%gather3A_1281] in [0] : vector<16xf32>, vector<16xi32> -> vector<16xf32>
      %add3A_1283 = arith.addf %scan3A_1079#19, %gather3A_1282 : vector<16xf32>
      %xor3A_1284 = arith.xori %iota3A, %broadcast_in_dim3A_1278 : vector<16xi32>
      %broadcast_in_dim3A_1285 = vector.shape_cast %xor3A_1284 : vector<16xi32> to vector<16x1xi32>
      %gather3A_1286 = vector.shape_cast %broadcast_in_dim3A_1285 : vector<16x1xi32> to vector<16xi32>
      %gather3A_1287 = tpu.dynamic_gather %scan3A_1079#22[%gather3A_1286] in [0] : vector<16xf32>, vector<16xi32> -> vector<16xf32>
      %add3A_1288 = arith.addf %scan3A_1079#22, %gather3A_1287 : vector<16xf32>
      %select_n3A_1289 = arith.select %eq3A_1276, %add3A_1283, %add3A_1288 : vector<16xi1>, vector<16xf32>
      %and3A_1290 = arith.constant 8 : i32
      %and3A_1291 = vector.broadcast %and3A_1290 : i32 to vector<16xi32>
      %and3A_1292 = arith.andi %iota3A, %and3A_1291 : vector<16xi32>
      %eq3A_1293 = arith.constant 0 : i32
      %eq3A_1294 = vector.broadcast %eq3A_1293 : i32 to vector<16xi32>
      %eq3A_1295 = arith.cmpi eq, %and3A_1292, %eq3A_1294 : vector<16xi32>
      %broadcast_in_dim3A_1296 = arith.constant 8 : i32
      %broadcast_in_dim3A_1297 = vector.broadcast %broadcast_in_dim3A_1296 : i32 to vector<16xi32>
      %xor3A_1298 = arith.xori %iota3A, %broadcast_in_dim3A_1297 : vector<16xi32>
      %broadcast_in_dim3A_1299 = vector.shape_cast %xor3A_1298 : vector<16xi32> to vector<16x1xi32>
      %gather3A_1300 = vector.shape_cast %broadcast_in_dim3A_1299 : vector<16x1xi32> to vector<16xi32>
      %gather3A_1301 = tpu.dynamic_gather %scan3A_1079#20[%gather3A_1300] in [0] : vector<16xf32>, vector<16xi32> -> vector<16xf32>
      %add3A_1302 = arith.addf %scan3A_1079#20, %gather3A_1301 : vector<16xf32>
      %xor3A_1303 = arith.xori %iota3A, %broadcast_in_dim3A_1297 : vector<16xi32>
      %broadcast_in_dim3A_1304 = vector.shape_cast %xor3A_1303 : vector<16xi32> to vector<16x1xi32>
      %gather3A_1305 = vector.shape_cast %broadcast_in_dim3A_1304 : vector<16x1xi32> to vector<16xi32>
      %gather3A_1306 = tpu.dynamic_gather %scan3A_1079#23[%gather3A_1305] in [0] : vector<16xf32>, vector<16xi32> -> vector<16xf32>
      %add3A_1307 = arith.addf %scan3A_1079#23, %gather3A_1306 : vector<16xf32>
      %select_n3A_1308 = arith.select %eq3A_1295, %add3A_1302, %add3A_1307 : vector<16xi1>, vector<16xf32>
      %and3A_1309 = arith.constant 4 : i32
      %and3A_1310 = vector.broadcast %and3A_1309 : i32 to vector<16xi32>
      %and3A_1311 = arith.andi %iota3A, %and3A_1310 : vector<16xi32>
      %eq3A_1312 = arith.constant 0 : i32
      %eq3A_1313 = vector.broadcast %eq3A_1312 : i32 to vector<16xi32>
      %eq3A_1314 = arith.cmpi eq, %and3A_1311, %eq3A_1313 : vector<16xi32>
      %broadcast_in_dim3A_1315 = arith.constant 4 : i32
      %broadcast_in_dim3A_1316 = vector.broadcast %broadcast_in_dim3A_1315 : i32 to vector<16xi32>
      %xor3A_1317 = arith.xori %iota3A, %broadcast_in_dim3A_1316 : vector<16xi32>
      %broadcast_in_dim3A_1318 = vector.shape_cast %xor3A_1317 : vector<16xi32> to vector<16x1xi32>
      %gather3A_1319 = vector.shape_cast %broadcast_in_dim3A_1318 : vector<16x1xi32> to vector<16xi32>
      %gather3A_1320 = tpu.dynamic_gather %select_n3A_1099[%gather3A_1319] in [0] : vector<16xf32>, vector<16xi32> -> vector<16xf32>
      %add3A_1321 = arith.addf %select_n3A_1099, %gather3A_1320 : vector<16xf32>
      %xor3A_1322 = arith.xori %iota3A, %broadcast_in_dim3A_1316 : vector<16xi32>
      %broadcast_in_dim3A_1323 = vector.shape_cast %xor3A_1322 : vector<16xi32> to vector<16x1xi32>
      %gather3A_1324 = vector.shape_cast %broadcast_in_dim3A_1323 : vector<16x1xi32> to vector<16xi32>
      %gather3A_1325 = tpu.dynamic_gather %select_n3A_1156[%gather3A_1324] in [0] : vector<16xf32>, vector<16xi32> -> vector<16xf32>
      %add3A_1326 = arith.addf %select_n3A_1156, %gather3A_1325 : vector<16xf32>
      %select_n3A_1327 = arith.select %eq3A_1314, %add3A_1321, %add3A_1326 : vector<16xi1>, vector<16xf32>
      %and3A_1328 = arith.constant 4 : i32
      %and3A_1329 = vector.broadcast %and3A_1328 : i32 to vector<16xi32>
      %and3A_1330 = arith.andi %iota3A, %and3A_1329 : vector<16xi32>
      %eq3A_1331 = arith.constant 0 : i32
      %eq3A_1332 = vector.broadcast %eq3A_1331 : i32 to vector<16xi32>
      %eq3A_1333 = arith.cmpi eq, %and3A_1330, %eq3A_1332 : vector<16xi32>
      %broadcast_in_dim3A_1334 = arith.constant 4 : i32
      %broadcast_in_dim3A_1335 = vector.broadcast %broadcast_in_dim3A_1334 : i32 to vector<16xi32>
      %xor3A_1336 = arith.xori %iota3A, %broadcast_in_dim3A_1335 : vector<16xi32>
      %broadcast_in_dim3A_1337 = vector.shape_cast %xor3A_1336 : vector<16xi32> to vector<16x1xi32>
      %gather3A_1338 = vector.shape_cast %broadcast_in_dim3A_1337 : vector<16x1xi32> to vector<16xi32>
      %gather3A_1339 = tpu.dynamic_gather %select_n3A_1118[%gather3A_1338] in [0] : vector<16xf32>, vector<16xi32> -> vector<16xf32>
      %add3A_1340 = arith.addf %select_n3A_1118, %gather3A_1339 : vector<16xf32>
      %xor3A_1341 = arith.xori %iota3A, %broadcast_in_dim3A_1335 : vector<16xi32>
      %broadcast_in_dim3A_1342 = vector.shape_cast %xor3A_1341 : vector<16xi32> to vector<16x1xi32>
      %gather3A_1343 = vector.shape_cast %broadcast_in_dim3A_1342 : vector<16x1xi32> to vector<16xi32>
      %gather3A_1344 = tpu.dynamic_gather %select_n3A_1175[%gather3A_1343] in [0] : vector<16xf32>, vector<16xi32> -> vector<16xf32>
      %add3A_1345 = arith.addf %select_n3A_1175, %gather3A_1344 : vector<16xf32>
      %select_n3A_1346 = arith.select %eq3A_1333, %add3A_1340, %add3A_1345 : vector<16xi1>, vector<16xf32>
      %and3A_1347 = arith.constant 4 : i32
      %and3A_1348 = vector.broadcast %and3A_1347 : i32 to vector<16xi32>
      %and3A_1349 = arith.andi %iota3A, %and3A_1348 : vector<16xi32>
      %eq3A_1350 = arith.constant 0 : i32
      %eq3A_1351 = vector.broadcast %eq3A_1350 : i32 to vector<16xi32>
      %eq3A_1352 = arith.cmpi eq, %and3A_1349, %eq3A_1351 : vector<16xi32>
      %broadcast_in_dim3A_1353 = arith.constant 4 : i32
      %broadcast_in_dim3A_1354 = vector.broadcast %broadcast_in_dim3A_1353 : i32 to vector<16xi32>
      %xor3A_1355 = arith.xori %iota3A, %broadcast_in_dim3A_1354 : vector<16xi32>
      %broadcast_in_dim3A_1356 = vector.shape_cast %xor3A_1355 : vector<16xi32> to vector<16x1xi32>
      %gather3A_1357 = vector.shape_cast %broadcast_in_dim3A_1356 : vector<16x1xi32> to vector<16xi32>
      %gather3A_1358 = tpu.dynamic_gather %select_n3A_1137[%gather3A_1357] in [0] : vector<16xf32>, vector<16xi32> -> vector<16xf32>
      %add3A_1359 = arith.addf %select_n3A_1137, %gather3A_1358 : vector<16xf32>
      %xor3A_1360 = arith.xori %iota3A, %broadcast_in_dim3A_1354 : vector<16xi32>
      %broadcast_in_dim3A_1361 = vector.shape_cast %xor3A_1360 : vector<16xi32> to vector<16x1xi32>
      %gather3A_1362 = vector.shape_cast %broadcast_in_dim3A_1361 : vector<16x1xi32> to vector<16xi32>
      %gather3A_1363 = tpu.dynamic_gather %select_n3A_1194[%gather3A_1362] in [0] : vector<16xf32>, vector<16xi32> -> vector<16xf32>
      %add3A_1364 = arith.addf %select_n3A_1194, %gather3A_1363 : vector<16xf32>
      %select_n3A_1365 = arith.select %eq3A_1352, %add3A_1359, %add3A_1364 : vector<16xi1>, vector<16xf32>
      %and3A_1366 = arith.constant 4 : i32
      %and3A_1367 = vector.broadcast %and3A_1366 : i32 to vector<16xi32>
      %and3A_1368 = arith.andi %iota3A, %and3A_1367 : vector<16xi32>
      %eq3A_1369 = arith.constant 0 : i32
      %eq3A_1370 = vector.broadcast %eq3A_1369 : i32 to vector<16xi32>
      %eq3A_1371 = arith.cmpi eq, %and3A_1368, %eq3A_1370 : vector<16xi32>
      %broadcast_in_dim3A_1372 = arith.constant 4 : i32
      %broadcast_in_dim3A_1373 = vector.broadcast %broadcast_in_dim3A_1372 : i32 to vector<16xi32>
      %xor3A_1374 = arith.xori %iota3A, %broadcast_in_dim3A_1373 : vector<16xi32>
      %broadcast_in_dim3A_1375 = vector.shape_cast %xor3A_1374 : vector<16xi32> to vector<16x1xi32>
      %gather3A_1376 = vector.shape_cast %broadcast_in_dim3A_1375 : vector<16x1xi32> to vector<16xi32>
      %gather3A_1377 = tpu.dynamic_gather %select_n3A_1213[%gather3A_1376] in [0] : vector<16xf32>, vector<16xi32> -> vector<16xf32>
      %add3A_1378 = arith.addf %select_n3A_1213, %gather3A_1377 : vector<16xf32>
      %xor3A_1379 = arith.xori %iota3A, %broadcast_in_dim3A_1373 : vector<16xi32>
      %broadcast_in_dim3A_1380 = vector.shape_cast %xor3A_1379 : vector<16xi32> to vector<16x1xi32>
      %gather3A_1381 = vector.shape_cast %broadcast_in_dim3A_1380 : vector<16x1xi32> to vector<16xi32>
      %gather3A_1382 = tpu.dynamic_gather %select_n3A_1270[%gather3A_1381] in [0] : vector<16xf32>, vector<16xi32> -> vector<16xf32>
      %add3A_1383 = arith.addf %select_n3A_1270, %gather3A_1382 : vector<16xf32>
      %select_n3A_1384 = arith.select %eq3A_1371, %add3A_1378, %add3A_1383 : vector<16xi1>, vector<16xf32>
      %and3A_1385 = arith.constant 4 : i32
      %and3A_1386 = vector.broadcast %and3A_1385 : i32 to vector<16xi32>
      %and3A_1387 = arith.andi %iota3A, %and3A_1386 : vector<16xi32>
      %eq3A_1388 = arith.constant 0 : i32
      %eq3A_1389 = vector.broadcast %eq3A_1388 : i32 to vector<16xi32>
      %eq3A_1390 = arith.cmpi eq, %and3A_1387, %eq3A_1389 : vector<16xi32>
      %broadcast_in_dim3A_1391 = arith.constant 4 : i32
      %broadcast_in_dim3A_1392 = vector.broadcast %broadcast_in_dim3A_1391 : i32 to vector<16xi32>
      %xor3A_1393 = arith.xori %iota3A, %broadcast_in_dim3A_1392 : vector<16xi32>
      %broadcast_in_dim3A_1394 = vector.shape_cast %xor3A_1393 : vector<16xi32> to vector<16x1xi32>
      %gather3A_1395 = vector.shape_cast %broadcast_in_dim3A_1394 : vector<16x1xi32> to vector<16xi32>
      %gather3A_1396 = tpu.dynamic_gather %select_n3A_1232[%gather3A_1395] in [0] : vector<16xf32>, vector<16xi32> -> vector<16xf32>
      %add3A_1397 = arith.addf %select_n3A_1232, %gather3A_1396 : vector<16xf32>
      %xor3A_1398 = arith.xori %iota3A, %broadcast_in_dim3A_1392 : vector<16xi32>
      %broadcast_in_dim3A_1399 = vector.shape_cast %xor3A_1398 : vector<16xi32> to vector<16x1xi32>
      %gather3A_1400 = vector.shape_cast %broadcast_in_dim3A_1399 : vector<16x1xi32> to vector<16xi32>
      %gather3A_1401 = tpu.dynamic_gather %select_n3A_1289[%gather3A_1400] in [0] : vector<16xf32>, vector<16xi32> -> vector<16xf32>
      %add3A_1402 = arith.addf %select_n3A_1289, %gather3A_1401 : vector<16xf32>
      %select_n3A_1403 = arith.select %eq3A_1390, %add3A_1397, %add3A_1402 : vector<16xi1>, vector<16xf32>
      %and3A_1404 = arith.constant 4 : i32
      %and3A_1405 = vector.broadcast %and3A_1404 : i32 to vector<16xi32>
      %and3A_1406 = arith.andi %iota3A, %and3A_1405 : vector<16xi32>
      %eq3A_1407 = arith.constant 0 : i32
      %eq3A_1408 = vector.broadcast %eq3A_1407 : i32 to vector<16xi32>
      %eq3A_1409 = arith.cmpi eq, %and3A_1406, %eq3A_1408 : vector<16xi32>
      %broadcast_in_dim3A_1410 = arith.constant 4 : i32
      %broadcast_in_dim3A_1411 = vector.broadcast %broadcast_in_dim3A_1410 : i32 to vector<16xi32>
      %xor3A_1412 = arith.xori %iota3A, %broadcast_in_dim3A_1411 : vector<16xi32>
      %broadcast_in_dim3A_1413 = vector.shape_cast %xor3A_1412 : vector<16xi32> to vector<16x1xi32>
      %gather3A_1414 = vector.shape_cast %broadcast_in_dim3A_1413 : vector<16x1xi32> to vector<16xi32>
      %gather3A_1415 = tpu.dynamic_gather %select_n3A_1251[%gather3A_1414] in [0] : vector<16xf32>, vector<16xi32> -> vector<16xf32>
      %add3A_1416 = arith.addf %select_n3A_1251, %gather3A_1415 : vector<16xf32>
      %xor3A_1417 = arith.xori %iota3A, %broadcast_in_dim3A_1411 : vector<16xi32>
      %broadcast_in_dim3A_1418 = vector.shape_cast %xor3A_1417 : vector<16xi32> to vector<16x1xi32>
      %gather3A_1419 = vector.shape_cast %broadcast_in_dim3A_1418 : vector<16x1xi32> to vector<16xi32>
      %gather3A_1420 = tpu.dynamic_gather %select_n3A_1308[%gather3A_1419] in [0] : vector<16xf32>, vector<16xi32> -> vector<16xf32>
      %add3A_1421 = arith.addf %select_n3A_1308, %gather3A_1420 : vector<16xf32>
      %select_n3A_1422 = arith.select %eq3A_1409, %add3A_1416, %add3A_1421 : vector<16xi1>, vector<16xf32>
      %and3A_1423 = arith.constant 2 : i32
      %and3A_1424 = vector.broadcast %and3A_1423 : i32 to vector<16xi32>
      %and3A_1425 = arith.andi %iota3A, %and3A_1424 : vector<16xi32>
      %eq3A_1426 = arith.constant 0 : i32
      %eq3A_1427 = vector.broadcast %eq3A_1426 : i32 to vector<16xi32>
      %eq3A_1428 = arith.cmpi eq, %and3A_1425, %eq3A_1427 : vector<16xi32>
      %broadcast_in_dim3A_1429 = arith.constant 2 : i32
      %broadcast_in_dim3A_1430 = vector.broadcast %broadcast_in_dim3A_1429 : i32 to vector<16xi32>
      %xor3A_1431 = arith.xori %iota3A, %broadcast_in_dim3A_1430 : vector<16xi32>
      %broadcast_in_dim3A_1432 = vector.shape_cast %xor3A_1431 : vector<16xi32> to vector<16x1xi32>
      %gather3A_1433 = vector.shape_cast %broadcast_in_dim3A_1432 : vector<16x1xi32> to vector<16xi32>
      %gather3A_1434 = tpu.dynamic_gather %select_n3A_1327[%gather3A_1433] in [0] : vector<16xf32>, vector<16xi32> -> vector<16xf32>
      %add3A_1435 = arith.addf %select_n3A_1327, %gather3A_1434 : vector<16xf32>
      %xor3A_1436 = arith.xori %iota3A, %broadcast_in_dim3A_1430 : vector<16xi32>
      %broadcast_in_dim3A_1437 = vector.shape_cast %xor3A_1436 : vector<16xi32> to vector<16x1xi32>
      %gather3A_1438 = vector.shape_cast %broadcast_in_dim3A_1437 : vector<16x1xi32> to vector<16xi32>
      %gather3A_1439 = tpu.dynamic_gather %select_n3A_1384[%gather3A_1438] in [0] : vector<16xf32>, vector<16xi32> -> vector<16xf32>
      %add3A_1440 = arith.addf %select_n3A_1384, %gather3A_1439 : vector<16xf32>
      %select_n3A_1441 = arith.select %eq3A_1428, %add3A_1435, %add3A_1440 : vector<16xi1>, vector<16xf32>
      %and3A_1442 = arith.constant 2 : i32
      %and3A_1443 = vector.broadcast %and3A_1442 : i32 to vector<16xi32>
      %and3A_1444 = arith.andi %iota3A, %and3A_1443 : vector<16xi32>
      %eq3A_1445 = arith.constant 0 : i32
      %eq3A_1446 = vector.broadcast %eq3A_1445 : i32 to vector<16xi32>
      %eq3A_1447 = arith.cmpi eq, %and3A_1444, %eq3A_1446 : vector<16xi32>
      %broadcast_in_dim3A_1448 = arith.constant 2 : i32
      %broadcast_in_dim3A_1449 = vector.broadcast %broadcast_in_dim3A_1448 : i32 to vector<16xi32>
      %xor3A_1450 = arith.xori %iota3A, %broadcast_in_dim3A_1449 : vector<16xi32>
      %broadcast_in_dim3A_1451 = vector.shape_cast %xor3A_1450 : vector<16xi32> to vector<16x1xi32>
      %gather3A_1452 = vector.shape_cast %broadcast_in_dim3A_1451 : vector<16x1xi32> to vector<16xi32>
      %gather3A_1453 = tpu.dynamic_gather %select_n3A_1346[%gather3A_1452] in [0] : vector<16xf32>, vector<16xi32> -> vector<16xf32>
      %add3A_1454 = arith.addf %select_n3A_1346, %gather3A_1453 : vector<16xf32>
      %xor3A_1455 = arith.xori %iota3A, %broadcast_in_dim3A_1449 : vector<16xi32>
      %broadcast_in_dim3A_1456 = vector.shape_cast %xor3A_1455 : vector<16xi32> to vector<16x1xi32>
      %gather3A_1457 = vector.shape_cast %broadcast_in_dim3A_1456 : vector<16x1xi32> to vector<16xi32>
      %gather3A_1458 = tpu.dynamic_gather %select_n3A_1403[%gather3A_1457] in [0] : vector<16xf32>, vector<16xi32> -> vector<16xf32>
      %add3A_1459 = arith.addf %select_n3A_1403, %gather3A_1458 : vector<16xf32>
      %select_n3A_1460 = arith.select %eq3A_1447, %add3A_1454, %add3A_1459 : vector<16xi1>, vector<16xf32>
      %and3A_1461 = arith.constant 2 : i32
      %and3A_1462 = vector.broadcast %and3A_1461 : i32 to vector<16xi32>
      %and3A_1463 = arith.andi %iota3A, %and3A_1462 : vector<16xi32>
      %eq3A_1464 = arith.constant 0 : i32
      %eq3A_1465 = vector.broadcast %eq3A_1464 : i32 to vector<16xi32>
      %eq3A_1466 = arith.cmpi eq, %and3A_1463, %eq3A_1465 : vector<16xi32>
      %broadcast_in_dim3A_1467 = arith.constant 2 : i32
      %broadcast_in_dim3A_1468 = vector.broadcast %broadcast_in_dim3A_1467 : i32 to vector<16xi32>
      %xor3A_1469 = arith.xori %iota3A, %broadcast_in_dim3A_1468 : vector<16xi32>
      %broadcast_in_dim3A_1470 = vector.shape_cast %xor3A_1469 : vector<16xi32> to vector<16x1xi32>
      %gather3A_1471 = vector.shape_cast %broadcast_in_dim3A_1470 : vector<16x1xi32> to vector<16xi32>
      %gather3A_1472 = tpu.dynamic_gather %select_n3A_1365[%gather3A_1471] in [0] : vector<16xf32>, vector<16xi32> -> vector<16xf32>
      %add3A_1473 = arith.addf %select_n3A_1365, %gather3A_1472 : vector<16xf32>
      %xor3A_1474 = arith.xori %iota3A, %broadcast_in_dim3A_1468 : vector<16xi32>
      %broadcast_in_dim3A_1475 = vector.shape_cast %xor3A_1474 : vector<16xi32> to vector<16x1xi32>
      %gather3A_1476 = vector.shape_cast %broadcast_in_dim3A_1475 : vector<16x1xi32> to vector<16xi32>
      %gather3A_1477 = tpu.dynamic_gather %select_n3A_1422[%gather3A_1476] in [0] : vector<16xf32>, vector<16xi32> -> vector<16xf32>
      %add3A_1478 = arith.addf %select_n3A_1422, %gather3A_1477 : vector<16xf32>
      %select_n3A_1479 = arith.select %eq3A_1466, %add3A_1473, %add3A_1478 : vector<16xi1>, vector<16xf32>
      %broadcast_in_dim3A_1480 = arith.constant 0.000000e+00 : f32
      %broadcast_in_dim3A_1481 = vector.broadcast %broadcast_in_dim3A_1480 : f32 to vector<16xf32>
      %scan3A_1482 = arith.constant 0 : i32
      %scan3A_1483 = arith.constant 64 : i32
      %scan3A_1484 = arith.addi %scan3A_1482, %scan3A_1483 : i32
      %scan3A_1485 = arith.constant 1 : i32
      %scan3A_1486:24 = scf.for %scan3A_2080 = %scan3A_1482 to %scan3A_1484 step %scan3A_1485 iter_args(%scan3A_2081 = %broadcast_in_dim3A_1481, %scan3A_2082 = %broadcast_in_dim3A_1481, %scan3A_2083 = %broadcast_in_dim3A_1481, %scan3A_2084 = %broadcast_in_dim3A_1481, %scan3A_2085 = %broadcast_in_dim3A_1481, %scan3A_2086 = %broadcast_in_dim3A_1481, %scan3A_2087 = %broadcast_in_dim3A_1481, %scan3A_2088 = %broadcast_in_dim3A_1481, %scan3A_2089 = %broadcast_in_dim3A_1481, %scan3A_2090 = %broadcast_in_dim3A_1481, %scan3A_2091 = %broadcast_in_dim3A_1481, %scan3A_2092 = %broadcast_in_dim3A_1481, %scan3A_2093 = %broadcast_in_dim3A_1481, %scan3A_2094 = %broadcast_in_dim3A_1481, %scan3A_2095 = %broadcast_in_dim3A_1481, %scan3A_2096 = %broadcast_in_dim3A_1481, %scan3A_2097 = %broadcast_in_dim3A_1481, %scan3A_2098 = %broadcast_in_dim3A_1481, %scan3A_2099 = %broadcast_in_dim3A_1481, %scan3A_2100 = %broadcast_in_dim3A_1481, %scan3A_2101 = %broadcast_in_dim3A_1481, %scan3A_2102 = %broadcast_in_dim3A_1481, %scan3A_2103 = %broadcast_in_dim3A_1481, %scan3A_2104 = %broadcast_in_dim3A_1481) -> (vector<16xf32>, vector<16xf32>, vector<16xf32>, vector<16xf32>, vector<16xf32>, vector<16xf32>, vector<16xf32>, vector<16xf32>, vector<16xf32>, vector<16xf32>, vector<16xf32>, vector<16xf32>, vector<16xf32>, vector<16xf32>, vector<16xf32>, vector<16xf32>, vector<16xf32>, vector<16xf32>, vector<16xf32>, vector<16xf32>, vector<16xf32>, vector<16xf32>, vector<16xf32>, vector<16xf32>)  : i32 {
        %mul3A_2105 = arith.constant 16 : i32
        %mul3A_2106 = arith.muli %scan3A_2080, %mul3A_2105 : i32
        %add3A_2107 = arith.constant 0 : i32
        %add3A_2108 = arith.addi %mul3A_2106, %add3A_2107 : i32
        %multiple_of3A_2109 = tpu.assume_multiple %add3A_2108, 16 : i32
        %get3A_2110 = arith.constant 8 : i32
        %get3A_2111 = arith.index_cast %get3A_2110 : i32 to index
        %get3A_2112 = arith.index_cast %multiple_of3A_2109 : i32 to index
        %get3A_2113 = tpu.vector_load %arg9[%get3A_2111, %get3A_2112] {strides = array<i32>} : memref<16x1024xf32, #tpu.memory_space<vmem>>, vector<1x16xf32>,
        %get3A_2114 = vector.shape_cast %get3A_2113 : vector<1x16xf32> to vector<16xf32>
        %get3A_2115 = arith.constant 8 : i32
        %get3A_2116 = arith.index_cast %get3A_2115 : i32 to index
        %get3A_2117 = arith.index_cast %multiple_of3A_2109 : i32 to index
        %get3A_2118 = tpu.vector_load %arg10[%get3A_2116, %get3A_2117] {strides = array<i32>} : memref<16x1024xf32, #tpu.memory_space<vmem>>, vector<1x16xf32>,
        %get3A_2119 = vector.shape_cast %get3A_2118 : vector<1x16xf32> to vector<16xf32>
        %mul3A_2120 = arith.mulf %get3A_2114, %get3A_2119 : vector<16xf32>
        %add3A_2121 = arith.addf %scan3A_2081, %mul3A_2120 : vector<16xf32>
        %mul3A_2122 = arith.mulf %get3A_2114, %get3A_2114 : vector<16xf32>
        %add3A_2123 = arith.addf %scan3A_2082, %mul3A_2122 : vector<16xf32>
        %mul3A_2124 = arith.mulf %get3A_2119, %get3A_2119 : vector<16xf32>
        %add3A_2125 = arith.addf %scan3A_2083, %mul3A_2124 : vector<16xf32>
        %mul3A_2126 = arith.constant 16 : i32
        %mul3A_2127 = arith.muli %scan3A_2080, %mul3A_2126 : i32
        %add3A_2128 = arith.constant 0 : i32
        %add3A_2129 = arith.addi %mul3A_2127, %add3A_2128 : i32
        %multiple_of3A_2130 = tpu.assume_multiple %add3A_2129, 16 : i32
        %get3A_2131 = arith.constant 9 : i32
        %get3A_2132 = arith.index_cast %get3A_2131 : i32 to index
        %get3A_2133 = arith.index_cast %multiple_of3A_2130 : i32 to index
        %get3A_2134 = tpu.vector_load %arg9[%get3A_2132, %get3A_2133] {strides = array<i32>} : memref<16x1024xf32, #tpu.memory_space<vmem>>, vector<1x16xf32>,
        %get3A_2135 = vector.shape_cast %get3A_2134 : vector<1x16xf32> to vector<16xf32>
        %get3A_2136 = arith.constant 9 : i32
        %get3A_2137 = arith.index_cast %get3A_2136 : i32 to index
        %get3A_2138 = arith.index_cast %multiple_of3A_2130 : i32 to index
        %get3A_2139 = tpu.vector_load %arg10[%get3A_2137, %get3A_2138] {strides = array<i32>} : memref<16x1024xf32, #tpu.memory_space<vmem>>, vector<1x16xf32>,
        %get3A_2140 = vector.shape_cast %get3A_2139 : vector<1x16xf32> to vector<16xf32>
        %mul3A_2141 = arith.mulf %get3A_2135, %get3A_2140 : vector<16xf32>
        %add3A_2142 = arith.addf %scan3A_2084, %mul3A_2141 : vector<16xf32>
        %mul3A_2143 = arith.mulf %get3A_2135, %get3A_2135 : vector<16xf32>
        %add3A_2144 = arith.addf %scan3A_2085, %mul3A_2143 : vector<16xf32>
        %mul3A_2145 = arith.mulf %get3A_2140, %get3A_2140 : vector<16xf32>
        %add3A_2146 = arith.addf %scan3A_2086, %mul3A_2145 : vector<16xf32>
        %mul3A_2147 = arith.constant 16 : i32
        %mul3A_2148 = arith.muli %scan3A_2080, %mul3A_2147 : i32
        %add3A_2149 = arith.constant 0 : i32
        %add3A_2150 = arith.addi %mul3A_2148, %add3A_2149 : i32
        %multiple_of3A_2151 = tpu.assume_multiple %add3A_2150, 16 : i32
        %get3A_2152 = arith.constant 10 : i32
        %get3A_2153 = arith.index_cast %get3A_2152 : i32 to index
        %get3A_2154 = arith.index_cast %multiple_of3A_2151 : i32 to index
        %get3A_2155 = tpu.vector_load %arg9[%get3A_2153, %get3A_2154] {strides = array<i32>} : memref<16x1024xf32, #tpu.memory_space<vmem>>, vector<1x16xf32>,
        %get3A_2156 = vector.shape_cast %get3A_2155 : vector<1x16xf32> to vector<16xf32>
        %get3A_2157 = arith.constant 10 : i32
        %get3A_2158 = arith.index_cast %get3A_2157 : i32 to index
        %get3A_2159 = arith.index_cast %multiple_of3A_2151 : i32 to index
        %get3A_2160 = tpu.vector_load %arg10[%get3A_2158, %get3A_2159] {strides = array<i32>} : memref<16x1024xf32, #tpu.memory_space<vmem>>, vector<1x16xf32>,
        %get3A_2161 = vector.shape_cast %get3A_2160 : vector<1x16xf32> to vector<16xf32>
        %mul3A_2162 = arith.mulf %get3A_2156, %get3A_2161 : vector<16xf32>
        %add3A_2163 = arith.addf %scan3A_2087, %mul3A_2162 : vector<16xf32>
        %mul3A_2164 = arith.mulf %get3A_2156, %get3A_2156 : vector<16xf32>
        %add3A_2165 = arith.addf %scan3A_2088, %mul3A_2164 : vector<16xf32>
        %mul3A_2166 = arith.mulf %get3A_2161, %get3A_2161 : vector<16xf32>
        %add3A_2167 = arith.addf %scan3A_2089, %mul3A_2166 : vector<16xf32>
        %mul3A_2168 = arith.constant 16 : i32
        %mul3A_2169 = arith.muli %scan3A_2080, %mul3A_2168 : i32
        %add3A_2170 = arith.constant 0 : i32
        %add3A_2171 = arith.addi %mul3A_2169, %add3A_2170 : i32
        %multiple_of3A_2172 = tpu.assume_multiple %add3A_2171, 16 : i32
        %get3A_2173 = arith.constant 11 : i32
        %get3A_2174 = arith.index_cast %get3A_2173 : i32 to index
        %get3A_2175 = arith.index_cast %multiple_of3A_2172 : i32 to index
        %get3A_2176 = tpu.vector_load %arg9[%get3A_2174, %get3A_2175] {strides = array<i32>} : memref<16x1024xf32, #tpu.memory_space<vmem>>, vector<1x16xf32>,
        %get3A_2177 = vector.shape_cast %get3A_2176 : vector<1x16xf32> to vector<16xf32>
        %get3A_2178 = arith.constant 11 : i32
        %get3A_2179 = arith.index_cast %get3A_2178 : i32 to index
        %get3A_2180 = arith.index_cast %multiple_of3A_2172 : i32 to index
        %get3A_2181 = tpu.vector_load %arg10[%get3A_2179, %get3A_2180] {strides = array<i32>} : memref<16x1024xf32, #tpu.memory_space<vmem>>, vector<1x16xf32>,
        %get3A_2182 = vector.shape_cast %get3A_2181 : vector<1x16xf32> to vector<16xf32>
        %mul3A_2183 = arith.mulf %get3A_2177, %get3A_2182 : vector<16xf32>
        %add3A_2184 = arith.addf %scan3A_2090, %mul3A_2183 : vector<16xf32>
        %mul3A_2185 = arith.mulf %get3A_2177, %get3A_2177 : vector<16xf32>
        %add3A_2186 = arith.addf %scan3A_2091, %mul3A_2185 : vector<16xf32>
        %mul3A_2187 = arith.mulf %get3A_2182, %get3A_2182 : vector<16xf32>
        %add3A_2188 = arith.addf %scan3A_2092, %mul3A_2187 : vector<16xf32>
        %mul3A_2189 = arith.constant 16 : i32
        %mul3A_2190 = arith.muli %scan3A_2080, %mul3A_2189 : i32
        %add3A_2191 = arith.constant 0 : i32
        %add3A_2192 = arith.addi %mul3A_2190, %add3A_2191 : i32
        %multiple_of3A_2193 = tpu.assume_multiple %add3A_2192, 16 : i32
        %get3A_2194 = arith.constant 12 : i32
        %get3A_2195 = arith.index_cast %get3A_2194 : i32 to index
        %get3A_2196 = arith.index_cast %multiple_of3A_2193 : i32 to index
        %get3A_2197 = tpu.vector_load %arg9[%get3A_2195, %get3A_2196] {strides = array<i32>} : memref<16x1024xf32, #tpu.memory_space<vmem>>, vector<1x16xf32>,
        %get3A_2198 = vector.shape_cast %get3A_2197 : vector<1x16xf32> to vector<16xf32>
        %get3A_2199 = arith.constant 12 : i32
        %get3A_2200 = arith.index_cast %get3A_2199 : i32 to index
        %get3A_2201 = arith.index_cast %multiple_of3A_2193 : i32 to index
        %get3A_2202 = tpu.vector_load %arg10[%get3A_2200, %get3A_2201] {strides = array<i32>} : memref<16x1024xf32, #tpu.memory_space<vmem>>, vector<1x16xf32>,
        %get3A_2203 = vector.shape_cast %get3A_2202 : vector<1x16xf32> to vector<16xf32>
        %mul3A_2204 = arith.mulf %get3A_2198, %get3A_2203 : vector<16xf32>
        %add3A_2205 = arith.addf %scan3A_2093, %mul3A_2204 : vector<16xf32>
        %mul3A_2206 = arith.mulf %get3A_2198, %get3A_2198 : vector<16xf32>
        %add3A_2207 = arith.addf %scan3A_2094, %mul3A_2206 : vector<16xf32>
        %mul3A_2208 = arith.mulf %get3A_2203, %get3A_2203 : vector<16xf32>
        %add3A_2209 = arith.addf %scan3A_2095, %mul3A_2208 : vector<16xf32>
        %mul3A_2210 = arith.constant 16 : i32
        %mul3A_2211 = arith.muli %scan3A_2080, %mul3A_2210 : i32
        %add3A_2212 = arith.constant 0 : i32
        %add3A_2213 = arith.addi %mul3A_2211, %add3A_2212 : i32
        %multiple_of3A_2214 = tpu.assume_multiple %add3A_2213, 16 : i32
        %get3A_2215 = arith.constant 13 : i32
        %get3A_2216 = arith.index_cast %get3A_2215 : i32 to index
        %get3A_2217 = arith.index_cast %multiple_of3A_2214 : i32 to index
        %get3A_2218 = tpu.vector_load %arg9[%get3A_2216, %get3A_2217] {strides = array<i32>} : memref<16x1024xf32, #tpu.memory_space<vmem>>, vector<1x16xf32>,
        %get3A_2219 = vector.shape_cast %get3A_2218 : vector<1x16xf32> to vector<16xf32>
        %get3A_2220 = arith.constant 13 : i32
        %get3A_2221 = arith.index_cast %get3A_2220 : i32 to index
        %get3A_2222 = arith.index_cast %multiple_of3A_2214 : i32 to index
        %get3A_2223 = tpu.vector_load %arg10[%get3A_2221, %get3A_2222] {strides = array<i32>} : memref<16x1024xf32, #tpu.memory_space<vmem>>, vector<1x16xf32>,
        %get3A_2224 = vector.shape_cast %get3A_2223 : vector<1x16xf32> to vector<16xf32>
        %mul3A_2225 = arith.mulf %get3A_2219, %get3A_2224 : vector<16xf32>
        %add3A_2226 = arith.addf %scan3A_2096, %mul3A_2225 : vector<16xf32>
        %mul3A_2227 = arith.mulf %get3A_2219, %get3A_2219 : vector<16xf32>
        %add3A_2228 = arith.addf %scan3A_2097, %mul3A_2227 : vector<16xf32>
        %mul3A_2229 = arith.mulf %get3A_2224, %get3A_2224 : vector<16xf32>
        %add3A_2230 = arith.addf %scan3A_2098, %mul3A_2229 : vector<16xf32>
        %mul3A_2231 = arith.constant 16 : i32
        %mul3A_2232 = arith.muli %scan3A_2080, %mul3A_2231 : i32
        %add3A_2233 = arith.constant 0 : i32
        %add3A_2234 = arith.addi %mul3A_2232, %add3A_2233 : i32
        %multiple_of3A_2235 = tpu.assume_multiple %add3A_2234, 16 : i32
        %get3A_2236 = arith.constant 14 : i32
        %get3A_2237 = arith.index_cast %get3A_2236 : i32 to index
        %get3A_2238 = arith.index_cast %multiple_of3A_2235 : i32 to index
        %get3A_2239 = tpu.vector_load %arg9[%get3A_2237, %get3A_2238] {strides = array<i32>} : memref<16x1024xf32, #tpu.memory_space<vmem>>, vector<1x16xf32>,
        %get3A_2240 = vector.shape_cast %get3A_2239 : vector<1x16xf32> to vector<16xf32>
        %get3A_2241 = arith.constant 14 : i32
        %get3A_2242 = arith.index_cast %get3A_2241 : i32 to index
        %get3A_2243 = arith.index_cast %multiple_of3A_2235 : i32 to index
        %get3A_2244 = tpu.vector_load %arg10[%get3A_2242, %get3A_2243] {strides = array<i32>} : memref<16x1024xf32, #tpu.memory_space<vmem>>, vector<1x16xf32>,
        %get3A_2245 = vector.shape_cast %get3A_2244 : vector<1x16xf32> to vector<16xf32>
        %mul3A_2246 = arith.mulf %get3A_2240, %get3A_2245 : vector<16xf32>
        %add3A_2247 = arith.addf %scan3A_2099, %mul3A_2246 : vector<16xf32>
        %mul3A_2248 = arith.mulf %get3A_2240, %get3A_2240 : vector<16xf32>
        %add3A_2249 = arith.addf %scan3A_2100, %mul3A_2248 : vector<16xf32>
        %mul3A_2250 = arith.mulf %get3A_2245, %get3A_2245 : vector<16xf32>
        %add3A_2251 = arith.addf %scan3A_2101, %mul3A_2250 : vector<16xf32>
        %mul3A_2252 = arith.constant 16 : i32
        %mul3A_2253 = arith.muli %scan3A_2080, %mul3A_2252 : i32
        %add3A_2254 = arith.constant 0 : i32
        %add3A_2255 = arith.addi %mul3A_2253, %add3A_2254 : i32
        %multiple_of3A_2256 = tpu.assume_multiple %add3A_2255, 16 : i32
        %get3A_2257 = arith.constant 15 : i32
        %get3A_2258 = arith.index_cast %get3A_2257 : i32 to index
        %get3A_2259 = arith.index_cast %multiple_of3A_2256 : i32 to index
        %get3A_2260 = tpu.vector_load %arg9[%get3A_2258, %get3A_2259] {strides = array<i32>} : memref<16x1024xf32, #tpu.memory_space<vmem>>, vector<1x16xf32>,
        %get3A_2261 = vector.shape_cast %get3A_2260 : vector<1x16xf32> to vector<16xf32>
        %get3A_2262 = arith.constant 15 : i32
        %get3A_2263 = arith.index_cast %get3A_2262 : i32 to index
        %get3A_2264 = arith.index_cast %multiple_of3A_2256 : i32 to index
        %get3A_2265 = tpu.vector_load %arg10[%get3A_2263, %get3A_2264] {strides = array<i32>} : memref<16x1024xf32, #tpu.memory_space<vmem>>, vector<1x16xf32>,
        %get3A_2266 = vector.shape_cast %get3A_2265 : vector<1x16xf32> to vector<16xf32>
        %mul3A_2267 = arith.mulf %get3A_2261, %get3A_2266 : vector<16xf32>
        %add3A_2268 = arith.addf %scan3A_2102, %mul3A_2267 : vector<16xf32>
        %mul3A_2269 = arith.mulf %get3A_2261, %get3A_2261 : vector<16xf32>
        %add3A_2270 = arith.addf %scan3A_2103, %mul3A_2269 : vector<16xf32>
        %mul3A_2271 = arith.mulf %get3A_2266, %get3A_2266 : vector<16xf32>
        %add3A_2272 = arith.addf %scan3A_2104, %mul3A_2271 : vector<16xf32>
        scf.yield %add3A_2121, %add3A_2123, %add3A_2125, %add3A_2142, %add3A_2144, %add3A_2146, %add3A_2163, %add3A_2165, %add3A_2167, %add3A_2184, %add3A_2186, %add3A_2188, %add3A_2205, %add3A_2207, %add3A_2209, %add3A_2226, %add3A_2228, %add3A_2230, %add3A_2247, %add3A_2249, %add3A_2251, %add3A_2268, %add3A_2270, %add3A_2272 : vector<16xf32>, vector<16xf32>, vector<16xf32>, vector<16xf32>, vector<16xf32>, vector<16xf32>, vector<16xf32>, vector<16xf32>, vector<16xf32>, vector<16xf32>, vector<16xf32>, vector<16xf32>, vector<16xf32>, vector<16xf32>, vector<16xf32>, vector<16xf32>, vector<16xf32>, vector<16xf32>, vector<16xf32>, vector<16xf32>, vector<16xf32>, vector<16xf32>, vector<16xf32>, vector<16xf32>
      }
      %scan3A_1487 = arith.constant 64 : i32
      %and3A_1488 = arith.constant 8 : i32
      %and3A_1489 = vector.broadcast %and3A_1488 : i32 to vector<16xi32>
      %and3A_1490 = arith.andi %iota3A, %and3A_1489 : vector<16xi32>
      %eq3A_1491 = arith.constant 0 : i32
      %eq3A_1492 = vector.broadcast %eq3A_1491 : i32 to vector<16xi32>
      %eq3A_1493 = arith.cmpi eq, %and3A_1490, %eq3A_1492 : vector<16xi32>
      %broadcast_in_dim3A_1494 = arith.constant 8 : i32
      %broadcast_in_dim3A_1495 = vector.broadcast %broadcast_in_dim3A_1494 : i32 to vector<16xi32>
      %xor3A_1496 = arith.xori %iota3A, %broadcast_in_dim3A_1495 : vector<16xi32>
      %broadcast_in_dim3A_1497 = vector.shape_cast %xor3A_1496 : vector<16xi32> to vector<16x1xi32>
      %gather3A_1498 = vector.shape_cast %broadcast_in_dim3A_1497 : vector<16x1xi32> to vector<16xi32>
      %gather3A_1499 = tpu.dynamic_gather %scan3A_1486#0[%gather3A_1498] in [0] : vector<16xf32>, vector<16xi32> -> vector<16xf32>
      %add3A_1500 = arith.addf %scan3A_1486#0, %gather3A_1499 : vector<16xf32>
      %xor3A_1501 = arith.xori %iota3A, %broadcast_in_dim3A_1495 : vector<16xi32>
      %broadcast_in_dim3A_1502 = vector.shape_cast %xor3A_1501 : vector<16xi32> to vector<16x1xi32>
      %gather3A_1503 = vector.shape_cast %broadcast_in_dim3A_1502 : vector<16x1xi32> to vector<16xi32>
      %gather3A_1504 = tpu.dynamic_gather %scan3A_1486#3[%gather3A_1503] in [0] : vector<16xf32>, vector<16xi32> -> vector<16xf32>
      %add3A_1505 = arith.addf %scan3A_1486#3, %gather3A_1504 : vector<16xf32>
      %select_n3A_1506 = arith.select %eq3A_1493, %add3A_1500, %add3A_1505 : vector<16xi1>, vector<16xf32>
      %and3A_1507 = arith.constant 8 : i32
      %and3A_1508 = vector.broadcast %and3A_1507 : i32 to vector<16xi32>
      %and3A_1509 = arith.andi %iota3A, %and3A_1508 : vector<16xi32>
      %eq3A_1510 = arith.constant 0 : i32
      %eq3A_1511 = vector.broadcast %eq3A_1510 : i32 to vector<16xi32>
      %eq3A_1512 = arith.cmpi eq, %and3A_1509, %eq3A_1511 : vector<16xi32>
      %broadcast_in_dim3A_1513 = arith.constant 8 : i32
      %broadcast_in_dim3A_1514 = vector.broadcast %broadcast_in_dim3A_1513 : i32 to vector<16xi32>
      %xor3A_1515 = arith.xori %iota3A, %broadcast_in_dim3A_1514 : vector<16xi32>
      %broadcast_in_dim3A_1516 = vector.shape_cast %xor3A_1515 : vector<16xi32> to vector<16x1xi32>
      %gather3A_1517 = vector.shape_cast %broadcast_in_dim3A_1516 : vector<16x1xi32> to vector<16xi32>
      %gather3A_1518 = tpu.dynamic_gather %scan3A_1486#1[%gather3A_1517] in [0] : vector<16xf32>, vector<16xi32> -> vector<16xf32>
      %add3A_1519 = arith.addf %scan3A_1486#1, %gather3A_1518 : vector<16xf32>
      %xor3A_1520 = arith.xori %iota3A, %broadcast_in_dim3A_1514 : vector<16xi32>
      %broadcast_in_dim3A_1521 = vector.shape_cast %xor3A_1520 : vector<16xi32> to vector<16x1xi32>
      %gather3A_1522 = vector.shape_cast %broadcast_in_dim3A_1521 : vector<16x1xi32> to vector<16xi32>
      %gather3A_1523 = tpu.dynamic_gather %scan3A_1486#4[%gather3A_1522] in [0] : vector<16xf32>, vector<16xi32> -> vector<16xf32>
      %add3A_1524 = arith.addf %scan3A_1486#4, %gather3A_1523 : vector<16xf32>
      %select_n3A_1525 = arith.select %eq3A_1512, %add3A_1519, %add3A_1524 : vector<16xi1>, vector<16xf32>
      %and3A_1526 = arith.constant 8 : i32
      %and3A_1527 = vector.broadcast %and3A_1526 : i32 to vector<16xi32>
      %and3A_1528 = arith.andi %iota3A, %and3A_1527 : vector<16xi32>
      %eq3A_1529 = arith.constant 0 : i32
      %eq3A_1530 = vector.broadcast %eq3A_1529 : i32 to vector<16xi32>
      %eq3A_1531 = arith.cmpi eq, %and3A_1528, %eq3A_1530 : vector<16xi32>
      %broadcast_in_dim3A_1532 = arith.constant 8 : i32
      %broadcast_in_dim3A_1533 = vector.broadcast %broadcast_in_dim3A_1532 : i32 to vector<16xi32>
      %xor3A_1534 = arith.xori %iota3A, %broadcast_in_dim3A_1533 : vector<16xi32>
      %broadcast_in_dim3A_1535 = vector.shape_cast %xor3A_1534 : vector<16xi32> to vector<16x1xi32>
      %gather3A_1536 = vector.shape_cast %broadcast_in_dim3A_1535 : vector<16x1xi32> to vector<16xi32>
      %gather3A_1537 = tpu.dynamic_gather %scan3A_1486#2[%gather3A_1536] in [0] : vector<16xf32>, vector<16xi32> -> vector<16xf32>
      %add3A_1538 = arith.addf %scan3A_1486#2, %gather3A_1537 : vector<16xf32>
      %xor3A_1539 = arith.xori %iota3A, %broadcast_in_dim3A_1533 : vector<16xi32>
      %broadcast_in_dim3A_1540 = vector.shape_cast %xor3A_1539 : vector<16xi32> to vector<16x1xi32>
      %gather3A_1541 = vector.shape_cast %broadcast_in_dim3A_1540 : vector<16x1xi32> to vector<16xi32>
      %gather3A_1542 = tpu.dynamic_gather %scan3A_1486#5[%gather3A_1541] in [0] : vector<16xf32>, vector<16xi32> -> vector<16xf32>
      %add3A_1543 = arith.addf %scan3A_1486#5, %gather3A_1542 : vector<16xf32>
      %select_n3A_1544 = arith.select %eq3A_1531, %add3A_1538, %add3A_1543 : vector<16xi1>, vector<16xf32>
      %and3A_1545 = arith.constant 8 : i32
      %and3A_1546 = vector.broadcast %and3A_1545 : i32 to vector<16xi32>
      %and3A_1547 = arith.andi %iota3A, %and3A_1546 : vector<16xi32>
      %eq3A_1548 = arith.constant 0 : i32
      %eq3A_1549 = vector.broadcast %eq3A_1548 : i32 to vector<16xi32>
      %eq3A_1550 = arith.cmpi eq, %and3A_1547, %eq3A_1549 : vector<16xi32>
      %broadcast_in_dim3A_1551 = arith.constant 8 : i32
      %broadcast_in_dim3A_1552 = vector.broadcast %broadcast_in_dim3A_1551 : i32 to vector<16xi32>
      %xor3A_1553 = arith.xori %iota3A, %broadcast_in_dim3A_1552 : vector<16xi32>
      %broadcast_in_dim3A_1554 = vector.shape_cast %xor3A_1553 : vector<16xi32> to vector<16x1xi32>
      %gather3A_1555 = vector.shape_cast %broadcast_in_dim3A_1554 : vector<16x1xi32> to vector<16xi32>
      %gather3A_1556 = tpu.dynamic_gather %scan3A_1486#6[%gather3A_1555] in [0] : vector<16xf32>, vector<16xi32> -> vector<16xf32>
      %add3A_1557 = arith.addf %scan3A_1486#6, %gather3A_1556 : vector<16xf32>
      %xor3A_1558 = arith.xori %iota3A, %broadcast_in_dim3A_1552 : vector<16xi32>
      %broadcast_in_dim3A_1559 = vector.shape_cast %xor3A_1558 : vector<16xi32> to vector<16x1xi32>
      %gather3A_1560 = vector.shape_cast %broadcast_in_dim3A_1559 : vector<16x1xi32> to vector<16xi32>
      %gather3A_1561 = tpu.dynamic_gather %scan3A_1486#9[%gather3A_1560] in [0] : vector<16xf32>, vector<16xi32> -> vector<16xf32>
      %add3A_1562 = arith.addf %scan3A_1486#9, %gather3A_1561 : vector<16xf32>
      %select_n3A_1563 = arith.select %eq3A_1550, %add3A_1557, %add3A_1562 : vector<16xi1>, vector<16xf32>
      %and3A_1564 = arith.constant 8 : i32
      %and3A_1565 = vector.broadcast %and3A_1564 : i32 to vector<16xi32>
      %and3A_1566 = arith.andi %iota3A, %and3A_1565 : vector<16xi32>
      %eq3A_1567 = arith.constant 0 : i32
      %eq3A_1568 = vector.broadcast %eq3A_1567 : i32 to vector<16xi32>
      %eq3A_1569 = arith.cmpi eq, %and3A_1566, %eq3A_1568 : vector<16xi32>
      %broadcast_in_dim3A_1570 = arith.constant 8 : i32
      %broadcast_in_dim3A_1571 = vector.broadcast %broadcast_in_dim3A_1570 : i32 to vector<16xi32>
      %xor3A_1572 = arith.xori %iota3A, %broadcast_in_dim3A_1571 : vector<16xi32>
      %broadcast_in_dim3A_1573 = vector.shape_cast %xor3A_1572 : vector<16xi32> to vector<16x1xi32>
      %gather3A_1574 = vector.shape_cast %broadcast_in_dim3A_1573 : vector<16x1xi32> to vector<16xi32>
      %gather3A_1575 = tpu.dynamic_gather %scan3A_1486#7[%gather3A_1574] in [0] : vector<16xf32>, vector<16xi32> -> vector<16xf32>
      %add3A_1576 = arith.addf %scan3A_1486#7, %gather3A_1575 : vector<16xf32>
      %xor3A_1577 = arith.xori %iota3A, %broadcast_in_dim3A_1571 : vector<16xi32>
      %broadcast_in_dim3A_1578 = vector.shape_cast %xor3A_1577 : vector<16xi32> to vector<16x1xi32>
      %gather3A_1579 = vector.shape_cast %broadcast_in_dim3A_1578 : vector<16x1xi32> to vector<16xi32>
      %gather3A_1580 = tpu.dynamic_gather %scan3A_1486#10[%gather3A_1579] in [0] : vector<16xf32>, vector<16xi32> -> vector<16xf32>
      %add3A_1581 = arith.addf %scan3A_1486#10, %gather3A_1580 : vector<16xf32>
      %select_n3A_1582 = arith.select %eq3A_1569, %add3A_1576, %add3A_1581 : vector<16xi1>, vector<16xf32>
      %and3A_1583 = arith.constant 8 : i32
      %and3A_1584 = vector.broadcast %and3A_1583 : i32 to vector<16xi32>
      %and3A_1585 = arith.andi %iota3A, %and3A_1584 : vector<16xi32>
      %eq3A_1586 = arith.constant 0 : i32
      %eq3A_1587 = vector.broadcast %eq3A_1586 : i32 to vector<16xi32>
      %eq3A_1588 = arith.cmpi eq, %and3A_1585, %eq3A_1587 : vector<16xi32>
      %broadcast_in_dim3A_1589 = arith.constant 8 : i32
      %broadcast_in_dim3A_1590 = vector.broadcast %broadcast_in_dim3A_1589 : i32 to vector<16xi32>
      %xor3A_1591 = arith.xori %iota3A, %broadcast_in_dim3A_1590 : vector<16xi32>
      %broadcast_in_dim3A_1592 = vector.shape_cast %xor3A_1591 : vector<16xi32> to vector<16x1xi32>
      %gather3A_1593 = vector.shape_cast %broadcast_in_dim3A_1592 : vector<16x1xi32> to vector<16xi32>
      %gather3A_1594 = tpu.dynamic_gather %scan3A_1486#8[%gather3A_1593] in [0] : vector<16xf32>, vector<16xi32> -> vector<16xf32>
      %add3A_1595 = arith.addf %scan3A_1486#8, %gather3A_1594 : vector<16xf32>
      %xor3A_1596 = arith.xori %iota3A, %broadcast_in_dim3A_1590 : vector<16xi32>
      %broadcast_in_dim3A_1597 = vector.shape_cast %xor3A_1596 : vector<16xi32> to vector<16x1xi32>
      %gather3A_1598 = vector.shape_cast %broadcast_in_dim3A_1597 : vector<16x1xi32> to vector<16xi32>
      %gather3A_1599 = tpu.dynamic_gather %scan3A_1486#11[%gather3A_1598] in [0] : vector<16xf32>, vector<16xi32> -> vector<16xf32>
      %add3A_1600 = arith.addf %scan3A_1486#11, %gather3A_1599 : vector<16xf32>
      %select_n3A_1601 = arith.select %eq3A_1588, %add3A_1595, %add3A_1600 : vector<16xi1>, vector<16xf32>
      %and3A_1602 = arith.constant 8 : i32
      %and3A_1603 = vector.broadcast %and3A_1602 : i32 to vector<16xi32>
      %and3A_1604 = arith.andi %iota3A, %and3A_1603 : vector<16xi32>
      %eq3A_1605 = arith.constant 0 : i32
      %eq3A_1606 = vector.broadcast %eq3A_1605 : i32 to vector<16xi32>
      %eq3A_1607 = arith.cmpi eq, %and3A_1604, %eq3A_1606 : vector<16xi32>
      %broadcast_in_dim3A_1608 = arith.constant 8 : i32
      %broadcast_in_dim3A_1609 = vector.broadcast %broadcast_in_dim3A_1608 : i32 to vector<16xi32>
      %xor3A_1610 = arith.xori %iota3A, %broadcast_in_dim3A_1609 : vector<16xi32>
      %broadcast_in_dim3A_1611 = vector.shape_cast %xor3A_1610 : vector<16xi32> to vector<16x1xi32>
      %gather3A_1612 = vector.shape_cast %broadcast_in_dim3A_1611 : vector<16x1xi32> to vector<16xi32>
      %gather3A_1613 = tpu.dynamic_gather %scan3A_1486#12[%gather3A_1612] in [0] : vector<16xf32>, vector<16xi32> -> vector<16xf32>
      %add3A_1614 = arith.addf %scan3A_1486#12, %gather3A_1613 : vector<16xf32>
      %xor3A_1615 = arith.xori %iota3A, %broadcast_in_dim3A_1609 : vector<16xi32>
      %broadcast_in_dim3A_1616 = vector.shape_cast %xor3A_1615 : vector<16xi32> to vector<16x1xi32>
      %gather3A_1617 = vector.shape_cast %broadcast_in_dim3A_1616 : vector<16x1xi32> to vector<16xi32>
      %gather3A_1618 = tpu.dynamic_gather %scan3A_1486#15[%gather3A_1617] in [0] : vector<16xf32>, vector<16xi32> -> vector<16xf32>
      %add3A_1619 = arith.addf %scan3A_1486#15, %gather3A_1618 : vector<16xf32>
      %select_n3A_1620 = arith.select %eq3A_1607, %add3A_1614, %add3A_1619 : vector<16xi1>, vector<16xf32>
      %and3A_1621 = arith.constant 8 : i32
      %and3A_1622 = vector.broadcast %and3A_1621 : i32 to vector<16xi32>
      %and3A_1623 = arith.andi %iota3A, %and3A_1622 : vector<16xi32>
      %eq3A_1624 = arith.constant 0 : i32
      %eq3A_1625 = vector.broadcast %eq3A_1624 : i32 to vector<16xi32>
      %eq3A_1626 = arith.cmpi eq, %and3A_1623, %eq3A_1625 : vector<16xi32>
      %broadcast_in_dim3A_1627 = arith.constant 8 : i32
      %broadcast_in_dim3A_1628 = vector.broadcast %broadcast_in_dim3A_1627 : i32 to vector<16xi32>
      %xor3A_1629 = arith.xori %iota3A, %broadcast_in_dim3A_1628 : vector<16xi32>
      %broadcast_in_dim3A_1630 = vector.shape_cast %xor3A_1629 : vector<16xi32> to vector<16x1xi32>
      %gather3A_1631 = vector.shape_cast %broadcast_in_dim3A_1630 : vector<16x1xi32> to vector<16xi32>
      %gather3A_1632 = tpu.dynamic_gather %scan3A_1486#13[%gather3A_1631] in [0] : vector<16xf32>, vector<16xi32> -> vector<16xf32>
      %add3A_1633 = arith.addf %scan3A_1486#13, %gather3A_1632 : vector<16xf32>
      %xor3A_1634 = arith.xori %iota3A, %broadcast_in_dim3A_1628 : vector<16xi32>
      %broadcast_in_dim3A_1635 = vector.shape_cast %xor3A_1634 : vector<16xi32> to vector<16x1xi32>
      %gather3A_1636 = vector.shape_cast %broadcast_in_dim3A_1635 : vector<16x1xi32> to vector<16xi32>
      %gather3A_1637 = tpu.dynamic_gather %scan3A_1486#16[%gather3A_1636] in [0] : vector<16xf32>, vector<16xi32> -> vector<16xf32>
      %add3A_1638 = arith.addf %scan3A_1486#16, %gather3A_1637 : vector<16xf32>
      %select_n3A_1639 = arith.select %eq3A_1626, %add3A_1633, %add3A_1638 : vector<16xi1>, vector<16xf32>
      %and3A_1640 = arith.constant 8 : i32
      %and3A_1641 = vector.broadcast %and3A_1640 : i32 to vector<16xi32>
      %and3A_1642 = arith.andi %iota3A, %and3A_1641 : vector<16xi32>
      %eq3A_1643 = arith.constant 0 : i32
      %eq3A_1644 = vector.broadcast %eq3A_1643 : i32 to vector<16xi32>
      %eq3A_1645 = arith.cmpi eq, %and3A_1642, %eq3A_1644 : vector<16xi32>
      %broadcast_in_dim3A_1646 = arith.constant 8 : i32
      %broadcast_in_dim3A_1647 = vector.broadcast %broadcast_in_dim3A_1646 : i32 to vector<16xi32>
      %xor3A_1648 = arith.xori %iota3A, %broadcast_in_dim3A_1647 : vector<16xi32>
      %broadcast_in_dim3A_1649 = vector.shape_cast %xor3A_1648 : vector<16xi32> to vector<16x1xi32>
      %gather3A_1650 = vector.shape_cast %broadcast_in_dim3A_1649 : vector<16x1xi32> to vector<16xi32>
      %gather3A_1651 = tpu.dynamic_gather %scan3A_1486#14[%gather3A_1650] in [0] : vector<16xf32>, vector<16xi32> -> vector<16xf32>
      %add3A_1652 = arith.addf %scan3A_1486#14, %gather3A_1651 : vector<16xf32>
      %xor3A_1653 = arith.xori %iota3A, %broadcast_in_dim3A_1647 : vector<16xi32>
      %broadcast_in_dim3A_1654 = vector.shape_cast %xor3A_1653 : vector<16xi32> to vector<16x1xi32>
      %gather3A_1655 = vector.shape_cast %broadcast_in_dim3A_1654 : vector<16x1xi32> to vector<16xi32>
      %gather3A_1656 = tpu.dynamic_gather %scan3A_1486#17[%gather3A_1655] in [0] : vector<16xf32>, vector<16xi32> -> vector<16xf32>
      %add3A_1657 = arith.addf %scan3A_1486#17, %gather3A_1656 : vector<16xf32>
      %select_n3A_1658 = arith.select %eq3A_1645, %add3A_1652, %add3A_1657 : vector<16xi1>, vector<16xf32>
      %and3A_1659 = arith.constant 8 : i32
      %and3A_1660 = vector.broadcast %and3A_1659 : i32 to vector<16xi32>
      %and3A_1661 = arith.andi %iota3A, %and3A_1660 : vector<16xi32>
      %eq3A_1662 = arith.constant 0 : i32
      %eq3A_1663 = vector.broadcast %eq3A_1662 : i32 to vector<16xi32>
      %eq3A_1664 = arith.cmpi eq, %and3A_1661, %eq3A_1663 : vector<16xi32>
      %broadcast_in_dim3A_1665 = arith.constant 8 : i32
      %broadcast_in_dim3A_1666 = vector.broadcast %broadcast_in_dim3A_1665 : i32 to vector<16xi32>
      %xor3A_1667 = arith.xori %iota3A, %broadcast_in_dim3A_1666 : vector<16xi32>
      %broadcast_in_dim3A_1668 = vector.shape_cast %xor3A_1667 : vector<16xi32> to vector<16x1xi32>
      %gather3A_1669 = vector.shape_cast %broadcast_in_dim3A_1668 : vector<16x1xi32> to vector<16xi32>
      %gather3A_1670 = tpu.dynamic_gather %scan3A_1486#18[%gather3A_1669] in [0] : vector<16xf32>, vector<16xi32> -> vector<16xf32>
      %add3A_1671 = arith.addf %scan3A_1486#18, %gather3A_1670 : vector<16xf32>
      %xor3A_1672 = arith.xori %iota3A, %broadcast_in_dim3A_1666 : vector<16xi32>
      %broadcast_in_dim3A_1673 = vector.shape_cast %xor3A_1672 : vector<16xi32> to vector<16x1xi32>
      %gather3A_1674 = vector.shape_cast %broadcast_in_dim3A_1673 : vector<16x1xi32> to vector<16xi32>
      %gather3A_1675 = tpu.dynamic_gather %scan3A_1486#21[%gather3A_1674] in [0] : vector<16xf32>, vector<16xi32> -> vector<16xf32>
      %add3A_1676 = arith.addf %scan3A_1486#21, %gather3A_1675 : vector<16xf32>
      %select_n3A_1677 = arith.select %eq3A_1664, %add3A_1671, %add3A_1676 : vector<16xi1>, vector<16xf32>
      %and3A_1678 = arith.constant 8 : i32
      %and3A_1679 = vector.broadcast %and3A_1678 : i32 to vector<16xi32>
      %and3A_1680 = arith.andi %iota3A, %and3A_1679 : vector<16xi32>
      %eq3A_1681 = arith.constant 0 : i32
      %eq3A_1682 = vector.broadcast %eq3A_1681 : i32 to vector<16xi32>
      %eq3A_1683 = arith.cmpi eq, %and3A_1680, %eq3A_1682 : vector<16xi32>
      %broadcast_in_dim3A_1684 = arith.constant 8 : i32
      %broadcast_in_dim3A_1685 = vector.broadcast %broadcast_in_dim3A_1684 : i32 to vector<16xi32>
      %xor3A_1686 = arith.xori %iota3A, %broadcast_in_dim3A_1685 : vector<16xi32>
      %broadcast_in_dim3A_1687 = vector.shape_cast %xor3A_1686 : vector<16xi32> to vector<16x1xi32>
      %gather3A_1688 = vector.shape_cast %broadcast_in_dim3A_1687 : vector<16x1xi32> to vector<16xi32>
      %gather3A_1689 = tpu.dynamic_gather %scan3A_1486#19[%gather3A_1688] in [0] : vector<16xf32>, vector<16xi32> -> vector<16xf32>
      %add3A_1690 = arith.addf %scan3A_1486#19, %gather3A_1689 : vector<16xf32>
      %xor3A_1691 = arith.xori %iota3A, %broadcast_in_dim3A_1685 : vector<16xi32>
      %broadcast_in_dim3A_1692 = vector.shape_cast %xor3A_1691 : vector<16xi32> to vector<16x1xi32>
      %gather3A_1693 = vector.shape_cast %broadcast_in_dim3A_1692 : vector<16x1xi32> to vector<16xi32>
      %gather3A_1694 = tpu.dynamic_gather %scan3A_1486#22[%gather3A_1693] in [0] : vector<16xf32>, vector<16xi32> -> vector<16xf32>
      %add3A_1695 = arith.addf %scan3A_1486#22, %gather3A_1694 : vector<16xf32>
      %select_n3A_1696 = arith.select %eq3A_1683, %add3A_1690, %add3A_1695 : vector<16xi1>, vector<16xf32>
      %and3A_1697 = arith.constant 8 : i32
      %and3A_1698 = vector.broadcast %and3A_1697 : i32 to vector<16xi32>
      %and3A_1699 = arith.andi %iota3A, %and3A_1698 : vector<16xi32>
      %eq3A_1700 = arith.constant 0 : i32
      %eq3A_1701 = vector.broadcast %eq3A_1700 : i32 to vector<16xi32>
      %eq3A_1702 = arith.cmpi eq, %and3A_1699, %eq3A_1701 : vector<16xi32>
      %broadcast_in_dim3A_1703 = arith.constant 8 : i32
      %broadcast_in_dim3A_1704 = vector.broadcast %broadcast_in_dim3A_1703 : i32 to vector<16xi32>
      %xor3A_1705 = arith.xori %iota3A, %broadcast_in_dim3A_1704 : vector<16xi32>
      %broadcast_in_dim3A_1706 = vector.shape_cast %xor3A_1705 : vector<16xi32> to vector<16x1xi32>
      %gather3A_1707 = vector.shape_cast %broadcast_in_dim3A_1706 : vector<16x1xi32> to vector<16xi32>
      %gather3A_1708 = tpu.dynamic_gather %scan3A_1486#20[%gather3A_1707] in [0] : vector<16xf32>, vector<16xi32> -> vector<16xf32>
      %add3A_1709 = arith.addf %scan3A_1486#20, %gather3A_1708 : vector<16xf32>
      %xor3A_1710 = arith.xori %iota3A, %broadcast_in_dim3A_1704 : vector<16xi32>
      %broadcast_in_dim3A_1711 = vector.shape_cast %xor3A_1710 : vector<16xi32> to vector<16x1xi32>
      %gather3A_1712 = vector.shape_cast %broadcast_in_dim3A_1711 : vector<16x1xi32> to vector<16xi32>
      %gather3A_1713 = tpu.dynamic_gather %scan3A_1486#23[%gather3A_1712] in [0] : vector<16xf32>, vector<16xi32> -> vector<16xf32>
      %add3A_1714 = arith.addf %scan3A_1486#23, %gather3A_1713 : vector<16xf32>
      %select_n3A_1715 = arith.select %eq3A_1702, %add3A_1709, %add3A_1714 : vector<16xi1>, vector<16xf32>
      %and3A_1716 = arith.constant 4 : i32
      %and3A_1717 = vector.broadcast %and3A_1716 : i32 to vector<16xi32>
      %and3A_1718 = arith.andi %iota3A, %and3A_1717 : vector<16xi32>
      %eq3A_1719 = arith.constant 0 : i32
      %eq3A_1720 = vector.broadcast %eq3A_1719 : i32 to vector<16xi32>
      %eq3A_1721 = arith.cmpi eq, %and3A_1718, %eq3A_1720 : vector<16xi32>
      %broadcast_in_dim3A_1722 = arith.constant 4 : i32
      %broadcast_in_dim3A_1723 = vector.broadcast %broadcast_in_dim3A_1722 : i32 to vector<16xi32>
      %xor3A_1724 = arith.xori %iota3A, %broadcast_in_dim3A_1723 : vector<16xi32>
      %broadcast_in_dim3A_1725 = vector.shape_cast %xor3A_1724 : vector<16xi32> to vector<16x1xi32>
      %gather3A_1726 = vector.shape_cast %broadcast_in_dim3A_1725 : vector<16x1xi32> to vector<16xi32>
      %gather3A_1727 = tpu.dynamic_gather %select_n3A_1506[%gather3A_1726] in [0] : vector<16xf32>, vector<16xi32> -> vector<16xf32>
      %add3A_1728 = arith.addf %select_n3A_1506, %gather3A_1727 : vector<16xf32>
      %xor3A_1729 = arith.xori %iota3A, %broadcast_in_dim3A_1723 : vector<16xi32>
      %broadcast_in_dim3A_1730 = vector.shape_cast %xor3A_1729 : vector<16xi32> to vector<16x1xi32>
      %gather3A_1731 = vector.shape_cast %broadcast_in_dim3A_1730 : vector<16x1xi32> to vector<16xi32>
      %gather3A_1732 = tpu.dynamic_gather %select_n3A_1563[%gather3A_1731] in [0] : vector<16xf32>, vector<16xi32> -> vector<16xf32>
      %add3A_1733 = arith.addf %select_n3A_1563, %gather3A_1732 : vector<16xf32>
      %select_n3A_1734 = arith.select %eq3A_1721, %add3A_1728, %add3A_1733 : vector<16xi1>, vector<16xf32>
      %and3A_1735 = arith.constant 4 : i32
      %and3A_1736 = vector.broadcast %and3A_1735 : i32 to vector<16xi32>
      %and3A_1737 = arith.andi %iota3A, %and3A_1736 : vector<16xi32>
      %eq3A_1738 = arith.constant 0 : i32
      %eq3A_1739 = vector.broadcast %eq3A_1738 : i32 to vector<16xi32>
      %eq3A_1740 = arith.cmpi eq, %and3A_1737, %eq3A_1739 : vector<16xi32>
      %broadcast_in_dim3A_1741 = arith.constant 4 : i32
      %broadcast_in_dim3A_1742 = vector.broadcast %broadcast_in_dim3A_1741 : i32 to vector<16xi32>
      %xor3A_1743 = arith.xori %iota3A, %broadcast_in_dim3A_1742 : vector<16xi32>
      %broadcast_in_dim3A_1744 = vector.shape_cast %xor3A_1743 : vector<16xi32> to vector<16x1xi32>
      %gather3A_1745 = vector.shape_cast %broadcast_in_dim3A_1744 : vector<16x1xi32> to vector<16xi32>
      %gather3A_1746 = tpu.dynamic_gather %select_n3A_1525[%gather3A_1745] in [0] : vector<16xf32>, vector<16xi32> -> vector<16xf32>
      %add3A_1747 = arith.addf %select_n3A_1525, %gather3A_1746 : vector<16xf32>
      %xor3A_1748 = arith.xori %iota3A, %broadcast_in_dim3A_1742 : vector<16xi32>
      %broadcast_in_dim3A_1749 = vector.shape_cast %xor3A_1748 : vector<16xi32> to vector<16x1xi32>
      %gather3A_1750 = vector.shape_cast %broadcast_in_dim3A_1749 : vector<16x1xi32> to vector<16xi32>
      %gather3A_1751 = tpu.dynamic_gather %select_n3A_1582[%gather3A_1750] in [0] : vector<16xf32>, vector<16xi32> -> vector<16xf32>
      %add3A_1752 = arith.addf %select_n3A_1582, %gather3A_1751 : vector<16xf32>
      %select_n3A_1753 = arith.select %eq3A_1740, %add3A_1747, %add3A_1752 : vector<16xi1>, vector<16xf32>
      %and3A_1754 = arith.constant 4 : i32
      %and3A_1755 = vector.broadcast %and3A_1754 : i32 to vector<16xi32>
      %and3A_1756 = arith.andi %iota3A, %and3A_1755 : vector<16xi32>
      %eq3A_1757 = arith.constant 0 : i32
      %eq3A_1758 = vector.broadcast %eq3A_1757 : i32 to vector<16xi32>
      %eq3A_1759 = arith.cmpi eq, %and3A_1756, %eq3A_1758 : vector<16xi32>
      %broadcast_in_dim3A_1760 = arith.constant 4 : i32
      %broadcast_in_dim3A_1761 = vector.broadcast %broadcast_in_dim3A_1760 : i32 to vector<16xi32>
      %xor3A_1762 = arith.xori %iota3A, %broadcast_in_dim3A_1761 : vector<16xi32>
      %broadcast_in_dim3A_1763 = vector.shape_cast %xor3A_1762 : vector<16xi32> to vector<16x1xi32>
      %gather3A_1764 = vector.shape_cast %broadcast_in_dim3A_1763 : vector<16x1xi32> to vector<16xi32>
      %gather3A_1765 = tpu.dynamic_gather %select_n3A_1544[%gather3A_1764] in [0] : vector<16xf32>, vector<16xi32> -> vector<16xf32>
      %add3A_1766 = arith.addf %select_n3A_1544, %gather3A_1765 : vector<16xf32>
      %xor3A_1767 = arith.xori %iota3A, %broadcast_in_dim3A_1761 : vector<16xi32>
      %broadcast_in_dim3A_1768 = vector.shape_cast %xor3A_1767 : vector<16xi32> to vector<16x1xi32>
      %gather3A_1769 = vector.shape_cast %broadcast_in_dim3A_1768 : vector<16x1xi32> to vector<16xi32>
      %gather3A_1770 = tpu.dynamic_gather %select_n3A_1601[%gather3A_1769] in [0] : vector<16xf32>, vector<16xi32> -> vector<16xf32>
      %add3A_1771 = arith.addf %select_n3A_1601, %gather3A_1770 : vector<16xf32>
      %select_n3A_1772 = arith.select %eq3A_1759, %add3A_1766, %add3A_1771 : vector<16xi1>, vector<16xf32>
      %and3A_1773 = arith.constant 4 : i32
      %and3A_1774 = vector.broadcast %and3A_1773 : i32 to vector<16xi32>
      %and3A_1775 = arith.andi %iota3A, %and3A_1774 : vector<16xi32>
      %eq3A_1776 = arith.constant 0 : i32
      %eq3A_1777 = vector.broadcast %eq3A_1776 : i32 to vector<16xi32>
      %eq3A_1778 = arith.cmpi eq, %and3A_1775, %eq3A_1777 : vector<16xi32>
      %broadcast_in_dim3A_1779 = arith.constant 4 : i32
      %broadcast_in_dim3A_1780 = vector.broadcast %broadcast_in_dim3A_1779 : i32 to vector<16xi32>
      %xor3A_1781 = arith.xori %iota3A, %broadcast_in_dim3A_1780 : vector<16xi32>
      %broadcast_in_dim3A_1782 = vector.shape_cast %xor3A_1781 : vector<16xi32> to vector<16x1xi32>
      %gather3A_1783 = vector.shape_cast %broadcast_in_dim3A_1782 : vector<16x1xi32> to vector<16xi32>
      %gather3A_1784 = tpu.dynamic_gather %select_n3A_1620[%gather3A_1783] in [0] : vector<16xf32>, vector<16xi32> -> vector<16xf32>
      %add3A_1785 = arith.addf %select_n3A_1620, %gather3A_1784 : vector<16xf32>
      %xor3A_1786 = arith.xori %iota3A, %broadcast_in_dim3A_1780 : vector<16xi32>
      %broadcast_in_dim3A_1787 = vector.shape_cast %xor3A_1786 : vector<16xi32> to vector<16x1xi32>
      %gather3A_1788 = vector.shape_cast %broadcast_in_dim3A_1787 : vector<16x1xi32> to vector<16xi32>
      %gather3A_1789 = tpu.dynamic_gather %select_n3A_1677[%gather3A_1788] in [0] : vector<16xf32>, vector<16xi32> -> vector<16xf32>
      %add3A_1790 = arith.addf %select_n3A_1677, %gather3A_1789 : vector<16xf32>
      %select_n3A_1791 = arith.select %eq3A_1778, %add3A_1785, %add3A_1790 : vector<16xi1>, vector<16xf32>
      %and3A_1792 = arith.constant 4 : i32
      %and3A_1793 = vector.broadcast %and3A_1792 : i32 to vector<16xi32>
      %and3A_1794 = arith.andi %iota3A, %and3A_1793 : vector<16xi32>
      %eq3A_1795 = arith.constant 0 : i32
      %eq3A_1796 = vector.broadcast %eq3A_1795 : i32 to vector<16xi32>
      %eq3A_1797 = arith.cmpi eq, %and3A_1794, %eq3A_1796 : vector<16xi32>
      %broadcast_in_dim3A_1798 = arith.constant 4 : i32
      %broadcast_in_dim3A_1799 = vector.broadcast %broadcast_in_dim3A_1798 : i32 to vector<16xi32>
      %xor3A_1800 = arith.xori %iota3A, %broadcast_in_dim3A_1799 : vector<16xi32>
      %broadcast_in_dim3A_1801 = vector.shape_cast %xor3A_1800 : vector<16xi32> to vector<16x1xi32>
      %gather3A_1802 = vector.shape_cast %broadcast_in_dim3A_1801 : vector<16x1xi32> to vector<16xi32>
      %gather3A_1803 = tpu.dynamic_gather %select_n3A_1639[%gather3A_1802] in [0] : vector<16xf32>, vector<16xi32> -> vector<16xf32>
      %add3A_1804 = arith.addf %select_n3A_1639, %gather3A_1803 : vector<16xf32>
      %xor3A_1805 = arith.xori %iota3A, %broadcast_in_dim3A_1799 : vector<16xi32>
      %broadcast_in_dim3A_1806 = vector.shape_cast %xor3A_1805 : vector<16xi32> to vector<16x1xi32>
      %gather3A_1807 = vector.shape_cast %broadcast_in_dim3A_1806 : vector<16x1xi32> to vector<16xi32>
      %gather3A_1808 = tpu.dynamic_gather %select_n3A_1696[%gather3A_1807] in [0] : vector<16xf32>, vector<16xi32> -> vector<16xf32>
      %add3A_1809 = arith.addf %select_n3A_1696, %gather3A_1808 : vector<16xf32>
      %select_n3A_1810 = arith.select %eq3A_1797, %add3A_1804, %add3A_1809 : vector<16xi1>, vector<16xf32>
      %and3A_1811 = arith.constant 4 : i32
      %and3A_1812 = vector.broadcast %and3A_1811 : i32 to vector<16xi32>
      %and3A_1813 = arith.andi %iota3A, %and3A_1812 : vector<16xi32>
      %eq3A_1814 = arith.constant 0 : i32
      %eq3A_1815 = vector.broadcast %eq3A_1814 : i32 to vector<16xi32>
      %eq3A_1816 = arith.cmpi eq, %and3A_1813, %eq3A_1815 : vector<16xi32>
      %broadcast_in_dim3A_1817 = arith.constant 4 : i32
      %broadcast_in_dim3A_1818 = vector.broadcast %broadcast_in_dim3A_1817 : i32 to vector<16xi32>
      %xor3A_1819 = arith.xori %iota3A, %broadcast_in_dim3A_1818 : vector<16xi32>
      %broadcast_in_dim3A_1820 = vector.shape_cast %xor3A_1819 : vector<16xi32> to vector<16x1xi32>
      %gather3A_1821 = vector.shape_cast %broadcast_in_dim3A_1820 : vector<16x1xi32> to vector<16xi32>
      %gather3A_1822 = tpu.dynamic_gather %select_n3A_1658[%gather3A_1821] in [0] : vector<16xf32>, vector<16xi32> -> vector<16xf32>
      %add3A_1823 = arith.addf %select_n3A_1658, %gather3A_1822 : vector<16xf32>
      %xor3A_1824 = arith.xori %iota3A, %broadcast_in_dim3A_1818 : vector<16xi32>
      %broadcast_in_dim3A_1825 = vector.shape_cast %xor3A_1824 : vector<16xi32> to vector<16x1xi32>
      %gather3A_1826 = vector.shape_cast %broadcast_in_dim3A_1825 : vector<16x1xi32> to vector<16xi32>
      %gather3A_1827 = tpu.dynamic_gather %select_n3A_1715[%gather3A_1826] in [0] : vector<16xf32>, vector<16xi32> -> vector<16xf32>
      %add3A_1828 = arith.addf %select_n3A_1715, %gather3A_1827 : vector<16xf32>
      %select_n3A_1829 = arith.select %eq3A_1816, %add3A_1823, %add3A_1828 : vector<16xi1>, vector<16xf32>
      %and3A_1830 = arith.constant 2 : i32
      %and3A_1831 = vector.broadcast %and3A_1830 : i32 to vector<16xi32>
      %and3A_1832 = arith.andi %iota3A, %and3A_1831 : vector<16xi32>
      %eq3A_1833 = arith.constant 0 : i32
      %eq3A_1834 = vector.broadcast %eq3A_1833 : i32 to vector<16xi32>
      %eq3A_1835 = arith.cmpi eq, %and3A_1832, %eq3A_1834 : vector<16xi32>
      %broadcast_in_dim3A_1836 = arith.constant 2 : i32
      %broadcast_in_dim3A_1837 = vector.broadcast %broadcast_in_dim3A_1836 : i32 to vector<16xi32>
      %xor3A_1838 = arith.xori %iota3A, %broadcast_in_dim3A_1837 : vector<16xi32>
      %broadcast_in_dim3A_1839 = vector.shape_cast %xor3A_1838 : vector<16xi32> to vector<16x1xi32>
      %gather3A_1840 = vector.shape_cast %broadcast_in_dim3A_1839 : vector<16x1xi32> to vector<16xi32>
      %gather3A_1841 = tpu.dynamic_gather %select_n3A_1734[%gather3A_1840] in [0] : vector<16xf32>, vector<16xi32> -> vector<16xf32>
      %add3A_1842 = arith.addf %select_n3A_1734, %gather3A_1841 : vector<16xf32>
      %xor3A_1843 = arith.xori %iota3A, %broadcast_in_dim3A_1837 : vector<16xi32>
      %broadcast_in_dim3A_1844 = vector.shape_cast %xor3A_1843 : vector<16xi32> to vector<16x1xi32>
      %gather3A_1845 = vector.shape_cast %broadcast_in_dim3A_1844 : vector<16x1xi32> to vector<16xi32>
      %gather3A_1846 = tpu.dynamic_gather %select_n3A_1791[%gather3A_1845] in [0] : vector<16xf32>, vector<16xi32> -> vector<16xf32>
      %add3A_1847 = arith.addf %select_n3A_1791, %gather3A_1846 : vector<16xf32>
      %select_n3A_1848 = arith.select %eq3A_1835, %add3A_1842, %add3A_1847 : vector<16xi1>, vector<16xf32>
      %and3A_1849 = arith.constant 2 : i32
      %and3A_1850 = vector.broadcast %and3A_1849 : i32 to vector<16xi32>
      %and3A_1851 = arith.andi %iota3A, %and3A_1850 : vector<16xi32>
      %eq3A_1852 = arith.constant 0 : i32
      %eq3A_1853 = vector.broadcast %eq3A_1852 : i32 to vector<16xi32>
      %eq3A_1854 = arith.cmpi eq, %and3A_1851, %eq3A_1853 : vector<16xi32>
      %broadcast_in_dim3A_1855 = arith.constant 2 : i32
      %broadcast_in_dim3A_1856 = vector.broadcast %broadcast_in_dim3A_1855 : i32 to vector<16xi32>
      %xor3A_1857 = arith.xori %iota3A, %broadcast_in_dim3A_1856 : vector<16xi32>
      %broadcast_in_dim3A_1858 = vector.shape_cast %xor3A_1857 : vector<16xi32> to vector<16x1xi32>
      %gather3A_1859 = vector.shape_cast %broadcast_in_dim3A_1858 : vector<16x1xi32> to vector<16xi32>
      %gather3A_1860 = tpu.dynamic_gather %select_n3A_1753[%gather3A_1859] in [0] : vector<16xf32>, vector<16xi32> -> vector<16xf32>
      %add3A_1861 = arith.addf %select_n3A_1753, %gather3A_1860 : vector<16xf32>
      %xor3A_1862 = arith.xori %iota3A, %broadcast_in_dim3A_1856 : vector<16xi32>
      %broadcast_in_dim3A_1863 = vector.shape_cast %xor3A_1862 : vector<16xi32> to vector<16x1xi32>
      %gather3A_1864 = vector.shape_cast %broadcast_in_dim3A_1863 : vector<16x1xi32> to vector<16xi32>
      %gather3A_1865 = tpu.dynamic_gather %select_n3A_1810[%gather3A_1864] in [0] : vector<16xf32>, vector<16xi32> -> vector<16xf32>
      %add3A_1866 = arith.addf %select_n3A_1810, %gather3A_1865 : vector<16xf32>
      %select_n3A_1867 = arith.select %eq3A_1854, %add3A_1861, %add3A_1866 : vector<16xi1>, vector<16xf32>
      %and3A_1868 = arith.constant 2 : i32
      %and3A_1869 = vector.broadcast %and3A_1868 : i32 to vector<16xi32>
      %and3A_1870 = arith.andi %iota3A, %and3A_1869 : vector<16xi32>
      %eq3A_1871 = arith.constant 0 : i32
      %eq3A_1872 = vector.broadcast %eq3A_1871 : i32 to vector<16xi32>
      %eq3A_1873 = arith.cmpi eq, %and3A_1870, %eq3A_1872 : vector<16xi32>
      %broadcast_in_dim3A_1874 = arith.constant 2 : i32
      %broadcast_in_dim3A_1875 = vector.broadcast %broadcast_in_dim3A_1874 : i32 to vector<16xi32>
      %xor3A_1876 = arith.xori %iota3A, %broadcast_in_dim3A_1875 : vector<16xi32>
      %broadcast_in_dim3A_1877 = vector.shape_cast %xor3A_1876 : vector<16xi32> to vector<16x1xi32>
      %gather3A_1878 = vector.shape_cast %broadcast_in_dim3A_1877 : vector<16x1xi32> to vector<16xi32>
      %gather3A_1879 = tpu.dynamic_gather %select_n3A_1772[%gather3A_1878] in [0] : vector<16xf32>, vector<16xi32> -> vector<16xf32>
      %add3A_1880 = arith.addf %select_n3A_1772, %gather3A_1879 : vector<16xf32>
      %xor3A_1881 = arith.xori %iota3A, %broadcast_in_dim3A_1875 : vector<16xi32>
      %broadcast_in_dim3A_1882 = vector.shape_cast %xor3A_1881 : vector<16xi32> to vector<16x1xi32>
      %gather3A_1883 = vector.shape_cast %broadcast_in_dim3A_1882 : vector<16x1xi32> to vector<16xi32>
      %gather3A_1884 = tpu.dynamic_gather %select_n3A_1829[%gather3A_1883] in [0] : vector<16xf32>, vector<16xi32> -> vector<16xf32>
      %add3A_1885 = arith.addf %select_n3A_1829, %gather3A_1884 : vector<16xf32>
      %select_n3A_1886 = arith.select %eq3A_1873, %add3A_1880, %add3A_1885 : vector<16xi1>, vector<16xf32>
      %and3A_1887 = arith.constant 1 : i32
      %and3A_1888 = vector.broadcast %and3A_1887 : i32 to vector<16xi32>
      %and3A_1889 = arith.andi %iota3A, %and3A_1888 : vector<16xi32>
      %eq3A_1890 = arith.constant 0 : i32
      %eq3A_1891 = vector.broadcast %eq3A_1890 : i32 to vector<16xi32>
      %eq3A_1892 = arith.cmpi eq, %and3A_1889, %eq3A_1891 : vector<16xi32>
      %broadcast_in_dim3A_1893 = arith.constant 1 : i32
      %broadcast_in_dim3A_1894 = vector.broadcast %broadcast_in_dim3A_1893 : i32 to vector<16xi32>
      %xor3A_1895 = arith.xori %iota3A, %broadcast_in_dim3A_1894 : vector<16xi32>
      %broadcast_in_dim3A_1896 = vector.shape_cast %xor3A_1895 : vector<16xi32> to vector<16x1xi32>
      %gather3A_1897 = vector.shape_cast %broadcast_in_dim3A_1896 : vector<16x1xi32> to vector<16xi32>
      %gather3A_1898 = tpu.dynamic_gather %select_n3A_1441[%gather3A_1897] in [0] : vector<16xf32>, vector<16xi32> -> vector<16xf32>
      %add3A_1899 = arith.addf %select_n3A_1441, %gather3A_1898 : vector<16xf32>
      %xor3A_1900 = arith.xori %iota3A, %broadcast_in_dim3A_1894 : vector<16xi32>
      %broadcast_in_dim3A_1901 = vector.shape_cast %xor3A_1900 : vector<16xi32> to vector<16x1xi32>
      %gather3A_1902 = vector.shape_cast %broadcast_in_dim3A_1901 : vector<16x1xi32> to vector<16xi32>
      %gather3A_1903 = tpu.dynamic_gather %select_n3A_1848[%gather3A_1902] in [0] : vector<16xf32>, vector<16xi32> -> vector<16xf32>
      %add3A_1904 = arith.addf %select_n3A_1848, %gather3A_1903 : vector<16xf32>
      %select_n3A_1905 = arith.select %eq3A_1892, %add3A_1899, %add3A_1904 : vector<16xi1>, vector<16xf32>
      %and3A_1906 = arith.constant 1 : i32
      %and3A_1907 = vector.broadcast %and3A_1906 : i32 to vector<16xi32>
      %and3A_1908 = arith.andi %iota3A, %and3A_1907 : vector<16xi32>
      %eq3A_1909 = arith.constant 0 : i32
      %eq3A_1910 = vector.broadcast %eq3A_1909 : i32 to vector<16xi32>
      %eq3A_1911 = arith.cmpi eq, %and3A_1908, %eq3A_1910 : vector<16xi32>
      %broadcast_in_dim3A_1912 = arith.constant 1 : i32
      %broadcast_in_dim3A_1913 = vector.broadcast %broadcast_in_dim3A_1912 : i32 to vector<16xi32>
      %xor3A_1914 = arith.xori %iota3A, %broadcast_in_dim3A_1913 : vector<16xi32>
      %broadcast_in_dim3A_1915 = vector.shape_cast %xor3A_1914 : vector<16xi32> to vector<16x1xi32>
      %gather3A_1916 = vector.shape_cast %broadcast_in_dim3A_1915 : vector<16x1xi32> to vector<16xi32>
      %gather3A_1917 = tpu.dynamic_gather %select_n3A_1460[%gather3A_1916] in [0] : vector<16xf32>, vector<16xi32> -> vector<16xf32>
      %add3A_1918 = arith.addf %select_n3A_1460, %gather3A_1917 : vector<16xf32>
      %xor3A_1919 = arith.xori %iota3A, %broadcast_in_dim3A_1913 : vector<16xi32>
      %broadcast_in_dim3A_1920 = vector.shape_cast %xor3A_1919 : vector<16xi32> to vector<16x1xi32>
      %gather3A_1921 = vector.shape_cast %broadcast_in_dim3A_1920 : vector<16x1xi32> to vector<16xi32>
      %gather3A_1922 = tpu.dynamic_gather %select_n3A_1867[%gather3A_1921] in [0] : vector<16xf32>, vector<16xi32> -> vector<16xf32>
      %add3A_1923 = arith.addf %select_n3A_1867, %gather3A_1922 : vector<16xf32>
      %select_n3A_1924 = arith.select %eq3A_1911, %add3A_1918, %add3A_1923 : vector<16xi1>, vector<16xf32>
      %and3A_1925 = arith.constant 1 : i32
      %and3A_1926 = vector.broadcast %and3A_1925 : i32 to vector<16xi32>
      %and3A_1927 = arith.andi %iota3A, %and3A_1926 : vector<16xi32>
      %eq3A_1928 = arith.constant 0 : i32
      %eq3A_1929 = vector.broadcast %eq3A_1928 : i32 to vector<16xi32>
      %eq3A_1930 = arith.cmpi eq, %and3A_1927, %eq3A_1929 : vector<16xi32>
      %broadcast_in_dim3A_1931 = arith.constant 1 : i32
      %broadcast_in_dim3A_1932 = vector.broadcast %broadcast_in_dim3A_1931 : i32 to vector<16xi32>
      %xor3A_1933 = arith.xori %iota3A, %broadcast_in_dim3A_1932 : vector<16xi32>
      %broadcast_in_dim3A_1934 = vector.shape_cast %xor3A_1933 : vector<16xi32> to vector<16x1xi32>
      %gather3A_1935 = vector.shape_cast %broadcast_in_dim3A_1934 : vector<16x1xi32> to vector<16xi32>
      %gather3A_1936 = tpu.dynamic_gather %select_n3A_1479[%gather3A_1935] in [0] : vector<16xf32>, vector<16xi32> -> vector<16xf32>
      %add3A_1937 = arith.addf %select_n3A_1479, %gather3A_1936 : vector<16xf32>
      %xor3A_1938 = arith.xori %iota3A, %broadcast_in_dim3A_1932 : vector<16xi32>
      %broadcast_in_dim3A_1939 = vector.shape_cast %xor3A_1938 : vector<16xi32> to vector<16x1xi32>
      %gather3A_1940 = vector.shape_cast %broadcast_in_dim3A_1939 : vector<16x1xi32> to vector<16xi32>
      %gather3A_1941 = tpu.dynamic_gather %select_n3A_1886[%gather3A_1940] in [0] : vector<16xf32>, vector<16xi32> -> vector<16xf32>
      %add3A_1942 = arith.addf %select_n3A_1886, %gather3A_1941 : vector<16xf32>
      %select_n3A_1943 = arith.select %eq3A_1930, %add3A_1937, %add3A_1942 : vector<16xi1>, vector<16xf32>
      %mul3A_1944 = arith.constant 16 : i32
      %mul3A_1945 = arith.muli %add3A_1072, %mul3A_1944 : i32
      %multiple_of3A_1946 = tpu.assume_multiple %mul3A_1945, 16 : i32
      %get3A_1947 = arith.index_cast %multiple_of3A_1946 : i32 to index
      %get3A_1948 = tpu.vector_load %arg6[%get3A_1947] {strides = array<i32>} : memref<256xi32, #tpu.memory_space<vmem>>, vector<16xi32>,
      %get3A_1949 = vector.shape_cast %get3A_1948 : vector<16xi32> to vector<16xi32>
      %and3A_1950 = arith.constant 1 : i32
      %and3A_1951 = vector.broadcast %and3A_1950 : i32 to vector<16xi32>
      %and3A_1952 = arith.andi %iota3A, %and3A_1951 : vector<16xi32>
      %shift_left3A_1953 = arith.constant 3 : i32
      %shift_left3A_1954 = vector.broadcast %shift_left3A_1953 : i32 to vector<16xi32>
      %shift_left3A_1955 = arith.shli %and3A_1952, %shift_left3A_1954 : vector<16xi32>
      %and3A_1956 = arith.constant 2 : i32
      %and3A_1957 = vector.broadcast %and3A_1956 : i32 to vector<16xi32>
      %and3A_1958 = arith.andi %iota3A, %and3A_1957 : vector<16xi32>
      %shift_left3A_1959 = arith.constant 1 : i32
      %shift_left3A_1960 = vector.broadcast %shift_left3A_1959 : i32 to vector<16xi32>
      %shift_left3A_1961 = arith.shli %and3A_1958, %shift_left3A_1960 : vector<16xi32>
      %or3A_1962 = arith.ori %shift_left3A_1955, %shift_left3A_1961 : vector<16xi32>
      %and3A_1963 = arith.constant 4 : i32
      %and3A_1964 = vector.broadcast %and3A_1963 : i32 to vector<16xi32>
      %and3A_1965 = arith.andi %iota3A, %and3A_1964 : vector<16xi32>
      %shift_right_logical3A_1966 = arith.constant 1 : i32
      %shift_right_logical3A_1967 = vector.broadcast %shift_right_logical3A_1966 : i32 to vector<16xi32>
      %shift_right_logical3A_1968 = arith.shrui %and3A_1965, %shift_right_logical3A_1967 : vector<16xi32>
      %or3A_1969 = arith.ori %or3A_1962, %shift_right_logical3A_1968 : vector<16xi32>
      %and3A_1970 = arith.constant 8 : i32
      %and3A_1971 = vector.broadcast %and3A_1970 : i32 to vector<16xi32>
      %and3A_1972 = arith.andi %iota3A, %and3A_1971 : vector<16xi32>
      %shift_right_logical3A_1973 = arith.constant 3 : i32
      %shift_right_logical3A_1974 = vector.broadcast %shift_right_logical3A_1973 : i32 to vector<16xi32>
      %shift_right_logical3A_1975 = arith.shrui %and3A_1972, %shift_right_logical3A_1974 : vector<16xi32>
      %or3A_1976 = arith.ori %or3A_1969, %shift_right_logical3A_1975 : vector<16xi32>
      %broadcast_in_dim3A_1977 = vector.shape_cast %or3A_1976 : vector<16xi32> to vector<16x1xi32>
      %gather3A_1978 = vector.shape_cast %broadcast_in_dim3A_1977 : vector<16x1xi32> to vector<16xi32>
      %gather3A_1979 = tpu.dynamic_gather %get3A_1949[%gather3A_1978] in [0] : vector<16xi32>, vector<16xi32> -> vector<16xi32>
      %ne3A_1980 = arith.constant 0 : i32
      %ne3A_1981 = vector.broadcast %ne3A_1980 : i32 to vector<16xi32>
      %ne3A_1982 = arith.cmpi ne, %gather3A_1979, %ne3A_1981 : vector<16xi32>
      %jit3A_1983 = arith.constant 1.000000e+00 : f32
      %jit3A_1984 = arith.constant 0.000000e+00 : f32
      %broadcast_in_dim3A_1985 = vector.broadcast %jit3A_1983 : f32 to vector<16xf32>
      %broadcast_in_dim3A_1986 = vector.broadcast %jit3A_1984 : f32 to vector<16xf32>
      %select_n3A_1987 = arith.select %ne3A_1982, %broadcast_in_dim3A_1985, %broadcast_in_dim3A_1986 : vector<16xi1>, vector<16xf32>
      %max3A_1988 = arith.constant 1.000000e-30 : f32
      %max3A_1989 = vector.broadcast %max3A_1988 : f32 to vector<16xf32>
      %max3A_1990 = arith.maximumf %select_n3A_1924, %max3A_1989 : vector<16xf32>
      %bitcast_convert_type3A_1991 = tpu.bitcast %max3A_1990 : vector<16xf32> -> vector<16xi32>
      %shift_right_arithmetic3A_1992 = arith.constant 1 : i32
      %shift_right_arithmetic3A_1993 = vector.broadcast %shift_right_arithmetic3A_1992 : i32 to vector<16xi32>
      %shift_right_arithmetic3A_1994 = arith.shrsi %bitcast_convert_type3A_1991, %shift_right_arithmetic3A_1993 : vector<16xi32>
      %sub3A_1995 = arith.constant 1597463007 : i32
      %sub3A_1996 = vector.broadcast %sub3A_1995 : i32 to vector<16xi32>
      %sub3A_1997 = arith.subi %sub3A_1996, %shift_right_arithmetic3A_1994 : vector<16xi32>
      %bitcast_convert_type3A_1998 = tpu.bitcast %sub3A_1997 : vector<16xi32> -> vector<16xf32>
      %mul3A_1999 = arith.constant 5.000000e-01 : f32
      %mul3A_2000 = vector.broadcast %mul3A_1999 : f32 to vector<16xf32>
      %mul3A_2001 = arith.mulf %mul3A_2000, %max3A_1990 : vector<16xf32>
      %mul3A_2002 = arith.mulf %mul3A_2001, %bitcast_convert_type3A_1998 : vector<16xf32>
      %mul3A_2003 = arith.mulf %mul3A_2002, %bitcast_convert_type3A_1998 : vector<16xf32>
      %sub3A_2004 = arith.constant 1.500000e+00 : f32
      %sub3A_2005 = vector.broadcast %sub3A_2004 : f32 to vector<16xf32>
      %sub3A_2006 = arith.subf %sub3A_2005, %mul3A_2003 : vector<16xf32>
      %mul3A_2007 = arith.mulf %bitcast_convert_type3A_1998, %sub3A_2006 : vector<16xf32>
      %mul3A_2008 = arith.constant 5.000000e-01 : f32
      %mul3A_2009 = vector.broadcast %mul3A_2008 : f32 to vector<16xf32>
      %mul3A_2010 = arith.mulf %mul3A_2009, %max3A_1990 : vector<16xf32>
      %mul3A_2011 = arith.mulf %mul3A_2010, %mul3A_2007 : vector<16xf32>
      %mul3A_2012 = arith.mulf %mul3A_2011, %mul3A_2007 : vector<16xf32>
      %sub3A_2013 = arith.constant 1.500000e+00 : f32
      %sub3A_2014 = vector.broadcast %sub3A_2013 : f32 to vector<16xf32>
      %sub3A_2015 = arith.subf %sub3A_2014, %mul3A_2012 : vector<16xf32>
      %mul3A_2016 = arith.mulf %mul3A_2007, %sub3A_2015 : vector<16xf32>
      %mul3A_2017 = arith.constant 5.000000e-01 : f32
      %mul3A_2018 = vector.broadcast %mul3A_2017 : f32 to vector<16xf32>
      %mul3A_2019 = arith.mulf %mul3A_2018, %max3A_1990 : vector<16xf32>
      %mul3A_2020 = arith.mulf %mul3A_2019, %mul3A_2016 : vector<16xf32>
      %mul3A_2021 = arith.mulf %mul3A_2020, %mul3A_2016 : vector<16xf32>
      %sub3A_2022 = arith.constant 1.500000e+00 : f32
      %sub3A_2023 = vector.broadcast %sub3A_2022 : f32 to vector<16xf32>
      %sub3A_2024 = arith.subf %sub3A_2023, %mul3A_2021 : vector<16xf32>
      %mul3A_2025 = arith.mulf %mul3A_2016, %sub3A_2024 : vector<16xf32>
      %mul3A_2026 = arith.mulf %select_n3A_1924, %mul3A_2025 : vector<16xf32>
      %max3A_2027 = arith.constant 9.99999993E-9 : f32
      %max3A_2028 = vector.broadcast %max3A_2027 : f32 to vector<16xf32>
      %max3A_2029 = arith.maximumf %mul3A_2026, %max3A_2028 : vector<16xf32>
      %max3A_2030 = arith.constant 1.000000e-30 : f32
      %max3A_2031 = vector.broadcast %max3A_2030 : f32 to vector<16xf32>
      %max3A_2032 = arith.maximumf %select_n3A_1943, %max3A_2031 : vector<16xf32>
      %bitcast_convert_type3A_2033 = tpu.bitcast %max3A_2032 : vector<16xf32> -> vector<16xi32>
      %shift_right_arithmetic3A_2034 = arith.constant 1 : i32
      %shift_right_arithmetic3A_2035 = vector.broadcast %shift_right_arithmetic3A_2034 : i32 to vector<16xi32>
      %shift_right_arithmetic3A_2036 = arith.shrsi %bitcast_convert_type3A_2033, %shift_right_arithmetic3A_2035 : vector<16xi32>
      %sub3A_2037 = arith.constant 1597463007 : i32
      %sub3A_2038 = vector.broadcast %sub3A_2037 : i32 to vector<16xi32>
      %sub3A_2039 = arith.subi %sub3A_2038, %shift_right_arithmetic3A_2036 : vector<16xi32>
      %bitcast_convert_type3A_2040 = tpu.bitcast %sub3A_2039 : vector<16xi32> -> vector<16xf32>
      %mul3A_2041 = arith.constant 5.000000e-01 : f32
      %mul3A_2042 = vector.broadcast %mul3A_2041 : f32 to vector<16xf32>
      %mul3A_2043 = arith.mulf %mul3A_2042, %max3A_2032 : vector<16xf32>
      %mul3A_2044 = arith.mulf %mul3A_2043, %bitcast_convert_type3A_2040 : vector<16xf32>
      %mul3A_2045 = arith.mulf %mul3A_2044, %bitcast_convert_type3A_2040 : vector<16xf32>
      %sub3A_2046 = arith.constant 1.500000e+00 : f32
      %sub3A_2047 = vector.broadcast %sub3A_2046 : f32 to vector<16xf32>
      %sub3A_2048 = arith.subf %sub3A_2047, %mul3A_2045 : vector<16xf32>
      %mul3A_2049 = arith.mulf %bitcast_convert_type3A_2040, %sub3A_2048 : vector<16xf32>
      %mul3A_2050 = arith.constant 5.000000e-01 : f32
      %mul3A_2051 = vector.broadcast %mul3A_2050 : f32 to vector<16xf32>
      %mul3A_2052 = arith.mulf %mul3A_2051, %max3A_2032 : vector<16xf32>
      %mul3A_2053 = arith.mulf %mul3A_2052, %mul3A_2049 : vector<16xf32>
      %mul3A_2054 = arith.mulf %mul3A_2053, %mul3A_2049 : vector<16xf32>
      %sub3A_2055 = arith.constant 1.500000e+00 : f32
      %sub3A_2056 = vector.broadcast %sub3A_2055 : f32 to vector<16xf32>
      %sub3A_2057 = arith.subf %sub3A_2056, %mul3A_2054 : vector<16xf32>
      %mul3A_2058 = arith.mulf %mul3A_2049, %sub3A_2057 : vector<16xf32>
      %mul3A_2059 = arith.constant 5.000000e-01 : f32
      %mul3A_2060 = vector.broadcast %mul3A_2059 : f32 to vector<16xf32>
      %mul3A_2061 = arith.mulf %mul3A_2060, %max3A_2032 : vector<16xf32>
      %mul3A_2062 = arith.mulf %mul3A_2061, %mul3A_2058 : vector<16xf32>
      %mul3A_2063 = arith.mulf %mul3A_2062, %mul3A_2058 : vector<16xf32>
      %sub3A_2064 = arith.constant 1.500000e+00 : f32
      %sub3A_2065 = vector.broadcast %sub3A_2064 : f32 to vector<16xf32>
      %sub3A_2066 = arith.subf %sub3A_2065, %mul3A_2063 : vector<16xf32>
      %mul3A_2067 = arith.mulf %mul3A_2058, %sub3A_2066 : vector<16xf32>
      %mul3A_2068 = arith.mulf %select_n3A_1943, %mul3A_2067 : vector<16xf32>
      %max3A_2069 = arith.constant 9.99999993E-9 : f32
      %max3A_2070 = vector.broadcast %max3A_2069 : f32 to vector<16xf32>
      %max3A_2071 = arith.maximumf %mul3A_2068, %max3A_2070 : vector<16xf32>
      %mul3A_2072 = arith.mulf %max3A_2029, %max3A_2071 : vector<16xf32>
      %div3A_2073 = arith.divf %select_n3A_1905, %mul3A_2072 : vector<16xf32>
      %sub3A_2074 = arith.constant 1.000000e+00 : f32
      %sub3A_2075 = vector.broadcast %sub3A_2074 : f32 to vector<16xf32>
      %sub3A_2076 = arith.subf %sub3A_2075, %div3A_2073 : vector<16xf32>
      %mul3A_2077 = arith.mulf %sub3A_2076, %select_n3A_1987 : vector<16xf32>
      %add3A_2078 = arith.addf %add3A_1054, %mul3A_2077 : vector<16xf32>
      %add3A_2079 = arith.addf %add3A_1055, %select_n3A_1987 : vector<16xf32>
      scf.yield %add3A_2078, %add3A_2079 : vector<16xf32>, vector<16xf32>
    }
    %scan3A_19 = arith.constant 8 : i32
    %swap3A = arith.constant 0 : i32
    %swap3A_20 = arith.index_cast %swap3A : i32 to index
    %swap3A_21 = arith.constant 0 : index
    %swap3A_22 = tpu.vector_load %arg11[%swap3A_20, %swap3A_21] {strides = array<i32>} : memref<2x16xf32, #tpu.memory_space<vmem>>, vector<1x16xf32>,
    %swap3A_23 = vector.shape_cast %swap3A_22 : vector<1x16xf32> to vector<16xf32>
    %swap3A_24 = vector.shape_cast %scan3A_18#0 : vector<16xf32> to vector<1x16xf32>
    tpu.vector_store %arg11[%swap3A_20, %swap3A_21], %swap3A_24 {strides = array<i32>} : memref<2x16xf32, #tpu.memory_space<vmem>>, vector<1x16xf32>,
    %swap3A_25 = arith.constant 1 : i32
    %swap3A_26 = arith.index_cast %swap3A_25 : i32 to index
    %swap3A_27 = arith.constant 0 : index
    %swap3A_28 = tpu.vector_load %arg11[%swap3A_26, %swap3A_27] {strides = array<i32>} : memref<2x16xf32, #tpu.memory_space<vmem>>, vector<1x16xf32>,
    %swap3A_29 = vector.shape_cast %swap3A_28 : vector<1x16xf32> to vector<16xf32>
    %swap3A_30 = vector.shape_cast %scan3A_18#1 : vector<16xf32> to vector<1x16xf32>
    tpu.vector_store %arg11[%swap3A_26, %swap3A_27], %swap3A_30 {strides = array<i32>} : memref<2x16xf32, #tpu.memory_space<vmem>>, vector<1x16xf32>,
    "tpu.region"() ({
      %run_scoped3A = tpu.sem_alloc : memref<!tpu.dma_semaphore, #tpu.memory_space<semaphore_mem>>
      %dma_start3A_31 = arith.constant 0 : i32
      %dma_start3A_32 = arith.constant 0 : i32
      %dma_start3A_33 = tpu.memref_slice %arg5[%add3A, %dma_start3A_31, %dma_start3A_32] : memref<32x2x16xf32, #tpu.memory_space<hbm>> -> memref<1x2x16xf32, #tpu.memory_space<hbm>>
      %dma_start3A_34 = tpu.memref_squeeze %dma_start3A_33 : memref<1x2x16xf32, #tpu.memory_space<hbm>> -> memref<2x16xf32, #tpu.memory_space<hbm>>
      %dma_start3A_35 = arith.constant 0 : i32
      %dma_start3A_36 = arith.constant 0 : i32
      %dma_start3A_37 = tpu.memref_slice %arg5[%add3A, %dma_start3A_35, %dma_start3A_36] : memref<32x2x16xf32, #tpu.memory_space<hbm>> -> memref<1x2x16xf32, #tpu.memory_space<hbm>>
      %dma_start3A_38 = tpu.memref_squeeze %dma_start3A_37 : memref<1x2x16xf32, #tpu.memory_space<hbm>> -> memref<2x16xf32, #tpu.memory_space<hbm>>
      tpu.enqueue_dma source(%arg11 : memref<2x16xf32, #tpu.memory_space<vmem>>) target(%dma_start3A_38 : memref<2x16xf32, #tpu.memory_space<hbm>>) target_semaphore(%run_scoped3A : memref<!tpu.dma_semaphore, #tpu.memory_space<semaphore_mem>>)
      %dma_wait3A = arith.constant 0 : i32
      %dma_wait3A_39 = arith.constant 0 : i32
      %dma_wait3A_40 = tpu.memref_slice %arg5[%add3A, %dma_wait3A, %dma_wait3A_39] : memref<32x2x16xf32, #tpu.memory_space<hbm>> -> memref<1x2x16xf32, #tpu.memory_space<hbm>>
      %dma_wait3A_41 = tpu.memref_squeeze %dma_wait3A_40 : memref<1x2x16xf32, #tpu.memory_space<hbm>> -> memref<2x16xf32, #tpu.memory_space<hbm>>
      %dma_wait3A_42 = arith.constant 0 : i32
      %dma_wait3A_43 = arith.constant 0 : i32
      %dma_wait3A_44 = tpu.memref_slice %arg5[%add3A, %dma_wait3A_42, %dma_wait3A_43] : memref<32x2x16xf32, #tpu.memory_space<hbm>> -> memref<1x2x16xf32, #tpu.memory_space<hbm>>
      %dma_wait3A_45 = tpu.memref_squeeze %dma_wait3A_44 : memref<1x2x16xf32, #tpu.memory_space<hbm>> -> memref<2x16xf32, #tpu.memory_space<hbm>>
      tpu.wait_dma2 semaphore(%run_scoped3A : memref<!tpu.dma_semaphore, #tpu.memory_space<semaphore_mem>>) src(%arg11 : memref<2x16xf32, #tpu.memory_space<vmem>>) dst(%dma_wait3A_45 : memref<2x16xf32, #tpu.memory_space<hbm>>)
      tpu.yield
    }) : () -> ()
    return
  }
}

</mosaic_0001>

<sc_bundles>
// kernel: _sc_loss.3.cloned.1.call-start
scs
__scs_entry_jumppad:
0x0: {  	(pc) =	sbr.rel $0x88, $3  }
0x1: {  	(tag) =	ssettag $0x0;
	lr =	simm.s32 $0x1  }
0x2: {  	[smem:$0x3F9E] =	sst lr;
	_ =	strace $0xD0000000  }
0x3: {  	_ = 	snop  }
0x4: {  	_ = 	snop  }
0x5: {  	_ = 	snop  }
0x6: {  	_ = 	snop  }
0x7: {  	_ = 	snop  }
__scs_overlays_trampoline_lowered:
0x8: {  	[smem:$0x3FAD] =	sst s0  }
0x9: {  	[smem:$0x3FAE] =	sst s1  }
0xa: {  	[smem:$0x3FAF] =	sst s2  }
0xb: {  	[smem:$0x3FB0] =	sst s3  }
0xc: {  	[smem:$0x3FB1] =	sst s4  }
0xd: {  	[smem:$0x3FB2] =	sst s5  }
0xe: {  	[smem:$0x3FB3] =	sst s6  }
0xf: {  	[smem:$0x3FB4] =	sst s7  }
0x10: {  	[smem:$0x3FB5] =	sst s8  }
0x11: {  	[smem:$0x3FB6] =	sst s9;
	s0 =	simm.s32 @!p0 $0x0  }
0x12: {  	s1 =	sld [smem:$0x3F9C];
	s0 =	simm.s32 @p0 $0x1  }
0x13: {  	[smem:$0x3FB7] =	sst s0;
	s0 =	simm.s32 @!p1 $0x0  }
0x14: {  	s2 =	sld [smem:$0x3F9B];
	s0 =	simm.s32 @p1 $0x1  }
0x15: {  	[smem:$0x3FB8] =	sst s0;
	s0 =	simm.s32 @!p2 $0x0  }
0x16: {  	s3 =	sld [smem:$0x3FDB];
	s0 =	simm.s32 @p2 $0x1  }
0x17: {  	s4 =	simm.s32 $0x1BF5;
	[smem:$0x3FBA] =	sst s0  }
0x18: {  	s0 =	sld [smem:$0x3F9D];
	_ =	swait.ge [sflag:s4], $0x0  }
0x19: {  	s7 =	sld [smem:$0x3F9E]  }
0x1a: {  	s8 =	sadd.s32 $0xFFFFE003, lr  }
0x1b: {  	s9 =	sadd.s32 $0xFFFFFEF7, lr;
	s5 =	simm.s32 $0xFFFFFFFF;
	p2 =	slt.u32 s8, $0xFFFFF086  }
0x1c: {  	p1 =	slt.u32 s9, $0xF7A;
	s5 =	simm.s32 @!p2 $0x0  }
0x1d: {  	s5 =	simm.s32 @p1 $0x1;
	p0 =	seq.s32 s7, s2  }
0x1e: {  	s7 =	smul.u32 @!p0 $0xF7A, s2;
	p2 =	seq.s32 @!p0 s5, $0x0  }
0x1f: {  	s9 =	smul.u32 $0xF7A, s1;
	s8 =	simm.s32 @!p0 $0x1BF5;
	p2 =	por !p2, p0  }
0x20: {  	[sflag:s8] =	ssyncset.s32 @!p0 $0xFFFFF086;
	s6 =	sadd.s32 @!p0 s3, s7;
	s7 =	simm.s32 @!p0 $0x108  }
0x21: {  	s3 =	sadd.s32 s3, s9;
	s6 =	sadd.s32 @!p0 $0x88, s6;
	s7 =	simm.s32 @p2 $0x1082  }
0x22: {  	[simem:s7], [sflag:s8] =	dma.local @!p0 [hbm:s6], $0xF7A  }
0x23: {  	s9 =	sor.u32 $0xD0000000, s2;
	s6 =	simm.s32 $0x108;
	_ =	swait.ge @!p0 [sflag:s8], $0x0  }
0x24: {  	s3 =	sadd.s32 $0x88, s3;
	s6 =	simm.s32 @!p1 $0x1082;
	[sflag:s4] =	ssyncset.s32 $0xFFFFF086  }
0x25: {  	[simem:s6], [sflag:s4] =	dma.local [hbm:s3], $0xF7A  }
0x26: {  	[smem:$0x3F9E] =	sst s1;
	(tag) =	ssettag s2;
	_ =	strace s9  }
0x27: {  	s1 =	sld [smem:$0x3FAE]  }
0x28: {  	s2 =	sld [smem:$0x3FAF]  }
0x29: {  	s4 =	sld [smem:$0x3FB1]  }
0x2a: {  	p0 =	seq.s32 s5, $0x0;
	s5 =	sld [smem:$0x3FB2]  }
0x2b: {  	s6 =	sld [smem:$0x3FB3]  }
0x2c: {  	s7 =	sld [smem:$0x3FB4]  }
0x2d: {  	s3 =	simm.s32 $0x108;
	s8 =	sld [smem:$0x3FB5]  }
0x2e: {  	s3 =	simm.s32 @!p0 $0x1082;
	s9 =	sld [smem:$0x3FB6]  }
0x2f: {  	lr =	sadd.s32 s0, s3;
	s0 =	sld [smem:$0x3FAD]  }
0x30: {  	s3 =	sld [smem:$0x3FB0]  }
0x31: {  	[smem:$0x3FB9] =	sst s10  }
0x32: {  	s10 =	sld [smem:$0x3FB7];
	_ =	sdelay $0x3  }
0x33: {  	p0 =	seq.s32 s10, $0x1;
	s10 =	sld [smem:$0x3FB9];
	_ =	sdelay $0x3  }
0x34: {  	[smem:$0x3FB9] =	sst s10  }
0x35: {  	s10 =	sld [smem:$0x3FB8];
	_ =	sdelay $0x3  }
0x36: {  	p1 =	seq.s32 s10, $0x1;
	s10 =	sld [smem:$0x3FB9];
	_ =	sdelay $0x3  }
0x37: {  	[smem:$0x3FB9] =	sst s10  }
0x38: {  	s10 =	sld [smem:$0x3FBA]  }
0x39: {  	_ = 	snop;
	(pc) =	sbr.ind lr, $3  }
0x3a: {  	_ = 	snop  }
0x3b: {  	_ = 	snop  }
0x3c: {  	p2 =	seq.s32 s10, $0x1;
	s10 =	sld [smem:$0x3FB9]  }
0x3d: {  	_ =	shalt  }
0x3e: {  	_ =	shalt  }
0x3f: {  	_ =	shalt  }
0x40: {  	_ =	shalt  }
0x41: {  	_ =	shalt  }
0x42: {  	_ =	shalt  }
0x43: {  	_ =	shalt  }
0x44: {  	_ =	shalt  }
0x45: {  	_ =	shalt  }
0x46: {  	_ =	shalt  }
0x47: {  	_ =	shalt  }
0x48: {  	_ =	shalt  }
0x49: {  	_ =	shalt  }
0x4a: {  	_ =	shalt  }
0x4b: {  	_ =	shalt  }
0x4c: {  	_ =	shalt  }
0x4d: {  	_ =	shalt  }
0x4e: {  	_ =	shalt  }
0x4f: {  	_ =	shalt  }
0x50: {  	_ =	shalt  }
0x51: {  	_ =	shalt  }
0x52: {  	_ =	shalt  }
0x53: {  	_ =	shalt  }
0x54: {  	_ =	shalt  }
0x55: {  	_ =	shalt  }
0x56: {  	_ =	shalt  }
0x57: {  	_ =	shalt  }
0x58: {  	_ =	shalt  }
0x59: {  	_ =	shalt  }
0x5a: {  	_ =	shalt  }
0x5b: {  	_ =	shalt  }
0x5c: {  	_ =	shalt  }
0x5d: {  	_ =	shalt  }
0x5e: {  	_ =	shalt  }
0x5f: {  	_ =	shalt  }
0x60: {  	_ =	shalt  }
0x61: {  	_ =	shalt  }
0x62: {  	_ =	shalt  }
0x63: {  	_ =	shalt  }
0x64: {  	_ =	shalt  }
0x65: {  	_ =	shalt  }
0x66: {  	_ =	shalt  }
0x67: {  	_ =	shalt  }
0x68: {  	_ =	shalt  }
0x69: {  	_ =	shalt  }
0x6a: {  	_ =	shalt  }
0x6b: {  	_ =	shalt  }
0x6c: {  	_ =	shalt  }
0x6d: {  	_ =	shalt  }
0x6e: {  	_ =	shalt  }
0x6f: {  	_ =	shalt  }
0x70: {  	_ =	shalt  }
0x71: {  	_ =	shalt  }
0x72: {  	_ =	shalt  }
0x73: {  	_ =	shalt  }
0x74: {  	_ =	shalt  }
0x75: {  	_ =	shalt  }
0x76: {  	_ =	shalt  }
0x77: {  	_ =	shalt  }
0x78: {  	_ =	shalt  }
0x79: {  	_ =	shalt  }
0x7a: {  	_ =	shalt  }
0x7b: {  	_ =	shalt  }
0x7c: {  	_ =	shalt  }
0x7d: {  	_ =	shalt  }
0x7e: {  	_ =	shalt  }
0x7f: {  	_ =	shalt  }
0x80: {  	_ =	shalt  }
0x81: {  	_ =	shalt  }
0x82: {  	_ =	shalt  }
0x83: {  	_ =	shalt  }
0x84: {  	_ =	shalt  }
0x85: {  	_ =	shalt  }
0x86: {  	_ =	shalt  }
0x87: {  	_ =	shalt  }
.Lfunc_end0:
.L_simem_size_0:
called_computation_lowered:
.L_overlay_start_0:
0x88: {  	s2 =	sld [smem:$0x3FD9]  }
0x89: {  	s3 =	sld [smem:$0x3FFE];
	_ =	sdelay $0x1  }
0x8a: {  	s1 =	srdreg.scid  }
0x8b: {  	s0 =	sand.u32 $0x1, s1  }
0x8c: {  	s17 =	sshll.u32 s0, $0xA;
	s2 =	sadd.s32 s3, s2  }
0x8d: {  	s2 =	sadd.s32 s2, s17  }
0x8e: {  	[smem:$0x3FC5] =	sst s2  }
0x8f: {  	_ = 	snop  }
0x90: {  	s2 =	sld [smem:$0x3FC9]  }
0x91: {  	s18 =	sld [smem:$0x3FC8]  }
0x92: {  	s4 =	sld [smem:$0x3FC7];
	(tm) =	ssettm $0x1  }
0x93: {  	s5 =	sld [smem:$0x3FFB];
	_ =	sdelay $0x3  }
0x94: {  	_ =	strace s5  }
0x95: {  	s5 =	sld [smem:$0x3FFC];
	_ =	sdelay $0x3  }
0x96: {  	_ =	strace s5  }
0x97: {  	s5 =	sld [smem:$0x3FFD];
	_ =	sdelay $0x3  }
0x98: {  	_ =	strace s5  }
0x99: {  	_ =	strace $0x8FFFFFFF  }
0x9a: {  	s19 =	sld [smem:$0x3FDB];
	_ =	sdelay $0x1  }
0x9b: {  	s6 =	simm.s32 $_scs_section_size  }
0x9c: {  	s7 =	simm.s32 $_size__tile_overlayer_lowered;
	s8 =	simm.s32 $_tile_overlayer_lowered  }
0x9d: {  	s22 =	simm.s32 $0x1BFF;
	s21 =	sshll.u32 s8, $0x1;
	s5 =	sadd.s32 s6, s19  }
0x9e: {  	s9 =	simm.s32 $0x0;
	s20 =	sshll.u32 s7, $0x1;
	s7 =	sadd.s32 s21, s5  }
0x9f: {  	[timem:s9], [sflag:s22] =	dma.local [hbm:s7], s20  }
0xa0: {  	_ =	swait.ge [sflag:s22], s20  }
0xa1: {  	s6 =	ssub.s32 $0x0, s20;
	[sflag:s22] =	ssyncset.done $0x0  }
0xa2: {  	[sflag:s22] =	ssyncadd.s32 s6;
	_ =	sdelay $0x1  }
0xa3: {  	s23 =	simm.s32 $0x1B8B  }
0xa4: {  	_ =	swait.ge [sflag:s23], $0x1  }
0xa5: {  	[sflag:s23] =	ssyncset.done $0x0  }
0xa6: {  	s25 =	simm.s32 $0x1B8E;
	s24 =	sld [smem:$0x3FFE];
	[sflag:s23] =	ssyncadd.s32 $0xFFFFFFFF  }
0xa7: {  	s26 =	simm.s32 $execute0_lowered;
	[smem:$0x3FD2] =	sst s25  }
0xa8: {  	s7 =	sshll.u32 s26, $0x1;
	_ =	strace $0x80000046;
	[dreg:$0x1] =	wrdreg $0xFFFFFFFF  }
0xa9: {  	s28 =	simm.s32 $_size_execute0_lowered;
	s5 =	sadd.s32 s5, s7;
	[dreg:$0x0] =	wrdreg $0x0  }
0xaa: {  	s7 =	sshll.u32 s28, $0x1;
	[dreg:$0x2] =	wrdreg s5  }
0xab: {  	[dreg:$0x3] =	wrdreg s7  }
0xac: {  	[dreg:$0x4] =	wrdreg $0xC0  }
0xad: {  	_ =	task [dreg:s9], $0x5FFFF  }
0xae: {  	[dreg:$0x1] =	wrdreg $0xFFFFFFFF  }
0xaf: {  	[dreg:$0x0] =	wrdreg $0x60  }
0xb0: {  	[dreg:$0x2] =	wrdreg s2  }
0xb1: {  	[dreg:$0x3] =	wrdreg s18  }
0xb2: {  	[dreg:$0x4] =	wrdreg s4  }
0xb3: {  	[dreg:$0x5] =	wrdreg s24  }
0xb4: {  	[dreg:$0x6] =	wrdreg $0x9  }
0xb5: {  	_ =	task.clear_ibuf [dreg:s9], $0x7FFFF;
	_ =	strace $0x90000046  }
0xb6: {  	s29 =	simm.s32 $0x9;
	_ =	strace $0x80000048  }
0xb7: {  	_ =	swait.ge [sflag:s29], $0x1  }
0xb8: {  	[sflag:s29] =	ssyncadd.s32 $0xFFFFFFFF  }
0xb9: {  	_ =	strace $0x90000048  }
0xba: {  	_ =	sfence  }
0xbb: {  	s30 =	sld [smem:$0x0];
	_ =	sdelay $0x2  }
0xbc: {  	s31 =	sshll.u32 s1, $0xD;
	s1 =	sshrl.u32 s1, $0x2  }
0xbd: {  	s3 =	sand.u32 $0x4000, s31;
	s1 =	sadd.s32 s1, s30  }
0xbe: {  	s0 =	sor.u32 s3, s0;
	s1 =	sshll.u32 s1, $0x11  }
0xbf: {  	s0 =	sor.u32 s1, s0  }
0xc0: {  	s0 =	sadd.s32 $0x8F2B, s0  }
0xc1: {  	[sflag:s0] =	ssyncadd.remote.s32 $0x1  }
0xc2: {  	_ =	sfence.sel $0xFFFF  }
0xc3: {  	[dreg:$0x0] =	wrdreg $0xFFFFFFFF;
	(pc) =	sbr.abs _section_cstart, $3  }
0xc4: {  	[dreg:$0x1] =	wrdreg $0xFFFFFFFF  }
0xc5: {  	_ =	task.clear_ibuf [dreg:s9], $0x2FFFF;
	_ =	strace $0x9FFFFFFF  }
0xc6: {  	(tm) =	ssettm $0x7FFFFFFF  }
0xc7: {  	_ =	shalt  }
tec
execute0_lowered:
.L_overlay_start_1:
0x0: {  	(tag) =	ssettag $0x1  }
0x1: {  	v0 =	vlaneseq.u32  }
0x2: {  	v5 =	vimm.s32 $0xBA98FEDC;
	v6 =	vimm.s32 $0x32107654;
	v1 =	vand.u32 $0x7, v0  }
0x3: {  	v8 =	vimm.s32 $0x54761032;
	[tilespmem:$0x1FFC0] =	vst v1;
	v1 =	vimm.s32 $0x76543210  }
0x4: {  	vm1 =	vcmask $0x2F20;
	v3 =	vunpack.c.l.s4.s8 v1;
	v1 =	vimm.s32 $0xFEDCBA98  }
0x5: {  	vm2 =	vcmask $0xF00;
	v2 =	vshrl.u32 v0, $0x3;
	v4 =	vunpack.c.l.s4.s8 v1  }
0x6: {  	vm3 =	vcmask $0x1710;
	v1 =	vmul.u32 $0x8, v2;
	v2 =	vunpack.c.l.s4.s8 v5  }
0x7: {  	vm4 =	vcmask $0x700;
	v5 =	vunpack.c.l.s4.s8 v6;
	v4 =	vunpack.c.0.s8.s32 v4  }
0x8: {  	vm5 =	vcmask $0x300;
	v3 =	vunpack.c.0.s8.s32 v3;
	v6 =	vunpack.c.0.s8.s32 v2  }
0x9: {  	v5 =	vunpack.c.0.s8.s32 v5;
	v2 =	vimm.s32 $0xDCFE98BA;
	v4 =	vand.u32 $0xF, v4  }
0xa: {  	s0 =	rddreg [dreg:$0x0];
	v7 =	vunpack.c.l.s4.s8 v2;
	v2 =	vcombine.low v4, v3;
	v3 =	vunpack.c.l.s4.s8 v8  }
0xb: {  	s2 =	rddreg [dreg:$0x1];
	vm1 =	vmor vm2, vm1;
	vm2 =	vmor vm4, vm3;
	vm4 =	vcmask $0xB08  }
0xc: {  	s1 =	rddreg [dreg:$0x2];
	v4 =	vcombine.low v5, v6;
	v5 =	vunpack.c.0.s8.s32 v7;
	v3 =	vunpack.c.0.s8.s32 v3  }
0xd: {  	s3 =	rddreg [dreg:$0x3];
	s5 =	srdreg.scid;
	vm3 =	vcmask $0x2720;
	vm4 =	vmor vm5, vm4  }
0xe: {  	s4 =	simm.s32 $0x0;
	s7 =	stileid.u32;
	s23 =	simm.s32 $0xC100;
	v6 =	vimm.s32 $0x67452301;
	v5 =	vcombine.low v3, v5;
	v3 =	vimm.s32 $0xEFCDAB89  }
0xf: {  	s28 =	simm.s32 $0xE100;
	s29 =	simm.s32 $0xE900;
	s30 =	simm.s32 $0xF100;
	vm5 =	vcmask $0x1310;
	v6 =	vunpack.c.l.s4.s8 v6;
	v3 =	vunpack.c.l.s4.s8 v3  }
0x10: {  	s31 =	simm.s32 $0xF900;
	s14 =	simm.s32 $0x2;
	s15 =	simm.s32 $0x3;
	vm2 =	vmor vm2, vm3;
	vm3 =	vcmask $0x3730;
	vm4 =	vmor vm4, vm5  }
0x11: {  	s16 =	simm.s32 $0x4;
	s18 =	simm.s32 $0x0;
	s5 =	sand.u32 $0x1, s5;
	vm5 =	vcmask $0x1B18;
	v6 =	vunpack.c.0.s8.s32 v6;
	v3 =	vunpack.c.0.s8.s32 v3  }
0x12: {  	s7 =	sshll.u32 s7, $0x9;
	[smem:$0x7FF] =	sst s4;
	s6 =	ssub.s32 $0x2, s5;
	vm2 =	vmor vm2, vm3;
	vm3 =	vmor vm4, vm5  }
0x13: {  	s9 =	sadd.s32 $0x300, s1;
	s5 =	sshll.u32 s5, $0x8;
	s8 =	sshrl.u32 s6, $0x1;
	v7 =	vimm.s32 $0xE6A2C480;
	v6 =	vcombine.low v6, v3;
	v3 =	vimm.s32 $0xF7B3D591  }
0x14: {  	s5 =	sor.u32 s5, s7;
	s7 =	sadd.s32 $0x100, s1;
	s6 =	ssub.s32 s6, s8;
	vm4 =	vcmask $0x2320;
	v7 =	vunpack.c.l.s4.s8 v7;
	v8 =	vunpack.c.l.s4.s8 v3  }
0x15: {  	v0 =	vor.u32 $0x8, v0;
	s10 =	sshrl.u32 s5, $0x3;
	s24 =	sshll.u32 s5, $0x7;
	s8 =	sadd.s32 $0x200, s1;
	vm3 =	vmor vm3, vm4;
	[tilespmem:$0x1FFD0] =	vst v1  }
0x16: {  	s2 =	sadd.s32 s2, s10;
	s25 =	sadd.s32 s3, s10;
	vm4 =	vcmask $0x2B28;
	_ =	strace $0x80000047;
	[tilespmem:$0x1FFE0] =	vst v0;
	v7 =	vunpack.c.0.s8.s32 v7;
	v0 =	vunpack.c.0.s8.s32 v8  }
0x17: {  	s26 =	smax.u32 s6, $0x1;
	s10 =	simm.s32 $0x5;
	vm3 =	vmor vm3, vm4;
	vm4 =	vcmask $0x3330;
	[dreg:$0x5] =	wrdreg s2  }
0x18: {  	s3 =	simm.s32 $0x1;
	s2 =	sadd.s32 s0, s24;
	[dreg:$0x7] =	wrdreg s25;
	vm3 =	vmor vm3, vm4;
	vm4 =	vcmask $0x3B38;
	v0 =	vcombine.low v7, v0  }
0x19: {  	vm0 =	vmmov $0xffff;
	[dreg:$0x8] =	wrdreg s26;
	s24 =	simm.s32 $0xC900;
	s25 =	simm.s32 $0xD100;
	vm3 =	vmor vm3, vm4;
	vm4 =	vmmov $0xff  }
0x1a: {  	s26 =	simm.s32 $0xD900;
	[dreg:$0x6] =	wrdreg s2;
	s2 =	simm.s32 $0x8100;
	v4 =	vand.u32 $0xF, v4;
	v5 =	vand.u32 $0xF, v5;
	v6 =	vand.u32 $0xF, v6;
	[tilespmem:$0x1FFF0] =	vst v0  }
.LBB2_1:
0x1b: {  	s6 =	rddreg [dreg:$0x5]  }
0x1c: {  	[tilespmem:s4], [sflag:$0x5] =	stream.linear.gather [hbm4b:s6+s4], $0x100, $0x38;
	[tilespmem:$0x10200] =	vst v63  }
0x1d: {  	_ =	swait.ge [sflag:s10], $0x100  }
0x1e: {  	[sflag:s10] =	ssyncset.done $0x0  }
0x1f: {  	[sflag:s10] =	ssyncadd.s32 $0xFFFFFF00  }
0x20: {  	v0 =	vld [tilespmem:$0x0];
	_ =	sdelay $0x2  }
0x21: {  	v1 =	vld [tilespmem:$0x1FFC0];
	_ =	sdelay $0x1  }
0x22: {  	v8 =	vshll.u32 v0, $0x3  }
0x23: {  	v0 =	vand.u32 $0x7, v0;
	v8 =	vand.u32 $0xFFFFFFC0, v8  }
0x24: {  	v0 =	vor.u32 v0, v8  }
0x25: {  	v8 =	vperm.xlane v0, v1;
	v1 =	vld [tilespmem:$0x1FFD0];
	_ =	sdelay $0x4  }
0x26: {  	v8 =	vadd.s32 v1, v8  }
0x27: {  	v3 =	vld [tilespmem:$0x1FFE0];
	_ =	sdelay $0x2  }
0x28: {  	s22 =	simm.s32 $0x4100  }
0x29: {  	[tilespmem:s22], [sflag:$0x2] =	stream.indirect_vreg.gather [hbm4b:s1+s4], $0x80, v8, vm0, $0xb8;
	[tilespmem:$0x10200] =	vst v63  }
0x2a: {  	s10 =	simm.s32 $0x4900;
	v0 =	vperm.xlane v0, v3  }
0x2b: {  	[tilespmem:s10], [sflag:$0x2] =	stream.indirect_vreg.gather [hbm4b:s7+s4], $0x80, v8, vm0, $0xb8;
	[tilespmem:$0x10200] =	vst v63  }
0x2c: {  	s11 =	simm.s32 $0x5100;
	v0 =	vadd.s32 v1, v0  }
0x2d: {  	[tilespmem:s11], [sflag:$0x2] =	stream.indirect_vreg.gather [hbm4b:s8+s4], $0x80, v8, vm0, $0xb8;
	[tilespmem:$0x10200] =	vst v63  }
0x2e: {  	s12 =	simm.s32 $0x5900  }
0x2f: {  	[tilespmem:s12], [sflag:$0x2] =	stream.indirect_vreg.gather [hbm4b:s9+s4], $0x80, v8, vm0, $0xb8;
	[tilespmem:$0x10200] =	vst v63  }
0x30: {  	s13 =	simm.s32 $0x6100  }
0x31: {  	[tilespmem:s13], [sflag:$0x2] =	stream.indirect_vreg.gather [hbm4b:s1+s4], $0x80, v0, vm0, $0xb8;
	[tilespmem:$0x10200] =	vst v63  }
0x32: {  	s17 =	simm.s32 $0x6900  }
0x33: {  	[tilespmem:s17], [sflag:$0x2] =	stream.indirect_vreg.gather [hbm4b:s7+s4], $0x80, v0, vm0, $0xb8;
	[tilespmem:$0x10200] =	vst v63  }
0x34: {  	s19 =	simm.s32 $0x7100  }
0x35: {  	[tilespmem:s19], [sflag:$0x2] =	stream.indirect_vreg.gather [hbm4b:s8+s4], $0x80, v0, vm0, $0xb8;
	[tilespmem:$0x10200] =	vst v63  }
0x36: {  	s20 =	simm.s32 $0x7900  }
0x37: {  	[tilespmem:s20], [sflag:$0x2] =	stream.indirect_vreg.gather [hbm4b:s9+s4], $0x80, v0, vm0, $0xb8;
	[tilespmem:$0x10200] =	vst v63  }
0x38: {  	s21 =	rddreg [dreg:$0x6];
	s22 =	simm.s32 $0x100;
	s19 =	simm.s32 $0x0  }
0x39: {  	v3 =	vimm.f32 $0.0e+00;
	v0 =	vimm.f32 $0.0e+00;
	[tilespmem:s22], [sflag:$0x1] =	stream.linear.gather [hbm4b:s21+s4], $0x4000, $0x38;
	[tilespmem:$0x10200] =	vst v63  }
.LBB2_2:
0x3a: {  	s21 =	sshll.u32 s19, $0x5  }
0x3b: {  	[tilespmem:$0x1FFB0] =	vst v0;
	v0 =	vld [tilespmem:s21+$0x10];
	_ =	sdelay $0x2  }
0x3c: {  	v1 =	vld [tilespmem:$0x1FFC0];
	_ =	sdelay $0x1  }
0x3d: {  	v8 =	vshll.u32 v0, $0x3  }
0x3e: {  	v0 =	vand.u32 $0x7, v0;
	v8 =	vand.u32 $0xFFFFFFC0, v8  }
0x3f: {  	v0 =	vor.u32 v0, v8  }
0x40: {  	v8 =	vperm.xlane v0, v1;
	v1 =	vld [tilespmem:$0x1FFD0];
	_ =	sdelay $0x4  }
0x41: {  	v8 =	vadd.s32 v1, v8  }
0x42: {  	[tilespmem:$0x1FFA0] =	vst v3;
	v3 =	vld [tilespmem:$0x1FFE0];
	_ =	sdelay $0x2  }
0x43: {  	s6 =	simm.s32 $0x0  }
0x44: {  	[tilespmem:s23], [sflag:$0x4] =	stream.indirect_vreg.gather [hbm4b:s1+s6], $0x80, v8, vm0, $0xb8;
	[tilespmem:$0x10200] =	vst v63  }
0x45: {  	v0 =	vperm.xlane v0, v3  }
0x46: {  	[tilespmem:s24], [sflag:$0x4] =	stream.indirect_vreg.gather [hbm4b:s7+s6], $0x80, v8, vm0, $0xb8;
	[tilespmem:$0x10200] =	vst v63  }
0x47: {  	v0 =	vadd.s32 v1, v0  }
0x48: {  	[tilespmem:s25], [sflag:$0x4] =	stream.indirect_vreg.gather [hbm4b:s8+s6], $0x80, v8, vm0, $0xb8;
	[tilespmem:$0x10200] =	vst v63  }
0x49: {  	_ = 	snop  }
0x4a: {  	[tilespmem:s26], [sflag:$0x4] =	stream.indirect_vreg.gather [hbm4b:s9+s6], $0x80, v8, vm0, $0xb8;
	[tilespmem:$0x10200] =	vst v63  }
0x4b: {  	_ = 	snop  }
0x4c: {  	[tilespmem:s28], [sflag:$0x4] =	stream.indirect_vreg.gather [hbm4b:s1+s6], $0x80, v0, vm0, $0xb8;
	[tilespmem:$0x10200] =	vst v63  }
0x4d: {  	s20 =	sor.u32 $0x10, s21  }
0x4e: {  	[tilespmem:s29], [sflag:$0x4] =	stream.indirect_vreg.gather [hbm4b:s7+s6], $0x80, v0, vm0, $0xb8;
	[tilespmem:$0x10200] =	vst v63  }
0x4f: {  	s10 =	sadd.s32 s5, s20  }
0x50: {  	[tilespmem:s30], [sflag:$0x4] =	stream.indirect_vreg.gather [hbm4b:s8+s6], $0x80, v0, vm0, $0xb8;
	[tilespmem:$0x10200] =	vst v63  }
0x51: {  	s10 =	sshll.u32 s10, $0x7  }
0x52: {  	[tilespmem:s31], [sflag:$0x4] =	stream.indirect_vreg.gather [hbm4b:s9+s6], $0x80, v0, vm0, $0xb8;
	[tilespmem:$0x10200] =	vst v63  }
0x53: {  	s10 =	sadd.s32 s0, s10  }
0x54: {  	[tilespmem:s2], [sflag:$0x3] =	stream.linear.gather [hbm4b:s10+s6], $0x4000, $0x38;
	[tilespmem:$0x10200] =	vst v63  }
0x55: {  	_ =	swait.ge [sflag:s3], $0x4000  }
0x56: {  	[sflag:s3] =	ssyncset.done $0x0  }
0x57: {  	[sflag:s3] =	ssyncadd.s32 $0xFFFFC000  }
0x58: {  	_ =	swait.ge [sflag:s14], $0x4000  }
0x59: {  	s22 =	sor.u32 s6, s6;
	s11 =	sand.u32 $0x70, s6;
	[sflag:s14] =	ssyncset.done $0x0  }
0x5a: {  	s22 =	sor.u32 $0x380, s22;
	s6 =	sand.u32 $0x1C00, s6;
	[sflag:s14] =	ssyncadd.s32 $0xFFFFC000  }
0x5b: {  	s6 =	sor.u32 s11, s6;
	v23 =	vld [tilespmem:s22+$0x4100]  }
0x5c: {  	v0 =	vld [tilespmem:s6+$0x100]  }
0x5d: {  	v8 =	vld [tilespmem:s6+$0x4100]  }
0x5e: {  	v12 =	vld [tilespmem:s6+$0x180]  }
0x5f: {  	v24 =	vld [tilespmem:s6+$0x280]  }
0x60: {  	v36 =	vimm.f32 $0.0e+00;
	v34 =	vimm.f32 $0.0e+00;
	v35 =	vimm.f32 $0.0e+00;
	v37 =	vld [tilespmem:s6+$0x300]  }
0x61: {  	v33 =	vimm.f32 $0.0e+00;
	v31 =	vimm.f32 $0.0e+00;
	v32 =	vimm.f32 $0.0e+00;
	v13 =	vld [tilespmem:s6+$0x4180]  }
0x62: {  	v29 =	vimm.f32 $0.0e+00;
	v30 =	vimm.f32 $0.0e+00;
	v27 =	vimm.f32 $0.0e+00;
	v14 =	vld [tilespmem:s6+$0x200]  }
0x63: {  	v28 =	vimm.f32 $0.0e+00;
	v16 =	vld [tilespmem:s6+$0x4200];
	v15 =	vmul.f32 v23, v23;
	v17 =	vmul.f32 v0, v0  }
0x64: {  	v1 =	vimm.f32 $0.0e+00;
	v0 =	vmul.f32 v8, v0;
	v8 =	vmul.f32 v8, v8  }
0x65: {  	v25 =	vld [tilespmem:s6+$0x4280];
	v26 =	vmul.f32 v24, v24;
	v43 =	vmul.f32 v37, v37;
	v22 =	vadd.f32 v15, v1  }
0x66: {  	v21 =	vadd.f32 v17, v1;
	v15 =	vmul.f32 v12, v12;
	v17 =	vadd.f32 v0, v1  }
0x67: {  	v0 =	vmul.f32 v13, v12;
	v12 =	vmul.f32 v13, v13;
	v18 =	vadd.f32 v8, v1  }
0x68: {  	v41 =	vld [tilespmem:s6+$0x4300];
	v8 =	vmul.f32 v14, v14;
	v13 =	vmul.f32 v16, v14;
	v19 =	vadd.f32 v15, v1  }
0x69: {  	v38 =	vld [tilespmem:s6+$0x380];
	v14 =	vmul.f32 v16, v16;
	v20 =	vadd.f32 v0, v1;
	v15 =	vadd.f32 v12, v1  }
0x6a: {  	s17 =	simm.s32 $0x80;
	v40 =	vld [tilespmem:s6+$0x4380];
	v16 =	vadd.f32 v8, v1;
	v13 =	vadd.f32 v13, v1;
	v8 =	vmul.f32 v25, v24  }
0x6b: {  	s12 =	simm.s32 $0x10;
	s13 =	sand.u32 $0x1C00, s17;
	v39 =	vld [tilespmem:s6+$0x400];
	v0 =	vmul.f32 v25, v25;
	v12 =	vadd.f32 v14, v1;
	v14 =	vadd.f32 v26, v1  }
0x6c: {  	s11 =	sand.u32 $0x70, s12;
	s12 =	sor.u32 s17, s12;
	v42 =	vld [tilespmem:s6+$0x4400];
	s6 =	simm.s32 $0x20;
	v25 =	vimm.f32 $0.0e+00;
	v26 =	vimm.f32 $0.0e+00;
	v24 =	vimm.f32 $0.0e+00  }
.LBB2_3:
0x6d: {  	p0 =	sne.s32 s6, $0x3F0;
	s10 =	sor.u32 s11, s13;
	v36 =	vadd.f32 v8, v36;
	v8 =	vmul.f32 v41, v37;
	v37 =	vmul.f32 v41, v41;
	v41 =	vld [tilespmem:s22+$0x100];
	s22 =	sor.u32 $0x380, s12  }
0x6e: {  	v34 =	vadd.f32 v0, v34;
	v44 =	vld [tilespmem:s22+$0x4100];
	v35 =	vadd.f32 v43, v35;
	v0 =	vmul.f32 v38, v38  }
0x6f: {  	v43 =	vld [tilespmem:s10+$0x100];
	v33 =	vadd.f32 v8, v33;
	v8 =	vmul.f32 v40, v38;
	v38 =	vmul.f32 v40, v40  }
0x70: {  	v31 =	vadd.f32 v37, v31;
	v40 =	vld [tilespmem:s10+$0x4100];
	v32 =	vadd.f32 v0, v32;
	v0 =	vmul.f32 v39, v39  }
0x71: {  	v37 =	vld [tilespmem:s10+$0x180];
	v29 =	vadd.f32 v8, v29;
	v8 =	vmul.f32 v42, v39;
	v39 =	vmul.f32 v42, v42  }
0x72: {  	v30 =	vadd.f32 v38, v30;
	v42 =	vld [tilespmem:s10+$0x4180];
	v38 =	vmul.f32 v23, v41;
	v41 =	vmul.f32 v41, v41  }
0x73: {  	v26 =	vadd.f32 v0, v26;
	v45 =	vld [tilespmem:s10+$0x200];
	v46 =	vmul.f32 v44, v44;
	v25 =	vadd.f32 v8, v25;
	v23 =	vmovc v44  }
0x74: {  	v27 =	vadd.f32 v39, v27;
	v0 =	vmul.f32 v43, v43;
	v8 =	vld [tilespmem:s10+$0x4200];
	v28 =	vadd.f32 v38, v28  }
0x75: {  	v38 =	vmul.f32 v40, v43;
	v39 =	vmul.f32 v40, v40;
	v43 =	vld [tilespmem:s10+$0x280];
	v22 =	vadd.f32 v46, v22  }
0x76: {  	v24 =	vadd.f32 v41, v24;
	v21 =	vadd.f32 v0, v21;
	v0 =	vmul.f32 v37, v37;
	v44 =	vld [tilespmem:s10+$0x4280]  }
0x77: {  	v17 =	vadd.f32 v38, v17;
	v38 =	vmul.f32 v42, v37;
	v40 =	vmul.f32 v42, v42;
	v37 =	vld [tilespmem:s10+$0x300]  }
.Ltmp0:
0x78: {  	v18 =	vadd.f32 v39, v18;
	v19 =	vadd.f32 v0, v19;
	v0 =	vmul.f32 v45, v45;
	v41 =	vld [tilespmem:s10+$0x4300];
	(pc) =	sbr.rel @p0 .LBB2_3-.Ltmp0, $4  }
0x79: {  	v20 =	vadd.f32 v38, v20;
	v39 =	vmul.f32 v8, v45;
	v42 =	vmul.f32 v8, v8;
	v38 =	vld [tilespmem:s10+$0x380]  }
0x7a: {  	v15 =	vadd.f32 v40, v15;
	v16 =	vadd.f32 v0, v16;
	v45 =	vmul.f32 v43, v43;
	v40 =	vld [tilespmem:s10+$0x4380]  }
0x7b: {  	s11 =	sand.u32 $0x70, s6;
	s17 =	sadd.s32 $0x80, s17;
	v13 =	vadd.f32 v39, v13;
	v8 =	vmul.f32 v44, v43;
	v0 =	vmul.f32 v44, v44;
	v39 =	vld [tilespmem:s10+$0x400]  }
0x7c: {  	s13 =	sand.u32 $0x1C00, s17;
	s12 =	sor.u32 s17, s6;
	s6 =	sadd.s32 $0x10, s6;
	v12 =	vadd.f32 v42, v12;
	v14 =	vadd.f32 v45, v14;
	v43 =	vmul.f32 v37, v37;
	v42 =	vld [tilespmem:s10+$0x4400]  }
0x7d: {  	s6 =	sor.u32 $0x380, s12;
	v44 =	vld [tilespmem:s22+$0x100]  }
0x7e: {  	s10 =	sor.u32 s11, s13;
	v60 =	vmul.f32 v41, v37;
	v61 =	vmul.f32 v41, v41;
	v41 =	vld [tilespmem:s6+$0x4100]  }
0x7f: {  	v8 =	vadd.f32 v8, v36;
	v0 =	vadd.f32 v0, v34;
	v63 =	vld [tilespmem:s10+$0x100]  }
0x80: {  	v34 =	vadd.f32 v43, v35;
	v62 =	vmul.f32 v38, v38;
	v50 =	vld [tilespmem:s10+$0x4100];
	v33 =	vadd.f32 v60, v33  }
0x81: {  	v52 =	vld [tilespmem:s10+$0x180];
	v48 =	vmul.f32 v40, v38;
	v49 =	vmul.f32 v40, v40;
	v31 =	vadd.f32 v61, v31  }
0x82: {  	v55 =	vld [tilespmem:s10+$0x4180];
	v32 =	vadd.f32 v62, v32;
	v51 =	vmul.f32 v39, v39;
	v53 =	vmul.f32 v42, v39  }
0x83: {  	v57 =	vld [tilespmem:s10+$0x200];
	v29 =	vadd.f32 v48, v29;
	v54 =	vmul.f32 v42, v42;
	v23 =	vmul.f32 v23, v44  }
0x84: {  	v58 =	vld [tilespmem:s10+$0x4200];
	v30 =	vadd.f32 v49, v30;
	v56 =	vmul.f32 v44, v44;
	v45 =	vmul.f32 v41, v41  }
0x85: {  	v61 =	vld [tilespmem:s10+$0x4280];
	v26 =	vadd.f32 v51, v26;
	v59 =	vmul.f32 v63, v63;
	v60 =	vmul.f32 v50, v63  }
0x86: {  	v49 =	vld [tilespmem:s10+$0x4300];
	v25 =	vadd.f32 v53, v25;
	v40 =	vmul.f32 v50, v50;
	v62 =	vmul.f32 v52, v52  }
0x87: {  	v51 =	vld [tilespmem:s10+$0x380];
	v27 =	vadd.f32 v54, v27;
	v37 =	vmul.f32 v55, v52;
	v48 =	vmul.f32 v55, v55  }
0x88: {  	v63 =	vld [tilespmem:s10+$0x300];
	v50 =	vmul.f32 v57, v57;
	v23 =	vadd.f32 v23, v28;
	v24 =	vadd.f32 v56, v24  }
0x89: {  	v52 =	vmul.f32 v58, v57;
	v53 =	vld [tilespmem:s10+$0x4380];
	v22 =	vadd.f32 v45, v22;
	v21 =	vadd.f32 v59, v21  }
0x8a: {  	v35 =	vmul.f32 v58, v58;
	v55 =	vld [tilespmem:s10+$0x400];
	v17 =	vadd.f32 v60, v17;
	v18 =	vadd.f32 v40, v18  }
0x8b: {  	v57 =	vld [tilespmem:s10+$0x4400];
	v56 =	vmul.f32 v61, v61;
	v19 =	vadd.f32 v62, v19;
	v20 =	vadd.f32 v37, v20  }
0x8c: {  	v28 =	vld [tilespmem:s10+$0x280];
	v13 =	vadd.f32 v52, v13;
	v59 =	vmul.f32 v49, v49;
	v46 =	vperm.xlane v17, v2  }
0x8d: {  	v15 =	vadd.f32 v48, v15;
	v47 =	vperm.xlane v20, v2;
	v48 =	vperm.xlane v21, v2  }
0x8e: {  	v16 =	vadd.f32 v50, v16;
	v50 =	vperm.xlane v18, v2;
	v52 =	vperm.xlane v13, v2  }
0x8f: {  	v12 =	vadd.f32 v35, v12;
	v58 =	vmul.f32 v63, v63;
	v62 =	vmul.f32 v53, v51  }
0x90: {  	v60 =	vld [tilespmem:s6+$0x100];
	v0 =	vadd.f32 v56, v0;
	v40 =	vmul.f32 v57, v55;
	v42 =	vmul.f32 v55, v55  }
0x91: {  	v31 =	vadd.f32 v59, v31;
	v43 =	vmul.f32 v57, v57;
	v54 =	vmul.f32 v28, v28  }
0x92: {  	v28 =	vmul.f32 v61, v28;
	v17 =	vadd.f32 v46, v17;
	v20 =	vadd.f32 v47, v20  }
0x93: {  	v61 =	vmul.f32 v51, v51;
	v21 =	vadd.f32 v48, v21;
	v18 =	vadd.f32 v50, v18  }
0x94: {  	v51 =	vperm.xlane v15, v2;
	v13 =	vadd.f32 v52, v13;
	v34 =	vadd.f32 v58, v34  }
0x95: {  	v29 =	vadd.f32 v62, v29;
	v44 =	vmul.f32 v41, v60;
	v25 =	vadd.f32 v40, v25  }
0x96: {  	v45 =	vmul.f32 v60, v60;
	v26 =	vadd.f32 v42, v26;
	v27 =	vadd.f32 v43, v27  }
0x97: {  	v14 =	vadd.f32 v54, v14;
	v8 =	vadd.f32 v28, v8;
	v28 =	vmul.f32 v49, v63  }
0x98: {  	v63 =	vmul.f32 v53, v53;
	v32 =	vadd.f32 v61, v32;
	v49 =	vperm.xlane v19, v2  }
0x99: {  	v15 =	vadd.f32 v51, v15;
	v54 =	vperm.xlane v16, v2;
	v17 =	vsel vm4, v17, v20  }
0x9a: {  	v20 =	vperm.xlane v0, v2;
	v23 =	vadd.f32 v44, v23;
	v24 =	vadd.f32 v45, v24  }
0x9b: {  	v59 =	vperm.xlane v25, v2;
	v28 =	vadd.f32 v28, v33;
	v30 =	vadd.f32 v63, v30  }
0x9c: {  	v19 =	vadd.f32 v49, v19;
	v53 =	vperm.xlane v8, v2;
	v55 =	vperm.xlane v14, v2  }
0x9d: {  	v16 =	vadd.f32 v54, v16;
	v15 =	vsel vm4, v18, v15;
	v18 =	vperm.xlane v12, v2  }
0x9e: {  	v0 =	vadd.f32 v20, v0;
	v20 =	vperm.xlane v32, v2;
	v54 =	vimm.f32 $0.0e+00  }
0x9f: {  	v8 =	vadd.f32 v53, v8;
	v19 =	vsel vm4, v21, v19;
	v14 =	vadd.f32 v55, v14  }
0xa0: {  	v57 =	vperm.xlane v28, v2;
	v12 =	vadd.f32 v18, v12;
	v18 =	vperm.xlane v34, v2  }
0xa1: {  	v21 =	vperm.xlane v31, v2;
	v56 =	vsel vm4, v16, v14;
	v16 =	vperm.xlane v29, v2  }
0xa2: {  	v8 =	vsel vm4, v13, v8;
	v14 =	vadd.f32 v57, v28;
	v28 =	vperm.xlane v30, v2  }
0xa3: {  	v0 =	vsel vm4, v12, v0;
	v58 =	vadd.f32 v18, v34;
	v16 =	vadd.f32 v16, v29  }
0xa4: {  	v18 =	vadd.f32 v20, v32;
	v12 =	vadd.f32 v59, v25;
	v25 =	vperm.xlane v22, v2  }
0xa5: {  	v20 =	vadd.f32 v28, v30;
	v14 =	vsel vm4, v14, v16;
	v16 =	vadd.f32 v21, v31  }
0xa6: {  	v57 =	vimm.f32 $0.0e+00;
	v18 =	vsel vm4, v58, v18;
	v21 =	vperm.xlane v23, v2  }
0xa7: {  	v28 =	vperm.xlane v24, v2;
	v20 =	vsel vm4, v16, v20;
	v16 =	vperm.xlane v26, v2  }
0xa8: {  	v22 =	vadd.f32 v25, v22;
	v21 =	vadd.f32 v21, v23;
	v23 =	vperm.xlane v27, v2  }
0xa9: {  	v25 =	vperm.xlane v19, v4;
	v16 =	vadd.f32 v16, v26;
	v26 =	vperm.xlane v17, v4  }
0xaa: {  	v24 =	vadd.f32 v28, v24;
	v23 =	vadd.f32 v23, v27;
	v27 =	vperm.xlane v8, v4  }
0xab: {  	v62 =	vperm.xlane v18, v4;
	v28 =	vperm.xlane v56, v4;
	v60 =	vadd.f32 v26, v17  }
0xac: {  	v8 =	vadd.f32 v27, v8;
	v17 =	vsel vm4, v16, v24;
	v16 =	vadd.f32 v25, v19  }
0xad: {  	v19 =	vsel vm4, v23, v22;
	v22 =	vperm.xlane v15, v4;
	v23 =	vperm.xlane v0, v4  }
0xae: {  	s12 =	simm.s32 $0x0;
	v21 =	vsel vm4, v12, v21;
	v1 =	vsel vm1, v60, v8;
	v8 =	vperm.xlane v14, v4  }
0xaf: {  	s17 =	sand.u32 $0x70, s12;
	s6 =	sand.u32 $0x1C00, s12;
	v61 =	vadd.f32 v22, v15;
	v0 =	vadd.f32 v23, v0;
	v22 =	vperm.xlane v17, v4  }
0xb0: {  	s10 =	sor.u32 s17, s6;
	v13 =	vadd.f32 v28, v56;
	v15 =	vperm.xlane v21, v4;
	v23 =	vperm.xlane v19, v4  }
0xb1: {  	s13 =	sor.u32 s12, s12;
	v29 =	vsel vm1, v61, v0;
	v0 =	vadd.f32 v62, v18;
	v63 =	vadd.f32 v22, v17;
	v17 =	vld [tilespmem:s10+$0x2100]  }
0xb2: {  	s22 =	sor.u32 $0x2380, s13;
	v26 =	vld [tilespmem:s10+$0x2280];
	v8 =	vadd.f32 v8, v14;
	v15 =	vadd.f32 v15, v21;
	v21 =	vperm.xlane v20, v4  }
0xb3: {  	v27 =	vsel vm1, v16, v13;
	v16 =	vld [tilespmem:s22+$0x4100];
	v31 =	vsel vm1, v0, v63;
	v0 =	vperm.xlane v1, v5  }
0xb4: {  	v18 =	vadd.f32 v23, v19;
	v19 =	vld [tilespmem:s10+$0x6100];
	v3 =	vsel vm1, v8, v15;
	v8 =	vadd.f32 v21, v20  }
0xb5: {  	v59 =	vimm.f32 $0.0e+00;
	v58 =	vimm.f32 $0.0e+00;
	v23 =	vld [tilespmem:s10+$0x2200];
	[tilespmem:$0x1FF60] =	vst v0;
	v0 =	vperm.xlane v3, v5  }
0xb6: {  	v60 =	vimm.f32 $0.0e+00;
	v21 =	vsel vm1, v8, v18;
	v8 =	vld [tilespmem:s10+$0x6180];
	v24 =	vmul.f32 v17, v17  }
0xb7: {  	v35 =	vperm.xlane v27, v5;
	v61 =	vimm.f32 $0.0e+00;
	v20 =	vimm.f32 $0.0e+00;
	[tilespmem:$0x1FF80] =	vst v0;
	v0 =	vld [tilespmem:s10+$0x2180]  }
0xb8: {  	v36 =	vperm.xlane v29, v5;
	v18 =	vmul.f32 v16, v16;
	v45 =	vadd.f32 v24, v20;
	v24 =	vld [tilespmem:s10+$0x6280]  }
0xb9: {  	v25 =	vld [tilespmem:s10+$0x6200];
	v62 =	vimm.f32 $0.0e+00;
	v17 =	vmul.f32 v19, v17;
	v19 =	vmul.f32 v19, v19  }
0xba: {  	[tilespmem:$0x1FF50] =	vst v1;
	v63 =	vimm.f32 $0.0e+00;
	v34 =	vperm.xlane v31, v5;
	v1 =	vperm.xlane v21, v5  }
0xbb: {  	v44 =	vadd.f32 v18, v20;
	v51 =	vadd.f32 v19, v20;
	v19 =	vmul.f32 v23, v23  }
0xbc: {  	v17 =	vadd.f32 v17, v20;
	v18 =	vmul.f32 v0, v0;
	v0 =	vmul.f32 v8, v0  }
0xbd: {  	v28 =	vld [tilespmem:s10+$0x2300];
	v42 =	vadd.f32 v19, v20;
	v8 =	vmul.f32 v8, v8;
	v38 =	vmul.f32 v24, v26  }
0xbe: {  	v32 =	vld [tilespmem:s10+$0x6300];
	v47 =	vadd.f32 v18, v20;
	v18 =	vadd.f32 v0, v20;
	v0 =	vmul.f32 v25, v23  }
0xbf: {  	v30 =	vld [tilespmem:s10+$0x2380];
	v23 =	vmul.f32 v25, v25;
	v52 =	vadd.f32 v8, v20;
	v8 =	vmul.f32 v26, v26  }
0xc0: {  	s12 =	simm.s32 $0x10;
	v37 =	vld [tilespmem:s10+$0x6380];
	v25 =	vimm.f32 $0.0e+00;
	v26 =	vimm.f32 $0.0e+00;
	v19 =	vadd.f32 v0, v20  }
0xc1: {  	s11 =	sand.u32 $0x70, s12;
	s17 =	simm.s32 $0x80;
	v33 =	vld [tilespmem:s10+$0x2400];
	[tilespmem:$0x1FF70] =	vst v3;
	v0 =	vmul.f32 v24, v24;
	v56 =	vadd.f32 v23, v20;
	v55 =	vadd.f32 v8, v20  }
0xc2: {  	s6 =	simm.s32 $0x20;
	s13 =	sand.u32 $0x1C00, s17;
	s12 =	sor.u32 s17, s12;
	v39 =	vld [tilespmem:s10+$0x6400];
	[tilespmem:$0x1FF90] =	vst v1;
	v8 =	vmul.f32 v28, v28;
	v23 =	vimm.f32 $0.0e+00;
	v24 =	vimm.f32 $0.0e+00  }
.LBB2_5:
0xc3: {  	p0 =	sne.s32 s6, $0x3F0;
	s10 =	sor.u32 s11, s13;
	v20 =	vadd.f32 v38, v20;
	v28 =	vmul.f32 v32, v28;
	v32 =	vmul.f32 v32, v32;
	v38 =	vld [tilespmem:s22+$0x100];
	s22 =	sor.u32 $0x2380, s12  }
0xc4: {  	v54 =	vadd.f32 v0, v54;
	v40 =	vld [tilespmem:s22+$0x4100];
	v58 =	vadd.f32 v8, v58;
	v0 =	vmul.f32 v30, v30  }
0xc5: {  	v8 =	vld [tilespmem:s10+$0x2100];
	v23 =	vadd.f32 v28, v23;
	v28 =	vmul.f32 v37, v30;
	v30 =	vmul.f32 v37, v37  }
0xc6: {  	v61 =	vadd.f32 v32, v61;
	v37 =	vld [tilespmem:s10+$0x6100];
	v57 =	vadd.f32 v0, v57;
	v0 =	vmul.f32 v33, v33  }
0xc7: {  	v32 =	vld [tilespmem:s10+$0x2180];
	v24 =	vadd.f32 v28, v24;
	v28 =	vmul.f32 v39, v33;
	v33 =	vmul.f32 v39, v39  }
0xc8: {  	v59 =	vadd.f32 v30, v59;
	v39 =	vld [tilespmem:s10+$0x6180];
	v30 =	vmul.f32 v16, v38;
	v38 =	vmul.f32 v38, v38  }
0xc9: {  	v60 =	vadd.f32 v0, v60;
	v41 =	vld [tilespmem:s10+$0x2200];
	v43 =	vmul.f32 v40, v40;
	v25 =	vadd.f32 v28, v25;
	v16 =	vmovc v40  }
0xca: {  	v63 =	vadd.f32 v33, v63;
	v0 =	vmul.f32 v8, v8;
	v40 =	vld [tilespmem:s10+$0x6200];
	v26 =	vadd.f32 v30, v26  }
0xcb: {  	v8 =	vmul.f32 v37, v8;
	v30 =	vmul.f32 v37, v37;
	v33 =	vld [tilespmem:s10+$0x2280];
	v44 =	vadd.f32 v43, v44  }
0xcc: {  	v62 =	vadd.f32 v38, v62;
	v45 =	vadd.f32 v0, v45;
	v0 =	vmul.f32 v32, v32;
	v43 =	vld [tilespmem:s10+$0x6280]  }
0xcd: {  	v17 =	vadd.f32 v8, v17;
	v8 =	vmul.f32 v39, v32;
	v37 =	vmul.f32 v39, v39;
	v28 =	vld [tilespmem:s10+$0x2300]  }
.Ltmp1:
0xce: {  	v51 =	vadd.f32 v30, v51;
	v47 =	vadd.f32 v0, v47;
	v0 =	vmul.f32 v41, v41;
	v32 =	vld [tilespmem:s10+$0x6300];
	(pc) =	sbr.rel @p0 .LBB2_5-.Ltmp1, $4  }
0xcf: {  	v18 =	vadd.f32 v8, v18;
	v8 =	vmul.f32 v40, v41;
	v39 =	vmul.f32 v40, v40;
	v30 =	vld [tilespmem:s10+$0x2380]  }
0xd0: {  	v52 =	vadd.f32 v37, v52;
	v42 =	vadd.f32 v0, v42;
	v40 =	vmul.f32 v33, v33;
	v37 =	vld [tilespmem:s10+$0x6380]  }
0xd1: {  	s11 =	sand.u32 $0x70, s6;
	s17 =	sadd.s32 $0x80, s17;
	v19 =	vadd.f32 v8, v19;
	v38 =	vmul.f32 v43, v33;
	v0 =	vmul.f32 v43, v43;
	v33 =	vld [tilespmem:s10+$0x2400]  }
0xd2: {  	s13 =	sand.u32 $0x1C00, s17;
	s12 =	sor.u32 s17, s6;
	s6 =	sadd.s32 $0x10, s6;
	v56 =	vadd.f32 v39, v56;
	v55 =	vadd.f32 v40, v55;
	v8 =	vmul.f32 v28, v28;
	v39 =	vld [tilespmem:s10+$0x6400]  }
0xd3: {  	s6 =	sor.u32 $0x2380, s12;
	v48 =	vld [tilespmem:s22+$0x100]  }
0xd4: {  	s10 =	sor.u32 s11, s13;
	v40 =	vld [tilespmem:s6+$0x4100]  }
0xd5: {  	v46 =	vld [tilespmem:s10+$0x2100]  }
0xd6: {  	v49 =	vld [tilespmem:s10+$0x6100]  }
0xd7: {  	v50 =	vld [tilespmem:s10+$0x2180]  }
0xd8: {  	v41 =	vld [tilespmem:s10+$0x2200]  }
0xd9: {  	v3 =	vmul.f32 v32, v32;
	v0 =	vadd.f32 v0, v54;
	v43 =	vld [tilespmem:s10+$0x6200]  }
0xda: {  	v31 =	vadd.f32 v34, v31;
	v8 =	vadd.f32 v8, v58;
	v1 =	vmul.f32 v30, v30;
	v58 =	vld [tilespmem:s10+$0x6280]  }
0xdb: {  	v53 =	vld [tilespmem:s10+$0x6180];
	v7 =	vmul.f32 v37, v37;
	v3 =	vadd.f32 v3, v61;
	v61 =	vmul.f32 v33, v33  }
0xdc: {  	v54 =	vld [tilespmem:s10+$0x2280];
	v1 =	vadd.f32 v1, v57;
	v9 =	vmul.f32 v39, v39;
	v14 =	vmul.f32 v48, v48  }
0xdd: {  	v57 =	vld [tilespmem:s10+$0x2300];
	v7 =	vadd.f32 v7, v59;
	v15 =	vmul.f32 v40, v40;
	v10 =	vmul.f32 v46, v46  }
0xde: {  	v59 =	vld [tilespmem:s10+$0x6300];
	v9 =	vadd.f32 v9, v63;
	v63 =	vmul.f32 v49, v49;
	v12 =	vmul.f32 v41, v41  }
0xdf: {  	v11 =	vadd.f32 v61, v60;
	v60 =	vld [tilespmem:s10+$0x2380];
	v13 =	vmul.f32 v43, v43;
	v22 =	vmul.f32 v58, v58  }
0xe0: {  	v61 =	vld [tilespmem:s10+$0x6380];
	v14 =	vadd.f32 v14, v62;
	v15 =	vadd.f32 v15, v44;
	v44 =	vmul.f32 v50, v50  }
0xe1: {  	v62 =	vmul.f32 v53, v53;
	v10 =	vadd.f32 v10, v45;
	v51 =	vadd.f32 v63, v51;
	v45 =	vld [tilespmem:s10+$0x2400]  }
0xe2: {  	v12 =	vadd.f32 v12, v42;
	v42 =	vmul.f32 v57, v57;
	v63 =	vadd.f32 v44, v47;
	v44 =	vld [tilespmem:s6+$0x100]  }
0xe3: {  	v0 =	vadd.f32 v22, v0;
	v52 =	vadd.f32 v62, v52;
	v62 =	vmul.f32 v54, v54  }
0xe4: {  	v22 =	vmul.f32 v59, v59;
	v47 =	vld [tilespmem:s10+$0x6400];
	v8 =	vadd.f32 v42, v8;
	v42 =	vmul.f32 v60, v60  }
0xe5: {  	v13 =	vadd.f32 v13, v56;
	v56 =	vmul.f32 v61, v61;
	v55 =	vadd.f32 v62, v55  }
0xe6: {  	v3 =	vadd.f32 v22, v3;
	v1 =	vadd.f32 v42, v1;
	v22 =	vmul.f32 v45, v45  }
0xe7: {  	v7 =	vadd.f32 v56, v7;
	v42 =	vperm.xlane v63, v2;
	v56 =	vmul.f32 v44, v44  }
0xe8: {  	v11 =	vadd.f32 v22, v11;
	v22 =	vadd.f32 v35, v27;
	v27 =	vperm.xlane v10, v2  }
0xe9: {  	v34 =	vadd.f32 v42, v63;
	v62 =	vmul.f32 v47, v47;
	v14 =	vadd.f32 v56, v14  }
0xea: {  	v10 =	vadd.f32 v27, v10;
	v27 =	vperm.xlane v51, v2;
	v56 =	vperm.xlane v52, v2  }
0xeb: {  	v63 =	vperm.xlane v55, v2;
	v9 =	vadd.f32 v62, v9;
	v62 =	vperm.xlane v12, v2  }
0xec: {  	v27 =	vadd.f32 v27, v51;
	v35 =	vadd.f32 v56, v52;
	v10 =	vsel vm4, v10, v34  }
0xed: {  	v52 =	vadd.f32 v63, v55;
	v55 =	vperm.xlane v13, v2;
	v56 =	vperm.xlane v0, v2  }
0xee: {  	v12 =	vadd.f32 v62, v12;
	v62 =	vperm.xlane v8, v2;
	v63 =	vperm.xlane v1, v2  }
0xef: {  	v51 =	vperm.xlane v3, v2;
	v27 =	vsel vm4, v27, v35;
	v13 =	vadd.f32 v55, v13  }
0xf0: {  	v12 =	vsel vm4, v12, v52;
	v0 =	vadd.f32 v56, v0;
	v8 =	vadd.f32 v62, v8  }
0xf1: {  	v1 =	vadd.f32 v63, v1;
	v52 =	vperm.xlane v7, v2;
	v55 =	vperm.xlane v11, v2  }
0xf2: {  	v3 =	vadd.f32 v51, v3;
	v56 =	vperm.xlane v14, v2;
	v62 =	vperm.xlane v9, v2  }
0xf3: {  	v63 =	vperm.xlane v15, v2;
	v7 =	vadd.f32 v52, v7;
	v0 =	vsel vm4, v13, v0  }
0xf4: {  	v11 =	vadd.f32 v55, v11;
	v13 =	vadd.f32 v56, v14;
	v1 =	vsel vm4, v8, v1  }
0xf5: {  	v8 =	vadd.f32 v62, v9;
	v9 =	vadd.f32 v63, v15;
	v14 =	vperm.xlane v12, v4  }
0xf6: {  	v3 =	vsel vm4, v3, v7;
	v7 =	vperm.xlane v10, v4;
	v11 =	vsel vm4, v11, v13  }
0xf7: {  	v8 =	vsel vm4, v8, v9;
	v9 =	vperm.xlane v27, v4;
	v13 =	vperm.xlane v1, v4  }
0xf8: {  	v7 =	vadd.f32 v7, v10;
	v10 =	vadd.f32 v14, v12;
	v12 =	vperm.xlane v0, v4  }
0xf9: {  	v15 =	vperm.xlane v8, v4;
	v9 =	vadd.f32 v9, v27;
	v14 =	vperm.xlane v11, v4  }
0xfa: {  	v0 =	vadd.f32 v12, v0;
	v12 =	vperm.xlane v3, v4;
	v7 =	vsel vm1, v7, v10;
	v10 =	vld [tilespmem:$0x1FF90]  }
0xfb: {  	v1 =	vadd.f32 v13, v1;
	v11 =	vadd.f32 v14, v11  }
0xfc: {  	v8 =	vadd.f32 v15, v8;
	v3 =	vadd.f32 v12, v3  }
0xfd: {  	v29 =	vadd.f32 v36, v29;
	v0 =	vsel vm1, v9, v0;
	v1 =	vsel vm1, v1, v11  }
0xfe: {  	v9 =	vperm.xlane v1, v5;
	v3 =	vsel vm1, v3, v8;
	v8 =	vperm.xlane v7, v5  }
0xff: {  	v11 =	vperm.xlane v0, v5;
	v10 =	vadd.f32 v10, v21;
	v12 =	vperm.xlane v3, v5  }
0x100: {  	v1 =	vadd.f32 v9, v1;
	v7 =	vadd.f32 v8, v7  }
0x101: {  	v0 =	vadd.f32 v11, v0;
	v3 =	vadd.f32 v12, v3  }
0x102: {  	v8 =	vsel vm2, v22, v31;
	v9 =	vsel vm2, v29, v10;
	v1 =	vsel vm2, v7, v1  }
0x103: {  	v0 =	vsel vm2, v0, v3;
	v3 =	vperm.xlane v8, v6;
	v7 =	vperm.xlane v1, v6  }
0x104: {  	v10 =	vperm.xlane v9, v6;
	v11 =	vperm.xlane v0, v6  }
0x105: {  	v3 =	vadd.f32 v3, v8;
	v1 =	vadd.f32 v7, v1  }
0x106: {  	v7 =	vadd.f32 v10, v9;
	v0 =	vadd.f32 v11, v0  }
0x107: {  	v1 =	vsel vm3, v3, v1  }
0x108: {  	v0 =	vsel vm3, v7, v0;
	v3 =	vmax.f32 v1, $1.000000000e-30  }
0x109: {  	v7 =	vshra.s32 v3, $0x1;
	v8 =	vmax.f32 v0, $1.000000000e-30  }
0x10a: {  	v3 =	vmul.f32 $5.000000000e-01, v3;
	v9 =	vshra.s32 v8, $0x1;
	v8 =	vmul.f32 $5.000000000e-01, v8  }
0x10b: {  	v16 =	vmul.f32 v16, v48;
	v7 =	vsub.s32 $0x5F3759DF, v7;
	v9 =	vsub.s32 $0x5F3759DF, v9  }
0x10c: {  	p0 =	seq.s32 s19, $0x7;
	v10 =	vmul.f32 v7, v3;
	v11 =	vmul.f32 v9, v8  }
0x10d: {  	vm5 =	vmmov @!p0 $0xffff;
	v13 =	vmul.f32 v37, v30;
	v15 =	vmul.f32 v39, v33  }
0x10e: {  	v16 =	vadd.f32 v16, v26;
	v10 =	vmul.f32 v7, v10;
	v11 =	vmul.f32 v9, v11  }
0x10f: {  	v14 =	vadd.f32 v38, v20;
	v13 =	vadd.f32 v13, v24;
	v20 =	vmul.f32 v49, v46  }
0x110: {  	v21 =	vmul.f32 v53, v50;
	v10 =	vsub.f32 $1.500000000e+00, v10;
	v11 =	vsub.f32 $1.500000000e+00, v11  }
0x111: {  	v15 =	vadd.f32 v15, v25;
	v25 =	vmul.f32 v40, v44;
	v12 =	vmul.f32 v32, v28  }
0x112: {  	v18 =	vadd.f32 v21, v18;
	v7 =	vmul.f32 v7, v10;
	v9 =	vmul.f32 v9, v11  }
0x113: {  	v10 =	vadd.f32 v20, v17;
	v17 =	vmul.f32 v58, v54;
	v11 =	vmul.f32 v43, v41  }
0x114: {  	v12 =	vadd.f32 v12, v23;
	v20 =	vld @!p0 [tilespmem:s21+$0x20];
	v21 =	vmul.f32 v7, v3;
	v22 =	vmul.f32 v9, v8  }
0x115: {  	v23 =	vmul.f32 v61, v60;
	v11 =	vadd.f32 v11, v19;
	v19 =	vmul.f32 v59, v57  }
0x116: {  	v14 =	vadd.f32 v17, v14;
	v17 =	vmul.f32 v21, v7;
	v21 =	vmul.f32 v22, v9  }
0x117: {  	v13 =	vadd.f32 v23, v13;
	v23 =	vlaneseq.u32 @!p0;
	v12 =	vadd.f32 v19, v12  }
0x118: {  	v24 =	vshrl.u32 @!p0 v23, $0x3;
	v17 =	vsub.f32 $1.500000000e+00, v17;
	v21 =	vsub.f32 $1.500000000e+00, v21  }
0x119: {  	v19 =	vmul.f32 v47, v45;
	v22 =	vshll.u32 @!p0 v20, $0x3;
	v20 =	vand.u32 @!p0 $0x7, v20  }
0x11a: {  	v22 =	vand.u32 @!p0 $0xFFFFFFC0, v22;
	v7 =	vmul.f32 v17, v7;
	v9 =	vmul.f32 v21, v9  }
0x11b: {  	v20 =	vor.u32 @!p0 v20, v22;
	v15 =	vadd.f32 v19, v15;
	v19 =	vperm.xlane v18, v2  }
0x11c: {  	v22 =	vand.u32 @!p0 $0x7, v23;
	v3 =	vmul.f32 v7, v3;
	v8 =	vmul.f32 v9, v8  }
0x11d: {  	v24 =	vmul.u32 @!p0 $0x8, v24;
	v22 =	vperm.xlane @!p0 v20, v22;
	v17 =	vperm.xlane v10, v2  }
0x11e: {  	v16 =	vadd.f32 v25, v16;
	v3 =	vmul.f32 v3, v7;
	v8 =	vmul.f32 v8, v9  }
0x11f: {  	v21 =	vadd.s32 @!p0 v24, v22;
	v10 =	vadd.f32 v17, v10;
	v17 =	vperm.xlane v11, v2  }
0x120: {  	v22 =	vperm.xlane v14, v2;
	v3 =	vsub.f32 $1.500000000e+00, v3;
	v8 =	vsub.f32 $1.500000000e+00, v8  }
0x121: {  	v18 =	vadd.f32 v19, v18;
	v19 =	vor.u32 @!p0 $0x8, v23;
	v11 =	vadd.f32 v17, v11  }
0x122: {  	v14 =	vadd.f32 v22, v14;
	v3 =	vmul.f32 v3, v7;
	v7 =	vmul.f32 v8, v9  }
0x123: {  	v10 =	vsel vm4, v10, v18;
	v8 =	vperm.xlane v12, v2;
	v9 =	vperm.xlane v13, v2  }
0x124: {  	v11 =	vsel vm4, v11, v14;
	v1 =	vmul.f32 v3, v1;
	v0 =	vmul.f32 v7, v0  }
0x125: {  	s11 =	sand.u32 $0x3FFFFFE0, s21;
	v3 =	vadd.f32 v8, v12;
	v7 =	vperm.xlane v15, v2;
	v8 =	vperm.xlane v16, v2  }
0x126: {  	s6 =	simm.s32 @!p0 $0x0;
	s10 =	simm.s32 @!p0 $0x4100;
	v17 =	vld [tilespmem:s11+$0x0];
	v9 =	vadd.f32 v9, v13;
	v1 =	vmax.f32 v1, $9.999999930e-09;
	v0 =	vmax.f32 v0, $9.999999930e-09  }
0x127: {  	[tilespmem:s10], [sflag:$0x2] =	stream.indirect_vreg.gather @!p0 [hbm4b:s1+s6], $0x80, v21, vm5, $0xb8;
	v7 =	vadd.f32 v7, v15;
	v8 =	vadd.f32 v8, v16;
	v0 =	vmul.f32 v0, v1;
	[tilespmem:$0x10200] =	vst v63  }
0x128: {  	v14 =	vperm.xlane @!p0 v20, v19;
	s10 =	simm.s32 @!p0 $0x4900;
	v1 =	vsel vm4, v3, v9;
	v3 =	vperm.xlane v10, v4  }
0x129: {  	[tilespmem:s10], [sflag:$0x2] =	stream.indirect_vreg.gather @!p0 [hbm4b:s7+s6], $0x80, v21, vm5, $0xb8;
	v7 =	vsel vm4, v7, v8;
	v8 =	vperm.xlane v11, v4;
	(erf) = vrcp.f32 v0;
	[tilespmem:$0x10200] =	vst v63  }
0x12a: {  	v14 =	vadd.s32 @!p0 v24, v14;
	s10 =	simm.s32 @!p0 $0x5100;
	v0 =	vperm.xlane v1, v4;
	v9 =	vperm.xlane v7, v4  }
0x12b: {  	[tilespmem:s10], [sflag:$0x2] =	stream.indirect_vreg.gather @!p0 [hbm4b:s8+s6], $0x80, v21, vm5, $0xb8;
	v3 =	vadd.f32 v3, v10;
	v8 =	vadd.f32 v8, v11;
	[tilespmem:$0x10200] =	vst v63  }
0x12c: {  	s10 =	simm.s32 @!p0 $0x5900;
	v0 =	vadd.f32 v0, v1;
	v1 =	vadd.f32 v9, v7;
	v9 =	vld [tilespmem:$0x1FF60]  }
0x12d: {  	[tilespmem:s10], [sflag:$0x2] =	stream.indirect_vreg.gather @!p0 [hbm4b:s9+s6], $0x80, v21, vm5, $0xb8;
	v3 =	vsel vm1, v3, v8;
	v8 =	vld [tilespmem:$0x1FF50]  }
0x12e: {  	s10 =	simm.s32 @!p0 $0x6100  }
0x12f: {  	[tilespmem:s10], [sflag:$0x2] =	stream.indirect_vreg.gather @!p0 [hbm4b:s1+s6], $0x80, v14, vm5, $0xb8;
	[tilespmem:$0x10200] =	vst v63  }
0x130: {  	s10 =	simm.s32 @!p0 $0x6900  }
0x131: {  	v10 =	vld [tilespmem:$0x1FF80];
	[tilespmem:s10], [sflag:$0x2] =	stream.indirect_vreg.gather @!p0 [hbm4b:s7+s6], $0x80, v14, vm5, $0xb8  }
0x132: {  	s10 =	simm.s32 @!p0 $0x7100;
	v8 =	vadd.f32 v9, v8;
	v9 =	vld [tilespmem:$0x1FF70]  }
0x133: {  	[tilespmem:s10], [sflag:$0x2] =	stream.indirect_vreg.gather @!p0 [hbm4b:s8+s6], $0x80, v14, vm5, $0xb8;
	[tilespmem:$0x10200] =	vst v63  }
0x134: {  	s10 =	sadd.s32 @!p0 $0x20, s21;
	v0 =	vsel vm1, v0, v1;
	v1 =	vperm.xlane v3, v5  }
0x135: {  	s11 =	simm.s32 @!p0 $0x7900;
	s10 =	sadd.s32 @!p0 s5, s10;
	v7 =	vperm.xlane v0, v5  }
0x136: {  	[tilespmem:s11], [sflag:$0x2] =	stream.indirect_vreg.gather @!p0 [hbm4b:s9+s6], $0x80, v14, vm5, $0xb8;
	v1 =	vadd.f32 v1, v3;
	[tilespmem:$0x10200] =	vst v63  }
0x137: {  	s10 =	sshll.u32 @!p0 s10, $0x7;
	v0 =	vadd.f32 v7, v0;
	v9 =	vadd.f32 v10, v9  }
0x138: {  	s11 =	simm.s32 @!p0 $0x100;
	s10 =	sadd.s32 @!p0 s0, s10  }
0x139: {  	[tilespmem:s11], [sflag:$0x1] =	stream.linear.gather @!p0 [hbm4b:s10+s6], $0x4000, $0x38;
	v3 =	vpop (erf);
	v0 =	vsel vm2, v1, v0;
	v7 =	vsel vm2, v8, v9;
	[tilespmem:$0x10200] =	vst v63  }
0x13a: {  	_ =	swait.ge [sflag:s15], $0x4000;
	v8 =	vperm.xlane v0, v6;
	v1 =	vperm.xlane v7, v6  }
0x13b: {  	[sflag:s15] =	ssyncset.done $0x0  }
0x13c: {  	[sflag:s15] =	ssyncadd.s32 $0xFFFFC000;
	v0 =	vadd.f32 v8, v0;
	v1 =	vadd.f32 v1, v7  }
0x13d: {  	_ =	swait.ge [sflag:s16], $0x4000  }
0x13e: {  	v0 =	vsel vm3, v1, v0;
	v1 =	vld [tilespmem:$0x1FFF0];
	_ =	sdelay $0x4  }
0x13f: {  	v0 =	vmul.f32 v3, v0;
	v1 =	vperm.xlane v17, v1  }
0x140: {  	v10 =	vld [tilespmem:$0x1FFA0]  }
0x141: {  	s12 =	simm.s32 $0x0;
	v3 =	vimm.f32 $1.000000000e+00;
	v0 =	vsub.f32 $1.000000000e+00, v0;
	vm5 =	veq.s32 v1, $0x0  }
0x142: {  	s13 =	sor.u32 s12, s12;
	[sflag:s16] =	ssyncset.done $0x0;
	v3 =	vsel vm5, $0x0, v3  }
0x143: {  	s21 =	sor.u32 $0x380, s13;
	[sflag:s16] =	ssyncadd.s32 $0xFFFFC000;
	v0 =	vmul.f32 v0, v3  }
0x144: {  	s17 =	sand.u32 $0x70, s12;
	s6 =	sand.u32 $0x1C00, s12;
	v23 =	vld [tilespmem:s21+$0xC100]  }
0x145: {  	s10 =	sor.u32 s17, s6;
	v0 =	vadd.f32 v0, v10;
	v10 =	vld [tilespmem:$0x1FFB0]  }
0x146: {  	v37 =	vld [tilespmem:s10+$0x8300]  }
0x147: {  	v1 =	vld [tilespmem:s10+$0x8100]  }
0x148: {  	v36 =	vimm.f32 $0.0e+00;
	v26 =	vimm.f32 $0.0e+00;
	v34 =	vimm.f32 $0.0e+00;
	v7 =	vld [tilespmem:s10+$0xC100]  }
0x149: {  	v35 =	vimm.f32 $0.0e+00;
	v30 =	vimm.f32 $0.0e+00;
	v27 =	vimm.f32 $0.0e+00;
	v8 =	vld [tilespmem:s10+$0x8180]  }
0x14a: {  	v33 =	vimm.f32 $0.0e+00;
	v31 =	vimm.f32 $0.0e+00;
	v9 =	vld [tilespmem:s10+$0xC180];
	v3 =	vadd.f32 v3, v10  }
0x14b: {  	v32 =	vimm.f32 $0.0e+00;
	v28 =	vimm.f32 $0.0e+00;
	v43 =	vmul.f32 v37, v37;
	[tilespmem:$0x1FF30] =	vst v0;
	v0 =	vld [tilespmem:s10+$0x8200]  }
0x14c: {  	v29 =	vimm.f32 $0.0e+00;
	v13 =	vld [tilespmem:s10+$0xC200];
	v12 =	vmul.f32 v1, v1;
	[tilespmem:$0x1FF40] =	vst v3;
	v3 =	vmul.f32 v23, v23  }
0x14d: {  	v24 =	vimm.f32 $0.0e+00;
	v14 =	vld [tilespmem:s10+$0x8280];
	v1 =	vmul.f32 v7, v1;
	v7 =	vmul.f32 v7, v7  }
0x14e: {  	v25 =	vld [tilespmem:s10+$0xC280];
	v21 =	vadd.f32 v12, v24;
	v22 =	vadd.f32 v3, v24;
	v3 =	vmul.f32 v8, v8  }
0x14f: {  	v18 =	vadd.f32 v1, v24;
	v1 =	vmul.f32 v9, v8;
	v19 =	vadd.f32 v7, v24  }
0x150: {  	v41 =	vld [tilespmem:s10+$0xC300];
	v8 =	vmul.f32 v9, v9;
	v20 =	vadd.f32 v3, v24;
	v3 =	vmul.f32 v0, v0  }
0x151: {  	v38 =	vld [tilespmem:s10+$0x8380];
	v17 =	vadd.f32 v1, v24;
	v1 =	vmul.f32 v13, v13;
	v0 =	vmul.f32 v13, v0  }
0x152: {  	s22 =	simm.s32 $0x10;
	v40 =	vld [tilespmem:s10+$0xC380];
	v15 =	vadd.f32 v8, v24;
	v16 =	vadd.f32 v3, v24;
	v3 =	vmul.f32 v14, v14  }
0x153: {  	s11 =	sand.u32 $0x70, s22;
	s17 =	simm.s32 $0x80;
	v39 =	vld [tilespmem:s10+$0x8400];
	v8 =	vmul.f32 v25, v14;
	v13 =	vadd.f32 v1, v24;
	v12 =	vadd.f32 v0, v24  }
0x154: {  	s6 =	simm.s32 $0x20;
	s13 =	sand.u32 $0x1C00, s17;
	s12 =	sor.u32 s17, s22;
	v42 =	vld [tilespmem:s10+$0xC400];
	v0 =	vmul.f32 v25, v25;
	v25 =	vimm.f32 $0.0e+00;
	v14 =	vadd.f32 v3, v24  }
.LBB2_7:
0x155: {  	p0 =	sne.s32 s6, $0x3F0;
	s10 =	sor.u32 s11, s13;
	v24 =	vadd.f32 v8, v24;
	v1 =	vmul.f32 v41, v37;
	v3 =	vmul.f32 v41, v41;
	v7 =	vld [tilespmem:s21+$0x8100];
	s21 =	sor.u32 $0x380, s12  }
0x156: {  	v35 =	vadd.f32 v0, v35;
	v8 =	vld [tilespmem:s21+$0xC100];
	v36 =	vadd.f32 v43, v36;
	v0 =	vmul.f32 v38, v38  }
0x157: {  	v9 =	vld [tilespmem:s10+$0x8100];
	v34 =	vadd.f32 v1, v34;
	v1 =	vmul.f32 v40, v38;
	v37 =	vmul.f32 v40, v40  }
0x158: {  	v32 =	vadd.f32 v3, v32;
	v38 =	vld [tilespmem:s10+$0xC100];
	v33 =	vadd.f32 v0, v33;
	v0 =	vmul.f32 v39, v39  }
0x159: {  	v3 =	vld [tilespmem:s10+$0x8180];
	v30 =	vadd.f32 v1, v30;
	v1 =	vmul.f32 v42, v39;
	v39 =	vmul.f32 v42, v42  }
0x15a: {  	v31 =	vadd.f32 v37, v31;
	v40 =	vld [tilespmem:s10+$0xC180];
	v37 =	vmul.f32 v23, v7;
	v7 =	vmul.f32 v7, v7  }
0x15b: {  	v27 =	vadd.f32 v0, v27;
	v42 =	vld [tilespmem:s10+$0x8200];
	v41 =	vmul.f32 v8, v8;
	v26 =	vadd.f32 v1, v26;
	v23 =	vmovc v8  }
0x15c: {  	v28 =	vadd.f32 v39, v28;
	v0 =	vmul.f32 v9, v9;
	v1 =	vld [tilespmem:s10+$0xC200];
	v29 =	vadd.f32 v37, v29  }
0x15d: {  	v8 =	vmul.f32 v38, v9;
	v9 =	vmul.f32 v38, v38;
	v39 =	vld [tilespmem:s10+$0x8280];
	v22 =	vadd.f32 v41, v22  }
0x15e: {  	v25 =	vadd.f32 v7, v25;
	v21 =	vadd.f32 v0, v21;
	v0 =	vmul.f32 v3, v3;
	v43 =	vld [tilespmem:s10+$0xC280]  }
0x15f: {  	v18 =	vadd.f32 v8, v18;
	v3 =	vmul.f32 v40, v3;
	v7 =	vmul.f32 v40, v40;
	v37 =	vld [tilespmem:s10+$0x8300]  }
.Ltmp2:
0x160: {  	v19 =	vadd.f32 v9, v19;
	v20 =	vadd.f32 v0, v20;
	v0 =	vmul.f32 v42, v42;
	v41 =	vld [tilespmem:s10+$0xC300];
	(pc) =	sbr.rel @p0 .LBB2_7-.Ltmp2, $4  }
0x161: {  	v17 =	vadd.f32 v3, v17;
	v3 =	vmul.f32 v1, v42;
	v1 =	vmul.f32 v1, v1;
	v38 =	vld [tilespmem:s10+$0x8380]  }
0x162: {  	v15 =	vadd.f32 v7, v15;
	v16 =	vadd.f32 v0, v16;
	v7 =	vmul.f32 v39, v39;
	v40 =	vld [tilespmem:s10+$0xC380]  }
0x163: {  	s11 =	sand.u32 $0x70, s6;
	s17 =	sadd.s32 $0x80, s17;
	v12 =	vadd.f32 v3, v12;
	v8 =	vmul.f32 v43, v39;
	v0 =	vmul.f32 v43, v43;
	v39 =	vld [tilespmem:s10+$0x8400]  }
0x164: {  	s13 =	sand.u32 $0x1C00, s17;
	s12 =	sor.u32 s17, s6;
	s6 =	sadd.s32 $0x10, s6;
	v13 =	vadd.f32 v1, v13;
	v14 =	vadd.f32 v7, v14;
	v43 =	vmul.f32 v37, v37;
	v42 =	vld [tilespmem:s10+$0xC400]  }
0x165: {  	s6 =	sor.u32 $0x380, s12;
	v1 =	vld [tilespmem:s21+$0x8100]  }
0x166: {  	s10 =	sor.u32 s11, s13;
	v9 =	vld [tilespmem:s6+$0xC100]  }
0x167: {  	v3 =	vadd.f32 v8, v24;
	v7 =	vmul.f32 v41, v37;
	v63 =	vld [tilespmem:s10+$0x8100]  }
0x168: {  	v8 =	vmul.f32 v41, v41;
	v0 =	vadd.f32 v0, v35;
	v62 =	vmul.f32 v38, v38;
	v45 =	vld [tilespmem:s10+$0xC100]  }
0x169: {  	v24 =	vadd.f32 v43, v36;
	v47 =	vld [tilespmem:s10+$0x8180];
	v7 =	vadd.f32 v7, v34;
	v43 =	vmul.f32 v40, v38  }
0x16a: {  	v50 =	vld [tilespmem:s10+$0xC180];
	v44 =	vmul.f32 v40, v40;
	v8 =	vadd.f32 v8, v32;
	v32 =	vadd.f32 v62, v33  }
0x16b: {  	v51 =	vld [tilespmem:s10+$0x8200];
	v46 =	vmul.f32 v39, v39;
	v30 =	vadd.f32 v43, v30;
	v48 =	vmul.f32 v42, v39  }
0x16c: {  	v53 =	vld [tilespmem:s10+$0xC200];
	v49 =	vmul.f32 v42, v42;
	v31 =	vadd.f32 v44, v31;
	v23 =	vmul.f32 v23, v1  }
0x16d: {  	v55 =	vld [tilespmem:s10+$0xC280];
	v1 =	vmul.f32 v1, v1;
	v27 =	vadd.f32 v46, v27;
	v52 =	vmul.f32 v9, v9  }
0x16e: {  	v60 =	vld [tilespmem:s10+$0x8380];
	v26 =	vadd.f32 v48, v26;
	v54 =	vmul.f32 v63, v63;
	v36 =	vmul.f32 v45, v63  }
0x16f: {  	v62 =	vld [tilespmem:s10+$0xC380];
	v28 =	vadd.f32 v49, v28;
	v38 =	vmul.f32 v45, v45;
	v56 =	vmul.f32 v47, v47  }
0x170: {  	v42 =	vld [tilespmem:s10+$0x8400];
	v35 =	vmul.f32 v50, v47;
	v57 =	vmul.f32 v50, v50;
	v23 =	vadd.f32 v23, v29  }
0x171: {  	v44 =	vld [tilespmem:s10+$0xC400];
	v59 =	vmul.f32 v51, v51;
	v1 =	vadd.f32 v1, v25;
	v22 =	vadd.f32 v52, v22  }
0x172: {  	v46 =	vld [tilespmem:s6+$0x8100];
	v61 =	vmul.f32 v53, v51;
	v21 =	vadd.f32 v54, v21;
	v18 =	vadd.f32 v36, v18  }
0x173: {  	v33 =	vmul.f32 v53, v53;
	v19 =	vadd.f32 v38, v19;
	v20 =	vadd.f32 v56, v20  }
0x174: {  	v43 =	vmul.f32 v55, v55;
	v29 =	vld [tilespmem:s10+$0x8280];
	v17 =	vadd.f32 v35, v17;
	v15 =	vadd.f32 v57, v15  }
0x175: {  	v47 =	vmul.f32 v60, v60;
	v25 =	vld [tilespmem:s10+$0x8300];
	v16 =	vadd.f32 v59, v16;
	v12 =	vadd.f32 v61, v12  }
0x176: {  	v58 =	vld [tilespmem:s10+$0xC300];
	v13 =	vadd.f32 v33, v13;
	v48 =	vmul.f32 v62, v62;
	v49 =	vmul.f32 v44, v42  }
0x177: {  	v0 =	vadd.f32 v43, v0;
	v50 =	vmul.f32 v42, v42;
	v9 =	vmul.f32 v9, v46  }
0x178: {  	v31 =	vadd.f32 v48, v31;
	v51 =	vmul.f32 v46, v46;
	v52 =	vperm.xlane v21, v2  }
0x179: {  	v53 =	vperm.xlane v20, v2;
	v26 =	vadd.f32 v49, v26;
	v63 =	vmul.f32 v29, v29  }
0x17a: {  	v27 =	vadd.f32 v50, v27;
	v29 =	vmul.f32 v55, v29;
	v45 =	vmul.f32 v25, v25  }
0x17b: {  	v25 =	vmul.f32 v58, v25;
	v9 =	vadd.f32 v9, v23;
	v1 =	vadd.f32 v51, v1  }
0x17c: {  	v23 =	vperm.xlane v18, v2;
	v21 =	vadd.f32 v52, v21;
	v20 =	vadd.f32 v53, v20  }
0x17d: {  	v61 =	vperm.xlane v26, v2;
	v14 =	vadd.f32 v63, v14;
	v3 =	vadd.f32 v29, v3  }
0x17e: {  	v29 =	vmul.f32 v58, v58;
	v7 =	vadd.f32 v25, v7;
	v25 =	vmul.f32 v62, v60  }
0x17f: {  	v24 =	vadd.f32 v45, v24;
	v18 =	vadd.f32 v23, v18;
	v23 =	vperm.xlane v19, v2  }
0x180: {  	v8 =	vadd.f32 v29, v8;
	v25 =	vadd.f32 v25, v30;
	v30 =	vmul.f32 v44, v44  }
0x181: {  	v19 =	vadd.f32 v23, v19;
	v23 =	vperm.xlane v12, v2;
	v54 =	vperm.xlane v3, v2  }
0x182: {  	v29 =	vadd.f32 v47, v32;
	v55 =	vperm.xlane v14, v2;
	v28 =	vadd.f32 v30, v28  }
0x183: {  	v30 =	vperm.xlane v17, v2;
	v12 =	vadd.f32 v23, v12;
	v3 =	vadd.f32 v54, v3  }
0x184: {  	v57 =	vperm.xlane v7, v2;
	v58 =	vperm.xlane v24, v2;
	v14 =	vadd.f32 v55, v14  }
0x185: {  	v17 =	vadd.f32 v30, v17;
	v30 =	vperm.xlane v15, v2;
	v3 =	vsel vm4, v12, v3  }
0x186: {  	v7 =	vadd.f32 v57, v7;
	v59 =	vadd.f32 v58, v24;
	v23 =	vperm.xlane v3, v4  }
0x187: {  	v15 =	vadd.f32 v30, v15;
	v30 =	vperm.xlane v16, v2;
	v17 =	vsel vm4, v18, v17  }
0x188: {  	v18 =	vsel vm4, v21, v20;
	v20 =	vperm.xlane v0, v2;
	v21 =	vperm.xlane v31, v2  }
0x189: {  	v16 =	vadd.f32 v30, v16;
	v15 =	vsel vm4, v19, v15;
	v19 =	vperm.xlane v13, v2  }
0x18a: {  	v3 =	vadd.f32 v23, v3;
	v0 =	vadd.f32 v20, v0;
	v20 =	vperm.xlane v8, v2  }
0x18b: {  	v56 =	vsel vm4, v16, v14;
	v13 =	vadd.f32 v19, v13;
	v16 =	vperm.xlane v25, v2  }
0x18c: {  	v19 =	vperm.xlane v29, v2;
	v8 =	vadd.f32 v20, v8;
	v20 =	vperm.xlane v1, v2  }
0x18d: {  	v14 =	vadd.f32 v61, v26;
	v24 =	vperm.xlane v56, v4;
	v16 =	vadd.f32 v16, v25  }
0x18e: {  	v0 =	vsel vm4, v13, v0;
	v60 =	vadd.f32 v19, v29;
	v19 =	vperm.xlane v9, v2  }
0x18f: {  	v1 =	vadd.f32 v20, v1;
	v7 =	vsel vm4, v7, v16;
	v16 =	vadd.f32 v21, v31  }
0x190: {  	v20 =	vperm.xlane v22, v2;
	v9 =	vadd.f32 v19, v9;
	v21 =	vperm.xlane v17, v4  }
0x191: {  	v19 =	vperm.xlane v28, v2;
	v8 =	vsel vm4, v8, v16;
	v16 =	vperm.xlane v27, v2  }
0x192: {  	v13 =	vsel vm4, v59, v60;
	v20 =	vadd.f32 v20, v22;
	v62 =	vadd.f32 v21, v17  }
0x193: {  	v22 =	vperm.xlane v18, v4;
	v19 =	vadd.f32 v19, v28;
	v16 =	vadd.f32 v16, v27  }
0x194: {  	v9 =	vsel vm4, v14, v9;
	v17 =	vadd.f32 v24, v56;
	v10 =	vsel vm1, v62, v3  }
0x195: {  	v3 =	vperm.xlane v7, v4;
	v1 =	vsel vm4, v16, v1;
	v16 =	vadd.f32 v22, v18  }
0x196: {  	v18 =	vsel vm4, v19, v20;
	v19 =	vperm.xlane v15, v4;
	v20 =	vperm.xlane v0, v4  }
0x197: {  	s12 =	simm.s32 $0x0;
	v3 =	vadd.f32 v3, v7;
	v7 =	vperm.xlane v13, v4;
	v27 =	vsel vm1, v16, v17  }
0x198: {  	s17 =	sand.u32 $0x70, s12;
	s6 =	sand.u32 $0x1C00, s12;
	v63 =	vadd.f32 v19, v15;
	v0 =	vadd.f32 v20, v0;
	v17 =	vperm.xlane v1, v4  }
0x199: {  	s10 =	sor.u32 s17, s6;
	v58 =	vimm.f32 $0.0e+00;
	v15 =	vperm.xlane v9, v4  }
0x19a: {  	s13 =	sor.u32 s12, s12;
	v23 =	vld [tilespmem:s10+$0xA280];
	v28 =	vsel vm1, v63, v0;
	v0 =	vadd.f32 v7, v13;
	v1 =	vadd.f32 v17, v1  }
0x19b: {  	s21 =	sor.u32 $0x2380, s13;
	v24 =	vld [tilespmem:s10+$0xE280];
	v19 =	vperm.xlane v18, v4;
	v9 =	vadd.f32 v15, v9;
	v15 =	vperm.xlane v8, v4  }
0x19c: {  	v57 =	vimm.f32 $0.0e+00;
	v16 =	vld [tilespmem:s21+$0xC100];
	v30 =	vsel vm1, v0, v1;
	v0 =	vperm.xlane v10, v5  }
0x19d: {  	v7 =	vld [tilespmem:s10+$0xA100];
	v11 =	vsel vm1, v3, v9;
	v3 =	vadd.f32 v15, v8;
	v8 =	vadd.f32 v19, v18  }
0x19e: {  	v26 =	vimm.f32 $0.0e+00;
	v61 =	vimm.f32 $0.0e+00;
	v9 =	vld [tilespmem:s10+$0xE100];
	[tilespmem:$0x1FEF0] =	vst v0;
	v0 =	vperm.xlane v11, v5  }
0x19f: {  	v25 =	vimm.f32 $0.0e+00;
	v59 =	vimm.f32 $0.0e+00;
	v1 =	vld [tilespmem:s10+$0xE180];
	v21 =	vsel vm1, v3, v8  }
0x1a0: {  	v60 =	vimm.f32 $0.0e+00;
	v56 =	vimm.f32 $0.0e+00;
	v3 =	vperm.xlane v21, v5;
	[tilespmem:$0x1FF10] =	vst v0;
	v0 =	vld [tilespmem:s10+$0xA180]  }
0x1a1: {  	v62 =	vimm.f32 $0.0e+00;
	v38 =	vmul.f32 v24, v23;
	v33 =	vperm.xlane v27, v5  }
0x1a2: {  	v63 =	vimm.f32 $0.0e+00;
	v34 =	vperm.xlane v28, v5;
	v8 =	vmul.f32 v16, v16;
	[tilespmem:$0x1FF20] =	vst v3;
	v3 =	vld [tilespmem:s10+$0xA200]  }
0x1a3: {  	v20 =	vld [tilespmem:s10+$0xE200];
	v19 =	vimm.f32 $0.0e+00;
	v32 =	vperm.xlane v30, v5;
	v17 =	vmul.f32 v7, v7  }
0x1a4: {  	v29 =	vld [tilespmem:s10+$0xA300];
	v42 =	vadd.f32 v8, v19;
	v7 =	vmul.f32 v9, v7;
	v9 =	vmul.f32 v9, v9  }
0x1a5: {  	v43 =	vadd.f32 v17, v19;
	v8 =	vmul.f32 v0, v0;
	v0 =	vmul.f32 v1, v0  }
0x1a6: {  	v17 =	vadd.f32 v7, v19;
	v47 =	vadd.f32 v9, v19;
	v1 =	vmul.f32 v1, v1  }
0x1a7: {  	v36 =	vld [tilespmem:s10+$0xE300];
	v7 =	vmul.f32 v3, v3;
	v45 =	vadd.f32 v8, v19;
	v18 =	vadd.f32 v0, v19  }
0x1a8: {  	v31 =	vld [tilespmem:s10+$0xA380];
	v0 =	vmul.f32 v20, v3;
	v3 =	vmul.f32 v20, v20;
	v48 =	vadd.f32 v1, v19  }
0x1a9: {  	s22 =	simm.s32 $0x10;
	v37 =	vld [tilespmem:s10+$0xE380];
	v1 =	vmul.f32 v23, v23;
	v8 =	vmul.f32 v29, v29;
	v23 =	vimm.f32 $0.0e+00  }
0x1aa: {  	s11 =	sand.u32 $0x70, s22;
	s17 =	simm.s32 $0x80;
	v35 =	vld [tilespmem:s10+$0xA400];
	[tilespmem:$0x1FEE0] =	vst v10;
	v41 =	vadd.f32 v7, v19;
	v20 =	vadd.f32 v0, v19;
	v0 =	vmul.f32 v24, v24  }
0x1ab: {  	s6 =	simm.s32 $0x20;
	s13 =	sand.u32 $0x1C00, s17;
	s12 =	sor.u32 s17, s22;
	v39 =	vld [tilespmem:s10+$0xE400];
	[tilespmem:$0x1FF00] =	vst v11;
	v54 =	vadd.f32 v3, v19;
	v52 =	vadd.f32 v1, v19;
	v24 =	vimm.f32 $0.0e+00  }
.LBB2_9:
0x1ac: {  	p0 =	sne.s32 s6, $0x3F0;
	s10 =	sor.u32 s11, s13;
	v19 =	vadd.f32 v38, v19;
	v1 =	vmul.f32 v36, v29;
	v3 =	vmul.f32 v36, v36;
	v7 =	vld [tilespmem:s21+$0x8100];
	s21 =	sor.u32 $0x2380, s12  }
0x1ad: {  	v56 =	vadd.f32 v0, v56;
	v9 =	vld [tilespmem:s21+$0xC100];
	v58 =	vadd.f32 v8, v58;
	v0 =	vmul.f32 v31, v31  }
0x1ae: {  	v8 =	vld [tilespmem:s10+$0xA100];
	v23 =	vadd.f32 v1, v23;
	v1 =	vmul.f32 v37, v31;
	v29 =	vmul.f32 v37, v37  }
0x1af: {  	v62 =	vadd.f32 v3, v62;
	v31 =	vld [tilespmem:s10+$0xE100];
	v57 =	vadd.f32 v0, v57;
	v0 =	vmul.f32 v35, v35  }
0x1b0: {  	v3 =	vld [tilespmem:s10+$0xA180];
	v24 =	vadd.f32 v1, v24;
	v1 =	vmul.f32 v39, v35;
	v35 =	vmul.f32 v39, v39  }
0x1b1: {  	v59 =	vadd.f32 v29, v59;
	v36 =	vld [tilespmem:s10+$0xE180];
	v29 =	vmul.f32 v16, v7;
	v7 =	vmul.f32 v7, v7  }
0x1b2: {  	v60 =	vadd.f32 v0, v60;
	v37 =	vld [tilespmem:s10+$0xA200];
	v38 =	vmul.f32 v9, v9;
	v25 =	vadd.f32 v1, v25;
	v16 =	vmovc v9  }
0x1b3: {  	v63 =	vadd.f32 v35, v63;
	v0 =	vmul.f32 v8, v8;
	v1 =	vld [tilespmem:s10+$0xE200];
	v26 =	vadd.f32 v29, v26  }
0x1b4: {  	v8 =	vmul.f32 v31, v8;
	v9 =	vmul.f32 v31, v31;
	v35 =	vld [tilespmem:s10+$0xA280];
	v42 =	vadd.f32 v38, v42  }
0x1b5: {  	v61 =	vadd.f32 v7, v61;
	v43 =	vadd.f32 v0, v43;
	v0 =	vmul.f32 v3, v3;
	v39 =	vld [tilespmem:s10+$0xE280]  }
0x1b6: {  	v17 =	vadd.f32 v8, v17;
	v3 =	vmul.f32 v36, v3;
	v7 =	vmul.f32 v36, v36;
	v29 =	vld [tilespmem:s10+$0xA300]  }
.Ltmp3:
0x1b7: {  	v47 =	vadd.f32 v9, v47;
	v45 =	vadd.f32 v0, v45;
	v0 =	vmul.f32 v37, v37;
	v36 =	vld [tilespmem:s10+$0xE300];
	(pc) =	sbr.rel @p0 .LBB2_9-.Ltmp3, $4  }
0x1b8: {  	v18 =	vadd.f32 v3, v18;
	v3 =	vmul.f32 v1, v37;
	v1 =	vmul.f32 v1, v1;
	v31 =	vld [tilespmem:s10+$0xA380]  }
0x1b9: {  	v48 =	vadd.f32 v7, v48;
	v41 =	vadd.f32 v0, v41;
	v7 =	vmul.f32 v35, v35;
	v37 =	vld [tilespmem:s10+$0xE380]  }
0x1ba: {  	s11 =	sand.u32 $0x70, s6;
	s17 =	sadd.s32 $0x80, s17;
	v20 =	vadd.f32 v3, v20;
	v38 =	vmul.f32 v39, v35;
	v0 =	vmul.f32 v39, v39;
	v35 =	vld [tilespmem:s10+$0xA400]  }
0x1bb: {  	s13 =	sand.u32 $0x1C00, s17;
	s12 =	sor.u32 s17, s6;
	s6 =	sadd.s32 $0x10, s6;
	v54 =	vadd.f32 v1, v54;
	v52 =	vadd.f32 v7, v52;
	v8 =	vmul.f32 v29, v29;
	v39 =	vld [tilespmem:s10+$0xE400]  }
0x1bc: {  	s6 =	sor.u32 $0x2380, s12;
	v55 =	vld [tilespmem:s21+$0x8100]  }
0x1bd: {  	s10 =	sor.u32 s11, s13;
	v40 =	vld [tilespmem:s6+$0xC100]  }
0x1be: {  	v46 =	vld [tilespmem:s10+$0xA100]  }
0x1bf: {  	v49 =	vld [tilespmem:s10+$0xE100]  }
0x1c0: {  	v50 =	vld [tilespmem:s10+$0xA180]  }
0x1c1: {  	v1 =	vmul.f32 v36, v36;
	v0 =	vadd.f32 v0, v56;
	v53 =	vld [tilespmem:s10+$0xE180]  }
0x1c2: {  	v27 =	vadd.f32 v33, v27;
	v30 =	vadd.f32 v32, v30;
	v44 =	vld [tilespmem:s10+$0xA200];
	v7 =	vmul.f32 v31, v31  }
0x1c3: {  	v28 =	vadd.f32 v34, v28;
	v3 =	vadd.f32 v8, v58;
	v58 =	vld [tilespmem:s10+$0xE280];
	v8 =	vmul.f32 v37, v37  }
0x1c4: {  	v51 =	vld [tilespmem:s10+$0xE200];
	v1 =	vadd.f32 v1, v62;
	v9 =	vmul.f32 v35, v35;
	v7 =	vadd.f32 v7, v57  }
0x1c5: {  	v57 =	vld [tilespmem:s10+$0xA300];
	v22 =	vmul.f32 v39, v39;
	v8 =	vadd.f32 v8, v59;
	v11 =	vmul.f32 v55, v55  }
0x1c6: {  	v56 =	vld [tilespmem:s10+$0xA280];
	v9 =	vadd.f32 v9, v60;
	v10 =	vmul.f32 v40, v40;
	v14 =	vmul.f32 v46, v46  }
0x1c7: {  	v60 =	vld [tilespmem:s10+$0xA380];
	v62 =	vadd.f32 v22, v63;
	v22 =	vmul.f32 v49, v49;
	v15 =	vmul.f32 v50, v50  }
0x1c8: {  	v59 =	vld [tilespmem:s10+$0xE300];
	v12 =	vmul.f32 v44, v44;
	v13 =	vmul.f32 v58, v58;
	v11 =	vadd.f32 v11, v61  }
0x1c9: {  	v61 =	vmul.f32 v53, v53;
	v10 =	vadd.f32 v10, v42;
	v14 =	vadd.f32 v14, v43;
	v43 =	vld [tilespmem:s10+$0xE380]  }
0x1ca: {  	v63 =	vadd.f32 v22, v47;
	v42 =	vld [tilespmem:s10+$0xA400];
	v12 =	vadd.f32 v12, v41;
	v41 =	vmul.f32 v57, v57  }
0x1cb: {  	v15 =	vadd.f32 v15, v45;
	v22 =	vmul.f32 v51, v51;
	v45 =	vld [tilespmem:s10+$0xE400];
	v48 =	vadd.f32 v61, v48  }
0x1cc: {  	v47 =	vld [tilespmem:s6+$0x8100];
	v61 =	vmul.f32 v56, v56;
	v3 =	vadd.f32 v41, v3;
	v41 =	vmul.f32 v60, v60  }
0x1cd: {  	v0 =	vadd.f32 v13, v0;
	v22 =	vadd.f32 v22, v54;
	v33 =	vperm.xlane v63, v2  }
0x1ce: {  	v52 =	vadd.f32 v61, v52;
	v61 =	vmul.f32 v59, v59;
	v7 =	vadd.f32 v41, v7  }
0x1cf: {  	v41 =	vperm.xlane v15, v2;
	v33 =	vadd.f32 v33, v63;
	v54 =	vmul.f32 v43, v43  }
0x1d0: {  	v1 =	vadd.f32 v61, v1;
	v13 =	vmul.f32 v42, v42;
	v61 =	vmul.f32 v45, v45  }
0x1d1: {  	v15 =	vadd.f32 v41, v15;
	v8 =	vadd.f32 v54, v8;
	v54 =	vmul.f32 v47, v47  }
0x1d2: {  	v9 =	vadd.f32 v13, v9;
	v13 =	vadd.f32 v61, v62;
	v62 =	vperm.xlane v14, v2  }
0x1d3: {  	v61 =	vperm.xlane v12, v2;
	v63 =	vperm.xlane v1, v2;
	v11 =	vadd.f32 v54, v11  }
0x1d4: {  	v14 =	vadd.f32 v62, v14;
	v54 =	vperm.xlane v48, v2;
	v62 =	vperm.xlane v52, v2  }
0x1d5: {  	v12 =	vadd.f32 v61, v12;
	v61 =	vperm.xlane v3, v2;
	v1 =	vadd.f32 v63, v1  }
0x1d6: {  	v34 =	vadd.f32 v54, v48;
	v48 =	vadd.f32 v62, v52;
	v52 =	vperm.xlane v22, v2  }
0x1d7: {  	v14 =	vsel vm4, v14, v15;
	v54 =	vperm.xlane v0, v2;
	v62 =	vperm.xlane v7, v2  }
0x1d8: {  	v3 =	vadd.f32 v61, v3;
	v61 =	vperm.xlane v13, v2;
	v32 =	vsel vm4, v33, v34  }
0x1d9: {  	v12 =	vsel vm4, v12, v48;
	v22 =	vadd.f32 v52, v22;
	v48 =	vperm.xlane v8, v2  }
0x1da: {  	v0 =	vadd.f32 v54, v0;
	v52 =	vperm.xlane v9, v2;
	v54 =	vperm.xlane v11, v2  }
0x1db: {  	v7 =	vadd.f32 v62, v7;
	v62 =	vperm.xlane v10, v2;
	v63 =	vperm.xlane v12, v4  }
0x1dc: {  	v8 =	vadd.f32 v48, v8;
	v0 =	vsel vm4, v22, v0;
	v9 =	vadd.f32 v52, v9  }
0x1dd: {  	v11 =	vadd.f32 v54, v11;
	v3 =	vsel vm4, v3, v7;
	v7 =	vadd.f32 v61, v13  }
0x1de: {  	v10 =	vadd.f32 v62, v10;
	v22 =	vperm.xlane v32, v4;
	v33 =	vadd.f32 v63, v12  }
0x1df: {  	v34 =	vperm.xlane v0, v4;
	v41 =	vperm.xlane v3, v4;
	v1 =	vsel vm4, v1, v8  }
0x1e0: {  	v8 =	vperm.xlane v14, v4;
	v9 =	vsel vm4, v9, v11;
	v7 =	vsel vm4, v7, v10  }
0x1e1: {  	v10 =	vadd.f32 v22, v32;
	v48 =	vperm.xlane v9, v4;
	v0 =	vadd.f32 v34, v0  }
0x1e2: {  	v61 =	vld [tilespmem:$0x1FF20];
	v52 =	vperm.xlane v1, v4;
	v54 =	vperm.xlane v7, v4;
	v3 =	vadd.f32 v41, v3  }
0x1e3: {  	v8 =	vadd.f32 v8, v14;
	v9 =	vadd.f32 v48, v9  }
0x1e4: {  	v1 =	vadd.f32 v52, v1;
	v7 =	vadd.f32 v54, v7  }
0x1e5: {  	v0 =	vsel vm1, v10, v0;
	v8 =	vsel vm1, v8, v33;
	v3 =	vsel vm1, v3, v9  }
0x1e6: {  	v1 =	vsel vm1, v1, v7;
	v7 =	vperm.xlane v8, v5;
	v9 =	vperm.xlane v3, v5  }
0x1e7: {  	v10 =	vadd.f32 v61, v21;
	v62 =	vperm.xlane v0, v5;
	v63 =	vperm.xlane v1, v5  }
0x1e8: {  	v7 =	vadd.f32 v7, v8;
	v3 =	vadd.f32 v9, v3  }
0x1e9: {  	v0 =	vadd.f32 v62, v0;
	v1 =	vadd.f32 v63, v1  }
0x1ea: {  	v21 =	vsel vm2, v28, v10;
	v8 =	vsel vm2, v27, v30;
	v3 =	vsel vm2, v7, v3  }
0x1eb: {  	v0 =	vsel vm2, v0, v1;
	v1 =	vperm.xlane v8, v6;
	v7 =	vperm.xlane v3, v6  }
0x1ec: {  	v10 =	vperm.xlane v21, v6;
	v22 =	vperm.xlane v0, v6  }
0x1ed: {  	v1 =	vadd.f32 v1, v8;
	v3 =	vadd.f32 v7, v3  }
0x1ee: {  	v7 =	vadd.f32 v10, v21;
	v0 =	vadd.f32 v22, v0  }
0x1ef: {  	v1 =	vsel vm3, v1, v3  }
0x1f0: {  	v0 =	vsel vm3, v7, v0;
	v3 =	vmax.f32 v1, $1.000000000e-30  }
0x1f1: {  	v7 =	vmul.f32 v36, v29;
	v27 =	vmax.f32 v0, $1.000000000e-30;
	v8 =	vshra.s32 v3, $0x1  }
0x1f2: {  	v3 =	vmul.f32 $5.000000000e-01, v3;
	v28 =	vshra.s32 v27, $0x1;
	v9 =	vmul.f32 $5.000000000e-01, v27  }
0x1f3: {  	v29 =	vmul.f32 v37, v31;
	v8 =	vsub.s32 $0x5F3759DF, v8;
	v10 =	vsub.s32 $0x5F3759DF, v28  }
0x1f4: {  	v31 =	vmul.f32 v8, v3;
	v32 =	vmul.f32 v10, v9;
	_ =	sdelay $0x1  }
0x1f5: {  	v13 =	vmul.f32 v8, v31;
	v14 =	vmul.f32 v10, v32  }
0x1f6: {  	v16 =	vmul.f32 v16, v55  }
0x1f7: {  	v45 =	vmul.f32 v45, v42;
	v13 =	vsub.f32 $1.500000000e+00, v13;
	v14 =	vsub.f32 $1.500000000e+00, v14  }
0x1f8: {  	v34 =	vmul.f32 v49, v46;
	v41 =	vmul.f32 v43, v60  }
0x1f9: {  	v8 =	vmul.f32 v8, v13;
	v10 =	vmul.f32 v10, v14  }
0x1fa: {  	v46 =	vmul.f32 v40, v47;
	v36 =	vmul.f32 v51, v44  }
0x1fb: {  	v16 =	vadd.f32 v16, v26;
	v43 =	vmul.f32 v8, v3;
	v44 =	vmul.f32 v10, v9  }
0x1fc: {  	v17 =	vadd.f32 v34, v17;
	v33 =	vmul.f32 v39, v35;
	v35 =	vmul.f32 v53, v50  }
0x1fd: {  	v49 =	vadd.f32 v46, v16;
	v47 =	vmul.f32 v43, v8;
	v48 =	vmul.f32 v44, v10  }
0x1fe: {  	v39 =	vmul.f32 v59, v57;
	v30 =	vadd.f32 v38, v19;
	v38 =	vadd.f32 v36, v20  }
0x1ff: {  	v50 =	vperm.xlane v17, v2;
	v19 =	vsub.f32 $1.500000000e+00, v47;
	v20 =	vsub.f32 $1.500000000e+00, v48  }
0x200: {  	v15 =	vadd.f32 v33, v25;
	v18 =	vadd.f32 v35, v18;
	v37 =	vmul.f32 v58, v56  }
0x201: {  	v16 =	vadd.f32 v50, v17;
	v8 =	vmul.f32 v19, v8;
	v10 =	vmul.f32 v20, v10  }
0x202: {  	v51 =	vperm.xlane v18, v2;
	v7 =	vadd.f32 v7, v23;
	v11 =	vadd.f32 v29, v24  }
0x203: {  	v12 =	vadd.f32 v37, v30;
	v3 =	vmul.f32 v8, v3;
	v9 =	vmul.f32 v10, v9  }
0x204: {  	v57 =	vperm.xlane v49, v2;
	v18 =	vadd.f32 v51, v18;
	v7 =	vadd.f32 v39, v7  }
0x205: {  	v11 =	vadd.f32 v41, v11;
	v3 =	vmul.f32 v3, v8;
	v9 =	vmul.f32 v9, v10  }
0x206: {  	v52 =	vperm.xlane v38, v2;
	v53 =	vperm.xlane v12, v2;
	v16 =	vsel vm4, v16, v18  }
0x207: {  	v58 =	vperm.xlane v16, v4;
	v3 =	vsub.f32 $1.500000000e+00, v3;
	v9 =	vsub.f32 $1.500000000e+00, v9  }
0x208: {  	v54 =	vperm.xlane v7, v2;
	v55 =	vperm.xlane v11, v2;
	v14 =	vadd.f32 v45, v15  }
0x209: {  	v12 =	vadd.f32 v53, v12;
	v3 =	vmul.f32 v3, v8;
	v8 =	vmul.f32 v9, v10  }
0x20a: {  	v7 =	vadd.f32 v54, v7;
	v11 =	vadd.f32 v55, v11;
	v56 =	vperm.xlane v14, v2  }
0x20b: {  	v13 =	vadd.f32 v52, v38;
	v1 =	vmul.f32 v3, v1;
	v0 =	vmul.f32 v8, v0  }
0x20c: {  	v15 =	vadd.f32 v57, v49;
	v7 =	vsel vm4, v7, v11;
	v14 =	vadd.f32 v56, v14  }
0x20d: {  	v61 =	vld [tilespmem:$0x1FEF0];
	v59 =	vperm.xlane v7, v4;
	v1 =	vmax.f32 v1, $9.999999930e-09;
	v0 =	vmax.f32 v0, $9.999999930e-09  }
0x20e: {  	v62 =	vld [tilespmem:$0x1FF00];
	v12 =	vsel vm4, v13, v12;
	v14 =	vsel vm4, v14, v15;
	v0 =	vmul.f32 v0, v1  }
0x20f: {  	v63 =	vld [tilespmem:$0x1FF10];
	v13 =	vperm.xlane v12, v4;
	v60 =	vperm.xlane v14, v4  }
0x210: {  	v11 =	vadd.f32 v58, v16;
	v7 =	vadd.f32 v59, v7;
	(erf) = vrcp.f32 v0;
	v0 =	vld [tilespmem:$0x1FEE0]  }
0x211: {  	v3 =	vadd.f32 v13, v12;
	v8 =	vadd.f32 v60, v14;
	_ =	sdelay $0x1  }
0x212: {  	v3 =	vsel vm1, v11, v3;
	v1 =	vsel vm1, v7, v8  }
0x213: {  	v7 =	vperm.xlane v3, v5;
	v8 =	vperm.xlane v1, v5  }
0x214: {  	v9 =	vadd.f32 v63, v62;
	v0 =	vadd.f32 v61, v0  }
0x215: {  	v3 =	vadd.f32 v7, v3;
	v1 =	vadd.f32 v8, v1  }
0x216: {  	v0 =	vsel vm2, v0, v9  }
0x217: {  	v1 =	vsel vm2, v3, v1;
	v3 =	vperm.xlane v0, v6  }
0x218: {  	v8 =	vld [tilespmem:s20+$0x0];
	v7 =	vperm.xlane v1, v6  }
0x219: {  	v0 =	vadd.f32 v3, v0;
	v3 =	vld [tilespmem:$0x1FFF0]  }
0x21a: {  	v1 =	vadd.f32 v7, v1;
	_ =	sdelay $0x3  }
0x21b: {  	v0 =	vsel vm3, v0, v1;
	v1 =	vpop (erf);
	v3 =	vperm.xlane v8, v3  }
0x21c: {  	v0 =	vmul.f32 v1, v0  }
0x21d: {  	vm5 =	veq.s32 v3, $0x0;
	v3 =	vld [tilespmem:$0x1FF30]  }
0x21e: {  	v1 =	vimm.f32 $1.000000000e+00;
	v0 =	vsub.f32 $1.000000000e+00, v0  }
0x21f: {  	v1 =	vsel vm5, $0x0, v1  }
0x220: {  	v0 =	vmul.f32 v0, v1  }
0x221: {  	s19 =	sadd.s32 $0x1, s19  }
0x222: {  	p0 =	sne.s32 s19, $0x8;
	v3 =	vadd.f32 v0, v3;
	v0 =	vld [tilespmem:$0x1FF40]  }
.Ltmp4:
0x223: {  	_ = 	snop;
	(pc) =	sbr.rel @p0 .LBB2_2-.Ltmp4, $2  }
0x224: {  	_ =	sdelay $0x2  }
0x225: {  	v0 =	vadd.f32 v1, v0  }
0x226: {  	[tilespmem:$0x10100] =	vst v3  }
0x227: {  	s6 =	rddreg [dreg:$0x7];
	s10 =	simm.s32 $0x10100;
	[tilespmem:$0x10180] =	vst v0  }
0x228: {  	[hbm4b:s6+s4] =	stream.linear.scatter [tilespmem:s10], [sflag:$0x5], $0x100, $0x38;
	[tilespmem:$0x10200] =	vst v63  }
0x229: {  	s10 =	simm.s32 $0x5  }
0x22a: {  	_ =	swait.ge [sflag:s10], $0x100  }
0x22b: {  	s18 =	sadd.s32 $0x1, s18;
	s22 =	rddreg [dreg:$0x8]  }
0x22c: {  	p0 =	sne.s32 s18, s22  }
.Ltmp5:
0x22d: {  	_ = 	snop;
	(pc) =	sbr.rel @p0 .LBB2_1-.Ltmp5, $3  }
0x22e: {  	_ =	sdelay $0x1  }
0x22f: {  	[sflag:s10] =	ssyncset.done $0x0  }
0x230: {  	[sflag:s10] =	ssyncadd.s32 $0xFFFFFF00  }
0x231: {  	_ =	sfence.sel $0x180000  }
0x232: {  	[bflag:$0x0] =	sbarrier.arrive $0xFFFF  }
0x233: {  	_ =	strace $0x90000047  }
0x234: {  	s0 =	stileid.u32;
	[bflag:$0x2] =	sbarrier.arrive $0xFFFF  }
0x235: {  	p0 =	sne.s32 s0, $0x0;
	s0 =	rddreg [dreg:$0x4]  }
0x236: {  	s0 =	sadd.s32 @!p0 $0x100000, s0  }
0x237: {  	[sflag:s0] =	ssyncadd.tile.s32 @!p0 $0x1;
	_ =	shalt  }
.Lfunc_end2:
_tile_overlayer_lowered:
.L_overlay_start_2:
0x238: {  	(tag) =	ssettag $0x2  }
0x239: {  	s0 =	rddreg [dreg:$0x0];
	s2 =	stileid.u32  }
0x23a: {  	s1 =	rddreg [dreg:$0x1];
	p0 =	sne.s32 s2, $0x0  }
0x23b: {  	s3 =	rddreg [dreg:$0x2];
	[bflag:$0x3] =	sbarrier.arrive $0xFFFF;
	s2 =	simm.s32 @!p0 $0x1C05  }
0x23c: {  	[timem:s3], [sflag:s2] =	dma.local @!p0 [hbm:s0], s1  }
0x23d: {  	s0 =	simm.s32 @!p0 $0x5  }
0x23e: {  	_ =	swait.ge @!p0 [sflag:s0], s1  }
0x23f: {  	s1 =	ssub.s32 @!p0 $0x0, s1;
	[sflag:s0] =	ssyncset.done @!p0 $0x0  }
0x240: {  	[sflag:s0] =	ssyncadd.s32 @!p0 s1  }
0x241: {  	[bflag:$0x3] =	sbarrier.arrive $0xFFFF  }
0x242: {  	_ =	shalt  }

</sc_bundles>
